<compile_context>
chip_gen: v7x
topology: tpu7x:2x2x1
jax: 0.10.2.dev20260603
libtpu: 0.0.44.dev20260713+nightly
codegen_flags: <defaults>
</compile_context>

<pallas_src>
import functools

import jax
import jax.numpy as jnp
from jax import lax
from jax.experimental import pallas as pl
from jax.experimental.pallas import tpu as pltpu
from jax.experimental.pallas import tpu_sc as plsc

NC = 2
NS = 16
D = 16

_SC_PARAMS = pltpu.CompilerParams(use_tc_tiling_on_sc=False,
                                  needs_layout_passes=False)


def _mesh():
    return plsc.VectorSubcoreMesh(core_axis_name="c", subcore_axis_name="s")


def _rsqrt_rows(d):
    i = plsc.bitcast(d, jnp.int32)
    y = plsc.bitcast(jnp.full((16,), 0x5F3759DF, jnp.int32) - (i >> 1),
                     jnp.float32)
    for _ in range(2):
        y = y * (1.5 - 0.5 * d * y * y)
    return jnp.where(d > 0.0, y, 0.0)


def _make_dis_kernel(E, N, W, ZR):
    EPT = E // NS
    RPT = N // NS
    NW = EPT // W
    assert NW % 2 == 0 and EPT % W == 0 and RPT % ZR == 0

    @functools.partial(
        pl.kernel,
        out_type=(jax.ShapeDtypeStruct((N, D), jnp.float32),
                  jax.ShapeDtypeStruct((N, D), jnp.float32),
                  jax.ShapeDtypeStruct((N, D), jnp.float32),
                  jax.ShapeDtypeStruct((N, D), jnp.float32)),
        mesh=_mesh(),
        compiler_params=_SC_PARAMS,
        scratch_types=[
            pltpu.VMEM((W,), jnp.int32),
            pltpu.VMEM((W,), jnp.int32),
            pltpu.VMEM((W, D), jnp.float32),
            pltpu.VMEM((ZR, D), jnp.float32),
            pltpu.VMEM_SHARED((N, D), jnp.float32),
            pltpu.SemaphoreType.DMA,
            pltpu.SemaphoreType.DMA,
            pltpu.SemaphoreType.DMA,
            pltpu.SemaphoreType.DMA,
        ],
    )
    def dis_kernel(u_hbm, i_hbm, ut_hbm, it_hbm,
                   disi_hbm, items_hbm, disu_hbm, users_hbm,
                   idx0_v, idx1_v, ones_v, chunk_v, acc_s,
                   sem0, sem1, semo0, semo1):
        c = lax.axis_index("c")
        s = lax.axis_index("s")
        base_r = s * RPT

        def fill_zero(i, _):
            chunk_v[i, :] = jnp.zeros((D,), jnp.float32)
            return 0

        lax.fori_loop(0, ZR, fill_zero, 0, unroll=8)

        def zero_acc(i, _):
            pltpu.sync_copy(chunk_v, acc_s.at[pl.ds(base_r + i * ZR, ZR)])
            return 0

        lax.fori_loop(0, RPT // ZR, zero_acc, 0)

        def fill_ones(i, _):
            ones_v[i, :] = jnp.ones((D,), jnp.float32)
            return 0

        lax.fori_loop(0, W, fill_ones, 0, unroll=8)
        plsc.subcore_barrier()

        def run(idx_hbm, tab_hbm, dis_hbm, tabs_hbm):
            base = s * EPT

            def load_idx(w, buf):
                pltpu.sync_copy(idx_hbm.at[pl.ds(base + w * W, W)], buf)

            def scat(buf, sem):
                pltpu.async_copy(ones_v, acc_s.at[buf], add=True, sem=sem)

            def wait(sem):
                pltpu.make_async_copy(tab_hbm.at[pl.ds(0, W)], ones_v,
                                      sem).wait()

            with jax.named_scope("hist"):
                load_idx(0, idx0_v)
                scat(idx0_v, sem0)

                def body(p, _):
                    @pl.when(p > 0)
                    def _():
                        wait(sem1)

                    load_idx(2 * p + 1, idx1_v)
                    scat(idx1_v, sem1)
                    wait(sem0)

                    @pl.when(p < NW // 2 - 1)
                    def _():
                        load_idx(2 * p + 2, idx0_v)
                        scat(idx0_v, sem0)

                    return 0

                lax.fori_loop(0, NW // 2, body, 0)
                wait(sem1)
            plsc.subcore_barrier()

            zeros16 = jnp.zeros((16,), jnp.int32)
            iota16 = lax.iota(jnp.int32, 16)
            dn = lax.GatherDimensionNumbers(
                offset_dims=(), collapsed_slice_dims=(0,),
                start_index_map=(0,))

            def compute(ch, tb):
                def group(g, _):
                    rg = g * 16
                    degs = plsc.load_gather(ch, [iota16 + rg, zeros16])
                    dis16 = _rsqrt_rows(degs)
                    for j in range(16):
                        splat = lax.gather(
                            dis16, jnp.full((16, 1), j, jnp.int32), dn,
                            slice_sizes=(1,),
                            mode=lax.GatherScatterMode.PROMISE_IN_BOUNDS)
                        ch[rg + j, :] = splat
                        tb[rg + j, :] = tb[rg + j, :] * splat
                    return 0

                lax.fori_loop(0, ZR // 16, group, 0)

                def rows(i, _):
                    dis = _rsqrt_rows(ch[i, :])
                    ch[i, :] = dis
                    tb[i, :] = tb[i, :] * dis
                    return 0

                lax.fori_loop((ZR // 16) * 16, ZR, rows, 0, unroll=2)

            tabc = ones_v.at[pl.ds(0, ZR)]

            def epilogue(k, _):
                r0 = base_r + k * ZR
                pltpu.sync_copy(acc_s.at[pl.ds(r0, ZR)], chunk_v)
                pltpu.sync_copy(tab_hbm.at[pl.ds(r0, ZR)], tabc)
                compute(chunk_v, tabc)
                pltpu.sync_copy(chunk_v, dis_hbm.at[pl.ds(r0, ZR)])
                pltpu.sync_copy(tabc, tabs_hbm.at[pl.ds(r0, ZR)])
                return 0

            with jax.named_scope("dis_epi"):
                lax.fori_loop(0, RPT // ZR, epilogue, 0)

        @pl.when(c == 0)
        def _():
            run(i_hbm, it_hbm, disi_hbm, items_hbm)

        @pl.when(c == 1)
        def _():
            run(u_hbm, ut_hbm, disu_hbm, users_hbm)

    return dis_kernel


SB = 5


def _make_agg_kernel(E, N, W, ZR):
    EPT = E // NS
    RPT = N // NS
    NW = EPT // W
    SBW = SB * W
    Q = NW // (2 * SB)
    assert NW == Q * 2 * SB and EPT % W == 0 and RPT % ZR == 0 and ZR <= W

    @functools.partial(
        pl.kernel,
        out_type=(jax.ShapeDtypeStruct((N, D), jnp.float32),
                  jax.ShapeDtypeStruct((N, D), jnp.float32)),
        mesh=_mesh(),
        compiler_params=_SC_PARAMS,
        scratch_types=[
            pltpu.VMEM((SBW,), jnp.int32),
            pltpu.VMEM((SBW,), jnp.int32),
            pltpu.VMEM((SBW,), jnp.int32),
            pltpu.VMEM((SBW,), jnp.int32),
            pltpu.VMEM((W, D), jnp.float32),
            pltpu.VMEM((W, D), jnp.float32),
            pltpu.VMEM((ZR, D), jnp.float32),
            pltpu.VMEM_SHARED((N, D), jnp.float32),
            pltpu.SemaphoreType.DMA,
            pltpu.SemaphoreType.DMA,
            pltpu.SemaphoreType.DMA,
            pltpu.SemaphoreType.DMA,
            pltpu.SemaphoreType.DMA,
            pltpu.SemaphoreType.DMA,
        ],
    )
    def agg_kernel(u_hbm, i_hbm, users_hbm, items_hbm, disu_hbm, disi_hbm,
                   outu_hbm, outi_hbm,
                   bd0_v, bs0_v, bd1_v, bs1_v, rows0_v, rows1_v, zero_v,
                   acc_s, semi0, semi1, semg0, semg1, sems0, sems1):
        c = lax.axis_index("c")
        s = lax.axis_index("s")
        base_r = s * RPT

        def fill_zero(i, _):
            zero_v[i, :] = jnp.zeros((D,), jnp.float32)
            return 0

        lax.fori_loop(0, ZR, fill_zero, 0, unroll=8)

        def zero_acc(i, _):
            pltpu.sync_copy(zero_v, acc_s.at[pl.ds(base_r + i * ZR, ZR)])
            return 0

        lax.fori_loop(0, RPT // ZR, zero_acc, 0)
        plsc.subcore_barrier()

        def run(dst_hbm, src_hbm, tab_hbm, dis_hbm, out_hbm):
            base = s * EPT
            bigs = ((bd0_v, bs0_v, semi0), (bd1_v, bs1_v, semi1))
            rowsb = ((rows0_v, semg0, sems0), (rows1_v, semg1, sems1))

            def load_big(sb, big):
                db, sv, sem = big
                off = base + sb * SBW
                pltpu.async_copy(dst_hbm.at[pl.ds(off, SBW)], db, sem=sem)
                pltpu.async_copy(src_hbm.at[pl.ds(off, SBW)], sv, sem=sem)

            def wait_big(big):
                db, sv, sem = big
                pltpu.make_async_copy(dst_hbm.at[pl.ds(0, SBW)], db,
                                      sem).wait()
                pltpu.make_async_copy(src_hbm.at[pl.ds(0, SBW)], sv,
                                      sem).wait()

            def wait_rows(sem, rv):
                pltpu.make_async_copy(tab_hbm.at[pl.ds(0, W)], rv,
                                      sem).wait()

            def gather(big, j, rv, sem):
                pltpu.async_copy(tab_hbm.at[big[1].at[pl.ds(j * W, W)]], rv,
                                 sem=sem)

            def scatter(big, j, rv, sem):
                pltpu.async_copy(rv, acc_s.at[big[0].at[pl.ds(j * W, W)]],
                                 add=True, sem=sem)

            with jax.named_scope("gs_loop"):
                pltpu.sync_copy(dst_hbm.at[pl.ds(base, SBW)], bd0_v)
                pltpu.sync_copy(src_hbm.at[pl.ds(base, SBW)], bs0_v)
                load_big(1, bigs[1])
                gather(bigs[0], 0, rows0_v, semg0)

                def q_body(q, _):
                    for t in range(2 * SB):
                        par = t % 2
                        rv, gsem, ssem = rowsb[par]
                        nrv, ngsem, nssem = rowsb[1 - par]
                        big = bigs[t // SB]
                        j = t % SB

                        if t == 0:
                            @pl.when(q > 0)
                            def _():
                                wait_rows(nssem, nrv)
                                load_big(2 * q + 1, bigs[1])
                        else:
                            wait_rows(nssem, nrv)

                        if t == SB:
                            @pl.when(q < Q - 1)
                            def _():
                                load_big(2 * q + 2, bigs[0])

                        if t == SB - 1:
                            wait_big(bigs[1])

                        if t < 2 * SB - 1:
                            gather(bigs[(t + 1) // SB], (t + 1) % SB,
                                   nrv, ngsem)
                        else:
                            @pl.when(q < Q - 1)
                            def _():
                                wait_big(bigs[0])
                                gather(bigs[0], 0, nrv, ngsem)

                        wait_rows(gsem, rv)
                        scatter(big, j, rv, ssem)
                    return 0

                lax.fori_loop(0, Q, q_body, 0)
                wait_rows(sems1, rows1_v)
            plsc.subcore_barrier()

            disc = rows0_v.at[pl.ds(0, ZR)]

            def epilogue(k, _):
                r0 = base_r + k * ZR
                pltpu.sync_copy(acc_s.at[pl.ds(r0, ZR)], zero_v)
                pltpu.sync_copy(dis_hbm.at[pl.ds(r0, ZR)], disc)

                def rows(i, _):
                    zero_v[i, :] = zero_v[i, :] * disc[i, :]
                    return 0

                lax.fori_loop(0, ZR, rows, 0, unroll=8)
                pltpu.sync_copy(zero_v, out_hbm.at[pl.ds(r0, ZR)])
                return 0

            with jax.named_scope("agg_epi"):
                lax.fori_loop(0, RPT // ZR, epilogue, 0)

        @pl.when(c == 0)
        def _():
            run(u_hbm, i_hbm, items_hbm, disu_hbm, outu_hbm)

        @pl.when(c == 1)
        def _():
            run(i_hbm, u_hbm, users_hbm, disi_hbm, outi_hbm)

    return agg_kernel


def kernel(u_row, i_col, user_table, item_table):
    E = u_row.shape[0]
    N = user_table.shape[0]
    W = 400
    ZR = 250

    dis_i, item_s, dis_u, user_s = _make_dis_kernel(E, N, W, ZR)(
        u_row, i_col, user_table, item_table)
    user_emb, item_emb = _make_agg_kernel(E, N, W, ZR)(
        u_row, i_col, user_s, item_s, dis_u, dis_i)
    return user_emb, item_emb

# --- scband reference (transcript-rebuilt; emitter-appended) ---
"""Pipeline reference for scband-graph-recommender-utils-74921409511694 (READ-ONLY COPY).

The authoritative reference and input builder live on the scoring server;
editing this copy changes nothing except your own understanding.
"""

import jax, jax.numpy as jnp
import numpy as np

N_USERS = 100000
N_ITEMS = 100000
N_EDGES = 1600000
EMBED_DIM = 16


def setup_inputs(seed: int = 0) -> dict:
    key = jax.random.key(seed)
    k1, k2, k3, k4 = jax.random.split(key, 4)
    u_row = jax.random.randint(k1, (N_EDGES,), 0, N_USERS, dtype=jnp.int32)
    i_col = jax.random.randint(k2, (N_EDGES,), 0, N_ITEMS, dtype=jnp.int32)
    user_table = jax.random.normal(k3, (N_USERS, EMBED_DIM), dtype=jnp.float32)
    item_table = jax.random.normal(k4, (N_ITEMS, EMBED_DIM), dtype=jnp.float32)
    return {"u_row": u_row, "i_col": i_col, "user_table": user_table, "item_table": item_table}


def reference(u_row, i_col, user_table, item_table):
    # get_adj_mat: symmetrize bipartite interaction graph (items offset by n_users)
    row = jnp.concatenate([u_row, i_col + N_USERS])
    col = jnp.concatenate([i_col + N_USERS, u_row])
    n_nodes = N_USERS + N_ITEMS

    # _symmetric_normalization: D^-0.5 A D^-0.5
    deg = jax.ops.segment_sum(jnp.ones(row.shape[0], dtype=jnp.float32), row, num_segments=n_nodes)
    deg_inv_sqrt = jnp.where(deg > 0, jax.lax.rsqrt(deg), 0.0)  # masked_fill inf -> 0
    norm_vals = deg_inv_sqrt[row] * deg_inv_sqrt[col]

    # get_ego_embeddings: concat user/item embedding tables
    ego = jnp.concatenate([user_table, item_table], axis=0)

    # one LightGCN-style propagation step: out = A_norm @ ego (gather + scatter-add)
    msgs = norm_vals[:, None] * jnp.take(ego, col, axis=0)
    out = jax.ops.segment_sum(msgs, row, num_segments=n_nodes)

    # propagate_embeddings returns (user_emb, item_emb)
    user_emb = out[:N_USERS]
    item_emb = out[N_USERS:]
    return user_emb, item_emb

if __name__ == "__main__":
    import jax
    _d = setup_inputs()
    print(jax.jit(kernel)(*tuple(_d.values())))

</pallas_src>

<mosaic_0001>
#map = affine_map<(d0, d1) -> (0)>
#map1 = affine_map<(d0, d1) -> (0, 0)>
module attributes {stable_mosaic.version = 14 : i64} {
  func.func @dis_kernel(%arg0: i32, %arg1: i32, %arg2: memref<1600000xi32, #tpu.memory_space<hbm>>, %arg3: memref<1600000xi32, #tpu.memory_space<hbm>>, %arg4: memref<100000x16xf32, #tpu.memory_space<hbm>>, %arg5: memref<100000x16xf32, #tpu.memory_space<hbm>>, %arg6: memref<100000x16xf32, #tpu.memory_space<hbm>>, %arg7: memref<100000x16xf32, #tpu.memory_space<hbm>>, %arg8: memref<100000x16xf32, #tpu.memory_space<hbm>>, %arg9: memref<100000x16xf32, #tpu.memory_space<hbm>>, %arg10: memref<400xi32, #tpu.memory_space<vmem>>, %arg11: memref<400xi32, #tpu.memory_space<vmem>>, %arg12: memref<400x16xf32, #tpu.memory_space<vmem>>, %arg13: memref<250x16xf32, #tpu.memory_space<vmem>>, %arg14: memref<100000x16xf32, #tpu.memory_space<vmem_shared>>, %arg15: memref<!tpu.dma_semaphore, #tpu.memory_space<semaphore_mem>>, %arg16: memref<!tpu.dma_semaphore, #tpu.memory_space<semaphore_mem>>, %arg17: memref<!tpu.dma_semaphore, #tpu.memory_space<semaphore_mem>>, %arg18: memref<!tpu.dma_semaphore, #tpu.memory_space<semaphore_mem>>) attributes {dimension_semantics = [#tpu.dimension_semantics<core_parallel>, #tpu.dimension_semantics<subcore_parallel>], iteration_bounds = array<i64: 2, 16>, scalar_prefetch = 0 : i64, scratch_operands = 9 : i64, tpu.core_type = #tpu.core_type<sc_vector_subcore>, window_params = [{transform_indices = #map}, {transform_indices = #map}, {transform_indices = #map1}, {transform_indices = #map1}, {transform_indices = #map1}, {transform_indices = #map1}, {transform_indices = #map1}, {transform_indices = #map1}]} {
    %mul3A = arith.constant 6250 : i32
    %mul3A_0 = arith.muli %arg1, %mul3A : i32
    %scan3A = arith.constant 0 : i32
    %scan3A_1 = arith.constant 0 : i32
    %scan3A_2 = arith.constant 248 : i32
    %scan3A_3 = arith.addi %scan3A_1, %scan3A_2 : i32
    %scan3A_4 = arith.constant 8 : i32
    %scan3A_5 = scf.for %scan3A_42 = %scan3A_1 to %scan3A_3 step %scan3A_4 iter_args(%scan3A_43 = %scan3A) -> (i32)  : i32 {
      %broadcast_in_dim3A_44 = arith.constant 0.000000e+00 : f32
      %broadcast_in_dim3A_45 = vector.broadcast %broadcast_in_dim3A_44 : f32 to vector<16xf32>
      %swap3A_46 = arith.index_cast %scan3A_42 : i32 to index
      %swap3A_47 = arith.constant 0 : index
      %swap3A_48 = tpu.vector_load %arg13[%swap3A_46, %swap3A_47] {strides = array<i32>} : memref<250x16xf32, #tpu.memory_space<vmem>>, vector<16xf32>,
      tpu.vector_store %arg13[%swap3A_46, %swap3A_47], %broadcast_in_dim3A_45 {strides = array<i32>} : memref<250x16xf32, #tpu.memory_space<vmem>>, vector<16xf32>,
      %scan3A_49 = arith.constant 0 : i32
      %scan3A_50 = arith.constant 1 : i32
      %scan3A_51 = arith.addi %scan3A_42, %scan3A_50 : i32
      %broadcast_in_dim3A_52 = arith.constant 0.000000e+00 : f32
      %broadcast_in_dim3A_53 = vector.broadcast %broadcast_in_dim3A_52 : f32 to vector<16xf32>
      %swap3A_54 = arith.index_cast %scan3A_51 : i32 to index
      %swap3A_55 = arith.constant 0 : index
      %swap3A_56 = tpu.vector_load %arg13[%swap3A_54, %swap3A_55] {strides = array<i32>} : memref<250x16xf32, #tpu.memory_space<vmem>>, vector<16xf32>,
      tpu.vector_store %arg13[%swap3A_54, %swap3A_55], %broadcast_in_dim3A_53 {strides = array<i32>} : memref<250x16xf32, #tpu.memory_space<vmem>>, vector<16xf32>,
      %scan3A_57 = arith.constant 0 : i32
      %scan3A_58 = arith.constant 2 : i32
      %scan3A_59 = arith.addi %scan3A_42, %scan3A_58 : i32
      %broadcast_in_dim3A_60 = arith.constant 0.000000e+00 : f32
      %broadcast_in_dim3A_61 = vector.broadcast %broadcast_in_dim3A_60 : f32 to vector<16xf32>
      %swap3A_62 = arith.index_cast %scan3A_59 : i32 to index
      %swap3A_63 = arith.constant 0 : index
      %swap3A_64 = tpu.vector_load %arg13[%swap3A_62, %swap3A_63] {strides = array<i32>} : memref<250x16xf32, #tpu.memory_space<vmem>>, vector<16xf32>,
      tpu.vector_store %arg13[%swap3A_62, %swap3A_63], %broadcast_in_dim3A_61 {strides = array<i32>} : memref<250x16xf32, #tpu.memory_space<vmem>>, vector<16xf32>,
      %scan3A_65 = arith.constant 0 : i32
      %scan3A_66 = arith.constant 3 : i32
      %scan3A_67 = arith.addi %scan3A_42, %scan3A_66 : i32
      %broadcast_in_dim3A_68 = arith.constant 0.000000e+00 : f32
      %broadcast_in_dim3A_69 = vector.broadcast %broadcast_in_dim3A_68 : f32 to vector<16xf32>
      %swap3A_70 = arith.index_cast %scan3A_67 : i32 to index
      %swap3A_71 = arith.constant 0 : index
      %swap3A_72 = tpu.vector_load %arg13[%swap3A_70, %swap3A_71] {strides = array<i32>} : memref<250x16xf32, #tpu.memory_space<vmem>>, vector<16xf32>,
      tpu.vector_store %arg13[%swap3A_70, %swap3A_71], %broadcast_in_dim3A_69 {strides = array<i32>} : memref<250x16xf32, #tpu.memory_space<vmem>>, vector<16xf32>,
      %scan3A_73 = arith.constant 0 : i32
      %scan3A_74 = arith.constant 4 : i32
      %scan3A_75 = arith.addi %scan3A_42, %scan3A_74 : i32
      %broadcast_in_dim3A_76 = arith.constant 0.000000e+00 : f32
      %broadcast_in_dim3A_77 = vector.broadcast %broadcast_in_dim3A_76 : f32 to vector<16xf32>
      %swap3A_78 = arith.index_cast %scan3A_75 : i32 to index
      %swap3A_79 = arith.constant 0 : index
      %swap3A_80 = tpu.vector_load %arg13[%swap3A_78, %swap3A_79] {strides = array<i32>} : memref<250x16xf32, #tpu.memory_space<vmem>>, vector<16xf32>,
      tpu.vector_store %arg13[%swap3A_78, %swap3A_79], %broadcast_in_dim3A_77 {strides = array<i32>} : memref<250x16xf32, #tpu.memory_space<vmem>>, vector<16xf32>,
      %scan3A_81 = arith.constant 0 : i32
      %scan3A_82 = arith.constant 5 : i32
      %scan3A_83 = arith.addi %scan3A_42, %scan3A_82 : i32
      %broadcast_in_dim3A_84 = arith.constant 0.000000e+00 : f32
      %broadcast_in_dim3A_85 = vector.broadcast %broadcast_in_dim3A_84 : f32 to vector<16xf32>
      %swap3A_86 = arith.index_cast %scan3A_83 : i32 to index
      %swap3A_87 = arith.constant 0 : index
      %swap3A_88 = tpu.vector_load %arg13[%swap3A_86, %swap3A_87] {strides = array<i32>} : memref<250x16xf32, #tpu.memory_space<vmem>>, vector<16xf32>,
      tpu.vector_store %arg13[%swap3A_86, %swap3A_87], %broadcast_in_dim3A_85 {strides = array<i32>} : memref<250x16xf32, #tpu.memory_space<vmem>>, vector<16xf32>,
      %scan3A_89 = arith.constant 0 : i32
      %scan3A_90 = arith.constant 6 : i32
      %scan3A_91 = arith.addi %scan3A_42, %scan3A_90 : i32
      %broadcast_in_dim3A_92 = arith.constant 0.000000e+00 : f32
      %broadcast_in_dim3A_93 = vector.broadcast %broadcast_in_dim3A_92 : f32 to vector<16xf32>
      %swap3A_94 = arith.index_cast %scan3A_91 : i32 to index
      %swap3A_95 = arith.constant 0 : index
      %swap3A_96 = tpu.vector_load %arg13[%swap3A_94, %swap3A_95] {strides = array<i32>} : memref<250x16xf32, #tpu.memory_space<vmem>>, vector<16xf32>,
      tpu.vector_store %arg13[%swap3A_94, %swap3A_95], %broadcast_in_dim3A_93 {strides = array<i32>} : memref<250x16xf32, #tpu.memory_space<vmem>>, vector<16xf32>,
      %scan3A_97 = arith.constant 0 : i32
      %scan3A_98 = arith.constant 7 : i32
      %scan3A_99 = arith.addi %scan3A_42, %scan3A_98 : i32
      %broadcast_in_dim3A_100 = arith.constant 0.000000e+00 : f32
      %broadcast_in_dim3A_101 = vector.broadcast %broadcast_in_dim3A_100 : f32 to vector<16xf32>
      %swap3A_102 = arith.index_cast %scan3A_99 : i32 to index
      %swap3A_103 = arith.constant 0 : index
      %swap3A_104 = tpu.vector_load %arg13[%swap3A_102, %swap3A_103] {strides = array<i32>} : memref<250x16xf32, #tpu.memory_space<vmem>>, vector<16xf32>,
      tpu.vector_store %arg13[%swap3A_102, %swap3A_103], %broadcast_in_dim3A_101 {strides = array<i32>} : memref<250x16xf32, #tpu.memory_space<vmem>>, vector<16xf32>,
      %scan3A_105 = arith.constant 0 : i32
      scf.yield %scan3A_105 : i32
    }
    %scan3A_6 = arith.constant 248 : i32
    %scan3A_7 = arith.addi %scan3A_1, %scan3A_6 : i32
    %broadcast_in_dim3A = arith.constant 0.000000e+00 : f32
    %broadcast_in_dim3A_8 = vector.broadcast %broadcast_in_dim3A : f32 to vector<16xf32>
    %swap3A = arith.index_cast %scan3A_7 : i32 to index
    %swap3A_9 = arith.constant 0 : index
    %swap3A_10 = tpu.vector_load %arg13[%swap3A, %swap3A_9] {strides = array<i32>} : memref<250x16xf32, #tpu.memory_space<vmem>>, vector<16xf32>,
    tpu.vector_store %arg13[%swap3A, %swap3A_9], %broadcast_in_dim3A_8 {strides = array<i32>} : memref<250x16xf32, #tpu.memory_space<vmem>>, vector<16xf32>,
    %scan3A_11 = arith.constant 0 : i32
    %scan3A_12 = arith.constant 249 : i32
    %scan3A_13 = arith.addi %scan3A_1, %scan3A_12 : i32
    %broadcast_in_dim3A_14 = arith.constant 0.000000e+00 : f32
    %broadcast_in_dim3A_15 = vector.broadcast %broadcast_in_dim3A_14 : f32 to vector<16xf32>
    %swap3A_16 = arith.index_cast %scan3A_13 : i32 to index
    %swap3A_17 = arith.constant 0 : index
    %swap3A_18 = tpu.vector_load %arg13[%swap3A_16, %swap3A_17] {strides = array<i32>} : memref<250x16xf32, #tpu.memory_space<vmem>>, vector<16xf32>,
    tpu.vector_store %arg13[%swap3A_16, %swap3A_17], %broadcast_in_dim3A_15 {strides = array<i32>} : memref<250x16xf32, #tpu.memory_space<vmem>>, vector<16xf32>,
    %scan3A_19 = arith.constant 0 : i32
    %scan3A_20 = arith.constant 250 : i32
    %scan3A_21 = arith.constant 0 : i32
    %scan3A_22 = arith.constant 0 : i32
    %scan3A_23 = arith.constant 25 : i32
    %scan3A_24 = arith.addi %scan3A_22, %scan3A_23 : i32
    %scan3A_25 = arith.constant 1 : i32
    %scan3A_26 = scf.for %scan3A_42 = %scan3A_22 to %scan3A_24 step %scan3A_25 iter_args(%scan3A_43 = %scan3A_21) -> (i32)  : i32 {
      %mul3A_44 = arith.constant 250 : i32
      %mul3A_45 = arith.muli %scan3A_42, %mul3A_44 : i32
      %add3A = arith.addi %mul3A_0, %mul3A_45 : i32
      "tpu.region"() ({
        %run_scoped3A = tpu.sem_alloc : memref<!tpu.dma_semaphore, #tpu.memory_space<semaphore_mem>>
        %dma_start3A = arith.constant 0 : i32
        %dma_start3A_47 = tpu.memref_slice %arg14[%add3A, %dma_start3A] : memref<100000x16xf32, #tpu.memory_space<vmem_shared>> -> memref<250x16xf32, #tpu.memory_space<vmem_shared>>
        %dma_start3A_48 = arith.constant 0 : i32
        %dma_start3A_49 = tpu.memref_slice %arg14[%add3A, %dma_start3A_48] : memref<100000x16xf32, #tpu.memory_space<vmem_shared>> -> memref<250x16xf32, #tpu.memory_space<vmem_shared>>
        tpu.enqueue_dma source(%arg13 : memref<250x16xf32, #tpu.memory_space<vmem>>) target(%dma_start3A_49 : memref<250x16xf32, #tpu.memory_space<vmem_shared>>) target_semaphore(%run_scoped3A : memref<!tpu.dma_semaphore, #tpu.memory_space<semaphore_mem>>)
        %dma_wait3A = arith.constant 0 : i32
        %dma_wait3A_50 = tpu.memref_slice %arg14[%add3A, %dma_wait3A] : memref<100000x16xf32, #tpu.memory_space<vmem_shared>> -> memref<250x16xf32, #tpu.memory_space<vmem_shared>>
        %dma_wait3A_51 = arith.constant 0 : i32
        %dma_wait3A_52 = tpu.memref_slice %arg14[%add3A, %dma_wait3A_51] : memref<100000x16xf32, #tpu.memory_space<vmem_shared>> -> memref<250x16xf32, #tpu.memory_space<vmem_shared>>
        tpu.wait_dma2 semaphore(%run_scoped3A : memref<!tpu.dma_semaphore, #tpu.memory_space<semaphore_mem>>) src(%arg13 : memref<250x16xf32, #tpu.memory_space<vmem>>) dst(%dma_wait3A_52 : memref<250x16xf32, #tpu.memory_space<vmem_shared>>)
        tpu.yield
      }) : () -> ()
      %scan3A_46 = arith.constant 0 : i32
      scf.yield %scan3A_46 : i32
    }
    %scan3A_27 = arith.constant 25 : i32
    %scan3A_28 = arith.constant 0 : i32
    %scan3A_29 = arith.constant 0 : i32
    %scan3A_30 = arith.constant 400 : i32
    %scan3A_31 = arith.addi %scan3A_29, %scan3A_30 : i32
    %scan3A_32 = arith.constant 8 : i32
    %scan3A_33 = scf.for %scan3A_42 = %scan3A_29 to %scan3A_31 step %scan3A_32 iter_args(%scan3A_43 = %scan3A_28) -> (i32)  : i32 {
      %broadcast_in_dim3A_44 = arith.constant 1.000000e+00 : f32
      %broadcast_in_dim3A_45 = vector.broadcast %broadcast_in_dim3A_44 : f32 to vector<16xf32>
      %swap3A_46 = arith.index_cast %scan3A_42 : i32 to index
      %swap3A_47 = arith.constant 0 : index
      %swap3A_48 = tpu.vector_load %arg12[%swap3A_46, %swap3A_47] {strides = array<i32>} : memref<400x16xf32, #tpu.memory_space<vmem>>, vector<16xf32>,
      tpu.vector_store %arg12[%swap3A_46, %swap3A_47], %broadcast_in_dim3A_45 {strides = array<i32>} : memref<400x16xf32, #tpu.memory_space<vmem>>, vector<16xf32>,
      %scan3A_49 = arith.constant 0 : i32
      %scan3A_50 = arith.constant 1 : i32
      %scan3A_51 = arith.addi %scan3A_42, %scan3A_50 : i32
      %broadcast_in_dim3A_52 = arith.constant 1.000000e+00 : f32
      %broadcast_in_dim3A_53 = vector.broadcast %broadcast_in_dim3A_52 : f32 to vector<16xf32>
      %swap3A_54 = arith.index_cast %scan3A_51 : i32 to index
      %swap3A_55 = arith.constant 0 : index
      %swap3A_56 = tpu.vector_load %arg12[%swap3A_54, %swap3A_55] {strides = array<i32>} : memref<400x16xf32, #tpu.memory_space<vmem>>, vector<16xf32>,
      tpu.vector_store %arg12[%swap3A_54, %swap3A_55], %broadcast_in_dim3A_53 {strides = array<i32>} : memref<400x16xf32, #tpu.memory_space<vmem>>, vector<16xf32>,
      %scan3A_57 = arith.constant 0 : i32
      %scan3A_58 = arith.constant 2 : i32
      %scan3A_59 = arith.addi %scan3A_42, %scan3A_58 : i32
      %broadcast_in_dim3A_60 = arith.constant 1.000000e+00 : f32
      %broadcast_in_dim3A_61 = vector.broadcast %broadcast_in_dim3A_60 : f32 to vector<16xf32>
      %swap3A_62 = arith.index_cast %scan3A_59 : i32 to index
      %swap3A_63 = arith.constant 0 : index
      %swap3A_64 = tpu.vector_load %arg12[%swap3A_62, %swap3A_63] {strides = array<i32>} : memref<400x16xf32, #tpu.memory_space<vmem>>, vector<16xf32>,
      tpu.vector_store %arg12[%swap3A_62, %swap3A_63], %broadcast_in_dim3A_61 {strides = array<i32>} : memref<400x16xf32, #tpu.memory_space<vmem>>, vector<16xf32>,
      %scan3A_65 = arith.constant 0 : i32
      %scan3A_66 = arith.constant 3 : i32
      %scan3A_67 = arith.addi %scan3A_42, %scan3A_66 : i32
      %broadcast_in_dim3A_68 = arith.constant 1.000000e+00 : f32
      %broadcast_in_dim3A_69 = vector.broadcast %broadcast_in_dim3A_68 : f32 to vector<16xf32>
      %swap3A_70 = arith.index_cast %scan3A_67 : i32 to index
      %swap3A_71 = arith.constant 0 : index
      %swap3A_72 = tpu.vector_load %arg12[%swap3A_70, %swap3A_71] {strides = array<i32>} : memref<400x16xf32, #tpu.memory_space<vmem>>, vector<16xf32>,
      tpu.vector_store %arg12[%swap3A_70, %swap3A_71], %broadcast_in_dim3A_69 {strides = array<i32>} : memref<400x16xf32, #tpu.memory_space<vmem>>, vector<16xf32>,
      %scan3A_73 = arith.constant 0 : i32
      %scan3A_74 = arith.constant 4 : i32
      %scan3A_75 = arith.addi %scan3A_42, %scan3A_74 : i32
      %broadcast_in_dim3A_76 = arith.constant 1.000000e+00 : f32
      %broadcast_in_dim3A_77 = vector.broadcast %broadcast_in_dim3A_76 : f32 to vector<16xf32>
      %swap3A_78 = arith.index_cast %scan3A_75 : i32 to index
      %swap3A_79 = arith.constant 0 : index
      %swap3A_80 = tpu.vector_load %arg12[%swap3A_78, %swap3A_79] {strides = array<i32>} : memref<400x16xf32, #tpu.memory_space<vmem>>, vector<16xf32>,
      tpu.vector_store %arg12[%swap3A_78, %swap3A_79], %broadcast_in_dim3A_77 {strides = array<i32>} : memref<400x16xf32, #tpu.memory_space<vmem>>, vector<16xf32>,
      %scan3A_81 = arith.constant 0 : i32
      %scan3A_82 = arith.constant 5 : i32
      %scan3A_83 = arith.addi %scan3A_42, %scan3A_82 : i32
      %broadcast_in_dim3A_84 = arith.constant 1.000000e+00 : f32
      %broadcast_in_dim3A_85 = vector.broadcast %broadcast_in_dim3A_84 : f32 to vector<16xf32>
      %swap3A_86 = arith.index_cast %scan3A_83 : i32 to index
      %swap3A_87 = arith.constant 0 : index
      %swap3A_88 = tpu.vector_load %arg12[%swap3A_86, %swap3A_87] {strides = array<i32>} : memref<400x16xf32, #tpu.memory_space<vmem>>, vector<16xf32>,
      tpu.vector_store %arg12[%swap3A_86, %swap3A_87], %broadcast_in_dim3A_85 {strides = array<i32>} : memref<400x16xf32, #tpu.memory_space<vmem>>, vector<16xf32>,
      %scan3A_89 = arith.constant 0 : i32
      %scan3A_90 = arith.constant 6 : i32
      %scan3A_91 = arith.addi %scan3A_42, %scan3A_90 : i32
      %broadcast_in_dim3A_92 = arith.constant 1.000000e+00 : f32
      %broadcast_in_dim3A_93 = vector.broadcast %broadcast_in_dim3A_92 : f32 to vector<16xf32>
      %swap3A_94 = arith.index_cast %scan3A_91 : i32 to index
      %swap3A_95 = arith.constant 0 : index
      %swap3A_96 = tpu.vector_load %arg12[%swap3A_94, %swap3A_95] {strides = array<i32>} : memref<400x16xf32, #tpu.memory_space<vmem>>, vector<16xf32>,
      tpu.vector_store %arg12[%swap3A_94, %swap3A_95], %broadcast_in_dim3A_93 {strides = array<i32>} : memref<400x16xf32, #tpu.memory_space<vmem>>, vector<16xf32>,
      %scan3A_97 = arith.constant 0 : i32
      %scan3A_98 = arith.constant 7 : i32
      %scan3A_99 = arith.addi %scan3A_42, %scan3A_98 : i32
      %broadcast_in_dim3A_100 = arith.constant 1.000000e+00 : f32
      %broadcast_in_dim3A_101 = vector.broadcast %broadcast_in_dim3A_100 : f32 to vector<16xf32>
      %swap3A_102 = arith.index_cast %scan3A_99 : i32 to index
      %swap3A_103 = arith.constant 0 : index
      %swap3A_104 = tpu.vector_load %arg12[%swap3A_102, %swap3A_103] {strides = array<i32>} : memref<400x16xf32, #tpu.memory_space<vmem>>, vector<16xf32>,
      tpu.vector_store %arg12[%swap3A_102, %swap3A_103], %broadcast_in_dim3A_101 {strides = array<i32>} : memref<400x16xf32, #tpu.memory_space<vmem>>, vector<16xf32>,
      %scan3A_105 = arith.constant 0 : i32
      scf.yield %scan3A_105 : i32
    }
    %scan3A_34 = arith.constant 400 : i32
    %barrier3A = arith.constant 0 : index
    tpu.barrier barrier_id(%barrier3A)
    %eq3A = arith.constant 0 : i32
    %eq3A_35 = arith.cmpi eq, %arg0, %eq3A : i32
    %convert_element_type3A = arith.extui %eq3A_35 : i1 to i32
    %cond3A = arith.constant 0 : i32
    %cond3A_36 = arith.cmpi ne, %convert_element_type3A, %cond3A : i32
    scf.if %cond3A_36 {
      %mul3A_42 = arith.constant 100000 : i32
      %mul3A_43 = arith.muli %arg1, %mul3A_42 : i32
      "tpu.trace_start"() <{level = 10 : i32, message = "hist"}> : () -> ()
      %add3A = arith.constant 0 : i32
      %add3A_44 = arith.addi %mul3A_43, %add3A : i32
      "tpu.region"() ({
        %run_scoped3A = tpu.sem_alloc : memref<!tpu.dma_semaphore, #tpu.memory_space<semaphore_mem>>
        %dma_start3A_69 = tpu.memref_slice %arg3[%add3A_44] : memref<1600000xi32, #tpu.memory_space<hbm>> -> memref<400xi32, #tpu.memory_space<hbm>>
        %dma_start3A_70 = tpu.memref_slice %arg3[%add3A_44] : memref<1600000xi32, #tpu.memory_space<hbm>> -> memref<400xi32, #tpu.memory_space<hbm>>
        tpu.enqueue_dma source(%dma_start3A_70 : memref<400xi32, #tpu.memory_space<hbm>>) target(%arg10 : memref<400xi32, #tpu.memory_space<vmem>>) target_semaphore(%run_scoped3A : memref<!tpu.dma_semaphore, #tpu.memory_space<semaphore_mem>>)
        %dma_wait3A_71 = tpu.memref_slice %arg3[%add3A_44] : memref<1600000xi32, #tpu.memory_space<hbm>> -> memref<400xi32, #tpu.memory_space<hbm>>
        %dma_wait3A_72 = tpu.memref_slice %arg3[%add3A_44] : memref<1600000xi32, #tpu.memory_space<hbm>> -> memref<400xi32, #tpu.memory_space<hbm>>
        tpu.wait_dma2 semaphore(%run_scoped3A : memref<!tpu.dma_semaphore, #tpu.memory_space<semaphore_mem>>) src(%dma_wait3A_72 : memref<400xi32, #tpu.memory_space<hbm>>) dst(%arg10 : memref<400xi32, #tpu.memory_space<vmem>>)
        tpu.yield
      }) : () -> ()
      %dma_start3A = arith.constant 0 : i32
      %dma_start3A_45 = arith.constant 0 : i32
      %dma_start3A_46 = tpu.memref_slice %arg14[%dma_start3A, %dma_start3A_45] : memref<100000x16xf32, #tpu.memory_space<vmem_shared>> -> memref<100000x16xf32, #tpu.memory_space<vmem_shared>>
      tpu.enqueue_indirect_dma source(%arg12 : memref<400x16xf32, #tpu.memory_space<vmem>>) target(%dma_start3A_46 : memref<100000x16xf32, #tpu.memory_space<vmem_shared>>) offsets(%arg10 : memref<400xi32, #tpu.memory_space<vmem>>) semaphore(%arg15 : memref<!tpu.dma_semaphore, #tpu.memory_space<semaphore_mem>>) {add = true}
      %scan3A_47 = arith.constant 0 : i32
      %scan3A_48 = arith.constant 0 : i32
      %scan3A_49 = arith.constant 125 : i32
      %scan3A_50 = arith.addi %scan3A_48, %scan3A_49 : i32
      %scan3A_51 = arith.constant 1 : i32
      %scan3A_52 = scf.for %scan3A_69 = %scan3A_48 to %scan3A_50 step %scan3A_51 iter_args(%scan3A_70 = %scan3A_47) -> (i32)  : i32 {
        %gt3A = arith.constant 0 : i32
        %gt3A_71 = arith.cmpi sgt, %scan3A_69, %gt3A : i32
        %convert_element_type3A_72 = arith.extui %gt3A_71 : i1 to i32
        %cond3A_73 = arith.constant 0 : i32
        %cond3A_74 = arith.cmpi ne, %convert_element_type3A_72, %cond3A_73 : i32
        scf.if %cond3A_74 {
          %dma_wait3A_96 = arith.constant 0 : i32
          %dma_wait3A_97 = arith.constant 0 : i32
          %dma_wait3A_98 = tpu.memref_slice %arg5[%dma_wait3A_96, %dma_wait3A_97] : memref<100000x16xf32, #tpu.memory_space<hbm>> -> memref<400x16xf32, #tpu.memory_space<hbm>>
          %dma_wait3A_99 = arith.constant 0 : i32
          %dma_wait3A_100 = arith.constant 0 : i32
          %dma_wait3A_101 = tpu.memref_slice %arg5[%dma_wait3A_99, %dma_wait3A_100] : memref<100000x16xf32, #tpu.memory_space<hbm>> -> memref<400x16xf32, #tpu.memory_space<hbm>>
          tpu.wait_dma2 semaphore(%arg16 : memref<!tpu.dma_semaphore, #tpu.memory_space<semaphore_mem>>) src(%dma_wait3A_101 : memref<400x16xf32, #tpu.memory_space<hbm>>) dst(%arg12 : memref<400x16xf32, #tpu.memory_space<vmem>>)
        } else {
        }
        %mul3A_75 = arith.constant 2 : i32
        %mul3A_76 = arith.muli %mul3A_75, %scan3A_69 : i32
        %add3A_77 = arith.constant 1 : i32
        %add3A_78 = arith.addi %mul3A_76, %add3A_77 : i32
        %mul3A_79 = arith.constant 400 : i32
        %mul3A_80 = arith.muli %add3A_78, %mul3A_79 : i32
        %add3A_81 = arith.addi %mul3A_43, %mul3A_80 : i32
        "tpu.region"() ({
          %run_scoped3A = tpu.sem_alloc : memref<!tpu.dma_semaphore, #tpu.memory_space<semaphore_mem>>
          %dma_start3A_96 = tpu.memref_slice %arg3[%add3A_81] : memref<1600000xi32, #tpu.memory_space<hbm>> -> memref<400xi32, #tpu.memory_space<hbm>>
          %dma_start3A_97 = tpu.memref_slice %arg3[%add3A_81] : memref<1600000xi32, #tpu.memory_space<hbm>> -> memref<400xi32, #tpu.memory_space<hbm>>
          tpu.enqueue_dma source(%dma_start3A_97 : memref<400xi32, #tpu.memory_space<hbm>>) target(%arg11 : memref<400xi32, #tpu.memory_space<vmem>>) target_semaphore(%run_scoped3A : memref<!tpu.dma_semaphore, #tpu.memory_space<semaphore_mem>>)
          %dma_wait3A_98 = tpu.memref_slice %arg3[%add3A_81] : memref<1600000xi32, #tpu.memory_space<hbm>> -> memref<400xi32, #tpu.memory_space<hbm>>
          %dma_wait3A_99 = tpu.memref_slice %arg3[%add3A_81] : memref<1600000xi32, #tpu.memory_space<hbm>> -> memref<400xi32, #tpu.memory_space<hbm>>
          tpu.wait_dma2 semaphore(%run_scoped3A : memref<!tpu.dma_semaphore, #tpu.memory_space<semaphore_mem>>) src(%dma_wait3A_99 : memref<400xi32, #tpu.memory_space<hbm>>) dst(%arg11 : memref<400xi32, #tpu.memory_space<vmem>>)
          tpu.yield
        }) : () -> ()
        %dma_start3A_82 = arith.constant 0 : i32
        %dma_start3A_83 = arith.constant 0 : i32
        %dma_start3A_84 = tpu.memref_slice %arg14[%dma_start3A_82, %dma_start3A_83] : memref<100000x16xf32, #tpu.memory_space<vmem_shared>> -> memref<100000x16xf32, #tpu.memory_space<vmem_shared>>
        tpu.enqueue_indirect_dma source(%arg12 : memref<400x16xf32, #tpu.memory_space<vmem>>) target(%dma_start3A_84 : memref<100000x16xf32, #tpu.memory_space<vmem_shared>>) offsets(%arg11 : memref<400xi32, #tpu.memory_space<vmem>>) semaphore(%arg16 : memref<!tpu.dma_semaphore, #tpu.memory_space<semaphore_mem>>) {add = true}
        %dma_wait3A_85 = arith.constant 0 : i32
        %dma_wait3A_86 = arith.constant 0 : i32
        %dma_wait3A_87 = tpu.memref_slice %arg5[%dma_wait3A_85, %dma_wait3A_86] : memref<100000x16xf32, #tpu.memory_space<hbm>> -> memref<400x16xf32, #tpu.memory_space<hbm>>
        %dma_wait3A_88 = arith.constant 0 : i32
        %dma_wait3A_89 = arith.constant 0 : i32
        %dma_wait3A_90 = tpu.memref_slice %arg5[%dma_wait3A_88, %dma_wait3A_89] : memref<100000x16xf32, #tpu.memory_space<hbm>> -> memref<400x16xf32, #tpu.memory_space<hbm>>
        tpu.wait_dma2 semaphore(%arg15 : memref<!tpu.dma_semaphore, #tpu.memory_space<semaphore_mem>>) src(%dma_wait3A_90 : memref<400x16xf32, #tpu.memory_space<hbm>>) dst(%arg12 : memref<400x16xf32, #tpu.memory_space<vmem>>)
        %lt3A = arith.constant 124 : i32
        %lt3A_91 = arith.cmpi slt, %scan3A_69, %lt3A : i32
        %convert_element_type3A_92 = arith.extui %lt3A_91 : i1 to i32
        %cond3A_93 = arith.constant 0 : i32
        %cond3A_94 = arith.cmpi ne, %convert_element_type3A_92, %cond3A_93 : i32
        scf.if %cond3A_94 {
          %mul3A_96 = arith.constant 2 : i32
          %mul3A_97 = arith.muli %mul3A_96, %scan3A_69 : i32
          %add3A_98 = arith.constant 2 : i32
          %add3A_99 = arith.addi %mul3A_97, %add3A_98 : i32
          %mul3A_100 = arith.constant 400 : i32
          %mul3A_101 = arith.muli %add3A_99, %mul3A_100 : i32
          %add3A_102 = arith.addi %mul3A_43, %mul3A_101 : i32
          "tpu.region"() ({
            %run_scoped3A = tpu.sem_alloc : memref<!tpu.dma_semaphore, #tpu.memory_space<semaphore_mem>>
            %dma_start3A_106 = tpu.memref_slice %arg3[%add3A_102] : memref<1600000xi32, #tpu.memory_space<hbm>> -> memref<400xi32, #tpu.memory_space<hbm>>
            %dma_start3A_107 = tpu.memref_slice %arg3[%add3A_102] : memref<1600000xi32, #tpu.memory_space<hbm>> -> memref<400xi32, #tpu.memory_space<hbm>>
            tpu.enqueue_dma source(%dma_start3A_107 : memref<400xi32, #tpu.memory_space<hbm>>) target(%arg10 : memref<400xi32, #tpu.memory_space<vmem>>) target_semaphore(%run_scoped3A : memref<!tpu.dma_semaphore, #tpu.memory_space<semaphore_mem>>)
            %dma_wait3A_108 = tpu.memref_slice %arg3[%add3A_102] : memref<1600000xi32, #tpu.memory_space<hbm>> -> memref<400xi32, #tpu.memory_space<hbm>>
            %dma_wait3A_109 = tpu.memref_slice %arg3[%add3A_102] : memref<1600000xi32, #tpu.memory_space<hbm>> -> memref<400xi32, #tpu.memory_space<hbm>>
            tpu.wait_dma2 semaphore(%run_scoped3A : memref<!tpu.dma_semaphore, #tpu.memory_space<semaphore_mem>>) src(%dma_wait3A_109 : memref<400xi32, #tpu.memory_space<hbm>>) dst(%arg10 : memref<400xi32, #tpu.memory_space<vmem>>)
            tpu.yield
          }) : () -> ()
          %dma_start3A_103 = arith.constant 0 : i32
          %dma_start3A_104 = arith.constant 0 : i32
          %dma_start3A_105 = tpu.memref_slice %arg14[%dma_start3A_103, %dma_start3A_104] : memref<100000x16xf32, #tpu.memory_space<vmem_shared>> -> memref<100000x16xf32, #tpu.memory_space<vmem_shared>>
          tpu.enqueue_indirect_dma source(%arg12 : memref<400x16xf32, #tpu.memory_space<vmem>>) target(%dma_start3A_105 : memref<100000x16xf32, #tpu.memory_space<vmem_shared>>) offsets(%arg10 : memref<400xi32, #tpu.memory_space<vmem>>) semaphore(%arg15 : memref<!tpu.dma_semaphore, #tpu.memory_space<semaphore_mem>>) {add = true}
        } else {
        }
        %scan3A_95 = arith.constant 0 : i32
        scf.yield %scan3A_95 : i32
      }
      %scan3A_53 = arith.constant 125 : i32
      %dma_wait3A = arith.constant 0 : i32
      %dma_wait3A_54 = arith.constant 0 : i32
      %dma_wait3A_55 = tpu.memref_slice %arg5[%dma_wait3A, %dma_wait3A_54] : memref<100000x16xf32, #tpu.memory_space<hbm>> -> memref<400x16xf32, #tpu.memory_space<hbm>>
      %dma_wait3A_56 = arith.constant 0 : i32
      %dma_wait3A_57 = arith.constant 0 : i32
      %dma_wait3A_58 = tpu.memref_slice %arg5[%dma_wait3A_56, %dma_wait3A_57] : memref<100000x16xf32, #tpu.memory_space<hbm>> -> memref<400x16xf32, #tpu.memory_space<hbm>>
      tpu.wait_dma2 semaphore(%arg16 : memref<!tpu.dma_semaphore, #tpu.memory_space<semaphore_mem>>) src(%dma_wait3A_58 : memref<400x16xf32, #tpu.memory_space<hbm>>) dst(%arg12 : memref<400x16xf32, #tpu.memory_space<vmem>>)
      "tpu.trace_stop"() : () -> ()
      %barrier3A_59 = arith.constant 0 : index
      tpu.barrier barrier_id(%barrier3A_59)
      %broadcast_in_dim3A_60 = arith.constant 0 : i32
      %broadcast_in_dim3A_61 = vector.broadcast %broadcast_in_dim3A_60 : i32 to vector<16xi32>
      %iota3A = tpu.iota {dimensions = array<i32: 0>} : vector<16xi32>
      "tpu.trace_start"() <{level = 10 : i32, message = "dis_epi"}> : () -> ()
      %scan3A_62 = arith.constant 0 : i32
      %scan3A_63 = arith.constant 0 : i32
      %scan3A_64 = arith.constant 25 : i32
      %scan3A_65 = arith.addi %scan3A_63, %scan3A_64 : i32
      %scan3A_66 = arith.constant 1 : i32
      %scan3A_67 = scf.for %scan3A_69 = %scan3A_63 to %scan3A_65 step %scan3A_66 iter_args(%scan3A_70 = %scan3A_62) -> (i32)  : i32 {
        %mul3A_71 = arith.constant 250 : i32
        %mul3A_72 = arith.muli %scan3A_69, %mul3A_71 : i32
        %add3A_73 = arith.addi %mul3A_0, %mul3A_72 : i32
        "tpu.region"() ({
          %run_scoped3A = tpu.sem_alloc : memref<!tpu.dma_semaphore, #tpu.memory_space<semaphore_mem>>
          %dma_start3A_89 = arith.constant 0 : i32
          %dma_start3A_90 = tpu.memref_slice %arg14[%add3A_73, %dma_start3A_89] : memref<100000x16xf32, #tpu.memory_space<vmem_shared>> -> memref<250x16xf32, #tpu.memory_space<vmem_shared>>
          %dma_start3A_91 = arith.constant 0 : i32
          %dma_start3A_92 = tpu.memref_slice %arg14[%add3A_73, %dma_start3A_91] : memref<100000x16xf32, #tpu.memory_space<vmem_shared>> -> memref<250x16xf32, #tpu.memory_space<vmem_shared>>
          tpu.enqueue_dma source(%dma_start3A_92 : memref<250x16xf32, #tpu.memory_space<vmem_shared>>) target(%arg13 : memref<250x16xf32, #tpu.memory_space<vmem>>) target_semaphore(%run_scoped3A : memref<!tpu.dma_semaphore, #tpu.memory_space<semaphore_mem>>)
          %dma_wait3A_93 = arith.constant 0 : i32
          %dma_wait3A_94 = tpu.memref_slice %arg14[%add3A_73, %dma_wait3A_93] : memref<100000x16xf32, #tpu.memory_space<vmem_shared>> -> memref<250x16xf32, #tpu.memory_space<vmem_shared>>
          %dma_wait3A_95 = arith.constant 0 : i32
          %dma_wait3A_96 = tpu.memref_slice %arg14[%add3A_73, %dma_wait3A_95] : memref<100000x16xf32, #tpu.memory_space<vmem_shared>> -> memref<250x16xf32, #tpu.memory_space<vmem_shared>>
          tpu.wait_dma2 semaphore(%run_scoped3A : memref<!tpu.dma_semaphore, #tpu.memory_space<semaphore_mem>>) src(%dma_wait3A_96 : memref<250x16xf32, #tpu.memory_space<vmem_shared>>) dst(%arg13 : memref<250x16xf32, #tpu.memory_space<vmem>>)
          tpu.yield
        }) : () -> ()
        "tpu.region"() ({
          %run_scoped3A = tpu.sem_alloc : memref<!tpu.dma_semaphore, #tpu.memory_space<semaphore_mem>>
          %dma_start3A_89 = arith.constant 0 : i32
          %dma_start3A_90 = arith.constant 0 : i32
          %dma_start3A_91 = tpu.memref_slice %arg12[%dma_start3A_89, %dma_start3A_90] : memref<400x16xf32, #tpu.memory_space<vmem>> -> memref<250x16xf32, #tpu.memory_space<vmem>>
          %dma_start3A_92 = arith.constant 0 : i32
          %dma_start3A_93 = tpu.memref_slice %arg5[%add3A_73, %dma_start3A_92] : memref<100000x16xf32, #tpu.memory_space<hbm>> -> memref<250x16xf32, #tpu.memory_space<hbm>>
          %dma_start3A_94 = arith.constant 0 : i32
          %dma_start3A_95 = arith.constant 0 : i32
          %dma_start3A_96 = tpu.memref_slice %arg12[%dma_start3A_94, %dma_start3A_95] : memref<400x16xf32, #tpu.memory_space<vmem>> -> memref<250x16xf32, #tpu.memory_space<vmem>>
          %dma_start3A_97 = arith.constant 0 : i32
          %dma_start3A_98 = tpu.memref_slice %arg5[%add3A_73, %dma_start3A_97] : memref<100000x16xf32, #tpu.memory_space<hbm>> -> memref<250x16xf32, #tpu.memory_space<hbm>>
          tpu.enqueue_dma source(%dma_start3A_98 : memref<250x16xf32, #tpu.memory_space<hbm>>) target(%dma_start3A_96 : memref<250x16xf32, #tpu.memory_space<vmem>>) target_semaphore(%run_scoped3A : memref<!tpu.dma_semaphore, #tpu.memory_space<semaphore_mem>>)
          %dma_wait3A_99 = arith.constant 0 : i32
          %dma_wait3A_100 = arith.constant 0 : i32
          %dma_wait3A_101 = tpu.memref_slice %arg12[%dma_wait3A_99, %dma_wait3A_100] : memref<400x16xf32, #tpu.memory_space<vmem>> -> memref<250x16xf32, #tpu.memory_space<vmem>>
          %dma_wait3A_102 = arith.constant 0 : i32
          %dma_wait3A_103 = tpu.memref_slice %arg5[%add3A_73, %dma_wait3A_102] : memref<100000x16xf32, #tpu.memory_space<hbm>> -> memref<250x16xf32, #tpu.memory_space<hbm>>
          %dma_wait3A_104 = arith.constant 0 : i32
          %dma_wait3A_105 = arith.constant 0 : i32
          %dma_wait3A_106 = tpu.memref_slice %arg12[%dma_wait3A_104, %dma_wait3A_105] : memref<400x16xf32, #tpu.memory_space<vmem>> -> memref<250x16xf32, #tpu.memory_space<vmem>>
          %dma_wait3A_107 = arith.constant 0 : i32
          %dma_wait3A_108 = tpu.memref_slice %arg5[%add3A_73, %dma_wait3A_107] : memref<100000x16xf32, #tpu.memory_space<hbm>> -> memref<250x16xf32, #tpu.memory_space<hbm>>
          tpu.wait_dma2 semaphore(%run_scoped3A : memref<!tpu.dma_semaphore, #tpu.memory_space<semaphore_mem>>) src(%dma_wait3A_108 : memref<250x16xf32, #tpu.memory_space<hbm>>) dst(%dma_wait3A_106 : memref<250x16xf32, #tpu.memory_space<vmem>>)
          tpu.yield
        }) : () -> ()
        %scan3A_74 = arith.constant 0 : i32
        %scan3A_75 = arith.constant 0 : i32
        %scan3A_76 = arith.constant 15 : i32
        %scan3A_77 = arith.addi %scan3A_75, %scan3A_76 : i32
        %scan3A_78 = arith.constant 1 : i32
        %scan3A_79 = scf.for %scan3A_89 = %scan3A_75 to %scan3A_77 step %scan3A_78 iter_args(%scan3A_90 = %scan3A_74) -> (i32)  : i32 {
          %mul3A_91 = arith.constant 16 : i32
          %mul3A_92 = arith.muli %scan3A_89, %mul3A_91 : i32
          %add3A_93 = vector.broadcast %mul3A_92 : i32 to vector<16xi32>
          %add3A_94 = arith.addi %iota3A, %add3A_93 : vector<16xi32>
          %gather3A = tpu.vector_load_idx %arg13[%add3A_94, %broadcast_in_dim3A_61] : memref<250x16xf32, #tpu.memory_space<vmem>>[vector<16xi32>, vector<16xi32>], vector<16xf32>,
          %bitcast3A = vector.bitcast %gather3A : vector<16xf32> to vector<16xi32>
          %broadcast_in_dim3A_95 = arith.constant 1597463007 : i32
          %broadcast_in_dim3A_96 = vector.broadcast %broadcast_in_dim3A_95 : i32 to vector<16xi32>
          %shift_right_arithmetic3A = arith.constant 1 : i32
          %shift_right_arithmetic3A_97 = vector.broadcast %shift_right_arithmetic3A : i32 to vector<16xi32>
          %shift_right_arithmetic3A_98 = arith.shrsi %bitcast3A, %shift_right_arithmetic3A_97 : vector<16xi32>
          %sub3A = arith.subi %broadcast_in_dim3A_96, %shift_right_arithmetic3A_98 : vector<16xi32>
          %bitcast3A_99 = vector.bitcast %sub3A : vector<16xi32> to vector<16xf32>
          %mul3A_100 = arith.constant 5.000000e-01 : f32
          %mul3A_101 = vector.broadcast %mul3A_100 : f32 to vector<16xf32>
          %mul3A_102 = arith.mulf %mul3A_101, %gather3A : vector<16xf32>
          %mul3A_103 = arith.mulf %mul3A_102, %bitcast3A_99 : vector<16xf32>
          %mul3A_104 = arith.mulf %mul3A_103, %bitcast3A_99 : vector<16xf32>
          %sub3A_105 = arith.constant 1.500000e+00 : f32
          %sub3A_106 = vector.broadcast %sub3A_105 : f32 to vector<16xf32>
          %sub3A_107 = arith.subf %sub3A_106, %mul3A_104 : vector<16xf32>
          %mul3A_108 = arith.mulf %bitcast3A_99, %sub3A_107 : vector<16xf32>
          %mul3A_109 = arith.constant 5.000000e-01 : f32
          %mul3A_110 = vector.broadcast %mul3A_109 : f32 to vector<16xf32>
          %mul3A_111 = arith.mulf %mul3A_110, %gather3A : vector<16xf32>
          %mul3A_112 = arith.mulf %mul3A_111, %mul3A_108 : vector<16xf32>
          %mul3A_113 = arith.mulf %mul3A_112, %mul3A_108 : vector<16xf32>
          %sub3A_114 = arith.constant 1.500000e+00 : f32
          %sub3A_115 = vector.broadcast %sub3A_114 : f32 to vector<16xf32>
          %sub3A_116 = arith.subf %sub3A_115, %mul3A_113 : vector<16xf32>
          %mul3A_117 = arith.mulf %mul3A_108, %sub3A_116 : vector<16xf32>
          %gt3A = arith.constant 0.000000e+00 : f32
          %gt3A_118 = vector.broadcast %gt3A : f32 to vector<16xf32>
          %gt3A_119 = arith.cmpf ogt, %gather3A, %gt3A_118 : vector<16xf32>
          %jit3A = arith.constant 0.000000e+00 : f32
          %broadcast_in_dim3A_120 = vector.broadcast %jit3A : f32 to vector<16xf32>
          %select_n3A = arith.select %gt3A_119, %mul3A_117, %broadcast_in_dim3A_120 : vector<16xi1>, vector<16xf32>
          %broadcast_in_dim3A_121 = arith.constant 0 : i32
          %broadcast_in_dim3A_122 = vector.broadcast %broadcast_in_dim3A_121 : i32 to vector<16x1xi32>
          %gather3A_123 = vector.shape_cast %broadcast_in_dim3A_122 : vector<16x1xi32> to vector<16xi32>
          %gather3A_124 = tpu.dynamic_gather %select_n3A[%gather3A_123] in [0] : vector<16xf32>, vector<16xi32> -> vector<16xf32>
          %add3A_125 = arith.constant 0 : i32
          %add3A_126 = arith.addi %mul3A_92, %add3A_125 : i32
          %swap3A_127 = arith.index_cast %add3A_126 : i32 to index
          %swap3A_128 = arith.constant 0 : index
          %swap3A_129 = tpu.vector_load %arg13[%swap3A_127, %swap3A_128] {strides = array<i32>} : memref<250x16xf32, #tpu.memory_space<vmem>>, vector<16xf32>,
          tpu.vector_store %arg13[%swap3A_127, %swap3A_128], %gather3A_124 {strides = array<i32>} : memref<250x16xf32, #tpu.memory_space<vmem>>, vector<16xf32>,
          %add3A_130 = arith.constant 0 : i32
          %add3A_131 = arith.addi %mul3A_92, %add3A_130 : i32
          %get3A = arith.constant 0 : i32
          %get3A_132 = arith.constant 0 : i32
          %get3A_133 = tpu.memref_slice %arg12[%get3A, %get3A_132] : memref<400x16xf32, #tpu.memory_space<vmem>> -> memref<250x16xf32, #tpu.memory_space<vmem>>
          %get3A_134 = arith.index_cast %add3A_131 : i32 to index
          %get3A_135 = arith.constant 0 : index
          %get3A_136 = tpu.vector_load %get3A_133[%get3A_134, %get3A_135] {strides = array<i32>} : memref<250x16xf32, #tpu.memory_space<vmem>>, vector<16xf32>,
          %mul3A_137 = arith.mulf %get3A_136, %gather3A_124 : vector<16xf32>
          %add3A_138 = arith.constant 0 : i32
          %add3A_139 = arith.addi %mul3A_92, %add3A_138 : i32
          %swap3A_140 = arith.constant 0 : i32
          %swap3A_141 = arith.constant 0 : i32
          %swap3A_142 = tpu.memref_slice %arg12[%swap3A_140, %swap3A_141] : memref<400x16xf32, #tpu.memory_space<vmem>> -> memref<250x16xf32, #tpu.memory_space<vmem>>
          %swap3A_143 = arith.index_cast %add3A_139 : i32 to index
          %swap3A_144 = arith.constant 0 : index
          %swap3A_145 = tpu.vector_load %swap3A_142[%swap3A_143, %swap3A_144] {strides = array<i32>} : memref<250x16xf32, #tpu.memory_space<vmem>>, vector<16xf32>,
          tpu.vector_store %swap3A_142[%swap3A_143, %swap3A_144], %mul3A_137 {strides = array<i32>} : memref<250x16xf32, #tpu.memory_space<vmem>>, vector<16xf32>,
          %broadcast_in_dim3A_146 = arith.constant 1 : i32
          %broadcast_in_dim3A_147 = vector.broadcast %broadcast_in_dim3A_146 : i32 to vector<16x1xi32>
          %gather3A_148 = vector.shape_cast %broadcast_in_dim3A_147 : vector<16x1xi32> to vector<16xi32>
          %gather3A_149 = tpu.dynamic_gather %select_n3A[%gather3A_148] in [0] : vector<16xf32>, vector<16xi32> -> vector<16xf32>
          %add3A_150 = arith.constant 1 : i32
          %add3A_151 = arith.addi %mul3A_92, %add3A_150 : i32
          %swap3A_152 = arith.index_cast %add3A_151 : i32 to index
          %swap3A_153 = arith.constant 0 : index
          %swap3A_154 = tpu.vector_load %arg13[%swap3A_152, %swap3A_153] {strides = array<i32>} : memref<250x16xf32, #tpu.memory_space<vmem>>, vector<16xf32>,
          tpu.vector_store %arg13[%swap3A_152, %swap3A_153], %gather3A_149 {strides = array<i32>} : memref<250x16xf32, #tpu.memory_space<vmem>>, vector<16xf32>,
          %add3A_155 = arith.constant 1 : i32
          %add3A_156 = arith.addi %mul3A_92, %add3A_155 : i32
          %get3A_157 = arith.constant 0 : i32
          %get3A_158 = arith.constant 0 : i32
          %get3A_159 = tpu.memref_slice %arg12[%get3A_157, %get3A_158] : memref<400x16xf32, #tpu.memory_space<vmem>> -> memref<250x16xf32, #tpu.memory_space<vmem>>
          %get3A_160 = arith.index_cast %add3A_156 : i32 to index
          %get3A_161 = arith.constant 0 : index
          %get3A_162 = tpu.vector_load %get3A_159[%get3A_160, %get3A_161] {strides = array<i32>} : memref<250x16xf32, #tpu.memory_space<vmem>>, vector<16xf32>,
          %mul3A_163 = arith.mulf %get3A_162, %gather3A_149 : vector<16xf32>
          %add3A_164 = arith.constant 1 : i32
          %add3A_165 = arith.addi %mul3A_92, %add3A_164 : i32
          %swap3A_166 = arith.constant 0 : i32
          %swap3A_167 = arith.constant 0 : i32
          %swap3A_168 = tpu.memref_slice %arg12[%swap3A_166, %swap3A_167] : memref<400x16xf32, #tpu.memory_space<vmem>> -> memref<250x16xf32, #tpu.memory_space<vmem>>
          %swap3A_169 = arith.index_cast %add3A_165 : i32 to index
          %swap3A_170 = arith.constant 0 : index
          %swap3A_171 = tpu.vector_load %swap3A_168[%swap3A_169, %swap3A_170] {strides = array<i32>} : memref<250x16xf32, #tpu.memory_space<vmem>>, vector<16xf32>,
          tpu.vector_store %swap3A_168[%swap3A_169, %swap3A_170], %mul3A_163 {strides = array<i32>} : memref<250x16xf32, #tpu.memory_space<vmem>>, vector<16xf32>,
          %broadcast_in_dim3A_172 = arith.constant 2 : i32
          %broadcast_in_dim3A_173 = vector.broadcast %broadcast_in_dim3A_172 : i32 to vector<16x1xi32>
          %gather3A_174 = vector.shape_cast %broadcast_in_dim3A_173 : vector<16x1xi32> to vector<16xi32>
          %gather3A_175 = tpu.dynamic_gather %select_n3A[%gather3A_174] in [0] : vector<16xf32>, vector<16xi32> -> vector<16xf32>
          %add3A_176 = arith.constant 2 : i32
          %add3A_177 = arith.addi %mul3A_92, %add3A_176 : i32
          %swap3A_178 = arith.index_cast %add3A_177 : i32 to index
          %swap3A_179 = arith.constant 0 : index
          %swap3A_180 = tpu.vector_load %arg13[%swap3A_178, %swap3A_179] {strides = array<i32>} : memref<250x16xf32, #tpu.memory_space<vmem>>, vector<16xf32>,
          tpu.vector_store %arg13[%swap3A_178, %swap3A_179], %gather3A_175 {strides = array<i32>} : memref<250x16xf32, #tpu.memory_space<vmem>>, vector<16xf32>,
          %add3A_181 = arith.constant 2 : i32
          %add3A_182 = arith.addi %mul3A_92, %add3A_181 : i32
          %get3A_183 = arith.constant 0 : i32
          %get3A_184 = arith.constant 0 : i32
          %get3A_185 = tpu.memref_slice %arg12[%get3A_183, %get3A_184] : memref<400x16xf32, #tpu.memory_space<vmem>> -> memref<250x16xf32, #tpu.memory_space<vmem>>
          %get3A_186 = arith.index_cast %add3A_182 : i32 to index
          %get3A_187 = arith.constant 0 : index
          %get3A_188 = tpu.vector_load %get3A_185[%get3A_186, %get3A_187] {strides = array<i32>} : memref<250x16xf32, #tpu.memory_space<vmem>>, vector<16xf32>,
          %mul3A_189 = arith.mulf %get3A_188, %gather3A_175 : vector<16xf32>
          %add3A_190 = arith.constant 2 : i32
          %add3A_191 = arith.addi %mul3A_92, %add3A_190 : i32
          %swap3A_192 = arith.constant 0 : i32
          %swap3A_193 = arith.constant 0 : i32
          %swap3A_194 = tpu.memref_slice %arg12[%swap3A_192, %swap3A_193] : memref<400x16xf32, #tpu.memory_space<vmem>> -> memref<250x16xf32, #tpu.memory_space<vmem>>
          %swap3A_195 = arith.index_cast %add3A_191 : i32 to index
          %swap3A_196 = arith.constant 0 : index
          %swap3A_197 = tpu.vector_load %swap3A_194[%swap3A_195, %swap3A_196] {strides = array<i32>} : memref<250x16xf32, #tpu.memory_space<vmem>>, vector<16xf32>,
          tpu.vector_store %swap3A_194[%swap3A_195, %swap3A_196], %mul3A_189 {strides = array<i32>} : memref<250x16xf32, #tpu.memory_space<vmem>>, vector<16xf32>,
          %broadcast_in_dim3A_198 = arith.constant 3 : i32
          %broadcast_in_dim3A_199 = vector.broadcast %broadcast_in_dim3A_198 : i32 to vector<16x1xi32>
          %gather3A_200 = vector.shape_cast %broadcast_in_dim3A_199 : vector<16x1xi32> to vector<16xi32>
          %gather3A_201 = tpu.dynamic_gather %select_n3A[%gather3A_200] in [0] : vector<16xf32>, vector<16xi32> -> vector<16xf32>
          %add3A_202 = arith.constant 3 : i32
          %add3A_203 = arith.addi %mul3A_92, %add3A_202 : i32
          %swap3A_204 = arith.index_cast %add3A_203 : i32 to index
          %swap3A_205 = arith.constant 0 : index
          %swap3A_206 = tpu.vector_load %arg13[%swap3A_204, %swap3A_205] {strides = array<i32>} : memref<250x16xf32, #tpu.memory_space<vmem>>, vector<16xf32>,
          tpu.vector_store %arg13[%swap3A_204, %swap3A_205], %gather3A_201 {strides = array<i32>} : memref<250x16xf32, #tpu.memory_space<vmem>>, vector<16xf32>,
          %add3A_207 = arith.constant 3 : i32
          %add3A_208 = arith.addi %mul3A_92, %add3A_207 : i32
          %get3A_209 = arith.constant 0 : i32
          %get3A_210 = arith.constant 0 : i32
          %get3A_211 = tpu.memref_slice %arg12[%get3A_209, %get3A_210] : memref<400x16xf32, #tpu.memory_space<vmem>> -> memref<250x16xf32, #tpu.memory_space<vmem>>
          %get3A_212 = arith.index_cast %add3A_208 : i32 to index
          %get3A_213 = arith.constant 0 : index
          %get3A_214 = tpu.vector_load %get3A_211[%get3A_212, %get3A_213] {strides = array<i32>} : memref<250x16xf32, #tpu.memory_space<vmem>>, vector<16xf32>,
          %mul3A_215 = arith.mulf %get3A_214, %gather3A_201 : vector<16xf32>
          %add3A_216 = arith.constant 3 : i32
          %add3A_217 = arith.addi %mul3A_92, %add3A_216 : i32
          %swap3A_218 = arith.constant 0 : i32
          %swap3A_219 = arith.constant 0 : i32
          %swap3A_220 = tpu.memref_slice %arg12[%swap3A_218, %swap3A_219] : memref<400x16xf32, #tpu.memory_space<vmem>> -> memref<250x16xf32, #tpu.memory_space<vmem>>
          %swap3A_221 = arith.index_cast %add3A_217 : i32 to index
          %swap3A_222 = arith.constant 0 : index
          %swap3A_223 = tpu.vector_load %swap3A_220[%swap3A_221, %swap3A_222] {strides = array<i32>} : memref<250x16xf32, #tpu.memory_space<vmem>>, vector<16xf32>,
          tpu.vector_store %swap3A_220[%swap3A_221, %swap3A_222], %mul3A_215 {strides = array<i32>} : memref<250x16xf32, #tpu.memory_space<vmem>>, vector<16xf32>,
          %broadcast_in_dim3A_224 = arith.constant 4 : i32
          %broadcast_in_dim3A_225 = vector.broadcast %broadcast_in_dim3A_224 : i32 to vector<16x1xi32>
          %gather3A_226 = vector.shape_cast %broadcast_in_dim3A_225 : vector<16x1xi32> to vector<16xi32>
          %gather3A_227 = tpu.dynamic_gather %select_n3A[%gather3A_226] in [0] : vector<16xf32>, vector<16xi32> -> vector<16xf32>
          %add3A_228 = arith.constant 4 : i32
          %add3A_229 = arith.addi %mul3A_92, %add3A_228 : i32
          %swap3A_230 = arith.index_cast %add3A_229 : i32 to index
          %swap3A_231 = arith.constant 0 : index
          %swap3A_232 = tpu.vector_load %arg13[%swap3A_230, %swap3A_231] {strides = array<i32>} : memref<250x16xf32, #tpu.memory_space<vmem>>, vector<16xf32>,
          tpu.vector_store %arg13[%swap3A_230, %swap3A_231], %gather3A_227 {strides = array<i32>} : memref<250x16xf32, #tpu.memory_space<vmem>>, vector<16xf32>,
          %add3A_233 = arith.constant 4 : i32
          %add3A_234 = arith.addi %mul3A_92, %add3A_233 : i32
          %get3A_235 = arith.constant 0 : i32
          %get3A_236 = arith.constant 0 : i32
          %get3A_237 = tpu.memref_slice %arg12[%get3A_235, %get3A_236] : memref<400x16xf32, #tpu.memory_space<vmem>> -> memref<250x16xf32, #tpu.memory_space<vmem>>
          %get3A_238 = arith.index_cast %add3A_234 : i32 to index
          %get3A_239 = arith.constant 0 : index
          %get3A_240 = tpu.vector_load %get3A_237[%get3A_238, %get3A_239] {strides = array<i32>} : memref<250x16xf32, #tpu.memory_space<vmem>>, vector<16xf32>,
          %mul3A_241 = arith.mulf %get3A_240, %gather3A_227 : vector<16xf32>
          %add3A_242 = arith.constant 4 : i32
          %add3A_243 = arith.addi %mul3A_92, %add3A_242 : i32
          %swap3A_244 = arith.constant 0 : i32
          %swap3A_245 = arith.constant 0 : i32
          %swap3A_246 = tpu.memref_slice %arg12[%swap3A_244, %swap3A_245] : memref<400x16xf32, #tpu.memory_space<vmem>> -> memref<250x16xf32, #tpu.memory_space<vmem>>
          %swap3A_247 = arith.index_cast %add3A_243 : i32 to index
          %swap3A_248 = arith.constant 0 : index
          %swap3A_249 = tpu.vector_load %swap3A_246[%swap3A_247, %swap3A_248] {strides = array<i32>} : memref<250x16xf32, #tpu.memory_space<vmem>>, vector<16xf32>,
          tpu.vector_store %swap3A_246[%swap3A_247, %swap3A_248], %mul3A_241 {strides = array<i32>} : memref<250x16xf32, #tpu.memory_space<vmem>>, vector<16xf32>,
          %broadcast_in_dim3A_250 = arith.constant 5 : i32
          %broadcast_in_dim3A_251 = vector.broadcast %broadcast_in_dim3A_250 : i32 to vector<16x1xi32>
          %gather3A_252 = vector.shape_cast %broadcast_in_dim3A_251 : vector<16x1xi32> to vector<16xi32>
          %gather3A_253 = tpu.dynamic_gather %select_n3A[%gather3A_252] in [0] : vector<16xf32>, vector<16xi32> -> vector<16xf32>
          %add3A_254 = arith.constant 5 : i32
          %add3A_255 = arith.addi %mul3A_92, %add3A_254 : i32
          %swap3A_256 = arith.index_cast %add3A_255 : i32 to index
          %swap3A_257 = arith.constant 0 : index
          %swap3A_258 = tpu.vector_load %arg13[%swap3A_256, %swap3A_257] {strides = array<i32>} : memref<250x16xf32, #tpu.memory_space<vmem>>, vector<16xf32>,
          tpu.vector_store %arg13[%swap3A_256, %swap3A_257], %gather3A_253 {strides = array<i32>} : memref<250x16xf32, #tpu.memory_space<vmem>>, vector<16xf32>,
          %add3A_259 = arith.constant 5 : i32
          %add3A_260 = arith.addi %mul3A_92, %add3A_259 : i32
          %get3A_261 = arith.constant 0 : i32
          %get3A_262 = arith.constant 0 : i32
          %get3A_263 = tpu.memref_slice %arg12[%get3A_261, %get3A_262] : memref<400x16xf32, #tpu.memory_space<vmem>> -> memref<250x16xf32, #tpu.memory_space<vmem>>
          %get3A_264 = arith.index_cast %add3A_260 : i32 to index
          %get3A_265 = arith.constant 0 : index
          %get3A_266 = tpu.vector_load %get3A_263[%get3A_264, %get3A_265] {strides = array<i32>} : memref<250x16xf32, #tpu.memory_space<vmem>>, vector<16xf32>,
          %mul3A_267 = arith.mulf %get3A_266, %gather3A_253 : vector<16xf32>
          %add3A_268 = arith.constant 5 : i32
          %add3A_269 = arith.addi %mul3A_92, %add3A_268 : i32
          %swap3A_270 = arith.constant 0 : i32
          %swap3A_271 = arith.constant 0 : i32
          %swap3A_272 = tpu.memref_slice %arg12[%swap3A_270, %swap3A_271] : memref<400x16xf32, #tpu.memory_space<vmem>> -> memref<250x16xf32, #tpu.memory_space<vmem>>
          %swap3A_273 = arith.index_cast %add3A_269 : i32 to index
          %swap3A_274 = arith.constant 0 : index
          %swap3A_275 = tpu.vector_load %swap3A_272[%swap3A_273, %swap3A_274] {strides = array<i32>} : memref<250x16xf32, #tpu.memory_space<vmem>>, vector<16xf32>,
          tpu.vector_store %swap3A_272[%swap3A_273, %swap3A_274], %mul3A_267 {strides = array<i32>} : memref<250x16xf32, #tpu.memory_space<vmem>>, vector<16xf32>,
          %broadcast_in_dim3A_276 = arith.constant 6 : i32
          %broadcast_in_dim3A_277 = vector.broadcast %broadcast_in_dim3A_276 : i32 to vector<16x1xi32>
          %gather3A_278 = vector.shape_cast %broadcast_in_dim3A_277 : vector<16x1xi32> to vector<16xi32>
          %gather3A_279 = tpu.dynamic_gather %select_n3A[%gather3A_278] in [0] : vector<16xf32>, vector<16xi32> -> vector<16xf32>
          %add3A_280 = arith.constant 6 : i32
          %add3A_281 = arith.addi %mul3A_92, %add3A_280 : i32
          %swap3A_282 = arith.index_cast %add3A_281 : i32 to index
          %swap3A_283 = arith.constant 0 : index
          %swap3A_284 = tpu.vector_load %arg13[%swap3A_282, %swap3A_283] {strides = array<i32>} : memref<250x16xf32, #tpu.memory_space<vmem>>, vector<16xf32>,
          tpu.vector_store %arg13[%swap3A_282, %swap3A_283], %gather3A_279 {strides = array<i32>} : memref<250x16xf32, #tpu.memory_space<vmem>>, vector<16xf32>,
          %add3A_285 = arith.constant 6 : i32
          %add3A_286 = arith.addi %mul3A_92, %add3A_285 : i32
          %get3A_287 = arith.constant 0 : i32
          %get3A_288 = arith.constant 0 : i32
          %get3A_289 = tpu.memref_slice %arg12[%get3A_287, %get3A_288] : memref<400x16xf32, #tpu.memory_space<vmem>> -> memref<250x16xf32, #tpu.memory_space<vmem>>
          %get3A_290 = arith.index_cast %add3A_286 : i32 to index
          %get3A_291 = arith.constant 0 : index
          %get3A_292 = tpu.vector_load %get3A_289[%get3A_290, %get3A_291] {strides = array<i32>} : memref<250x16xf32, #tpu.memory_space<vmem>>, vector<16xf32>,
          %mul3A_293 = arith.mulf %get3A_292, %gather3A_279 : vector<16xf32>
          %add3A_294 = arith.constant 6 : i32
          %add3A_295 = arith.addi %mul3A_92, %add3A_294 : i32
          %swap3A_296 = arith.constant 0 : i32
          %swap3A_297 = arith.constant 0 : i32
          %swap3A_298 = tpu.memref_slice %arg12[%swap3A_296, %swap3A_297] : memref<400x16xf32, #tpu.memory_space<vmem>> -> memref<250x16xf32, #tpu.memory_space<vmem>>
          %swap3A_299 = arith.index_cast %add3A_295 : i32 to index
          %swap3A_300 = arith.constant 0 : index
          %swap3A_301 = tpu.vector_load %swap3A_298[%swap3A_299, %swap3A_300] {strides = array<i32>} : memref<250x16xf32, #tpu.memory_space<vmem>>, vector<16xf32>,
          tpu.vector_store %swap3A_298[%swap3A_299, %swap3A_300], %mul3A_293 {strides = array<i32>} : memref<250x16xf32, #tpu.memory_space<vmem>>, vector<16xf32>,
          %broadcast_in_dim3A_302 = arith.constant 7 : i32
          %broadcast_in_dim3A_303 = vector.broadcast %broadcast_in_dim3A_302 : i32 to vector<16x1xi32>
          %gather3A_304 = vector.shape_cast %broadcast_in_dim3A_303 : vector<16x1xi32> to vector<16xi32>
          %gather3A_305 = tpu.dynamic_gather %select_n3A[%gather3A_304] in [0] : vector<16xf32>, vector<16xi32> -> vector<16xf32>
          %add3A_306 = arith.constant 7 : i32
          %add3A_307 = arith.addi %mul3A_92, %add3A_306 : i32
          %swap3A_308 = arith.index_cast %add3A_307 : i32 to index
          %swap3A_309 = arith.constant 0 : index
          %swap3A_310 = tpu.vector_load %arg13[%swap3A_308, %swap3A_309] {strides = array<i32>} : memref<250x16xf32, #tpu.memory_space<vmem>>, vector<16xf32>,
          tpu.vector_store %arg13[%swap3A_308, %swap3A_309], %gather3A_305 {strides = array<i32>} : memref<250x16xf32, #tpu.memory_space<vmem>>, vector<16xf32>,
          %add3A_311 = arith.constant 7 : i32
          %add3A_312 = arith.addi %mul3A_92, %add3A_311 : i32
          %get3A_313 = arith.constant 0 : i32
          %get3A_314 = arith.constant 0 : i32
          %get3A_315 = tpu.memref_slice %arg12[%get3A_313, %get3A_314] : memref<400x16xf32, #tpu.memory_space<vmem>> -> memref<250x16xf32, #tpu.memory_space<vmem>>
          %get3A_316 = arith.index_cast %add3A_312 : i32 to index
          %get3A_317 = arith.constant 0 : index
          %get3A_318 = tpu.vector_load %get3A_315[%get3A_316, %get3A_317] {strides = array<i32>} : memref<250x16xf32, #tpu.memory_space<vmem>>, vector<16xf32>,
          %mul3A_319 = arith.mulf %get3A_318, %gather3A_305 : vector<16xf32>
          %add3A_320 = arith.constant 7 : i32
          %add3A_321 = arith.addi %mul3A_92, %add3A_320 : i32
          %swap3A_322 = arith.constant 0 : i32
          %swap3A_323 = arith.constant 0 : i32
          %swap3A_324 = tpu.memref_slice %arg12[%swap3A_322, %swap3A_323] : memref<400x16xf32, #tpu.memory_space<vmem>> -> memref<250x16xf32, #tpu.memory_space<vmem>>
          %swap3A_325 = arith.index_cast %add3A_321 : i32 to index
          %swap3A_326 = arith.constant 0 : index
          %swap3A_327 = tpu.vector_load %swap3A_324[%swap3A_325, %swap3A_326] {strides = array<i32>} : memref<250x16xf32, #tpu.memory_space<vmem>>, vector<16xf32>,
          tpu.vector_store %swap3A_324[%swap3A_325, %swap3A_326], %mul3A_319 {strides = array<i32>} : memref<250x16xf32, #tpu.memory_space<vmem>>, vector<16xf32>,
          %broadcast_in_dim3A_328 = arith.constant 8 : i32
          %broadcast_in_dim3A_329 = vector.broadcast %broadcast_in_dim3A_328 : i32 to vector<16x1xi32>
          %gather3A_330 = vector.shape_cast %broadcast_in_dim3A_329 : vector<16x1xi32> to vector<16xi32>
          %gather3A_331 = tpu.dynamic_gather %select_n3A[%gather3A_330] in [0] : vector<16xf32>, vector<16xi32> -> vector<16xf32>
          %add3A_332 = arith.constant 8 : i32
          %add3A_333 = arith.addi %mul3A_92, %add3A_332 : i32
          %swap3A_334 = arith.index_cast %add3A_333 : i32 to index
          %swap3A_335 = arith.constant 0 : index
          %swap3A_336 = tpu.vector_load %arg13[%swap3A_334, %swap3A_335] {strides = array<i32>} : memref<250x16xf32, #tpu.memory_space<vmem>>, vector<16xf32>,
          tpu.vector_store %arg13[%swap3A_334, %swap3A_335], %gather3A_331 {strides = array<i32>} : memref<250x16xf32, #tpu.memory_space<vmem>>, vector<16xf32>,
          %add3A_337 = arith.constant 8 : i32
          %add3A_338 = arith.addi %mul3A_92, %add3A_337 : i32
          %get3A_339 = arith.constant 0 : i32
          %get3A_340 = arith.constant 0 : i32
          %get3A_341 = tpu.memref_slice %arg12[%get3A_339, %get3A_340] : memref<400x16xf32, #tpu.memory_space<vmem>> -> memref<250x16xf32, #tpu.memory_space<vmem>>
          %get3A_342 = arith.index_cast %add3A_338 : i32 to index
          %get3A_343 = arith.constant 0 : index
          %get3A_344 = tpu.vector_load %get3A_341[%get3A_342, %get3A_343] {strides = array<i32>} : memref<250x16xf32, #tpu.memory_space<vmem>>, vector<16xf32>,
          %mul3A_345 = arith.mulf %get3A_344, %gather3A_331 : vector<16xf32>
          %add3A_346 = arith.constant 8 : i32
          %add3A_347 = arith.addi %mul3A_92, %add3A_346 : i32
          %swap3A_348 = arith.constant 0 : i32
          %swap3A_349 = arith.constant 0 : i32
          %swap3A_350 = tpu.memref_slice %arg12[%swap3A_348, %swap3A_349] : memref<400x16xf32, #tpu.memory_space<vmem>> -> memref<250x16xf32, #tpu.memory_space<vmem>>
          %swap3A_351 = arith.index_cast %add3A_347 : i32 to index
          %swap3A_352 = arith.constant 0 : index
          %swap3A_353 = tpu.vector_load %swap3A_350[%swap3A_351, %swap3A_352] {strides = array<i32>} : memref<250x16xf32, #tpu.memory_space<vmem>>, vector<16xf32>,
          tpu.vector_store %swap3A_350[%swap3A_351, %swap3A_352], %mul3A_345 {strides = array<i32>} : memref<250x16xf32, #tpu.memory_space<vmem>>, vector<16xf32>,
          %broadcast_in_dim3A_354 = arith.constant 9 : i32
          %broadcast_in_dim3A_355 = vector.broadcast %broadcast_in_dim3A_354 : i32 to vector<16x1xi32>
          %gather3A_356 = vector.shape_cast %broadcast_in_dim3A_355 : vector<16x1xi32> to vector<16xi32>
          %gather3A_357 = tpu.dynamic_gather %select_n3A[%gather3A_356] in [0] : vector<16xf32>, vector<16xi32> -> vector<16xf32>
          %add3A_358 = arith.constant 9 : i32
          %add3A_359 = arith.addi %mul3A_92, %add3A_358 : i32
          %swap3A_360 = arith.index_cast %add3A_359 : i32 to index
          %swap3A_361 = arith.constant 0 : index
          %swap3A_362 = tpu.vector_load %arg13[%swap3A_360, %swap3A_361] {strides = array<i32>} : memref<250x16xf32, #tpu.memory_space<vmem>>, vector<16xf32>,
          tpu.vector_store %arg13[%swap3A_360, %swap3A_361], %gather3A_357 {strides = array<i32>} : memref<250x16xf32, #tpu.memory_space<vmem>>, vector<16xf32>,
          %add3A_363 = arith.constant 9 : i32
          %add3A_364 = arith.addi %mul3A_92, %add3A_363 : i32
          %get3A_365 = arith.constant 0 : i32
          %get3A_366 = arith.constant 0 : i32
          %get3A_367 = tpu.memref_slice %arg12[%get3A_365, %get3A_366] : memref<400x16xf32, #tpu.memory_space<vmem>> -> memref<250x16xf32, #tpu.memory_space<vmem>>
          %get3A_368 = arith.index_cast %add3A_364 : i32 to index
          %get3A_369 = arith.constant 0 : index
          %get3A_370 = tpu.vector_load %get3A_367[%get3A_368, %get3A_369] {strides = array<i32>} : memref<250x16xf32, #tpu.memory_space<vmem>>, vector<16xf32>,
          %mul3A_371 = arith.mulf %get3A_370, %gather3A_357 : vector<16xf32>
          %add3A_372 = arith.constant 9 : i32
          %add3A_373 = arith.addi %mul3A_92, %add3A_372 : i32
          %swap3A_374 = arith.constant 0 : i32
          %swap3A_375 = arith.constant 0 : i32
          %swap3A_376 = tpu.memref_slice %arg12[%swap3A_374, %swap3A_375] : memref<400x16xf32, #tpu.memory_space<vmem>> -> memref<250x16xf32, #tpu.memory_space<vmem>>
          %swap3A_377 = arith.index_cast %add3A_373 : i32 to index
          %swap3A_378 = arith.constant 0 : index
          %swap3A_379 = tpu.vector_load %swap3A_376[%swap3A_377, %swap3A_378] {strides = array<i32>} : memref<250x16xf32, #tpu.memory_space<vmem>>, vector<16xf32>,
          tpu.vector_store %swap3A_376[%swap3A_377, %swap3A_378], %mul3A_371 {strides = array<i32>} : memref<250x16xf32, #tpu.memory_space<vmem>>, vector<16xf32>,
          %broadcast_in_dim3A_380 = arith.constant 10 : i32
          %broadcast_in_dim3A_381 = vector.broadcast %broadcast_in_dim3A_380 : i32 to vector<16x1xi32>
          %gather3A_382 = vector.shape_cast %broadcast_in_dim3A_381 : vector<16x1xi32> to vector<16xi32>
          %gather3A_383 = tpu.dynamic_gather %select_n3A[%gather3A_382] in [0] : vector<16xf32>, vector<16xi32> -> vector<16xf32>
          %add3A_384 = arith.constant 10 : i32
          %add3A_385 = arith.addi %mul3A_92, %add3A_384 : i32
          %swap3A_386 = arith.index_cast %add3A_385 : i32 to index
          %swap3A_387 = arith.constant 0 : index
          %swap3A_388 = tpu.vector_load %arg13[%swap3A_386, %swap3A_387] {strides = array<i32>} : memref<250x16xf32, #tpu.memory_space<vmem>>, vector<16xf32>,
          tpu.vector_store %arg13[%swap3A_386, %swap3A_387], %gather3A_383 {strides = array<i32>} : memref<250x16xf32, #tpu.memory_space<vmem>>, vector<16xf32>,
          %add3A_389 = arith.constant 10 : i32
          %add3A_390 = arith.addi %mul3A_92, %add3A_389 : i32
          %get3A_391 = arith.constant 0 : i32
          %get3A_392 = arith.constant 0 : i32
          %get3A_393 = tpu.memref_slice %arg12[%get3A_391, %get3A_392] : memref<400x16xf32, #tpu.memory_space<vmem>> -> memref<250x16xf32, #tpu.memory_space<vmem>>
          %get3A_394 = arith.index_cast %add3A_390 : i32 to index
          %get3A_395 = arith.constant 0 : index
          %get3A_396 = tpu.vector_load %get3A_393[%get3A_394, %get3A_395] {strides = array<i32>} : memref<250x16xf32, #tpu.memory_space<vmem>>, vector<16xf32>,
          %mul3A_397 = arith.mulf %get3A_396, %gather3A_383 : vector<16xf32>
          %add3A_398 = arith.constant 10 : i32
          %add3A_399 = arith.addi %mul3A_92, %add3A_398 : i32
          %swap3A_400 = arith.constant 0 : i32
          %swap3A_401 = arith.constant 0 : i32
          %swap3A_402 = tpu.memref_slice %arg12[%swap3A_400, %swap3A_401] : memref<400x16xf32, #tpu.memory_space<vmem>> -> memref<250x16xf32, #tpu.memory_space<vmem>>
          %swap3A_403 = arith.index_cast %add3A_399 : i32 to index
          %swap3A_404 = arith.constant 0 : index
          %swap3A_405 = tpu.vector_load %swap3A_402[%swap3A_403, %swap3A_404] {strides = array<i32>} : memref<250x16xf32, #tpu.memory_space<vmem>>, vector<16xf32>,
          tpu.vector_store %swap3A_402[%swap3A_403, %swap3A_404], %mul3A_397 {strides = array<i32>} : memref<250x16xf32, #tpu.memory_space<vmem>>, vector<16xf32>,
          %broadcast_in_dim3A_406 = arith.constant 11 : i32
          %broadcast_in_dim3A_407 = vector.broadcast %broadcast_in_dim3A_406 : i32 to vector<16x1xi32>
          %gather3A_408 = vector.shape_cast %broadcast_in_dim3A_407 : vector<16x1xi32> to vector<16xi32>
          %gather3A_409 = tpu.dynamic_gather %select_n3A[%gather3A_408] in [0] : vector<16xf32>, vector<16xi32> -> vector<16xf32>
          %add3A_410 = arith.constant 11 : i32
          %add3A_411 = arith.addi %mul3A_92, %add3A_410 : i32
          %swap3A_412 = arith.index_cast %add3A_411 : i32 to index
          %swap3A_413 = arith.constant 0 : index
          %swap3A_414 = tpu.vector_load %arg13[%swap3A_412, %swap3A_413] {strides = array<i32>} : memref<250x16xf32, #tpu.memory_space<vmem>>, vector<16xf32>,
          tpu.vector_store %arg13[%swap3A_412, %swap3A_413], %gather3A_409 {strides = array<i32>} : memref<250x16xf32, #tpu.memory_space<vmem>>, vector<16xf32>,
          %add3A_415 = arith.constant 11 : i32
          %add3A_416 = arith.addi %mul3A_92, %add3A_415 : i32
          %get3A_417 = arith.constant 0 : i32
          %get3A_418 = arith.constant 0 : i32
          %get3A_419 = tpu.memref_slice %arg12[%get3A_417, %get3A_418] : memref<400x16xf32, #tpu.memory_space<vmem>> -> memref<250x16xf32, #tpu.memory_space<vmem>>
          %get3A_420 = arith.index_cast %add3A_416 : i32 to index
          %get3A_421 = arith.constant 0 : index
          %get3A_422 = tpu.vector_load %get3A_419[%get3A_420, %get3A_421] {strides = array<i32>} : memref<250x16xf32, #tpu.memory_space<vmem>>, vector<16xf32>,
          %mul3A_423 = arith.mulf %get3A_422, %gather3A_409 : vector<16xf32>
          %add3A_424 = arith.constant 11 : i32
          %add3A_425 = arith.addi %mul3A_92, %add3A_424 : i32
          %swap3A_426 = arith.constant 0 : i32
          %swap3A_427 = arith.constant 0 : i32
          %swap3A_428 = tpu.memref_slice %arg12[%swap3A_426, %swap3A_427] : memref<400x16xf32, #tpu.memory_space<vmem>> -> memref<250x16xf32, #tpu.memory_space<vmem>>
          %swap3A_429 = arith.index_cast %add3A_425 : i32 to index
          %swap3A_430 = arith.constant 0 : index
          %swap3A_431 = tpu.vector_load %swap3A_428[%swap3A_429, %swap3A_430] {strides = array<i32>} : memref<250x16xf32, #tpu.memory_space<vmem>>, vector<16xf32>,
          tpu.vector_store %swap3A_428[%swap3A_429, %swap3A_430], %mul3A_423 {strides = array<i32>} : memref<250x16xf32, #tpu.memory_space<vmem>>, vector<16xf32>,
          %broadcast_in_dim3A_432 = arith.constant 12 : i32
          %broadcast_in_dim3A_433 = vector.broadcast %broadcast_in_dim3A_432 : i32 to vector<16x1xi32>
          %gather3A_434 = vector.shape_cast %broadcast_in_dim3A_433 : vector<16x1xi32> to vector<16xi32>
          %gather3A_435 = tpu.dynamic_gather %select_n3A[%gather3A_434] in [0] : vector<16xf32>, vector<16xi32> -> vector<16xf32>
          %add3A_436 = arith.constant 12 : i32
          %add3A_437 = arith.addi %mul3A_92, %add3A_436 : i32
          %swap3A_438 = arith.index_cast %add3A_437 : i32 to index
          %swap3A_439 = arith.constant 0 : index
          %swap3A_440 = tpu.vector_load %arg13[%swap3A_438, %swap3A_439] {strides = array<i32>} : memref<250x16xf32, #tpu.memory_space<vmem>>, vector<16xf32>,
          tpu.vector_store %arg13[%swap3A_438, %swap3A_439], %gather3A_435 {strides = array<i32>} : memref<250x16xf32, #tpu.memory_space<vmem>>, vector<16xf32>,
          %add3A_441 = arith.constant 12 : i32
          %add3A_442 = arith.addi %mul3A_92, %add3A_441 : i32
          %get3A_443 = arith.constant 0 : i32
          %get3A_444 = arith.constant 0 : i32
          %get3A_445 = tpu.memref_slice %arg12[%get3A_443, %get3A_444] : memref<400x16xf32, #tpu.memory_space<vmem>> -> memref<250x16xf32, #tpu.memory_space<vmem>>
          %get3A_446 = arith.index_cast %add3A_442 : i32 to index
          %get3A_447 = arith.constant 0 : index
          %get3A_448 = tpu.vector_load %get3A_445[%get3A_446, %get3A_447] {strides = array<i32>} : memref<250x16xf32, #tpu.memory_space<vmem>>, vector<16xf32>,
          %mul3A_449 = arith.mulf %get3A_448, %gather3A_435 : vector<16xf32>
          %add3A_450 = arith.constant 12 : i32
          %add3A_451 = arith.addi %mul3A_92, %add3A_450 : i32
          %swap3A_452 = arith.constant 0 : i32
          %swap3A_453 = arith.constant 0 : i32
          %swap3A_454 = tpu.memref_slice %arg12[%swap3A_452, %swap3A_453] : memref<400x16xf32, #tpu.memory_space<vmem>> -> memref<250x16xf32, #tpu.memory_space<vmem>>
          %swap3A_455 = arith.index_cast %add3A_451 : i32 to index
          %swap3A_456 = arith.constant 0 : index
          %swap3A_457 = tpu.vector_load %swap3A_454[%swap3A_455, %swap3A_456] {strides = array<i32>} : memref<250x16xf32, #tpu.memory_space<vmem>>, vector<16xf32>,
          tpu.vector_store %swap3A_454[%swap3A_455, %swap3A_456], %mul3A_449 {strides = array<i32>} : memref<250x16xf32, #tpu.memory_space<vmem>>, vector<16xf32>,
          %broadcast_in_dim3A_458 = arith.constant 13 : i32
          %broadcast_in_dim3A_459 = vector.broadcast %broadcast_in_dim3A_458 : i32 to vector<16x1xi32>
          %gather3A_460 = vector.shape_cast %broadcast_in_dim3A_459 : vector<16x1xi32> to vector<16xi32>
          %gather3A_461 = tpu.dynamic_gather %select_n3A[%gather3A_460] in [0] : vector<16xf32>, vector<16xi32> -> vector<16xf32>
          %add3A_462 = arith.constant 13 : i32
          %add3A_463 = arith.addi %mul3A_92, %add3A_462 : i32
          %swap3A_464 = arith.index_cast %add3A_463 : i32 to index
          %swap3A_465 = arith.constant 0 : index
          %swap3A_466 = tpu.vector_load %arg13[%swap3A_464, %swap3A_465] {strides = array<i32>} : memref<250x16xf32, #tpu.memory_space<vmem>>, vector<16xf32>,
          tpu.vector_store %arg13[%swap3A_464, %swap3A_465], %gather3A_461 {strides = array<i32>} : memref<250x16xf32, #tpu.memory_space<vmem>>, vector<16xf32>,
          %add3A_467 = arith.constant 13 : i32
          %add3A_468 = arith.addi %mul3A_92, %add3A_467 : i32
          %get3A_469 = arith.constant 0 : i32
          %get3A_470 = arith.constant 0 : i32
          %get3A_471 = tpu.memref_slice %arg12[%get3A_469, %get3A_470] : memref<400x16xf32, #tpu.memory_space<vmem>> -> memref<250x16xf32, #tpu.memory_space<vmem>>
          %get3A_472 = arith.index_cast %add3A_468 : i32 to index
          %get3A_473 = arith.constant 0 : index
          %get3A_474 = tpu.vector_load %get3A_471[%get3A_472, %get3A_473] {strides = array<i32>} : memref<250x16xf32, #tpu.memory_space<vmem>>, vector<16xf32>,
          %mul3A_475 = arith.mulf %get3A_474, %gather3A_461 : vector<16xf32>
          %add3A_476 = arith.constant 13 : i32
          %add3A_477 = arith.addi %mul3A_92, %add3A_476 : i32
          %swap3A_478 = arith.constant 0 : i32
          %swap3A_479 = arith.constant 0 : i32
          %swap3A_480 = tpu.memref_slice %arg12[%swap3A_478, %swap3A_479] : memref<400x16xf32, #tpu.memory_space<vmem>> -> memref<250x16xf32, #tpu.memory_space<vmem>>
          %swap3A_481 = arith.index_cast %add3A_477 : i32 to index
          %swap3A_482 = arith.constant 0 : index
          %swap3A_483 = tpu.vector_load %swap3A_480[%swap3A_481, %swap3A_482] {strides = array<i32>} : memref<250x16xf32, #tpu.memory_space<vmem>>, vector<16xf32>,
          tpu.vector_store %swap3A_480[%swap3A_481, %swap3A_482], %mul3A_475 {strides = array<i32>} : memref<250x16xf32, #tpu.memory_space<vmem>>, vector<16xf32>,
          %broadcast_in_dim3A_484 = arith.constant 14 : i32
          %broadcast_in_dim3A_485 = vector.broadcast %broadcast_in_dim3A_484 : i32 to vector<16x1xi32>
          %gather3A_486 = vector.shape_cast %broadcast_in_dim3A_485 : vector<16x1xi32> to vector<16xi32>
          %gather3A_487 = tpu.dynamic_gather %select_n3A[%gather3A_486] in [0] : vector<16xf32>, vector<16xi32> -> vector<16xf32>
          %add3A_488 = arith.constant 14 : i32
          %add3A_489 = arith.addi %mul3A_92, %add3A_488 : i32
          %swap3A_490 = arith.index_cast %add3A_489 : i32 to index
          %swap3A_491 = arith.constant 0 : index
          %swap3A_492 = tpu.vector_load %arg13[%swap3A_490, %swap3A_491] {strides = array<i32>} : memref<250x16xf32, #tpu.memory_space<vmem>>, vector<16xf32>,
          tpu.vector_store %arg13[%swap3A_490, %swap3A_491], %gather3A_487 {strides = array<i32>} : memref<250x16xf32, #tpu.memory_space<vmem>>, vector<16xf32>,
          %add3A_493 = arith.constant 14 : i32
          %add3A_494 = arith.addi %mul3A_92, %add3A_493 : i32
          %get3A_495 = arith.constant 0 : i32
          %get3A_496 = arith.constant 0 : i32
          %get3A_497 = tpu.memref_slice %arg12[%get3A_495, %get3A_496] : memref<400x16xf32, #tpu.memory_space<vmem>> -> memref<250x16xf32, #tpu.memory_space<vmem>>
          %get3A_498 = arith.index_cast %add3A_494 : i32 to index
          %get3A_499 = arith.constant 0 : index
          %get3A_500 = tpu.vector_load %get3A_497[%get3A_498, %get3A_499] {strides = array<i32>} : memref<250x16xf32, #tpu.memory_space<vmem>>, vector<16xf32>,
          %mul3A_501 = arith.mulf %get3A_500, %gather3A_487 : vector<16xf32>
          %add3A_502 = arith.constant 14 : i32
          %add3A_503 = arith.addi %mul3A_92, %add3A_502 : i32
          %swap3A_504 = arith.constant 0 : i32
          %swap3A_505 = arith.constant 0 : i32
          %swap3A_506 = tpu.memref_slice %arg12[%swap3A_504, %swap3A_505] : memref<400x16xf32, #tpu.memory_space<vmem>> -> memref<250x16xf32, #tpu.memory_space<vmem>>
          %swap3A_507 = arith.index_cast %add3A_503 : i32 to index
          %swap3A_508 = arith.constant 0 : index
          %swap3A_509 = tpu.vector_load %swap3A_506[%swap3A_507, %swap3A_508] {strides = array<i32>} : memref<250x16xf32, #tpu.memory_space<vmem>>, vector<16xf32>,
          tpu.vector_store %swap3A_506[%swap3A_507, %swap3A_508], %mul3A_501 {strides = array<i32>} : memref<250x16xf32, #tpu.memory_space<vmem>>, vector<16xf32>,
          %broadcast_in_dim3A_510 = arith.constant 15 : i32
          %broadcast_in_dim3A_511 = vector.broadcast %broadcast_in_dim3A_510 : i32 to vector<16x1xi32>
          %gather3A_512 = vector.shape_cast %broadcast_in_dim3A_511 : vector<16x1xi32> to vector<16xi32>
          %gather3A_513 = tpu.dynamic_gather %select_n3A[%gather3A_512] in [0] : vector<16xf32>, vector<16xi32> -> vector<16xf32>
          %add3A_514 = arith.constant 15 : i32
          %add3A_515 = arith.addi %mul3A_92, %add3A_514 : i32
          %swap3A_516 = arith.index_cast %add3A_515 : i32 to index
          %swap3A_517 = arith.constant 0 : index
          %swap3A_518 = tpu.vector_load %arg13[%swap3A_516, %swap3A_517] {strides = array<i32>} : memref<250x16xf32, #tpu.memory_space<vmem>>, vector<16xf32>,
          tpu.vector_store %arg13[%swap3A_516, %swap3A_517], %gather3A_513 {strides = array<i32>} : memref<250x16xf32, #tpu.memory_space<vmem>>, vector<16xf32>,
          %add3A_519 = arith.constant 15 : i32
          %add3A_520 = arith.addi %mul3A_92, %add3A_519 : i32
          %get3A_521 = arith.constant 0 : i32
          %get3A_522 = arith.constant 0 : i32
          %get3A_523 = tpu.memref_slice %arg12[%get3A_521, %get3A_522] : memref<400x16xf32, #tpu.memory_space<vmem>> -> memref<250x16xf32, #tpu.memory_space<vmem>>
          %get3A_524 = arith.index_cast %add3A_520 : i32 to index
          %get3A_525 = arith.constant 0 : index
          %get3A_526 = tpu.vector_load %get3A_523[%get3A_524, %get3A_525] {strides = array<i32>} : memref<250x16xf32, #tpu.memory_space<vmem>>, vector<16xf32>,
          %mul3A_527 = arith.mulf %get3A_526, %gather3A_513 : vector<16xf32>
          %add3A_528 = arith.constant 15 : i32
          %add3A_529 = arith.addi %mul3A_92, %add3A_528 : i32
          %swap3A_530 = arith.constant 0 : i32
          %swap3A_531 = arith.constant 0 : i32
          %swap3A_532 = tpu.memref_slice %arg12[%swap3A_530, %swap3A_531] : memref<400x16xf32, #tpu.memory_space<vmem>> -> memref<250x16xf32, #tpu.memory_space<vmem>>
          %swap3A_533 = arith.index_cast %add3A_529 : i32 to index
          %swap3A_534 = arith.constant 0 : index
          %swap3A_535 = tpu.vector_load %swap3A_532[%swap3A_533, %swap3A_534] {strides = array<i32>} : memref<250x16xf32, #tpu.memory_space<vmem>>, vector<16xf32>,
          tpu.vector_store %swap3A_532[%swap3A_533, %swap3A_534], %mul3A_527 {strides = array<i32>} : memref<250x16xf32, #tpu.memory_space<vmem>>, vector<16xf32>,
          %scan3A_536 = arith.constant 0 : i32
          scf.yield %scan3A_536 : i32
        }
        %scan3A_80 = arith.constant 15 : i32
        %scan3A_81 = arith.constant 0 : i32
        %scan3A_82 = arith.constant 240 : i32
        %scan3A_83 = arith.constant 10 : i32
        %scan3A_84 = arith.addi %scan3A_82, %scan3A_83 : i32
        %scan3A_85 = arith.constant 2 : i32
        %scan3A_86 = scf.for %scan3A_89 = %scan3A_82 to %scan3A_84 step %scan3A_85 iter_args(%scan3A_90 = %scan3A_81) -> (i32)  : i32 {
          %get3A = arith.index_cast %scan3A_89 : i32 to index
          %get3A_91 = arith.constant 0 : index
          %get3A_92 = tpu.vector_load %arg13[%get3A, %get3A_91] {strides = array<i32>} : memref<250x16xf32, #tpu.memory_space<vmem>>, vector<16xf32>,
          %bitcast3A = vector.bitcast %get3A_92 : vector<16xf32> to vector<16xi32>
          %broadcast_in_dim3A_93 = arith.constant 1597463007 : i32
          %broadcast_in_dim3A_94 = vector.broadcast %broadcast_in_dim3A_93 : i32 to vector<16xi32>
          %shift_right_arithmetic3A = arith.constant 1 : i32
          %shift_right_arithmetic3A_95 = vector.broadcast %shift_right_arithmetic3A : i32 to vector<16xi32>
          %shift_right_arithmetic3A_96 = arith.shrsi %bitcast3A, %shift_right_arithmetic3A_95 : vector<16xi32>
          %sub3A = arith.subi %broadcast_in_dim3A_94, %shift_right_arithmetic3A_96 : vector<16xi32>
          %bitcast3A_97 = vector.bitcast %sub3A : vector<16xi32> to vector<16xf32>
          %mul3A_98 = arith.constant 5.000000e-01 : f32
          %mul3A_99 = vector.broadcast %mul3A_98 : f32 to vector<16xf32>
          %mul3A_100 = arith.mulf %mul3A_99, %get3A_92 : vector<16xf32>
          %mul3A_101 = arith.mulf %mul3A_100, %bitcast3A_97 : vector<16xf32>
          %mul3A_102 = arith.mulf %mul3A_101, %bitcast3A_97 : vector<16xf32>
          %sub3A_103 = arith.constant 1.500000e+00 : f32
          %sub3A_104 = vector.broadcast %sub3A_103 : f32 to vector<16xf32>
          %sub3A_105 = arith.subf %sub3A_104, %mul3A_102 : vector<16xf32>
          %mul3A_106 = arith.mulf %bitcast3A_97, %sub3A_105 : vector<16xf32>
          %mul3A_107 = arith.constant 5.000000e-01 : f32
          %mul3A_108 = vector.broadcast %mul3A_107 : f32 to vector<16xf32>
          %mul3A_109 = arith.mulf %mul3A_108, %get3A_92 : vector<16xf32>
          %mul3A_110 = arith.mulf %mul3A_109, %mul3A_106 : vector<16xf32>
          %mul3A_111 = arith.mulf %mul3A_110, %mul3A_106 : vector<16xf32>
          %sub3A_112 = arith.constant 1.500000e+00 : f32
          %sub3A_113 = vector.broadcast %sub3A_112 : f32 to vector<16xf32>
          %sub3A_114 = arith.subf %sub3A_113, %mul3A_111 : vector<16xf32>
          %mul3A_115 = arith.mulf %mul3A_106, %sub3A_114 : vector<16xf32>
          %gt3A = arith.constant 0.000000e+00 : f32
          %gt3A_116 = vector.broadcast %gt3A : f32 to vector<16xf32>
          %gt3A_117 = arith.cmpf ogt, %get3A_92, %gt3A_116 : vector<16xf32>
          %jit3A = arith.constant 0.000000e+00 : f32
          %broadcast_in_dim3A_118 = vector.broadcast %jit3A : f32 to vector<16xf32>
          %select_n3A = arith.select %gt3A_117, %mul3A_115, %broadcast_in_dim3A_118 : vector<16xi1>, vector<16xf32>
          %swap3A_119 = arith.index_cast %scan3A_89 : i32 to index
          %swap3A_120 = arith.constant 0 : index
          %swap3A_121 = tpu.vector_load %arg13[%swap3A_119, %swap3A_120] {strides = array<i32>} : memref<250x16xf32, #tpu.memory_space<vmem>>, vector<16xf32>,
          tpu.vector_store %arg13[%swap3A_119, %swap3A_120], %select_n3A {strides = array<i32>} : memref<250x16xf32, #tpu.memory_space<vmem>>, vector<16xf32>,
          %get3A_122 = arith.constant 0 : i32
          %get3A_123 = arith.constant 0 : i32
          %get3A_124 = tpu.memref_slice %arg12[%get3A_122, %get3A_123] : memref<400x16xf32, #tpu.memory_space<vmem>> -> memref<250x16xf32, #tpu.memory_space<vmem>>
          %get3A_125 = arith.index_cast %scan3A_89 : i32 to index
          %get3A_126 = arith.constant 0 : index
          %get3A_127 = tpu.vector_load %get3A_124[%get3A_125, %get3A_126] {strides = array<i32>} : memref<250x16xf32, #tpu.memory_space<vmem>>, vector<16xf32>,
          %mul3A_128 = arith.mulf %get3A_127, %select_n3A : vector<16xf32>
          %swap3A_129 = arith.constant 0 : i32
          %swap3A_130 = arith.constant 0 : i32
          %swap3A_131 = tpu.memref_slice %arg12[%swap3A_129, %swap3A_130] : memref<400x16xf32, #tpu.memory_space<vmem>> -> memref<250x16xf32, #tpu.memory_space<vmem>>
          %swap3A_132 = arith.index_cast %scan3A_89 : i32 to index
          %swap3A_133 = arith.constant 0 : index
          %swap3A_134 = tpu.vector_load %swap3A_131[%swap3A_132, %swap3A_133] {strides = array<i32>} : memref<250x16xf32, #tpu.memory_space<vmem>>, vector<16xf32>,
          tpu.vector_store %swap3A_131[%swap3A_132, %swap3A_133], %mul3A_128 {strides = array<i32>} : memref<250x16xf32, #tpu.memory_space<vmem>>, vector<16xf32>,
          %scan3A_135 = arith.constant 0 : i32
          %scan3A_136 = arith.constant 1 : i32
          %scan3A_137 = arith.addi %scan3A_89, %scan3A_136 : i32
          %get3A_138 = arith.index_cast %scan3A_137 : i32 to index
          %get3A_139 = arith.constant 0 : index
          %get3A_140 = tpu.vector_load %arg13[%get3A_138, %get3A_139] {strides = array<i32>} : memref<250x16xf32, #tpu.memory_space<vmem>>, vector<16xf32>,
          %bitcast3A_141 = vector.bitcast %get3A_140 : vector<16xf32> to vector<16xi32>
          %broadcast_in_dim3A_142 = arith.constant 1597463007 : i32
          %broadcast_in_dim3A_143 = vector.broadcast %broadcast_in_dim3A_142 : i32 to vector<16xi32>
          %shift_right_arithmetic3A_144 = arith.constant 1 : i32
          %shift_right_arithmetic3A_145 = vector.broadcast %shift_right_arithmetic3A_144 : i32 to vector<16xi32>
          %shift_right_arithmetic3A_146 = arith.shrsi %bitcast3A_141, %shift_right_arithmetic3A_145 : vector<16xi32>
          %sub3A_147 = arith.subi %broadcast_in_dim3A_143, %shift_right_arithmetic3A_146 : vector<16xi32>
          %bitcast3A_148 = vector.bitcast %sub3A_147 : vector<16xi32> to vector<16xf32>
          %mul3A_149 = arith.constant 5.000000e-01 : f32
          %mul3A_150 = vector.broadcast %mul3A_149 : f32 to vector<16xf32>
          %mul3A_151 = arith.mulf %mul3A_150, %get3A_140 : vector<16xf32>
          %mul3A_152 = arith.mulf %mul3A_151, %bitcast3A_148 : vector<16xf32>
          %mul3A_153 = arith.mulf %mul3A_152, %bitcast3A_148 : vector<16xf32>
          %sub3A_154 = arith.constant 1.500000e+00 : f32
          %sub3A_155 = vector.broadcast %sub3A_154 : f32 to vector<16xf32>
          %sub3A_156 = arith.subf %sub3A_155, %mul3A_153 : vector<16xf32>
          %mul3A_157 = arith.mulf %bitcast3A_148, %sub3A_156 : vector<16xf32>
          %mul3A_158 = arith.constant 5.000000e-01 : f32
          %mul3A_159 = vector.broadcast %mul3A_158 : f32 to vector<16xf32>
          %mul3A_160 = arith.mulf %mul3A_159, %get3A_140 : vector<16xf32>
          %mul3A_161 = arith.mulf %mul3A_160, %mul3A_157 : vector<16xf32>
          %mul3A_162 = arith.mulf %mul3A_161, %mul3A_157 : vector<16xf32>
          %sub3A_163 = arith.constant 1.500000e+00 : f32
          %sub3A_164 = vector.broadcast %sub3A_163 : f32 to vector<16xf32>
          %sub3A_165 = arith.subf %sub3A_164, %mul3A_162 : vector<16xf32>
          %mul3A_166 = arith.mulf %mul3A_157, %sub3A_165 : vector<16xf32>
          %gt3A_167 = arith.constant 0.000000e+00 : f32
          %gt3A_168 = vector.broadcast %gt3A_167 : f32 to vector<16xf32>
          %gt3A_169 = arith.cmpf ogt, %get3A_140, %gt3A_168 : vector<16xf32>
          %jit3A_170 = arith.constant 0.000000e+00 : f32
          %broadcast_in_dim3A_171 = vector.broadcast %jit3A_170 : f32 to vector<16xf32>
          %select_n3A_172 = arith.select %gt3A_169, %mul3A_166, %broadcast_in_dim3A_171 : vector<16xi1>, vector<16xf32>
          %swap3A_173 = arith.index_cast %scan3A_137 : i32 to index
          %swap3A_174 = arith.constant 0 : index
          %swap3A_175 = tpu.vector_load %arg13[%swap3A_173, %swap3A_174] {strides = array<i32>} : memref<250x16xf32, #tpu.memory_space<vmem>>, vector<16xf32>,
          tpu.vector_store %arg13[%swap3A_173, %swap3A_174], %select_n3A_172 {strides = array<i32>} : memref<250x16xf32, #tpu.memory_space<vmem>>, vector<16xf32>,
          %get3A_176 = arith.constant 0 : i32
          %get3A_177 = arith.constant 0 : i32
          %get3A_178 = tpu.memref_slice %arg12[%get3A_176, %get3A_177] : memref<400x16xf32, #tpu.memory_space<vmem>> -> memref<250x16xf32, #tpu.memory_space<vmem>>
          %get3A_179 = arith.index_cast %scan3A_137 : i32 to index
          %get3A_180 = arith.constant 0 : index
          %get3A_181 = tpu.vector_load %get3A_178[%get3A_179, %get3A_180] {strides = array<i32>} : memref<250x16xf32, #tpu.memory_space<vmem>>, vector<16xf32>,
          %mul3A_182 = arith.mulf %get3A_181, %select_n3A_172 : vector<16xf32>
          %swap3A_183 = arith.constant 0 : i32
          %swap3A_184 = arith.constant 0 : i32
          %swap3A_185 = tpu.memref_slice %arg12[%swap3A_183, %swap3A_184] : memref<400x16xf32, #tpu.memory_space<vmem>> -> memref<250x16xf32, #tpu.memory_space<vmem>>
          %swap3A_186 = arith.index_cast %scan3A_137 : i32 to index
          %swap3A_187 = arith.constant 0 : index
          %swap3A_188 = tpu.vector_load %swap3A_185[%swap3A_186, %swap3A_187] {strides = array<i32>} : memref<250x16xf32, #tpu.memory_space<vmem>>, vector<16xf32>,
          tpu.vector_store %swap3A_185[%swap3A_186, %swap3A_187], %mul3A_182 {strides = array<i32>} : memref<250x16xf32, #tpu.memory_space<vmem>>, vector<16xf32>,
          %scan3A_189 = arith.constant 0 : i32
          scf.yield %scan3A_189 : i32
        }
        %scan3A_87 = arith.constant 10 : i32
        "tpu.region"() ({
          %run_scoped3A = tpu.sem_alloc : memref<!tpu.dma_semaphore, #tpu.memory_space<semaphore_mem>>
          %dma_start3A_89 = arith.constant 0 : i32
          %dma_start3A_90 = tpu.memref_slice %arg6[%add3A_73, %dma_start3A_89] : memref<100000x16xf32, #tpu.memory_space<hbm>> -> memref<250x16xf32, #tpu.memory_space<hbm>>
          %dma_start3A_91 = arith.constant 0 : i32
          %dma_start3A_92 = tpu.memref_slice %arg6[%add3A_73, %dma_start3A_91] : memref<100000x16xf32, #tpu.memory_space<hbm>> -> memref<250x16xf32, #tpu.memory_space<hbm>>
          tpu.enqueue_dma source(%arg13 : memref<250x16xf32, #tpu.memory_space<vmem>>) target(%dma_start3A_92 : memref<250x16xf32, #tpu.memory_space<hbm>>) target_semaphore(%run_scoped3A : memref<!tpu.dma_semaphore, #tpu.memory_space<semaphore_mem>>)
          %dma_wait3A_93 = arith.constant 0 : i32
          %dma_wait3A_94 = tpu.memref_slice %arg6[%add3A_73, %dma_wait3A_93] : memref<100000x16xf32, #tpu.memory_space<hbm>> -> memref<250x16xf32, #tpu.memory_space<hbm>>
          %dma_wait3A_95 = arith.constant 0 : i32
          %dma_wait3A_96 = tpu.memref_slice %arg6[%add3A_73, %dma_wait3A_95] : memref<100000x16xf32, #tpu.memory_space<hbm>> -> memref<250x16xf32, #tpu.memory_space<hbm>>
          tpu.wait_dma2 semaphore(%run_scoped3A : memref<!tpu.dma_semaphore, #tpu.memory_space<semaphore_mem>>) src(%arg13 : memref<250x16xf32, #tpu.memory_space<vmem>>) dst(%dma_wait3A_96 : memref<250x16xf32, #tpu.memory_space<hbm>>)
          tpu.yield
        }) : () -> ()
        "tpu.region"() ({
          %run_scoped3A = tpu.sem_alloc : memref<!tpu.dma_semaphore, #tpu.memory_space<semaphore_mem>>
          %dma_start3A_89 = arith.constant 0 : i32
          %dma_start3A_90 = arith.constant 0 : i32
          %dma_start3A_91 = tpu.memref_slice %arg12[%dma_start3A_89, %dma_start3A_90] : memref<400x16xf32, #tpu.memory_space<vmem>> -> memref<250x16xf32, #tpu.memory_space<vmem>>
          %dma_start3A_92 = arith.constant 0 : i32
          %dma_start3A_93 = tpu.memref_slice %arg7[%add3A_73, %dma_start3A_92] : memref<100000x16xf32, #tpu.memory_space<hbm>> -> memref<250x16xf32, #tpu.memory_space<hbm>>
          %dma_start3A_94 = arith.constant 0 : i32
          %dma_start3A_95 = tpu.memref_slice %arg7[%add3A_73, %dma_start3A_94] : memref<100000x16xf32, #tpu.memory_space<hbm>> -> memref<250x16xf32, #tpu.memory_space<hbm>>
          %dma_start3A_96 = arith.constant 0 : i32
          %dma_start3A_97 = arith.constant 0 : i32
          %dma_start3A_98 = tpu.memref_slice %arg12[%dma_start3A_96, %dma_start3A_97] : memref<400x16xf32, #tpu.memory_space<vmem>> -> memref<250x16xf32, #tpu.memory_space<vmem>>
          tpu.enqueue_dma source(%dma_start3A_98 : memref<250x16xf32, #tpu.memory_space<vmem>>) target(%dma_start3A_95 : memref<250x16xf32, #tpu.memory_space<hbm>>) target_semaphore(%run_scoped3A : memref<!tpu.dma_semaphore, #tpu.memory_space<semaphore_mem>>)
          %dma_wait3A_99 = arith.constant 0 : i32
          %dma_wait3A_100 = arith.constant 0 : i32
          %dma_wait3A_101 = tpu.memref_slice %arg12[%dma_wait3A_99, %dma_wait3A_100] : memref<400x16xf32, #tpu.memory_space<vmem>> -> memref<250x16xf32, #tpu.memory_space<vmem>>
          %dma_wait3A_102 = arith.constant 0 : i32
          %dma_wait3A_103 = tpu.memref_slice %arg7[%add3A_73, %dma_wait3A_102] : memref<100000x16xf32, #tpu.memory_space<hbm>> -> memref<250x16xf32, #tpu.memory_space<hbm>>
          %dma_wait3A_104 = arith.constant 0 : i32
          %dma_wait3A_105 = tpu.memref_slice %arg7[%add3A_73, %dma_wait3A_104] : memref<100000x16xf32, #tpu.memory_space<hbm>> -> memref<250x16xf32, #tpu.memory_space<hbm>>
          %dma_wait3A_106 = arith.constant 0 : i32
          %dma_wait3A_107 = arith.constant 0 : i32
          %dma_wait3A_108 = tpu.memref_slice %arg12[%dma_wait3A_106, %dma_wait3A_107] : memref<400x16xf32, #tpu.memory_space<vmem>> -> memref<250x16xf32, #tpu.memory_space<vmem>>
          tpu.wait_dma2 semaphore(%run_scoped3A : memref<!tpu.dma_semaphore, #tpu.memory_space<semaphore_mem>>) src(%dma_wait3A_108 : memref<250x16xf32, #tpu.memory_space<vmem>>) dst(%dma_wait3A_105 : memref<250x16xf32, #tpu.memory_space<hbm>>)
          tpu.yield
        }) : () -> ()
        %scan3A_88 = arith.constant 0 : i32
        scf.yield %scan3A_88 : i32
      }
      %scan3A_68 = arith.constant 25 : i32
      "tpu.trace_stop"() : () -> ()
    } else {
    }
    %eq3A_37 = arith.constant 1 : i32
    %eq3A_38 = arith.cmpi eq, %arg0, %eq3A_37 : i32
    %convert_element_type3A_39 = arith.extui %eq3A_38 : i1 to i32
    %cond3A_40 = arith.constant 0 : i32
    %cond3A_41 = arith.cmpi ne, %convert_element_type3A_39, %cond3A_40 : i32
    scf.if %cond3A_41 {
      %mul3A_42 = arith.constant 100000 : i32
      %mul3A_43 = arith.muli %arg1, %mul3A_42 : i32
      "tpu.trace_start"() <{level = 10 : i32, message = "hist"}> : () -> ()
      %add3A = arith.constant 0 : i32
      %add3A_44 = arith.addi %mul3A_43, %add3A : i32
      "tpu.region"() ({
        %run_scoped3A = tpu.sem_alloc : memref<!tpu.dma_semaphore, #tpu.memory_space<semaphore_mem>>
        %dma_start3A_69 = tpu.memref_slice %arg2[%add3A_44] : memref<1600000xi32, #tpu.memory_space<hbm>> -> memref<400xi32, #tpu.memory_space<hbm>>
        %dma_start3A_70 = tpu.memref_slice %arg2[%add3A_44] : memref<1600000xi32, #tpu.memory_space<hbm>> -> memref<400xi32, #tpu.memory_space<hbm>>
        tpu.enqueue_dma source(%dma_start3A_70 : memref<400xi32, #tpu.memory_space<hbm>>) target(%arg10 : memref<400xi32, #tpu.memory_space<vmem>>) target_semaphore(%run_scoped3A : memref<!tpu.dma_semaphore, #tpu.memory_space<semaphore_mem>>)
        %dma_wait3A_71 = tpu.memref_slice %arg2[%add3A_44] : memref<1600000xi32, #tpu.memory_space<hbm>> -> memref<400xi32, #tpu.memory_space<hbm>>
        %dma_wait3A_72 = tpu.memref_slice %arg2[%add3A_44] : memref<1600000xi32, #tpu.memory_space<hbm>> -> memref<400xi32, #tpu.memory_space<hbm>>
        tpu.wait_dma2 semaphore(%run_scoped3A : memref<!tpu.dma_semaphore, #tpu.memory_space<semaphore_mem>>) src(%dma_wait3A_72 : memref<400xi32, #tpu.memory_space<hbm>>) dst(%arg10 : memref<400xi32, #tpu.memory_space<vmem>>)
        tpu.yield
      }) : () -> ()
      %dma_start3A = arith.constant 0 : i32
      %dma_start3A_45 = arith.constant 0 : i32
      %dma_start3A_46 = tpu.memref_slice %arg14[%dma_start3A, %dma_start3A_45] : memref<100000x16xf32, #tpu.memory_space<vmem_shared>> -> memref<100000x16xf32, #tpu.memory_space<vmem_shared>>
      tpu.enqueue_indirect_dma source(%arg12 : memref<400x16xf32, #tpu.memory_space<vmem>>) target(%dma_start3A_46 : memref<100000x16xf32, #tpu.memory_space<vmem_shared>>) offsets(%arg10 : memref<400xi32, #tpu.memory_space<vmem>>) semaphore(%arg15 : memref<!tpu.dma_semaphore, #tpu.memory_space<semaphore_mem>>) {add = true}
      %scan3A_47 = arith.constant 0 : i32
      %scan3A_48 = arith.constant 0 : i32
      %scan3A_49 = arith.constant 125 : i32
      %scan3A_50 = arith.addi %scan3A_48, %scan3A_49 : i32
      %scan3A_51 = arith.constant 1 : i32
      %scan3A_52 = scf.for %scan3A_69 = %scan3A_48 to %scan3A_50 step %scan3A_51 iter_args(%scan3A_70 = %scan3A_47) -> (i32)  : i32 {
        %gt3A = arith.constant 0 : i32
        %gt3A_71 = arith.cmpi sgt, %scan3A_69, %gt3A : i32
        %convert_element_type3A_72 = arith.extui %gt3A_71 : i1 to i32
        %cond3A_73 = arith.constant 0 : i32
        %cond3A_74 = arith.cmpi ne, %convert_element_type3A_72, %cond3A_73 : i32
        scf.if %cond3A_74 {
          %dma_wait3A_96 = arith.constant 0 : i32
          %dma_wait3A_97 = arith.constant 0 : i32
          %dma_wait3A_98 = tpu.memref_slice %arg4[%dma_wait3A_96, %dma_wait3A_97] : memref<100000x16xf32, #tpu.memory_space<hbm>> -> memref<400x16xf32, #tpu.memory_space<hbm>>
          %dma_wait3A_99 = arith.constant 0 : i32
          %dma_wait3A_100 = arith.constant 0 : i32
          %dma_wait3A_101 = tpu.memref_slice %arg4[%dma_wait3A_99, %dma_wait3A_100] : memref<100000x16xf32, #tpu.memory_space<hbm>> -> memref<400x16xf32, #tpu.memory_space<hbm>>
          tpu.wait_dma2 semaphore(%arg16 : memref<!tpu.dma_semaphore, #tpu.memory_space<semaphore_mem>>) src(%dma_wait3A_101 : memref<400x16xf32, #tpu.memory_space<hbm>>) dst(%arg12 : memref<400x16xf32, #tpu.memory_space<vmem>>)
        } else {
        }
        %mul3A_75 = arith.constant 2 : i32
        %mul3A_76 = arith.muli %mul3A_75, %scan3A_69 : i32
        %add3A_77 = arith.constant 1 : i32
        %add3A_78 = arith.addi %mul3A_76, %add3A_77 : i32
        %mul3A_79 = arith.constant 400 : i32
        %mul3A_80 = arith.muli %add3A_78, %mul3A_79 : i32
        %add3A_81 = arith.addi %mul3A_43, %mul3A_80 : i32
        "tpu.region"() ({
          %run_scoped3A = tpu.sem_alloc : memref<!tpu.dma_semaphore, #tpu.memory_space<semaphore_mem>>
          %dma_start3A_96 = tpu.memref_slice %arg2[%add3A_81] : memref<1600000xi32, #tpu.memory_space<hbm>> -> memref<400xi32, #tpu.memory_space<hbm>>
          %dma_start3A_97 = tpu.memref_slice %arg2[%add3A_81] : memref<1600000xi32, #tpu.memory_space<hbm>> -> memref<400xi32, #tpu.memory_space<hbm>>
          tpu.enqueue_dma source(%dma_start3A_97 : memref<400xi32, #tpu.memory_space<hbm>>) target(%arg11 : memref<400xi32, #tpu.memory_space<vmem>>) target_semaphore(%run_scoped3A : memref<!tpu.dma_semaphore, #tpu.memory_space<semaphore_mem>>)
          %dma_wait3A_98 = tpu.memref_slice %arg2[%add3A_81] : memref<1600000xi32, #tpu.memory_space<hbm>> -> memref<400xi32, #tpu.memory_space<hbm>>
          %dma_wait3A_99 = tpu.memref_slice %arg2[%add3A_81] : memref<1600000xi32, #tpu.memory_space<hbm>> -> memref<400xi32, #tpu.memory_space<hbm>>
          tpu.wait_dma2 semaphore(%run_scoped3A : memref<!tpu.dma_semaphore, #tpu.memory_space<semaphore_mem>>) src(%dma_wait3A_99 : memref<400xi32, #tpu.memory_space<hbm>>) dst(%arg11 : memref<400xi32, #tpu.memory_space<vmem>>)
          tpu.yield
        }) : () -> ()
        %dma_start3A_82 = arith.constant 0 : i32
        %dma_start3A_83 = arith.constant 0 : i32
        %dma_start3A_84 = tpu.memref_slice %arg14[%dma_start3A_82, %dma_start3A_83] : memref<100000x16xf32, #tpu.memory_space<vmem_shared>> -> memref<100000x16xf32, #tpu.memory_space<vmem_shared>>
        tpu.enqueue_indirect_dma source(%arg12 : memref<400x16xf32, #tpu.memory_space<vmem>>) target(%dma_start3A_84 : memref<100000x16xf32, #tpu.memory_space<vmem_shared>>) offsets(%arg11 : memref<400xi32, #tpu.memory_space<vmem>>) semaphore(%arg16 : memref<!tpu.dma_semaphore, #tpu.memory_space<semaphore_mem>>) {add = true}
        %dma_wait3A_85 = arith.constant 0 : i32
        %dma_wait3A_86 = arith.constant 0 : i32
        %dma_wait3A_87 = tpu.memref_slice %arg4[%dma_wait3A_85, %dma_wait3A_86] : memref<100000x16xf32, #tpu.memory_space<hbm>> -> memref<400x16xf32, #tpu.memory_space<hbm>>
        %dma_wait3A_88 = arith.constant 0 : i32
        %dma_wait3A_89 = arith.constant 0 : i32
        %dma_wait3A_90 = tpu.memref_slice %arg4[%dma_wait3A_88, %dma_wait3A_89] : memref<100000x16xf32, #tpu.memory_space<hbm>> -> memref<400x16xf32, #tpu.memory_space<hbm>>
        tpu.wait_dma2 semaphore(%arg15 : memref<!tpu.dma_semaphore, #tpu.memory_space<semaphore_mem>>) src(%dma_wait3A_90 : memref<400x16xf32, #tpu.memory_space<hbm>>) dst(%arg12 : memref<400x16xf32, #tpu.memory_space<vmem>>)
        %lt3A = arith.constant 124 : i32
        %lt3A_91 = arith.cmpi slt, %scan3A_69, %lt3A : i32
        %convert_element_type3A_92 = arith.extui %lt3A_91 : i1 to i32
        %cond3A_93 = arith.constant 0 : i32
        %cond3A_94 = arith.cmpi ne, %convert_element_type3A_92, %cond3A_93 : i32
        scf.if %cond3A_94 {
          %mul3A_96 = arith.constant 2 : i32
          %mul3A_97 = arith.muli %mul3A_96, %scan3A_69 : i32
          %add3A_98 = arith.constant 2 : i32
          %add3A_99 = arith.addi %mul3A_97, %add3A_98 : i32
          %mul3A_100 = arith.constant 400 : i32
          %mul3A_101 = arith.muli %add3A_99, %mul3A_100 : i32
          %add3A_102 = arith.addi %mul3A_43, %mul3A_101 : i32
          "tpu.region"() ({
            %run_scoped3A = tpu.sem_alloc : memref<!tpu.dma_semaphore, #tpu.memory_space<semaphore_mem>>
            %dma_start3A_106 = tpu.memref_slice %arg2[%add3A_102] : memref<1600000xi32, #tpu.memory_space<hbm>> -> memref<400xi32, #tpu.memory_space<hbm>>
            %dma_start3A_107 = tpu.memref_slice %arg2[%add3A_102] : memref<1600000xi32, #tpu.memory_space<hbm>> -> memref<400xi32, #tpu.memory_space<hbm>>
            tpu.enqueue_dma source(%dma_start3A_107 : memref<400xi32, #tpu.memory_space<hbm>>) target(%arg10 : memref<400xi32, #tpu.memory_space<vmem>>) target_semaphore(%run_scoped3A : memref<!tpu.dma_semaphore, #tpu.memory_space<semaphore_mem>>)
            %dma_wait3A_108 = tpu.memref_slice %arg2[%add3A_102] : memref<1600000xi32, #tpu.memory_space<hbm>> -> memref<400xi32, #tpu.memory_space<hbm>>
            %dma_wait3A_109 = tpu.memref_slice %arg2[%add3A_102] : memref<1600000xi32, #tpu.memory_space<hbm>> -> memref<400xi32, #tpu.memory_space<hbm>>
            tpu.wait_dma2 semaphore(%run_scoped3A : memref<!tpu.dma_semaphore, #tpu.memory_space<semaphore_mem>>) src(%dma_wait3A_109 : memref<400xi32, #tpu.memory_space<hbm>>) dst(%arg10 : memref<400xi32, #tpu.memory_space<vmem>>)
            tpu.yield
          }) : () -> ()
          %dma_start3A_103 = arith.constant 0 : i32
          %dma_start3A_104 = arith.constant 0 : i32
          %dma_start3A_105 = tpu.memref_slice %arg14[%dma_start3A_103, %dma_start3A_104] : memref<100000x16xf32, #tpu.memory_space<vmem_shared>> -> memref<100000x16xf32, #tpu.memory_space<vmem_shared>>
          tpu.enqueue_indirect_dma source(%arg12 : memref<400x16xf32, #tpu.memory_space<vmem>>) target(%dma_start3A_105 : memref<100000x16xf32, #tpu.memory_space<vmem_shared>>) offsets(%arg10 : memref<400xi32, #tpu.memory_space<vmem>>) semaphore(%arg15 : memref<!tpu.dma_semaphore, #tpu.memory_space<semaphore_mem>>) {add = true}
        } else {
        }
        %scan3A_95 = arith.constant 0 : i32
        scf.yield %scan3A_95 : i32
      }
      %scan3A_53 = arith.constant 125 : i32
      %dma_wait3A = arith.constant 0 : i32
      %dma_wait3A_54 = arith.constant 0 : i32
      %dma_wait3A_55 = tpu.memref_slice %arg4[%dma_wait3A, %dma_wait3A_54] : memref<100000x16xf32, #tpu.memory_space<hbm>> -> memref<400x16xf32, #tpu.memory_space<hbm>>
      %dma_wait3A_56 = arith.constant 0 : i32
      %dma_wait3A_57 = arith.constant 0 : i32
      %dma_wait3A_58 = tpu.memref_slice %arg4[%dma_wait3A_56, %dma_wait3A_57] : memref<100000x16xf32, #tpu.memory_space<hbm>> -> memref<400x16xf32, #tpu.memory_space<hbm>>
      tpu.wait_dma2 semaphore(%arg16 : memref<!tpu.dma_semaphore, #tpu.memory_space<semaphore_mem>>) src(%dma_wait3A_58 : memref<400x16xf32, #tpu.memory_space<hbm>>) dst(%arg12 : memref<400x16xf32, #tpu.memory_space<vmem>>)
      "tpu.trace_stop"() : () -> ()
      %barrier3A_59 = arith.constant 0 : index
      tpu.barrier barrier_id(%barrier3A_59)
      %broadcast_in_dim3A_60 = arith.constant 0 : i32
      %broadcast_in_dim3A_61 = vector.broadcast %broadcast_in_dim3A_60 : i32 to vector<16xi32>
      %iota3A = tpu.iota {dimensions = array<i32: 0>} : vector<16xi32>
      "tpu.trace_start"() <{level = 10 : i32, message = "dis_epi"}> : () -> ()
      %scan3A_62 = arith.constant 0 : i32
      %scan3A_63 = arith.constant 0 : i32
      %scan3A_64 = arith.constant 25 : i32
      %scan3A_65 = arith.addi %scan3A_63, %scan3A_64 : i32
      %scan3A_66 = arith.constant 1 : i32
      %scan3A_67 = scf.for %scan3A_69 = %scan3A_63 to %scan3A_65 step %scan3A_66 iter_args(%scan3A_70 = %scan3A_62) -> (i32)  : i32 {
        %mul3A_71 = arith.constant 250 : i32
        %mul3A_72 = arith.muli %scan3A_69, %mul3A_71 : i32
        %add3A_73 = arith.addi %mul3A_0, %mul3A_72 : i32
        "tpu.region"() ({
          %run_scoped3A = tpu.sem_alloc : memref<!tpu.dma_semaphore, #tpu.memory_space<semaphore_mem>>
          %dma_start3A_89 = arith.constant 0 : i32
          %dma_start3A_90 = tpu.memref_slice %arg14[%add3A_73, %dma_start3A_89] : memref<100000x16xf32, #tpu.memory_space<vmem_shared>> -> memref<250x16xf32, #tpu.memory_space<vmem_shared>>
          %dma_start3A_91 = arith.constant 0 : i32
          %dma_start3A_92 = tpu.memref_slice %arg14[%add3A_73, %dma_start3A_91] : memref<100000x16xf32, #tpu.memory_space<vmem_shared>> -> memref<250x16xf32, #tpu.memory_space<vmem_shared>>
          tpu.enqueue_dma source(%dma_start3A_92 : memref<250x16xf32, #tpu.memory_space<vmem_shared>>) target(%arg13 : memref<250x16xf32, #tpu.memory_space<vmem>>) target_semaphore(%run_scoped3A : memref<!tpu.dma_semaphore, #tpu.memory_space<semaphore_mem>>)
          %dma_wait3A_93 = arith.constant 0 : i32
          %dma_wait3A_94 = tpu.memref_slice %arg14[%add3A_73, %dma_wait3A_93] : memref<100000x16xf32, #tpu.memory_space<vmem_shared>> -> memref<250x16xf32, #tpu.memory_space<vmem_shared>>
          %dma_wait3A_95 = arith.constant 0 : i32
          %dma_wait3A_96 = tpu.memref_slice %arg14[%add3A_73, %dma_wait3A_95] : memref<100000x16xf32, #tpu.memory_space<vmem_shared>> -> memref<250x16xf32, #tpu.memory_space<vmem_shared>>
          tpu.wait_dma2 semaphore(%run_scoped3A : memref<!tpu.dma_semaphore, #tpu.memory_space<semaphore_mem>>) src(%dma_wait3A_96 : memref<250x16xf32, #tpu.memory_space<vmem_shared>>) dst(%arg13 : memref<250x16xf32, #tpu.memory_space<vmem>>)
          tpu.yield
        }) : () -> ()
        "tpu.region"() ({
          %run_scoped3A = tpu.sem_alloc : memref<!tpu.dma_semaphore, #tpu.memory_space<semaphore_mem>>
          %dma_start3A_89 = arith.constant 0 : i32
          %dma_start3A_90 = arith.constant 0 : i32
          %dma_start3A_91 = tpu.memref_slice %arg12[%dma_start3A_89, %dma_start3A_90] : memref<400x16xf32, #tpu.memory_space<vmem>> -> memref<250x16xf32, #tpu.memory_space<vmem>>
          %dma_start3A_92 = arith.constant 0 : i32
          %dma_start3A_93 = tpu.memref_slice %arg4[%add3A_73, %dma_start3A_92] : memref<100000x16xf32, #tpu.memory_space<hbm>> -> memref<250x16xf32, #tpu.memory_space<hbm>>
          %dma_start3A_94 = arith.constant 0 : i32
          %dma_start3A_95 = arith.constant 0 : i32
          %dma_start3A_96 = tpu.memref_slice %arg12[%dma_start3A_94, %dma_start3A_95] : memref<400x16xf32, #tpu.memory_space<vmem>> -> memref<250x16xf32, #tpu.memory_space<vmem>>
          %dma_start3A_97 = arith.constant 0 : i32
          %dma_start3A_98 = tpu.memref_slice %arg4[%add3A_73, %dma_start3A_97] : memref<100000x16xf32, #tpu.memory_space<hbm>> -> memref<250x16xf32, #tpu.memory_space<hbm>>
          tpu.enqueue_dma source(%dma_start3A_98 : memref<250x16xf32, #tpu.memory_space<hbm>>) target(%dma_start3A_96 : memref<250x16xf32, #tpu.memory_space<vmem>>) target_semaphore(%run_scoped3A : memref<!tpu.dma_semaphore, #tpu.memory_space<semaphore_mem>>)
          %dma_wait3A_99 = arith.constant 0 : i32
          %dma_wait3A_100 = arith.constant 0 : i32
          %dma_wait3A_101 = tpu.memref_slice %arg12[%dma_wait3A_99, %dma_wait3A_100] : memref<400x16xf32, #tpu.memory_space<vmem>> -> memref<250x16xf32, #tpu.memory_space<vmem>>
          %dma_wait3A_102 = arith.constant 0 : i32
          %dma_wait3A_103 = tpu.memref_slice %arg4[%add3A_73, %dma_wait3A_102] : memref<100000x16xf32, #tpu.memory_space<hbm>> -> memref<250x16xf32, #tpu.memory_space<hbm>>
          %dma_wait3A_104 = arith.constant 0 : i32
          %dma_wait3A_105 = arith.constant 0 : i32
          %dma_wait3A_106 = tpu.memref_slice %arg12[%dma_wait3A_104, %dma_wait3A_105] : memref<400x16xf32, #tpu.memory_space<vmem>> -> memref<250x16xf32, #tpu.memory_space<vmem>>
          %dma_wait3A_107 = arith.constant 0 : i32
          %dma_wait3A_108 = tpu.memref_slice %arg4[%add3A_73, %dma_wait3A_107] : memref<100000x16xf32, #tpu.memory_space<hbm>> -> memref<250x16xf32, #tpu.memory_space<hbm>>
          tpu.wait_dma2 semaphore(%run_scoped3A : memref<!tpu.dma_semaphore, #tpu.memory_space<semaphore_mem>>) src(%dma_wait3A_108 : memref<250x16xf32, #tpu.memory_space<hbm>>) dst(%dma_wait3A_106 : memref<250x16xf32, #tpu.memory_space<vmem>>)
          tpu.yield
        }) : () -> ()
        %scan3A_74 = arith.constant 0 : i32
        %scan3A_75 = arith.constant 0 : i32
        %scan3A_76 = arith.constant 15 : i32
        %scan3A_77 = arith.addi %scan3A_75, %scan3A_76 : i32
        %scan3A_78 = arith.constant 1 : i32
        %scan3A_79 = scf.for %scan3A_89 = %scan3A_75 to %scan3A_77 step %scan3A_78 iter_args(%scan3A_90 = %scan3A_74) -> (i32)  : i32 {
          %mul3A_91 = arith.constant 16 : i32
          %mul3A_92 = arith.muli %scan3A_89, %mul3A_91 : i32
          %add3A_93 = vector.broadcast %mul3A_92 : i32 to vector<16xi32>
          %add3A_94 = arith.addi %iota3A, %add3A_93 : vector<16xi32>
          %gather3A = tpu.vector_load_idx %arg13[%add3A_94, %broadcast_in_dim3A_61] : memref<250x16xf32, #tpu.memory_space<vmem>>[vector<16xi32>, vector<16xi32>], vector<16xf32>,
          %bitcast3A = vector.bitcast %gather3A : vector<16xf32> to vector<16xi32>
          %broadcast_in_dim3A_95 = arith.constant 1597463007 : i32
          %broadcast_in_dim3A_96 = vector.broadcast %broadcast_in_dim3A_95 : i32 to vector<16xi32>
          %shift_right_arithmetic3A = arith.constant 1 : i32
          %shift_right_arithmetic3A_97 = vector.broadcast %shift_right_arithmetic3A : i32 to vector<16xi32>
          %shift_right_arithmetic3A_98 = arith.shrsi %bitcast3A, %shift_right_arithmetic3A_97 : vector<16xi32>
          %sub3A = arith.subi %broadcast_in_dim3A_96, %shift_right_arithmetic3A_98 : vector<16xi32>
          %bitcast3A_99 = vector.bitcast %sub3A : vector<16xi32> to vector<16xf32>
          %mul3A_100 = arith.constant 5.000000e-01 : f32
          %mul3A_101 = vector.broadcast %mul3A_100 : f32 to vector<16xf32>
          %mul3A_102 = arith.mulf %mul3A_101, %gather3A : vector<16xf32>
          %mul3A_103 = arith.mulf %mul3A_102, %bitcast3A_99 : vector<16xf32>
          %mul3A_104 = arith.mulf %mul3A_103, %bitcast3A_99 : vector<16xf32>
          %sub3A_105 = arith.constant 1.500000e+00 : f32
          %sub3A_106 = vector.broadcast %sub3A_105 : f32 to vector<16xf32>
          %sub3A_107 = arith.subf %sub3A_106, %mul3A_104 : vector<16xf32>
          %mul3A_108 = arith.mulf %bitcast3A_99, %sub3A_107 : vector<16xf32>
          %mul3A_109 = arith.constant 5.000000e-01 : f32
          %mul3A_110 = vector.broadcast %mul3A_109 : f32 to vector<16xf32>
          %mul3A_111 = arith.mulf %mul3A_110, %gather3A : vector<16xf32>
          %mul3A_112 = arith.mulf %mul3A_111, %mul3A_108 : vector<16xf32>
          %mul3A_113 = arith.mulf %mul3A_112, %mul3A_108 : vector<16xf32>
          %sub3A_114 = arith.constant 1.500000e+00 : f32
          %sub3A_115 = vector.broadcast %sub3A_114 : f32 to vector<16xf32>
          %sub3A_116 = arith.subf %sub3A_115, %mul3A_113 : vector<16xf32>
          %mul3A_117 = arith.mulf %mul3A_108, %sub3A_116 : vector<16xf32>
          %gt3A = arith.constant 0.000000e+00 : f32
          %gt3A_118 = vector.broadcast %gt3A : f32 to vector<16xf32>
          %gt3A_119 = arith.cmpf ogt, %gather3A, %gt3A_118 : vector<16xf32>
          %jit3A = arith.constant 0.000000e+00 : f32
          %broadcast_in_dim3A_120 = vector.broadcast %jit3A : f32 to vector<16xf32>
          %select_n3A = arith.select %gt3A_119, %mul3A_117, %broadcast_in_dim3A_120 : vector<16xi1>, vector<16xf32>
          %broadcast_in_dim3A_121 = arith.constant 0 : i32
          %broadcast_in_dim3A_122 = vector.broadcast %broadcast_in_dim3A_121 : i32 to vector<16x1xi32>
          %gather3A_123 = vector.shape_cast %broadcast_in_dim3A_122 : vector<16x1xi32> to vector<16xi32>
          %gather3A_124 = tpu.dynamic_gather %select_n3A[%gather3A_123] in [0] : vector<16xf32>, vector<16xi32> -> vector<16xf32>
          %add3A_125 = arith.constant 0 : i32
          %add3A_126 = arith.addi %mul3A_92, %add3A_125 : i32
          %swap3A_127 = arith.index_cast %add3A_126 : i32 to index
          %swap3A_128 = arith.constant 0 : index
          %swap3A_129 = tpu.vector_load %arg13[%swap3A_127, %swap3A_128] {strides = array<i32>} : memref<250x16xf32, #tpu.memory_space<vmem>>, vector<16xf32>,
          tpu.vector_store %arg13[%swap3A_127, %swap3A_128], %gather3A_124 {strides = array<i32>} : memref<250x16xf32, #tpu.memory_space<vmem>>, vector<16xf32>,
          %add3A_130 = arith.constant 0 : i32
          %add3A_131 = arith.addi %mul3A_92, %add3A_130 : i32
          %get3A = arith.constant 0 : i32
          %get3A_132 = arith.constant 0 : i32
          %get3A_133 = tpu.memref_slice %arg12[%get3A, %get3A_132] : memref<400x16xf32, #tpu.memory_space<vmem>> -> memref<250x16xf32, #tpu.memory_space<vmem>>
          %get3A_134 = arith.index_cast %add3A_131 : i32 to index
          %get3A_135 = arith.constant 0 : index
          %get3A_136 = tpu.vector_load %get3A_133[%get3A_134, %get3A_135] {strides = array<i32>} : memref<250x16xf32, #tpu.memory_space<vmem>>, vector<16xf32>,
          %mul3A_137 = arith.mulf %get3A_136, %gather3A_124 : vector<16xf32>
          %add3A_138 = arith.constant 0 : i32
          %add3A_139 = arith.addi %mul3A_92, %add3A_138 : i32
          %swap3A_140 = arith.constant 0 : i32
          %swap3A_141 = arith.constant 0 : i32
          %swap3A_142 = tpu.memref_slice %arg12[%swap3A_140, %swap3A_141] : memref<400x16xf32, #tpu.memory_space<vmem>> -> memref<250x16xf32, #tpu.memory_space<vmem>>
          %swap3A_143 = arith.index_cast %add3A_139 : i32 to index
          %swap3A_144 = arith.constant 0 : index
          %swap3A_145 = tpu.vector_load %swap3A_142[%swap3A_143, %swap3A_144] {strides = array<i32>} : memref<250x16xf32, #tpu.memory_space<vmem>>, vector<16xf32>,
          tpu.vector_store %swap3A_142[%swap3A_143, %swap3A_144], %mul3A_137 {strides = array<i32>} : memref<250x16xf32, #tpu.memory_space<vmem>>, vector<16xf32>,
          %broadcast_in_dim3A_146 = arith.constant 1 : i32
          %broadcast_in_dim3A_147 = vector.broadcast %broadcast_in_dim3A_146 : i32 to vector<16x1xi32>
          %gather3A_148 = vector.shape_cast %broadcast_in_dim3A_147 : vector<16x1xi32> to vector<16xi32>
          %gather3A_149 = tpu.dynamic_gather %select_n3A[%gather3A_148] in [0] : vector<16xf32>, vector<16xi32> -> vector<16xf32>
          %add3A_150 = arith.constant 1 : i32
          %add3A_151 = arith.addi %mul3A_92, %add3A_150 : i32
          %swap3A_152 = arith.index_cast %add3A_151 : i32 to index
          %swap3A_153 = arith.constant 0 : index
          %swap3A_154 = tpu.vector_load %arg13[%swap3A_152, %swap3A_153] {strides = array<i32>} : memref<250x16xf32, #tpu.memory_space<vmem>>, vector<16xf32>,
          tpu.vector_store %arg13[%swap3A_152, %swap3A_153], %gather3A_149 {strides = array<i32>} : memref<250x16xf32, #tpu.memory_space<vmem>>, vector<16xf32>,
          %add3A_155 = arith.constant 1 : i32
          %add3A_156 = arith.addi %mul3A_92, %add3A_155 : i32
          %get3A_157 = arith.constant 0 : i32
          %get3A_158 = arith.constant 0 : i32
          %get3A_159 = tpu.memref_slice %arg12[%get3A_157, %get3A_158] : memref<400x16xf32, #tpu.memory_space<vmem>> -> memref<250x16xf32, #tpu.memory_space<vmem>>
          %get3A_160 = arith.index_cast %add3A_156 : i32 to index
          %get3A_161 = arith.constant 0 : index
          %get3A_162 = tpu.vector_load %get3A_159[%get3A_160, %get3A_161] {strides = array<i32>} : memref<250x16xf32, #tpu.memory_space<vmem>>, vector<16xf32>,
          %mul3A_163 = arith.mulf %get3A_162, %gather3A_149 : vector<16xf32>
          %add3A_164 = arith.constant 1 : i32
          %add3A_165 = arith.addi %mul3A_92, %add3A_164 : i32
          %swap3A_166 = arith.constant 0 : i32
          %swap3A_167 = arith.constant 0 : i32
          %swap3A_168 = tpu.memref_slice %arg12[%swap3A_166, %swap3A_167] : memref<400x16xf32, #tpu.memory_space<vmem>> -> memref<250x16xf32, #tpu.memory_space<vmem>>
          %swap3A_169 = arith.index_cast %add3A_165 : i32 to index
          %swap3A_170 = arith.constant 0 : index
          %swap3A_171 = tpu.vector_load %swap3A_168[%swap3A_169, %swap3A_170] {strides = array<i32>} : memref<250x16xf32, #tpu.memory_space<vmem>>, vector<16xf32>,
          tpu.vector_store %swap3A_168[%swap3A_169, %swap3A_170], %mul3A_163 {strides = array<i32>} : memref<250x16xf32, #tpu.memory_space<vmem>>, vector<16xf32>,
          %broadcast_in_dim3A_172 = arith.constant 2 : i32
          %broadcast_in_dim3A_173 = vector.broadcast %broadcast_in_dim3A_172 : i32 to vector<16x1xi32>
          %gather3A_174 = vector.shape_cast %broadcast_in_dim3A_173 : vector<16x1xi32> to vector<16xi32>
          %gather3A_175 = tpu.dynamic_gather %select_n3A[%gather3A_174] in [0] : vector<16xf32>, vector<16xi32> -> vector<16xf32>
          %add3A_176 = arith.constant 2 : i32
          %add3A_177 = arith.addi %mul3A_92, %add3A_176 : i32
          %swap3A_178 = arith.index_cast %add3A_177 : i32 to index
          %swap3A_179 = arith.constant 0 : index
          %swap3A_180 = tpu.vector_load %arg13[%swap3A_178, %swap3A_179] {strides = array<i32>} : memref<250x16xf32, #tpu.memory_space<vmem>>, vector<16xf32>,
          tpu.vector_store %arg13[%swap3A_178, %swap3A_179], %gather3A_175 {strides = array<i32>} : memref<250x16xf32, #tpu.memory_space<vmem>>, vector<16xf32>,
          %add3A_181 = arith.constant 2 : i32
          %add3A_182 = arith.addi %mul3A_92, %add3A_181 : i32
          %get3A_183 = arith.constant 0 : i32
          %get3A_184 = arith.constant 0 : i32
          %get3A_185 = tpu.memref_slice %arg12[%get3A_183, %get3A_184] : memref<400x16xf32, #tpu.memory_space<vmem>> -> memref<250x16xf32, #tpu.memory_space<vmem>>
          %get3A_186 = arith.index_cast %add3A_182 : i32 to index
          %get3A_187 = arith.constant 0 : index
          %get3A_188 = tpu.vector_load %get3A_185[%get3A_186, %get3A_187] {strides = array<i32>} : memref<250x16xf32, #tpu.memory_space<vmem>>, vector<16xf32>,
          %mul3A_189 = arith.mulf %get3A_188, %gather3A_175 : vector<16xf32>
          %add3A_190 = arith.constant 2 : i32
          %add3A_191 = arith.addi %mul3A_92, %add3A_190 : i32
          %swap3A_192 = arith.constant 0 : i32
          %swap3A_193 = arith.constant 0 : i32
          %swap3A_194 = tpu.memref_slice %arg12[%swap3A_192, %swap3A_193] : memref<400x16xf32, #tpu.memory_space<vmem>> -> memref<250x16xf32, #tpu.memory_space<vmem>>
          %swap3A_195 = arith.index_cast %add3A_191 : i32 to index
          %swap3A_196 = arith.constant 0 : index
          %swap3A_197 = tpu.vector_load %swap3A_194[%swap3A_195, %swap3A_196] {strides = array<i32>} : memref<250x16xf32, #tpu.memory_space<vmem>>, vector<16xf32>,
          tpu.vector_store %swap3A_194[%swap3A_195, %swap3A_196], %mul3A_189 {strides = array<i32>} : memref<250x16xf32, #tpu.memory_space<vmem>>, vector<16xf32>,
          %broadcast_in_dim3A_198 = arith.constant 3 : i32
          %broadcast_in_dim3A_199 = vector.broadcast %broadcast_in_dim3A_198 : i32 to vector<16x1xi32>
          %gather3A_200 = vector.shape_cast %broadcast_in_dim3A_199 : vector<16x1xi32> to vector<16xi32>
          %gather3A_201 = tpu.dynamic_gather %select_n3A[%gather3A_200] in [0] : vector<16xf32>, vector<16xi32> -> vector<16xf32>
          %add3A_202 = arith.constant 3 : i32
          %add3A_203 = arith.addi %mul3A_92, %add3A_202 : i32
          %swap3A_204 = arith.index_cast %add3A_203 : i32 to index
          %swap3A_205 = arith.constant 0 : index
          %swap3A_206 = tpu.vector_load %arg13[%swap3A_204, %swap3A_205] {strides = array<i32>} : memref<250x16xf32, #tpu.memory_space<vmem>>, vector<16xf32>,
          tpu.vector_store %arg13[%swap3A_204, %swap3A_205], %gather3A_201 {strides = array<i32>} : memref<250x16xf32, #tpu.memory_space<vmem>>, vector<16xf32>,
          %add3A_207 = arith.constant 3 : i32
          %add3A_208 = arith.addi %mul3A_92, %add3A_207 : i32
          %get3A_209 = arith.constant 0 : i32
          %get3A_210 = arith.constant 0 : i32
          %get3A_211 = tpu.memref_slice %arg12[%get3A_209, %get3A_210] : memref<400x16xf32, #tpu.memory_space<vmem>> -> memref<250x16xf32, #tpu.memory_space<vmem>>
          %get3A_212 = arith.index_cast %add3A_208 : i32 to index
          %get3A_213 = arith.constant 0 : index
          %get3A_214 = tpu.vector_load %get3A_211[%get3A_212, %get3A_213] {strides = array<i32>} : memref<250x16xf32, #tpu.memory_space<vmem>>, vector<16xf32>,
          %mul3A_215 = arith.mulf %get3A_214, %gather3A_201 : vector<16xf32>
          %add3A_216 = arith.constant 3 : i32
          %add3A_217 = arith.addi %mul3A_92, %add3A_216 : i32
          %swap3A_218 = arith.constant 0 : i32
          %swap3A_219 = arith.constant 0 : i32
          %swap3A_220 = tpu.memref_slice %arg12[%swap3A_218, %swap3A_219] : memref<400x16xf32, #tpu.memory_space<vmem>> -> memref<250x16xf32, #tpu.memory_space<vmem>>
          %swap3A_221 = arith.index_cast %add3A_217 : i32 to index
          %swap3A_222 = arith.constant 0 : index
          %swap3A_223 = tpu.vector_load %swap3A_220[%swap3A_221, %swap3A_222] {strides = array<i32>} : memref<250x16xf32, #tpu.memory_space<vmem>>, vector<16xf32>,
          tpu.vector_store %swap3A_220[%swap3A_221, %swap3A_222], %mul3A_215 {strides = array<i32>} : memref<250x16xf32, #tpu.memory_space<vmem>>, vector<16xf32>,
          %broadcast_in_dim3A_224 = arith.constant 4 : i32
          %broadcast_in_dim3A_225 = vector.broadcast %broadcast_in_dim3A_224 : i32 to vector<16x1xi32>
          %gather3A_226 = vector.shape_cast %broadcast_in_dim3A_225 : vector<16x1xi32> to vector<16xi32>
          %gather3A_227 = tpu.dynamic_gather %select_n3A[%gather3A_226] in [0] : vector<16xf32>, vector<16xi32> -> vector<16xf32>
          %add3A_228 = arith.constant 4 : i32
          %add3A_229 = arith.addi %mul3A_92, %add3A_228 : i32
          %swap3A_230 = arith.index_cast %add3A_229 : i32 to index
          %swap3A_231 = arith.constant 0 : index
          %swap3A_232 = tpu.vector_load %arg13[%swap3A_230, %swap3A_231] {strides = array<i32>} : memref<250x16xf32, #tpu.memory_space<vmem>>, vector<16xf32>,
          tpu.vector_store %arg13[%swap3A_230, %swap3A_231], %gather3A_227 {strides = array<i32>} : memref<250x16xf32, #tpu.memory_space<vmem>>, vector<16xf32>,
          %add3A_233 = arith.constant 4 : i32
          %add3A_234 = arith.addi %mul3A_92, %add3A_233 : i32
          %get3A_235 = arith.constant 0 : i32
          %get3A_236 = arith.constant 0 : i32
          %get3A_237 = tpu.memref_slice %arg12[%get3A_235, %get3A_236] : memref<400x16xf32, #tpu.memory_space<vmem>> -> memref<250x16xf32, #tpu.memory_space<vmem>>
          %get3A_238 = arith.index_cast %add3A_234 : i32 to index
          %get3A_239 = arith.constant 0 : index
          %get3A_240 = tpu.vector_load %get3A_237[%get3A_238, %get3A_239] {strides = array<i32>} : memref<250x16xf32, #tpu.memory_space<vmem>>, vector<16xf32>,
          %mul3A_241 = arith.mulf %get3A_240, %gather3A_227 : vector<16xf32>
          %add3A_242 = arith.constant 4 : i32
          %add3A_243 = arith.addi %mul3A_92, %add3A_242 : i32
          %swap3A_244 = arith.constant 0 : i32
          %swap3A_245 = arith.constant 0 : i32
          %swap3A_246 = tpu.memref_slice %arg12[%swap3A_244, %swap3A_245] : memref<400x16xf32, #tpu.memory_space<vmem>> -> memref<250x16xf32, #tpu.memory_space<vmem>>
          %swap3A_247 = arith.index_cast %add3A_243 : i32 to index
          %swap3A_248 = arith.constant 0 : index
          %swap3A_249 = tpu.vector_load %swap3A_246[%swap3A_247, %swap3A_248] {strides = array<i32>} : memref<250x16xf32, #tpu.memory_space<vmem>>, vector<16xf32>,
          tpu.vector_store %swap3A_246[%swap3A_247, %swap3A_248], %mul3A_241 {strides = array<i32>} : memref<250x16xf32, #tpu.memory_space<vmem>>, vector<16xf32>,
          %broadcast_in_dim3A_250 = arith.constant 5 : i32
          %broadcast_in_dim3A_251 = vector.broadcast %broadcast_in_dim3A_250 : i32 to vector<16x1xi32>
          %gather3A_252 = vector.shape_cast %broadcast_in_dim3A_251 : vector<16x1xi32> to vector<16xi32>
          %gather3A_253 = tpu.dynamic_gather %select_n3A[%gather3A_252] in [0] : vector<16xf32>, vector<16xi32> -> vector<16xf32>
          %add3A_254 = arith.constant 5 : i32
          %add3A_255 = arith.addi %mul3A_92, %add3A_254 : i32
          %swap3A_256 = arith.index_cast %add3A_255 : i32 to index
          %swap3A_257 = arith.constant 0 : index
          %swap3A_258 = tpu.vector_load %arg13[%swap3A_256, %swap3A_257] {strides = array<i32>} : memref<250x16xf32, #tpu.memory_space<vmem>>, vector<16xf32>,
          tpu.vector_store %arg13[%swap3A_256, %swap3A_257], %gather3A_253 {strides = array<i32>} : memref<250x16xf32, #tpu.memory_space<vmem>>, vector<16xf32>,
          %add3A_259 = arith.constant 5 : i32
          %add3A_260 = arith.addi %mul3A_92, %add3A_259 : i32
          %get3A_261 = arith.constant 0 : i32
          %get3A_262 = arith.constant 0 : i32
          %get3A_263 = tpu.memref_slice %arg12[%get3A_261, %get3A_262] : memref<400x16xf32, #tpu.memory_space<vmem>> -> memref<250x16xf32, #tpu.memory_space<vmem>>
          %get3A_264 = arith.index_cast %add3A_260 : i32 to index
          %get3A_265 = arith.constant 0 : index
          %get3A_266 = tpu.vector_load %get3A_263[%get3A_264, %get3A_265] {strides = array<i32>} : memref<250x16xf32, #tpu.memory_space<vmem>>, vector<16xf32>,
          %mul3A_267 = arith.mulf %get3A_266, %gather3A_253 : vector<16xf32>
          %add3A_268 = arith.constant 5 : i32
          %add3A_269 = arith.addi %mul3A_92, %add3A_268 : i32
          %swap3A_270 = arith.constant 0 : i32
          %swap3A_271 = arith.constant 0 : i32
          %swap3A_272 = tpu.memref_slice %arg12[%swap3A_270, %swap3A_271] : memref<400x16xf32, #tpu.memory_space<vmem>> -> memref<250x16xf32, #tpu.memory_space<vmem>>
          %swap3A_273 = arith.index_cast %add3A_269 : i32 to index
          %swap3A_274 = arith.constant 0 : index
          %swap3A_275 = tpu.vector_load %swap3A_272[%swap3A_273, %swap3A_274] {strides = array<i32>} : memref<250x16xf32, #tpu.memory_space<vmem>>, vector<16xf32>,
          tpu.vector_store %swap3A_272[%swap3A_273, %swap3A_274], %mul3A_267 {strides = array<i32>} : memref<250x16xf32, #tpu.memory_space<vmem>>, vector<16xf32>,
          %broadcast_in_dim3A_276 = arith.constant 6 : i32
          %broadcast_in_dim3A_277 = vector.broadcast %broadcast_in_dim3A_276 : i32 to vector<16x1xi32>
          %gather3A_278 = vector.shape_cast %broadcast_in_dim3A_277 : vector<16x1xi32> to vector<16xi32>
          %gather3A_279 = tpu.dynamic_gather %select_n3A[%gather3A_278] in [0] : vector<16xf32>, vector<16xi32> -> vector<16xf32>
          %add3A_280 = arith.constant 6 : i32
          %add3A_281 = arith.addi %mul3A_92, %add3A_280 : i32
          %swap3A_282 = arith.index_cast %add3A_281 : i32 to index
          %swap3A_283 = arith.constant 0 : index
          %swap3A_284 = tpu.vector_load %arg13[%swap3A_282, %swap3A_283] {strides = array<i32>} : memref<250x16xf32, #tpu.memory_space<vmem>>, vector<16xf32>,
          tpu.vector_store %arg13[%swap3A_282, %swap3A_283], %gather3A_279 {strides = array<i32>} : memref<250x16xf32, #tpu.memory_space<vmem>>, vector<16xf32>,
          %add3A_285 = arith.constant 6 : i32
          %add3A_286 = arith.addi %mul3A_92, %add3A_285 : i32
          %get3A_287 = arith.constant 0 : i32
          %get3A_288 = arith.constant 0 : i32
          %get3A_289 = tpu.memref_slice %arg12[%get3A_287, %get3A_288] : memref<400x16xf32, #tpu.memory_space<vmem>> -> memref<250x16xf32, #tpu.memory_space<vmem>>
          %get3A_290 = arith.index_cast %add3A_286 : i32 to index
          %get3A_291 = arith.constant 0 : index
          %get3A_292 = tpu.vector_load %get3A_289[%get3A_290, %get3A_291] {strides = array<i32>} : memref<250x16xf32, #tpu.memory_space<vmem>>, vector<16xf32>,
          %mul3A_293 = arith.mulf %get3A_292, %gather3A_279 : vector<16xf32>
          %add3A_294 = arith.constant 6 : i32
          %add3A_295 = arith.addi %mul3A_92, %add3A_294 : i32
          %swap3A_296 = arith.constant 0 : i32
          %swap3A_297 = arith.constant 0 : i32
          %swap3A_298 = tpu.memref_slice %arg12[%swap3A_296, %swap3A_297] : memref<400x16xf32, #tpu.memory_space<vmem>> -> memref<250x16xf32, #tpu.memory_space<vmem>>
          %swap3A_299 = arith.index_cast %add3A_295 : i32 to index
          %swap3A_300 = arith.constant 0 : index
          %swap3A_301 = tpu.vector_load %swap3A_298[%swap3A_299, %swap3A_300] {strides = array<i32>} : memref<250x16xf32, #tpu.memory_space<vmem>>, vector<16xf32>,
          tpu.vector_store %swap3A_298[%swap3A_299, %swap3A_300], %mul3A_293 {strides = array<i32>} : memref<250x16xf32, #tpu.memory_space<vmem>>, vector<16xf32>,
          %broadcast_in_dim3A_302 = arith.constant 7 : i32
          %broadcast_in_dim3A_303 = vector.broadcast %broadcast_in_dim3A_302 : i32 to vector<16x1xi32>
          %gather3A_304 = vector.shape_cast %broadcast_in_dim3A_303 : vector<16x1xi32> to vector<16xi32>
          %gather3A_305 = tpu.dynamic_gather %select_n3A[%gather3A_304] in [0] : vector<16xf32>, vector<16xi32> -> vector<16xf32>
          %add3A_306 = arith.constant 7 : i32
          %add3A_307 = arith.addi %mul3A_92, %add3A_306 : i32
          %swap3A_308 = arith.index_cast %add3A_307 : i32 to index
          %swap3A_309 = arith.constant 0 : index
          %swap3A_310 = tpu.vector_load %arg13[%swap3A_308, %swap3A_309] {strides = array<i32>} : memref<250x16xf32, #tpu.memory_space<vmem>>, vector<16xf32>,
          tpu.vector_store %arg13[%swap3A_308, %swap3A_309], %gather3A_305 {strides = array<i32>} : memref<250x16xf32, #tpu.memory_space<vmem>>, vector<16xf32>,
          %add3A_311 = arith.constant 7 : i32
          %add3A_312 = arith.addi %mul3A_92, %add3A_311 : i32
          %get3A_313 = arith.constant 0 : i32
          %get3A_314 = arith.constant 0 : i32
          %get3A_315 = tpu.memref_slice %arg12[%get3A_313, %get3A_314] : memref<400x16xf32, #tpu.memory_space<vmem>> -> memref<250x16xf32, #tpu.memory_space<vmem>>
          %get3A_316 = arith.index_cast %add3A_312 : i32 to index
          %get3A_317 = arith.constant 0 : index
          %get3A_318 = tpu.vector_load %get3A_315[%get3A_316, %get3A_317] {strides = array<i32>} : memref<250x16xf32, #tpu.memory_space<vmem>>, vector<16xf32>,
          %mul3A_319 = arith.mulf %get3A_318, %gather3A_305 : vector<16xf32>
          %add3A_320 = arith.constant 7 : i32
          %add3A_321 = arith.addi %mul3A_92, %add3A_320 : i32
          %swap3A_322 = arith.constant 0 : i32
          %swap3A_323 = arith.constant 0 : i32
          %swap3A_324 = tpu.memref_slice %arg12[%swap3A_322, %swap3A_323] : memref<400x16xf32, #tpu.memory_space<vmem>> -> memref<250x16xf32, #tpu.memory_space<vmem>>
          %swap3A_325 = arith.index_cast %add3A_321 : i32 to index
          %swap3A_326 = arith.constant 0 : index
          %swap3A_327 = tpu.vector_load %swap3A_324[%swap3A_325, %swap3A_326] {strides = array<i32>} : memref<250x16xf32, #tpu.memory_space<vmem>>, vector<16xf32>,
          tpu.vector_store %swap3A_324[%swap3A_325, %swap3A_326], %mul3A_319 {strides = array<i32>} : memref<250x16xf32, #tpu.memory_space<vmem>>, vector<16xf32>,
          %broadcast_in_dim3A_328 = arith.constant 8 : i32
          %broadcast_in_dim3A_329 = vector.broadcast %broadcast_in_dim3A_328 : i32 to vector<16x1xi32>
          %gather3A_330 = vector.shape_cast %broadcast_in_dim3A_329 : vector<16x1xi32> to vector<16xi32>
          %gather3A_331 = tpu.dynamic_gather %select_n3A[%gather3A_330] in [0] : vector<16xf32>, vector<16xi32> -> vector<16xf32>
          %add3A_332 = arith.constant 8 : i32
          %add3A_333 = arith.addi %mul3A_92, %add3A_332 : i32
          %swap3A_334 = arith.index_cast %add3A_333 : i32 to index
          %swap3A_335 = arith.constant 0 : index
          %swap3A_336 = tpu.vector_load %arg13[%swap3A_334, %swap3A_335] {strides = array<i32>} : memref<250x16xf32, #tpu.memory_space<vmem>>, vector<16xf32>,
          tpu.vector_store %arg13[%swap3A_334, %swap3A_335], %gather3A_331 {strides = array<i32>} : memref<250x16xf32, #tpu.memory_space<vmem>>, vector<16xf32>,
          %add3A_337 = arith.constant 8 : i32
          %add3A_338 = arith.addi %mul3A_92, %add3A_337 : i32
          %get3A_339 = arith.constant 0 : i32
          %get3A_340 = arith.constant 0 : i32
          %get3A_341 = tpu.memref_slice %arg12[%get3A_339, %get3A_340] : memref<400x16xf32, #tpu.memory_space<vmem>> -> memref<250x16xf32, #tpu.memory_space<vmem>>
          %get3A_342 = arith.index_cast %add3A_338 : i32 to index
          %get3A_343 = arith.constant 0 : index
          %get3A_344 = tpu.vector_load %get3A_341[%get3A_342, %get3A_343] {strides = array<i32>} : memref<250x16xf32, #tpu.memory_space<vmem>>, vector<16xf32>,
          %mul3A_345 = arith.mulf %get3A_344, %gather3A_331 : vector<16xf32>
          %add3A_346 = arith.constant 8 : i32
          %add3A_347 = arith.addi %mul3A_92, %add3A_346 : i32
          %swap3A_348 = arith.constant 0 : i32
          %swap3A_349 = arith.constant 0 : i32
          %swap3A_350 = tpu.memref_slice %arg12[%swap3A_348, %swap3A_349] : memref<400x16xf32, #tpu.memory_space<vmem>> -> memref<250x16xf32, #tpu.memory_space<vmem>>
          %swap3A_351 = arith.index_cast %add3A_347 : i32 to index
          %swap3A_352 = arith.constant 0 : index
          %swap3A_353 = tpu.vector_load %swap3A_350[%swap3A_351, %swap3A_352] {strides = array<i32>} : memref<250x16xf32, #tpu.memory_space<vmem>>, vector<16xf32>,
          tpu.vector_store %swap3A_350[%swap3A_351, %swap3A_352], %mul3A_345 {strides = array<i32>} : memref<250x16xf32, #tpu.memory_space<vmem>>, vector<16xf32>,
          %broadcast_in_dim3A_354 = arith.constant 9 : i32
          %broadcast_in_dim3A_355 = vector.broadcast %broadcast_in_dim3A_354 : i32 to vector<16x1xi32>
          %gather3A_356 = vector.shape_cast %broadcast_in_dim3A_355 : vector<16x1xi32> to vector<16xi32>
          %gather3A_357 = tpu.dynamic_gather %select_n3A[%gather3A_356] in [0] : vector<16xf32>, vector<16xi32> -> vector<16xf32>
          %add3A_358 = arith.constant 9 : i32
          %add3A_359 = arith.addi %mul3A_92, %add3A_358 : i32
          %swap3A_360 = arith.index_cast %add3A_359 : i32 to index
          %swap3A_361 = arith.constant 0 : index
          %swap3A_362 = tpu.vector_load %arg13[%swap3A_360, %swap3A_361] {strides = array<i32>} : memref<250x16xf32, #tpu.memory_space<vmem>>, vector<16xf32>,
          tpu.vector_store %arg13[%swap3A_360, %swap3A_361], %gather3A_357 {strides = array<i32>} : memref<250x16xf32, #tpu.memory_space<vmem>>, vector<16xf32>,
          %add3A_363 = arith.constant 9 : i32
          %add3A_364 = arith.addi %mul3A_92, %add3A_363 : i32
          %get3A_365 = arith.constant 0 : i32
          %get3A_366 = arith.constant 0 : i32
          %get3A_367 = tpu.memref_slice %arg12[%get3A_365, %get3A_366] : memref<400x16xf32, #tpu.memory_space<vmem>> -> memref<250x16xf32, #tpu.memory_space<vmem>>
          %get3A_368 = arith.index_cast %add3A_364 : i32 to index
          %get3A_369 = arith.constant 0 : index
          %get3A_370 = tpu.vector_load %get3A_367[%get3A_368, %get3A_369] {strides = array<i32>} : memref<250x16xf32, #tpu.memory_space<vmem>>, vector<16xf32>,
          %mul3A_371 = arith.mulf %get3A_370, %gather3A_357 : vector<16xf32>
          %add3A_372 = arith.constant 9 : i32
          %add3A_373 = arith.addi %mul3A_92, %add3A_372 : i32
          %swap3A_374 = arith.constant 0 : i32
          %swap3A_375 = arith.constant 0 : i32
          %swap3A_376 = tpu.memref_slice %arg12[%swap3A_374, %swap3A_375] : memref<400x16xf32, #tpu.memory_space<vmem>> -> memref<250x16xf32, #tpu.memory_space<vmem>>
          %swap3A_377 = arith.index_cast %add3A_373 : i32 to index
          %swap3A_378 = arith.constant 0 : index
          %swap3A_379 = tpu.vector_load %swap3A_376[%swap3A_377, %swap3A_378] {strides = array<i32>} : memref<250x16xf32, #tpu.memory_space<vmem>>, vector<16xf32>,
          tpu.vector_store %swap3A_376[%swap3A_377, %swap3A_378], %mul3A_371 {strides = array<i32>} : memref<250x16xf32, #tpu.memory_space<vmem>>, vector<16xf32>,
          %broadcast_in_dim3A_380 = arith.constant 10 : i32
          %broadcast_in_dim3A_381 = vector.broadcast %broadcast_in_dim3A_380 : i32 to vector<16x1xi32>
          %gather3A_382 = vector.shape_cast %broadcast_in_dim3A_381 : vector<16x1xi32> to vector<16xi32>
          %gather3A_383 = tpu.dynamic_gather %select_n3A[%gather3A_382] in [0] : vector<16xf32>, vector<16xi32> -> vector<16xf32>
          %add3A_384 = arith.constant 10 : i32
          %add3A_385 = arith.addi %mul3A_92, %add3A_384 : i32
          %swap3A_386 = arith.index_cast %add3A_385 : i32 to index
          %swap3A_387 = arith.constant 0 : index
          %swap3A_388 = tpu.vector_load %arg13[%swap3A_386, %swap3A_387] {strides = array<i32>} : memref<250x16xf32, #tpu.memory_space<vmem>>, vector<16xf32>,
          tpu.vector_store %arg13[%swap3A_386, %swap3A_387], %gather3A_383 {strides = array<i32>} : memref<250x16xf32, #tpu.memory_space<vmem>>, vector<16xf32>,
          %add3A_389 = arith.constant 10 : i32
          %add3A_390 = arith.addi %mul3A_92, %add3A_389 : i32
          %get3A_391 = arith.constant 0 : i32
          %get3A_392 = arith.constant 0 : i32
          %get3A_393 = tpu.memref_slice %arg12[%get3A_391, %get3A_392] : memref<400x16xf32, #tpu.memory_space<vmem>> -> memref<250x16xf32, #tpu.memory_space<vmem>>
          %get3A_394 = arith.index_cast %add3A_390 : i32 to index
          %get3A_395 = arith.constant 0 : index
          %get3A_396 = tpu.vector_load %get3A_393[%get3A_394, %get3A_395] {strides = array<i32>} : memref<250x16xf32, #tpu.memory_space<vmem>>, vector<16xf32>,
          %mul3A_397 = arith.mulf %get3A_396, %gather3A_383 : vector<16xf32>
          %add3A_398 = arith.constant 10 : i32
          %add3A_399 = arith.addi %mul3A_92, %add3A_398 : i32
          %swap3A_400 = arith.constant 0 : i32
          %swap3A_401 = arith.constant 0 : i32
          %swap3A_402 = tpu.memref_slice %arg12[%swap3A_400, %swap3A_401] : memref<400x16xf32, #tpu.memory_space<vmem>> -> memref<250x16xf32, #tpu.memory_space<vmem>>
          %swap3A_403 = arith.index_cast %add3A_399 : i32 to index
          %swap3A_404 = arith.constant 0 : index
          %swap3A_405 = tpu.vector_load %swap3A_402[%swap3A_403, %swap3A_404] {strides = array<i32>} : memref<250x16xf32, #tpu.memory_space<vmem>>, vector<16xf32>,
          tpu.vector_store %swap3A_402[%swap3A_403, %swap3A_404], %mul3A_397 {strides = array<i32>} : memref<250x16xf32, #tpu.memory_space<vmem>>, vector<16xf32>,
          %broadcast_in_dim3A_406 = arith.constant 11 : i32
          %broadcast_in_dim3A_407 = vector.broadcast %broadcast_in_dim3A_406 : i32 to vector<16x1xi32>
          %gather3A_408 = vector.shape_cast %broadcast_in_dim3A_407 : vector<16x1xi32> to vector<16xi32>
          %gather3A_409 = tpu.dynamic_gather %select_n3A[%gather3A_408] in [0] : vector<16xf32>, vector<16xi32> -> vector<16xf32>
          %add3A_410 = arith.constant 11 : i32
          %add3A_411 = arith.addi %mul3A_92, %add3A_410 : i32
          %swap3A_412 = arith.index_cast %add3A_411 : i32 to index
          %swap3A_413 = arith.constant 0 : index
          %swap3A_414 = tpu.vector_load %arg13[%swap3A_412, %swap3A_413] {strides = array<i32>} : memref<250x16xf32, #tpu.memory_space<vmem>>, vector<16xf32>,
          tpu.vector_store %arg13[%swap3A_412, %swap3A_413], %gather3A_409 {strides = array<i32>} : memref<250x16xf32, #tpu.memory_space<vmem>>, vector<16xf32>,
          %add3A_415 = arith.constant 11 : i32
          %add3A_416 = arith.addi %mul3A_92, %add3A_415 : i32
          %get3A_417 = arith.constant 0 : i32
          %get3A_418 = arith.constant 0 : i32
          %get3A_419 = tpu.memref_slice %arg12[%get3A_417, %get3A_418] : memref<400x16xf32, #tpu.memory_space<vmem>> -> memref<250x16xf32, #tpu.memory_space<vmem>>
          %get3A_420 = arith.index_cast %add3A_416 : i32 to index
          %get3A_421 = arith.constant 0 : index
          %get3A_422 = tpu.vector_load %get3A_419[%get3A_420, %get3A_421] {strides = array<i32>} : memref<250x16xf32, #tpu.memory_space<vmem>>, vector<16xf32>,
          %mul3A_423 = arith.mulf %get3A_422, %gather3A_409 : vector<16xf32>
          %add3A_424 = arith.constant 11 : i32
          %add3A_425 = arith.addi %mul3A_92, %add3A_424 : i32
          %swap3A_426 = arith.constant 0 : i32
          %swap3A_427 = arith.constant 0 : i32
          %swap3A_428 = tpu.memref_slice %arg12[%swap3A_426, %swap3A_427] : memref<400x16xf32, #tpu.memory_space<vmem>> -> memref<250x16xf32, #tpu.memory_space<vmem>>
          %swap3A_429 = arith.index_cast %add3A_425 : i32 to index
          %swap3A_430 = arith.constant 0 : index
          %swap3A_431 = tpu.vector_load %swap3A_428[%swap3A_429, %swap3A_430] {strides = array<i32>} : memref<250x16xf32, #tpu.memory_space<vmem>>, vector<16xf32>,
          tpu.vector_store %swap3A_428[%swap3A_429, %swap3A_430], %mul3A_423 {strides = array<i32>} : memref<250x16xf32, #tpu.memory_space<vmem>>, vector<16xf32>,
          %broadcast_in_dim3A_432 = arith.constant 12 : i32
          %broadcast_in_dim3A_433 = vector.broadcast %broadcast_in_dim3A_432 : i32 to vector<16x1xi32>
          %gather3A_434 = vector.shape_cast %broadcast_in_dim3A_433 : vector<16x1xi32> to vector<16xi32>
          %gather3A_435 = tpu.dynamic_gather %select_n3A[%gather3A_434] in [0] : vector<16xf32>, vector<16xi32> -> vector<16xf32>
          %add3A_436 = arith.constant 12 : i32
          %add3A_437 = arith.addi %mul3A_92, %add3A_436 : i32
          %swap3A_438 = arith.index_cast %add3A_437 : i32 to index
          %swap3A_439 = arith.constant 0 : index
          %swap3A_440 = tpu.vector_load %arg13[%swap3A_438, %swap3A_439] {strides = array<i32>} : memref<250x16xf32, #tpu.memory_space<vmem>>, vector<16xf32>,
          tpu.vector_store %arg13[%swap3A_438, %swap3A_439], %gather3A_435 {strides = array<i32>} : memref<250x16xf32, #tpu.memory_space<vmem>>, vector<16xf32>,
          %add3A_441 = arith.constant 12 : i32
          %add3A_442 = arith.addi %mul3A_92, %add3A_441 : i32
          %get3A_443 = arith.constant 0 : i32
          %get3A_444 = arith.constant 0 : i32
          %get3A_445 = tpu.memref_slice %arg12[%get3A_443, %get3A_444] : memref<400x16xf32, #tpu.memory_space<vmem>> -> memref<250x16xf32, #tpu.memory_space<vmem>>
          %get3A_446 = arith.index_cast %add3A_442 : i32 to index
          %get3A_447 = arith.constant 0 : index
          %get3A_448 = tpu.vector_load %get3A_445[%get3A_446, %get3A_447] {strides = array<i32>} : memref<250x16xf32, #tpu.memory_space<vmem>>, vector<16xf32>,
          %mul3A_449 = arith.mulf %get3A_448, %gather3A_435 : vector<16xf32>
          %add3A_450 = arith.constant 12 : i32
          %add3A_451 = arith.addi %mul3A_92, %add3A_450 : i32
          %swap3A_452 = arith.constant 0 : i32
          %swap3A_453 = arith.constant 0 : i32
          %swap3A_454 = tpu.memref_slice %arg12[%swap3A_452, %swap3A_453] : memref<400x16xf32, #tpu.memory_space<vmem>> -> memref<250x16xf32, #tpu.memory_space<vmem>>
          %swap3A_455 = arith.index_cast %add3A_451 : i32 to index
          %swap3A_456 = arith.constant 0 : index
          %swap3A_457 = tpu.vector_load %swap3A_454[%swap3A_455, %swap3A_456] {strides = array<i32>} : memref<250x16xf32, #tpu.memory_space<vmem>>, vector<16xf32>,
          tpu.vector_store %swap3A_454[%swap3A_455, %swap3A_456], %mul3A_449 {strides = array<i32>} : memref<250x16xf32, #tpu.memory_space<vmem>>, vector<16xf32>,
          %broadcast_in_dim3A_458 = arith.constant 13 : i32
          %broadcast_in_dim3A_459 = vector.broadcast %broadcast_in_dim3A_458 : i32 to vector<16x1xi32>
          %gather3A_460 = vector.shape_cast %broadcast_in_dim3A_459 : vector<16x1xi32> to vector<16xi32>
          %gather3A_461 = tpu.dynamic_gather %select_n3A[%gather3A_460] in [0] : vector<16xf32>, vector<16xi32> -> vector<16xf32>
          %add3A_462 = arith.constant 13 : i32
          %add3A_463 = arith.addi %mul3A_92, %add3A_462 : i32
          %swap3A_464 = arith.index_cast %add3A_463 : i32 to index
          %swap3A_465 = arith.constant 0 : index
          %swap3A_466 = tpu.vector_load %arg13[%swap3A_464, %swap3A_465] {strides = array<i32>} : memref<250x16xf32, #tpu.memory_space<vmem>>, vector<16xf32>,
          tpu.vector_store %arg13[%swap3A_464, %swap3A_465], %gather3A_461 {strides = array<i32>} : memref<250x16xf32, #tpu.memory_space<vmem>>, vector<16xf32>,
          %add3A_467 = arith.constant 13 : i32
          %add3A_468 = arith.addi %mul3A_92, %add3A_467 : i32
          %get3A_469 = arith.constant 0 : i32
          %get3A_470 = arith.constant 0 : i32
          %get3A_471 = tpu.memref_slice %arg12[%get3A_469, %get3A_470] : memref<400x16xf32, #tpu.memory_space<vmem>> -> memref<250x16xf32, #tpu.memory_space<vmem>>
          %get3A_472 = arith.index_cast %add3A_468 : i32 to index
          %get3A_473 = arith.constant 0 : index
          %get3A_474 = tpu.vector_load %get3A_471[%get3A_472, %get3A_473] {strides = array<i32>} : memref<250x16xf32, #tpu.memory_space<vmem>>, vector<16xf32>,
          %mul3A_475 = arith.mulf %get3A_474, %gather3A_461 : vector<16xf32>
          %add3A_476 = arith.constant 13 : i32
          %add3A_477 = arith.addi %mul3A_92, %add3A_476 : i32
          %swap3A_478 = arith.constant 0 : i32
          %swap3A_479 = arith.constant 0 : i32
          %swap3A_480 = tpu.memref_slice %arg12[%swap3A_478, %swap3A_479] : memref<400x16xf32, #tpu.memory_space<vmem>> -> memref<250x16xf32, #tpu.memory_space<vmem>>
          %swap3A_481 = arith.index_cast %add3A_477 : i32 to index
          %swap3A_482 = arith.constant 0 : index
          %swap3A_483 = tpu.vector_load %swap3A_480[%swap3A_481, %swap3A_482] {strides = array<i32>} : memref<250x16xf32, #tpu.memory_space<vmem>>, vector<16xf32>,
          tpu.vector_store %swap3A_480[%swap3A_481, %swap3A_482], %mul3A_475 {strides = array<i32>} : memref<250x16xf32, #tpu.memory_space<vmem>>, vector<16xf32>,
          %broadcast_in_dim3A_484 = arith.constant 14 : i32
          %broadcast_in_dim3A_485 = vector.broadcast %broadcast_in_dim3A_484 : i32 to vector<16x1xi32>
          %gather3A_486 = vector.shape_cast %broadcast_in_dim3A_485 : vector<16x1xi32> to vector<16xi32>
          %gather3A_487 = tpu.dynamic_gather %select_n3A[%gather3A_486] in [0] : vector<16xf32>, vector<16xi32> -> vector<16xf32>
          %add3A_488 = arith.constant 14 : i32
          %add3A_489 = arith.addi %mul3A_92, %add3A_488 : i32
          %swap3A_490 = arith.index_cast %add3A_489 : i32 to index
          %swap3A_491 = arith.constant 0 : index
          %swap3A_492 = tpu.vector_load %arg13[%swap3A_490, %swap3A_491] {strides = array<i32>} : memref<250x16xf32, #tpu.memory_space<vmem>>, vector<16xf32>,
          tpu.vector_store %arg13[%swap3A_490, %swap3A_491], %gather3A_487 {strides = array<i32>} : memref<250x16xf32, #tpu.memory_space<vmem>>, vector<16xf32>,
          %add3A_493 = arith.constant 14 : i32
          %add3A_494 = arith.addi %mul3A_92, %add3A_493 : i32
          %get3A_495 = arith.constant 0 : i32
          %get3A_496 = arith.constant 0 : i32
          %get3A_497 = tpu.memref_slice %arg12[%get3A_495, %get3A_496] : memref<400x16xf32, #tpu.memory_space<vmem>> -> memref<250x16xf32, #tpu.memory_space<vmem>>
          %get3A_498 = arith.index_cast %add3A_494 : i32 to index
          %get3A_499 = arith.constant 0 : index
          %get3A_500 = tpu.vector_load %get3A_497[%get3A_498, %get3A_499] {strides = array<i32>} : memref<250x16xf32, #tpu.memory_space<vmem>>, vector<16xf32>,
          %mul3A_501 = arith.mulf %get3A_500, %gather3A_487 : vector<16xf32>
          %add3A_502 = arith.constant 14 : i32
          %add3A_503 = arith.addi %mul3A_92, %add3A_502 : i32
          %swap3A_504 = arith.constant 0 : i32
          %swap3A_505 = arith.constant 0 : i32
          %swap3A_506 = tpu.memref_slice %arg12[%swap3A_504, %swap3A_505] : memref<400x16xf32, #tpu.memory_space<vmem>> -> memref<250x16xf32, #tpu.memory_space<vmem>>
          %swap3A_507 = arith.index_cast %add3A_503 : i32 to index
          %swap3A_508 = arith.constant 0 : index
          %swap3A_509 = tpu.vector_load %swap3A_506[%swap3A_507, %swap3A_508] {strides = array<i32>} : memref<250x16xf32, #tpu.memory_space<vmem>>, vector<16xf32>,
          tpu.vector_store %swap3A_506[%swap3A_507, %swap3A_508], %mul3A_501 {strides = array<i32>} : memref<250x16xf32, #tpu.memory_space<vmem>>, vector<16xf32>,
          %broadcast_in_dim3A_510 = arith.constant 15 : i32
          %broadcast_in_dim3A_511 = vector.broadcast %broadcast_in_dim3A_510 : i32 to vector<16x1xi32>
          %gather3A_512 = vector.shape_cast %broadcast_in_dim3A_511 : vector<16x1xi32> to vector<16xi32>
          %gather3A_513 = tpu.dynamic_gather %select_n3A[%gather3A_512] in [0] : vector<16xf32>, vector<16xi32> -> vector<16xf32>
          %add3A_514 = arith.constant 15 : i32
          %add3A_515 = arith.addi %mul3A_92, %add3A_514 : i32
          %swap3A_516 = arith.index_cast %add3A_515 : i32 to index
          %swap3A_517 = arith.constant 0 : index
          %swap3A_518 = tpu.vector_load %arg13[%swap3A_516, %swap3A_517] {strides = array<i32>} : memref<250x16xf32, #tpu.memory_space<vmem>>, vector<16xf32>,
          tpu.vector_store %arg13[%swap3A_516, %swap3A_517], %gather3A_513 {strides = array<i32>} : memref<250x16xf32, #tpu.memory_space<vmem>>, vector<16xf32>,
          %add3A_519 = arith.constant 15 : i32
          %add3A_520 = arith.addi %mul3A_92, %add3A_519 : i32
          %get3A_521 = arith.constant 0 : i32
          %get3A_522 = arith.constant 0 : i32
          %get3A_523 = tpu.memref_slice %arg12[%get3A_521, %get3A_522] : memref<400x16xf32, #tpu.memory_space<vmem>> -> memref<250x16xf32, #tpu.memory_space<vmem>>
          %get3A_524 = arith.index_cast %add3A_520 : i32 to index
          %get3A_525 = arith.constant 0 : index
          %get3A_526 = tpu.vector_load %get3A_523[%get3A_524, %get3A_525] {strides = array<i32>} : memref<250x16xf32, #tpu.memory_space<vmem>>, vector<16xf32>,
          %mul3A_527 = arith.mulf %get3A_526, %gather3A_513 : vector<16xf32>
          %add3A_528 = arith.constant 15 : i32
          %add3A_529 = arith.addi %mul3A_92, %add3A_528 : i32
          %swap3A_530 = arith.constant 0 : i32
          %swap3A_531 = arith.constant 0 : i32
          %swap3A_532 = tpu.memref_slice %arg12[%swap3A_530, %swap3A_531] : memref<400x16xf32, #tpu.memory_space<vmem>> -> memref<250x16xf32, #tpu.memory_space<vmem>>
          %swap3A_533 = arith.index_cast %add3A_529 : i32 to index
          %swap3A_534 = arith.constant 0 : index
          %swap3A_535 = tpu.vector_load %swap3A_532[%swap3A_533, %swap3A_534] {strides = array<i32>} : memref<250x16xf32, #tpu.memory_space<vmem>>, vector<16xf32>,
          tpu.vector_store %swap3A_532[%swap3A_533, %swap3A_534], %mul3A_527 {strides = array<i32>} : memref<250x16xf32, #tpu.memory_space<vmem>>, vector<16xf32>,
          %scan3A_536 = arith.constant 0 : i32
          scf.yield %scan3A_536 : i32
        }
        %scan3A_80 = arith.constant 15 : i32
        %scan3A_81 = arith.constant 0 : i32
        %scan3A_82 = arith.constant 240 : i32
        %scan3A_83 = arith.constant 10 : i32
        %scan3A_84 = arith.addi %scan3A_82, %scan3A_83 : i32
        %scan3A_85 = arith.constant 2 : i32
        %scan3A_86 = scf.for %scan3A_89 = %scan3A_82 to %scan3A_84 step %scan3A_85 iter_args(%scan3A_90 = %scan3A_81) -> (i32)  : i32 {
          %get3A = arith.index_cast %scan3A_89 : i32 to index
          %get3A_91 = arith.constant 0 : index
          %get3A_92 = tpu.vector_load %arg13[%get3A, %get3A_91] {strides = array<i32>} : memref<250x16xf32, #tpu.memory_space<vmem>>, vector<16xf32>,
          %bitcast3A = vector.bitcast %get3A_92 : vector<16xf32> to vector<16xi32>
          %broadcast_in_dim3A_93 = arith.constant 1597463007 : i32
          %broadcast_in_dim3A_94 = vector.broadcast %broadcast_in_dim3A_93 : i32 to vector<16xi32>
          %shift_right_arithmetic3A = arith.constant 1 : i32
          %shift_right_arithmetic3A_95 = vector.broadcast %shift_right_arithmetic3A : i32 to vector<16xi32>
          %shift_right_arithmetic3A_96 = arith.shrsi %bitcast3A, %shift_right_arithmetic3A_95 : vector<16xi32>
          %sub3A = arith.subi %broadcast_in_dim3A_94, %shift_right_arithmetic3A_96 : vector<16xi32>
          %bitcast3A_97 = vector.bitcast %sub3A : vector<16xi32> to vector<16xf32>
          %mul3A_98 = arith.constant 5.000000e-01 : f32
          %mul3A_99 = vector.broadcast %mul3A_98 : f32 to vector<16xf32>
          %mul3A_100 = arith.mulf %mul3A_99, %get3A_92 : vector<16xf32>
          %mul3A_101 = arith.mulf %mul3A_100, %bitcast3A_97 : vector<16xf32>
          %mul3A_102 = arith.mulf %mul3A_101, %bitcast3A_97 : vector<16xf32>
          %sub3A_103 = arith.constant 1.500000e+00 : f32
          %sub3A_104 = vector.broadcast %sub3A_103 : f32 to vector<16xf32>
          %sub3A_105 = arith.subf %sub3A_104, %mul3A_102 : vector<16xf32>
          %mul3A_106 = arith.mulf %bitcast3A_97, %sub3A_105 : vector<16xf32>
          %mul3A_107 = arith.constant 5.000000e-01 : f32
          %mul3A_108 = vector.broadcast %mul3A_107 : f32 to vector<16xf32>
          %mul3A_109 = arith.mulf %mul3A_108, %get3A_92 : vector<16xf32>
          %mul3A_110 = arith.mulf %mul3A_109, %mul3A_106 : vector<16xf32>
          %mul3A_111 = arith.mulf %mul3A_110, %mul3A_106 : vector<16xf32>
          %sub3A_112 = arith.constant 1.500000e+00 : f32
          %sub3A_113 = vector.broadcast %sub3A_112 : f32 to vector<16xf32>
          %sub3A_114 = arith.subf %sub3A_113, %mul3A_111 : vector<16xf32>
          %mul3A_115 = arith.mulf %mul3A_106, %sub3A_114 : vector<16xf32>
          %gt3A = arith.constant 0.000000e+00 : f32
          %gt3A_116 = vector.broadcast %gt3A : f32 to vector<16xf32>
          %gt3A_117 = arith.cmpf ogt, %get3A_92, %gt3A_116 : vector<16xf32>
          %jit3A = arith.constant 0.000000e+00 : f32
          %broadcast_in_dim3A_118 = vector.broadcast %jit3A : f32 to vector<16xf32>
          %select_n3A = arith.select %gt3A_117, %mul3A_115, %broadcast_in_dim3A_118 : vector<16xi1>, vector<16xf32>
          %swap3A_119 = arith.index_cast %scan3A_89 : i32 to index
          %swap3A_120 = arith.constant 0 : index
          %swap3A_121 = tpu.vector_load %arg13[%swap3A_119, %swap3A_120] {strides = array<i32>} : memref<250x16xf32, #tpu.memory_space<vmem>>, vector<16xf32>,
          tpu.vector_store %arg13[%swap3A_119, %swap3A_120], %select_n3A {strides = array<i32>} : memref<250x16xf32, #tpu.memory_space<vmem>>, vector<16xf32>,
          %get3A_122 = arith.constant 0 : i32
          %get3A_123 = arith.constant 0 : i32
          %get3A_124 = tpu.memref_slice %arg12[%get3A_122, %get3A_123] : memref<400x16xf32, #tpu.memory_space<vmem>> -> memref<250x16xf32, #tpu.memory_space<vmem>>
          %get3A_125 = arith.index_cast %scan3A_89 : i32 to index
          %get3A_126 = arith.constant 0 : index
          %get3A_127 = tpu.vector_load %get3A_124[%get3A_125, %get3A_126] {strides = array<i32>} : memref<250x16xf32, #tpu.memory_space<vmem>>, vector<16xf32>,
          %mul3A_128 = arith.mulf %get3A_127, %select_n3A : vector<16xf32>
          %swap3A_129 = arith.constant 0 : i32
          %swap3A_130 = arith.constant 0 : i32
          %swap3A_131 = tpu.memref_slice %arg12[%swap3A_129, %swap3A_130] : memref<400x16xf32, #tpu.memory_space<vmem>> -> memref<250x16xf32, #tpu.memory_space<vmem>>
          %swap3A_132 = arith.index_cast %scan3A_89 : i32 to index
          %swap3A_133 = arith.constant 0 : index
          %swap3A_134 = tpu.vector_load %swap3A_131[%swap3A_132, %swap3A_133] {strides = array<i32>} : memref<250x16xf32, #tpu.memory_space<vmem>>, vector<16xf32>,
          tpu.vector_store %swap3A_131[%swap3A_132, %swap3A_133], %mul3A_128 {strides = array<i32>} : memref<250x16xf32, #tpu.memory_space<vmem>>, vector<16xf32>,
          %scan3A_135 = arith.constant 0 : i32
          %scan3A_136 = arith.constant 1 : i32
          %scan3A_137 = arith.addi %scan3A_89, %scan3A_136 : i32
          %get3A_138 = arith.index_cast %scan3A_137 : i32 to index
          %get3A_139 = arith.constant 0 : index
          %get3A_140 = tpu.vector_load %arg13[%get3A_138, %get3A_139] {strides = array<i32>} : memref<250x16xf32, #tpu.memory_space<vmem>>, vector<16xf32>,
          %bitcast3A_141 = vector.bitcast %get3A_140 : vector<16xf32> to vector<16xi32>
          %broadcast_in_dim3A_142 = arith.constant 1597463007 : i32
          %broadcast_in_dim3A_143 = vector.broadcast %broadcast_in_dim3A_142 : i32 to vector<16xi32>
          %shift_right_arithmetic3A_144 = arith.constant 1 : i32
          %shift_right_arithmetic3A_145 = vector.broadcast %shift_right_arithmetic3A_144 : i32 to vector<16xi32>
          %shift_right_arithmetic3A_146 = arith.shrsi %bitcast3A_141, %shift_right_arithmetic3A_145 : vector<16xi32>
          %sub3A_147 = arith.subi %broadcast_in_dim3A_143, %shift_right_arithmetic3A_146 : vector<16xi32>
          %bitcast3A_148 = vector.bitcast %sub3A_147 : vector<16xi32> to vector<16xf32>
          %mul3A_149 = arith.constant 5.000000e-01 : f32
          %mul3A_150 = vector.broadcast %mul3A_149 : f32 to vector<16xf32>
          %mul3A_151 = arith.mulf %mul3A_150, %get3A_140 : vector<16xf32>
          %mul3A_152 = arith.mulf %mul3A_151, %bitcast3A_148 : vector<16xf32>
          %mul3A_153 = arith.mulf %mul3A_152, %bitcast3A_148 : vector<16xf32>
          %sub3A_154 = arith.constant 1.500000e+00 : f32
          %sub3A_155 = vector.broadcast %sub3A_154 : f32 to vector<16xf32>
          %sub3A_156 = arith.subf %sub3A_155, %mul3A_153 : vector<16xf32>
          %mul3A_157 = arith.mulf %bitcast3A_148, %sub3A_156 : vector<16xf32>
          %mul3A_158 = arith.constant 5.000000e-01 : f32
          %mul3A_159 = vector.broadcast %mul3A_158 : f32 to vector<16xf32>
          %mul3A_160 = arith.mulf %mul3A_159, %get3A_140 : vector<16xf32>
          %mul3A_161 = arith.mulf %mul3A_160, %mul3A_157 : vector<16xf32>
          %mul3A_162 = arith.mulf %mul3A_161, %mul3A_157 : vector<16xf32>
          %sub3A_163 = arith.constant 1.500000e+00 : f32
          %sub3A_164 = vector.broadcast %sub3A_163 : f32 to vector<16xf32>
          %sub3A_165 = arith.subf %sub3A_164, %mul3A_162 : vector<16xf32>
          %mul3A_166 = arith.mulf %mul3A_157, %sub3A_165 : vector<16xf32>
          %gt3A_167 = arith.constant 0.000000e+00 : f32
          %gt3A_168 = vector.broadcast %gt3A_167 : f32 to vector<16xf32>
          %gt3A_169 = arith.cmpf ogt, %get3A_140, %gt3A_168 : vector<16xf32>
          %jit3A_170 = arith.constant 0.000000e+00 : f32
          %broadcast_in_dim3A_171 = vector.broadcast %jit3A_170 : f32 to vector<16xf32>
          %select_n3A_172 = arith.select %gt3A_169, %mul3A_166, %broadcast_in_dim3A_171 : vector<16xi1>, vector<16xf32>
          %swap3A_173 = arith.index_cast %scan3A_137 : i32 to index
          %swap3A_174 = arith.constant 0 : index
          %swap3A_175 = tpu.vector_load %arg13[%swap3A_173, %swap3A_174] {strides = array<i32>} : memref<250x16xf32, #tpu.memory_space<vmem>>, vector<16xf32>,
          tpu.vector_store %arg13[%swap3A_173, %swap3A_174], %select_n3A_172 {strides = array<i32>} : memref<250x16xf32, #tpu.memory_space<vmem>>, vector<16xf32>,
          %get3A_176 = arith.constant 0 : i32
          %get3A_177 = arith.constant 0 : i32
          %get3A_178 = tpu.memref_slice %arg12[%get3A_176, %get3A_177] : memref<400x16xf32, #tpu.memory_space<vmem>> -> memref<250x16xf32, #tpu.memory_space<vmem>>
          %get3A_179 = arith.index_cast %scan3A_137 : i32 to index
          %get3A_180 = arith.constant 0 : index
          %get3A_181 = tpu.vector_load %get3A_178[%get3A_179, %get3A_180] {strides = array<i32>} : memref<250x16xf32, #tpu.memory_space<vmem>>, vector<16xf32>,
          %mul3A_182 = arith.mulf %get3A_181, %select_n3A_172 : vector<16xf32>
          %swap3A_183 = arith.constant 0 : i32
          %swap3A_184 = arith.constant 0 : i32
          %swap3A_185 = tpu.memref_slice %arg12[%swap3A_183, %swap3A_184] : memref<400x16xf32, #tpu.memory_space<vmem>> -> memref<250x16xf32, #tpu.memory_space<vmem>>
          %swap3A_186 = arith.index_cast %scan3A_137 : i32 to index
          %swap3A_187 = arith.constant 0 : index
          %swap3A_188 = tpu.vector_load %swap3A_185[%swap3A_186, %swap3A_187] {strides = array<i32>} : memref<250x16xf32, #tpu.memory_space<vmem>>, vector<16xf32>,
          tpu.vector_store %swap3A_185[%swap3A_186, %swap3A_187], %mul3A_182 {strides = array<i32>} : memref<250x16xf32, #tpu.memory_space<vmem>>, vector<16xf32>,
          %scan3A_189 = arith.constant 0 : i32
          scf.yield %scan3A_189 : i32
        }
        %scan3A_87 = arith.constant 10 : i32
        "tpu.region"() ({
          %run_scoped3A = tpu.sem_alloc : memref<!tpu.dma_semaphore, #tpu.memory_space<semaphore_mem>>
          %dma_start3A_89 = arith.constant 0 : i32
          %dma_start3A_90 = tpu.memref_slice %arg8[%add3A_73, %dma_start3A_89] : memref<100000x16xf32, #tpu.memory_space<hbm>> -> memref<250x16xf32, #tpu.memory_space<hbm>>
          %dma_start3A_91 = arith.constant 0 : i32
          %dma_start3A_92 = tpu.memref_slice %arg8[%add3A_73, %dma_start3A_91] : memref<100000x16xf32, #tpu.memory_space<hbm>> -> memref<250x16xf32, #tpu.memory_space<hbm>>
          tpu.enqueue_dma source(%arg13 : memref<250x16xf32, #tpu.memory_space<vmem>>) target(%dma_start3A_92 : memref<250x16xf32, #tpu.memory_space<hbm>>) target_semaphore(%run_scoped3A : memref<!tpu.dma_semaphore, #tpu.memory_space<semaphore_mem>>)
          %dma_wait3A_93 = arith.constant 0 : i32
          %dma_wait3A_94 = tpu.memref_slice %arg8[%add3A_73, %dma_wait3A_93] : memref<100000x16xf32, #tpu.memory_space<hbm>> -> memref<250x16xf32, #tpu.memory_space<hbm>>
          %dma_wait3A_95 = arith.constant 0 : i32
          %dma_wait3A_96 = tpu.memref_slice %arg8[%add3A_73, %dma_wait3A_95] : memref<100000x16xf32, #tpu.memory_space<hbm>> -> memref<250x16xf32, #tpu.memory_space<hbm>>
          tpu.wait_dma2 semaphore(%run_scoped3A : memref<!tpu.dma_semaphore, #tpu.memory_space<semaphore_mem>>) src(%arg13 : memref<250x16xf32, #tpu.memory_space<vmem>>) dst(%dma_wait3A_96 : memref<250x16xf32, #tpu.memory_space<hbm>>)
          tpu.yield
        }) : () -> ()
        "tpu.region"() ({
          %run_scoped3A = tpu.sem_alloc : memref<!tpu.dma_semaphore, #tpu.memory_space<semaphore_mem>>
          %dma_start3A_89 = arith.constant 0 : i32
          %dma_start3A_90 = arith.constant 0 : i32
          %dma_start3A_91 = tpu.memref_slice %arg12[%dma_start3A_89, %dma_start3A_90] : memref<400x16xf32, #tpu.memory_space<vmem>> -> memref<250x16xf32, #tpu.memory_space<vmem>>
          %dma_start3A_92 = arith.constant 0 : i32
          %dma_start3A_93 = tpu.memref_slice %arg9[%add3A_73, %dma_start3A_92] : memref<100000x16xf32, #tpu.memory_space<hbm>> -> memref<250x16xf32, #tpu.memory_space<hbm>>
          %dma_start3A_94 = arith.constant 0 : i32
          %dma_start3A_95 = tpu.memref_slice %arg9[%add3A_73, %dma_start3A_94] : memref<100000x16xf32, #tpu.memory_space<hbm>> -> memref<250x16xf32, #tpu.memory_space<hbm>>
          %dma_start3A_96 = arith.constant 0 : i32
          %dma_start3A_97 = arith.constant 0 : i32
          %dma_start3A_98 = tpu.memref_slice %arg12[%dma_start3A_96, %dma_start3A_97] : memref<400x16xf32, #tpu.memory_space<vmem>> -> memref<250x16xf32, #tpu.memory_space<vmem>>
          tpu.enqueue_dma source(%dma_start3A_98 : memref<250x16xf32, #tpu.memory_space<vmem>>) target(%dma_start3A_95 : memref<250x16xf32, #tpu.memory_space<hbm>>) target_semaphore(%run_scoped3A : memref<!tpu.dma_semaphore, #tpu.memory_space<semaphore_mem>>)
          %dma_wait3A_99 = arith.constant 0 : i32
          %dma_wait3A_100 = arith.constant 0 : i32
          %dma_wait3A_101 = tpu.memref_slice %arg12[%dma_wait3A_99, %dma_wait3A_100] : memref<400x16xf32, #tpu.memory_space<vmem>> -> memref<250x16xf32, #tpu.memory_space<vmem>>
          %dma_wait3A_102 = arith.constant 0 : i32
          %dma_wait3A_103 = tpu.memref_slice %arg9[%add3A_73, %dma_wait3A_102] : memref<100000x16xf32, #tpu.memory_space<hbm>> -> memref<250x16xf32, #tpu.memory_space<hbm>>
          %dma_wait3A_104 = arith.constant 0 : i32
          %dma_wait3A_105 = tpu.memref_slice %arg9[%add3A_73, %dma_wait3A_104] : memref<100000x16xf32, #tpu.memory_space<hbm>> -> memref<250x16xf32, #tpu.memory_space<hbm>>
          %dma_wait3A_106 = arith.constant 0 : i32
          %dma_wait3A_107 = arith.constant 0 : i32
          %dma_wait3A_108 = tpu.memref_slice %arg12[%dma_wait3A_106, %dma_wait3A_107] : memref<400x16xf32, #tpu.memory_space<vmem>> -> memref<250x16xf32, #tpu.memory_space<vmem>>
          tpu.wait_dma2 semaphore(%run_scoped3A : memref<!tpu.dma_semaphore, #tpu.memory_space<semaphore_mem>>) src(%dma_wait3A_108 : memref<250x16xf32, #tpu.memory_space<vmem>>) dst(%dma_wait3A_105 : memref<250x16xf32, #tpu.memory_space<hbm>>)
          tpu.yield
        }) : () -> ()
        %scan3A_88 = arith.constant 0 : i32
        scf.yield %scan3A_88 : i32
      }
      %scan3A_68 = arith.constant 25 : i32
      "tpu.trace_stop"() : () -> ()
    } else {
    }
    return
  }
}

#map = affine_map<(d0, d1) -> (0)>
#map1 = affine_map<(d0, d1) -> (0, 0)>
module attributes {stable_mosaic.version = 14 : i64} {
  func.func @agg_kernel(%arg0: i32, %arg1: i32, %arg2: memref<1600000xi32, #tpu.memory_space<hbm>>, %arg3: memref<1600000xi32, #tpu.memory_space<hbm>>, %arg4: memref<100000x16xf32, #tpu.memory_space<hbm>>, %arg5: memref<100000x16xf32, #tpu.memory_space<hbm>>, %arg6: memref<100000x16xf32, #tpu.memory_space<hbm>>, %arg7: memref<100000x16xf32, #tpu.memory_space<hbm>>, %arg8: memref<100000x16xf32, #tpu.memory_space<hbm>>, %arg9: memref<100000x16xf32, #tpu.memory_space<hbm>>, %arg10: memref<2000xi32, #tpu.memory_space<vmem>>, %arg11: memref<2000xi32, #tpu.memory_space<vmem>>, %arg12: memref<2000xi32, #tpu.memory_space<vmem>>, %arg13: memref<2000xi32, #tpu.memory_space<vmem>>, %arg14: memref<400x16xf32, #tpu.memory_space<vmem>>, %arg15: memref<400x16xf32, #tpu.memory_space<vmem>>, %arg16: memref<250x16xf32, #tpu.memory_space<vmem>>, %arg17: memref<100000x16xf32, #tpu.memory_space<vmem_shared>>, %arg18: memref<!tpu.dma_semaphore, #tpu.memory_space<semaphore_mem>>, %arg19: memref<!tpu.dma_semaphore, #tpu.memory_space<semaphore_mem>>, %arg20: memref<!tpu.dma_semaphore, #tpu.memory_space<semaphore_mem>>, %arg21: memref<!tpu.dma_semaphore, #tpu.memory_space<semaphore_mem>>, %arg22: memref<!tpu.dma_semaphore, #tpu.memory_space<semaphore_mem>>, %arg23: memref<!tpu.dma_semaphore, #tpu.memory_space<semaphore_mem>>) attributes {dimension_semantics = [#tpu.dimension_semantics<core_parallel>, #tpu.dimension_semantics<subcore_parallel>], iteration_bounds = array<i64: 2, 16>, scalar_prefetch = 0 : i64, scratch_operands = 14 : i64, tpu.core_type = #tpu.core_type<sc_vector_subcore>, window_params = [{transform_indices = #map}, {transform_indices = #map}, {transform_indices = #map1}, {transform_indices = #map1}, {transform_indices = #map1}, {transform_indices = #map1}, {transform_indices = #map1}, {transform_indices = #map1}]} {
    %mul3A = arith.constant 6250 : i32
    %mul3A_0 = arith.muli %arg1, %mul3A : i32
    %scan3A = arith.constant 0 : i32
    %scan3A_1 = arith.constant 0 : i32
    %scan3A_2 = arith.constant 248 : i32
    %scan3A_3 = arith.addi %scan3A_1, %scan3A_2 : i32
    %scan3A_4 = arith.constant 8 : i32
    %scan3A_5 = scf.for %scan3A_35 = %scan3A_1 to %scan3A_3 step %scan3A_4 iter_args(%scan3A_36 = %scan3A) -> (i32)  : i32 {
      %broadcast_in_dim3A_37 = arith.constant 0.000000e+00 : f32
      %broadcast_in_dim3A_38 = vector.broadcast %broadcast_in_dim3A_37 : f32 to vector<16xf32>
      %swap3A_39 = arith.index_cast %scan3A_35 : i32 to index
      %swap3A_40 = arith.constant 0 : index
      %swap3A_41 = tpu.vector_load %arg16[%swap3A_39, %swap3A_40] {strides = array<i32>} : memref<250x16xf32, #tpu.memory_space<vmem>>, vector<16xf32>,
      tpu.vector_store %arg16[%swap3A_39, %swap3A_40], %broadcast_in_dim3A_38 {strides = array<i32>} : memref<250x16xf32, #tpu.memory_space<vmem>>, vector<16xf32>,
      %scan3A_42 = arith.constant 0 : i32
      %scan3A_43 = arith.constant 1 : i32
      %scan3A_44 = arith.addi %scan3A_35, %scan3A_43 : i32
      %broadcast_in_dim3A_45 = arith.constant 0.000000e+00 : f32
      %broadcast_in_dim3A_46 = vector.broadcast %broadcast_in_dim3A_45 : f32 to vector<16xf32>
      %swap3A_47 = arith.index_cast %scan3A_44 : i32 to index
      %swap3A_48 = arith.constant 0 : index
      %swap3A_49 = tpu.vector_load %arg16[%swap3A_47, %swap3A_48] {strides = array<i32>} : memref<250x16xf32, #tpu.memory_space<vmem>>, vector<16xf32>,
      tpu.vector_store %arg16[%swap3A_47, %swap3A_48], %broadcast_in_dim3A_46 {strides = array<i32>} : memref<250x16xf32, #tpu.memory_space<vmem>>, vector<16xf32>,
      %scan3A_50 = arith.constant 0 : i32
      %scan3A_51 = arith.constant 2 : i32
      %scan3A_52 = arith.addi %scan3A_35, %scan3A_51 : i32
      %broadcast_in_dim3A_53 = arith.constant 0.000000e+00 : f32
      %broadcast_in_dim3A_54 = vector.broadcast %broadcast_in_dim3A_53 : f32 to vector<16xf32>
      %swap3A_55 = arith.index_cast %scan3A_52 : i32 to index
      %swap3A_56 = arith.constant 0 : index
      %swap3A_57 = tpu.vector_load %arg16[%swap3A_55, %swap3A_56] {strides = array<i32>} : memref<250x16xf32, #tpu.memory_space<vmem>>, vector<16xf32>,
      tpu.vector_store %arg16[%swap3A_55, %swap3A_56], %broadcast_in_dim3A_54 {strides = array<i32>} : memref<250x16xf32, #tpu.memory_space<vmem>>, vector<16xf32>,
      %scan3A_58 = arith.constant 0 : i32
      %scan3A_59 = arith.constant 3 : i32
      %scan3A_60 = arith.addi %scan3A_35, %scan3A_59 : i32
      %broadcast_in_dim3A_61 = arith.constant 0.000000e+00 : f32
      %broadcast_in_dim3A_62 = vector.broadcast %broadcast_in_dim3A_61 : f32 to vector<16xf32>
      %swap3A_63 = arith.index_cast %scan3A_60 : i32 to index
      %swap3A_64 = arith.constant 0 : index
      %swap3A_65 = tpu.vector_load %arg16[%swap3A_63, %swap3A_64] {strides = array<i32>} : memref<250x16xf32, #tpu.memory_space<vmem>>, vector<16xf32>,
      tpu.vector_store %arg16[%swap3A_63, %swap3A_64], %broadcast_in_dim3A_62 {strides = array<i32>} : memref<250x16xf32, #tpu.memory_space<vmem>>, vector<16xf32>,
      %scan3A_66 = arith.constant 0 : i32
      %scan3A_67 = arith.constant 4 : i32
      %scan3A_68 = arith.addi %scan3A_35, %scan3A_67 : i32
      %broadcast_in_dim3A_69 = arith.constant 0.000000e+00 : f32
      %broadcast_in_dim3A_70 = vector.broadcast %broadcast_in_dim3A_69 : f32 to vector<16xf32>
      %swap3A_71 = arith.index_cast %scan3A_68 : i32 to index
      %swap3A_72 = arith.constant 0 : index
      %swap3A_73 = tpu.vector_load %arg16[%swap3A_71, %swap3A_72] {strides = array<i32>} : memref<250x16xf32, #tpu.memory_space<vmem>>, vector<16xf32>,
      tpu.vector_store %arg16[%swap3A_71, %swap3A_72], %broadcast_in_dim3A_70 {strides = array<i32>} : memref<250x16xf32, #tpu.memory_space<vmem>>, vector<16xf32>,
      %scan3A_74 = arith.constant 0 : i32
      %scan3A_75 = arith.constant 5 : i32
      %scan3A_76 = arith.addi %scan3A_35, %scan3A_75 : i32
      %broadcast_in_dim3A_77 = arith.constant 0.000000e+00 : f32
      %broadcast_in_dim3A_78 = vector.broadcast %broadcast_in_dim3A_77 : f32 to vector<16xf32>
      %swap3A_79 = arith.index_cast %scan3A_76 : i32 to index
      %swap3A_80 = arith.constant 0 : index
      %swap3A_81 = tpu.vector_load %arg16[%swap3A_79, %swap3A_80] {strides = array<i32>} : memref<250x16xf32, #tpu.memory_space<vmem>>, vector<16xf32>,
      tpu.vector_store %arg16[%swap3A_79, %swap3A_80], %broadcast_in_dim3A_78 {strides = array<i32>} : memref<250x16xf32, #tpu.memory_space<vmem>>, vector<16xf32>,
      %scan3A_82 = arith.constant 0 : i32
      %scan3A_83 = arith.constant 6 : i32
      %scan3A_84 = arith.addi %scan3A_35, %scan3A_83 : i32
      %broadcast_in_dim3A_85 = arith.constant 0.000000e+00 : f32
      %broadcast_in_dim3A_86 = vector.broadcast %broadcast_in_dim3A_85 : f32 to vector<16xf32>
      %swap3A_87 = arith.index_cast %scan3A_84 : i32 to index
      %swap3A_88 = arith.constant 0 : index
      %swap3A_89 = tpu.vector_load %arg16[%swap3A_87, %swap3A_88] {strides = array<i32>} : memref<250x16xf32, #tpu.memory_space<vmem>>, vector<16xf32>,
      tpu.vector_store %arg16[%swap3A_87, %swap3A_88], %broadcast_in_dim3A_86 {strides = array<i32>} : memref<250x16xf32, #tpu.memory_space<vmem>>, vector<16xf32>,
      %scan3A_90 = arith.constant 0 : i32
      %scan3A_91 = arith.constant 7 : i32
      %scan3A_92 = arith.addi %scan3A_35, %scan3A_91 : i32
      %broadcast_in_dim3A_93 = arith.constant 0.000000e+00 : f32
      %broadcast_in_dim3A_94 = vector.broadcast %broadcast_in_dim3A_93 : f32 to vector<16xf32>
      %swap3A_95 = arith.index_cast %scan3A_92 : i32 to index
      %swap3A_96 = arith.constant 0 : index
      %swap3A_97 = tpu.vector_load %arg16[%swap3A_95, %swap3A_96] {strides = array<i32>} : memref<250x16xf32, #tpu.memory_space<vmem>>, vector<16xf32>,
      tpu.vector_store %arg16[%swap3A_95, %swap3A_96], %broadcast_in_dim3A_94 {strides = array<i32>} : memref<250x16xf32, #tpu.memory_space<vmem>>, vector<16xf32>,
      %scan3A_98 = arith.constant 0 : i32
      scf.yield %scan3A_98 : i32
    }
    %scan3A_6 = arith.constant 248 : i32
    %scan3A_7 = arith.addi %scan3A_1, %scan3A_6 : i32
    %broadcast_in_dim3A = arith.constant 0.000000e+00 : f32
    %broadcast_in_dim3A_8 = vector.broadcast %broadcast_in_dim3A : f32 to vector<16xf32>
    %swap3A = arith.index_cast %scan3A_7 : i32 to index
    %swap3A_9 = arith.constant 0 : index
    %swap3A_10 = tpu.vector_load %arg16[%swap3A, %swap3A_9] {strides = array<i32>} : memref<250x16xf32, #tpu.memory_space<vmem>>, vector<16xf32>,
    tpu.vector_store %arg16[%swap3A, %swap3A_9], %broadcast_in_dim3A_8 {strides = array<i32>} : memref<250x16xf32, #tpu.memory_space<vmem>>, vector<16xf32>,
    %scan3A_11 = arith.constant 0 : i32
    %scan3A_12 = arith.constant 249 : i32
    %scan3A_13 = arith.addi %scan3A_1, %scan3A_12 : i32
    %broadcast_in_dim3A_14 = arith.constant 0.000000e+00 : f32
    %broadcast_in_dim3A_15 = vector.broadcast %broadcast_in_dim3A_14 : f32 to vector<16xf32>
    %swap3A_16 = arith.index_cast %scan3A_13 : i32 to index
    %swap3A_17 = arith.constant 0 : index
    %swap3A_18 = tpu.vector_load %arg16[%swap3A_16, %swap3A_17] {strides = array<i32>} : memref<250x16xf32, #tpu.memory_space<vmem>>, vector<16xf32>,
    tpu.vector_store %arg16[%swap3A_16, %swap3A_17], %broadcast_in_dim3A_15 {strides = array<i32>} : memref<250x16xf32, #tpu.memory_space<vmem>>, vector<16xf32>,
    %scan3A_19 = arith.constant 0 : i32
    %scan3A_20 = arith.constant 250 : i32
    %scan3A_21 = arith.constant 0 : i32
    %scan3A_22 = arith.constant 0 : i32
    %scan3A_23 = arith.constant 25 : i32
    %scan3A_24 = arith.addi %scan3A_22, %scan3A_23 : i32
    %scan3A_25 = arith.constant 1 : i32
    %scan3A_26 = scf.for %scan3A_35 = %scan3A_22 to %scan3A_24 step %scan3A_25 iter_args(%scan3A_36 = %scan3A_21) -> (i32)  : i32 {
      %mul3A_37 = arith.constant 250 : i32
      %mul3A_38 = arith.muli %scan3A_35, %mul3A_37 : i32
      %add3A = arith.addi %mul3A_0, %mul3A_38 : i32
      "tpu.region"() ({
        %run_scoped3A = tpu.sem_alloc : memref<!tpu.dma_semaphore, #tpu.memory_space<semaphore_mem>>
        %dma_start3A = arith.constant 0 : i32
        %dma_start3A_40 = tpu.memref_slice %arg17[%add3A, %dma_start3A] : memref<100000x16xf32, #tpu.memory_space<vmem_shared>> -> memref<250x16xf32, #tpu.memory_space<vmem_shared>>
        %dma_start3A_41 = arith.constant 0 : i32
        %dma_start3A_42 = tpu.memref_slice %arg17[%add3A, %dma_start3A_41] : memref<100000x16xf32, #tpu.memory_space<vmem_shared>> -> memref<250x16xf32, #tpu.memory_space<vmem_shared>>
        tpu.enqueue_dma source(%arg16 : memref<250x16xf32, #tpu.memory_space<vmem>>) target(%dma_start3A_42 : memref<250x16xf32, #tpu.memory_space<vmem_shared>>) target_semaphore(%run_scoped3A : memref<!tpu.dma_semaphore, #tpu.memory_space<semaphore_mem>>)
        %dma_wait3A = arith.constant 0 : i32
        %dma_wait3A_43 = tpu.memref_slice %arg17[%add3A, %dma_wait3A] : memref<100000x16xf32, #tpu.memory_space<vmem_shared>> -> memref<250x16xf32, #tpu.memory_space<vmem_shared>>
        %dma_wait3A_44 = arith.constant 0 : i32
        %dma_wait3A_45 = tpu.memref_slice %arg17[%add3A, %dma_wait3A_44] : memref<100000x16xf32, #tpu.memory_space<vmem_shared>> -> memref<250x16xf32, #tpu.memory_space<vmem_shared>>
        tpu.wait_dma2 semaphore(%run_scoped3A : memref<!tpu.dma_semaphore, #tpu.memory_space<semaphore_mem>>) src(%arg16 : memref<250x16xf32, #tpu.memory_space<vmem>>) dst(%dma_wait3A_45 : memref<250x16xf32, #tpu.memory_space<vmem_shared>>)
        tpu.yield
      }) : () -> ()
      %scan3A_39 = arith.constant 0 : i32
      scf.yield %scan3A_39 : i32
    }
    %scan3A_27 = arith.constant 25 : i32
    %barrier3A = arith.constant 0 : index
    tpu.barrier barrier_id(%barrier3A)
    %eq3A = arith.constant 0 : i32
    %eq3A_28 = arith.cmpi eq, %arg0, %eq3A : i32
    %convert_element_type3A = arith.extui %eq3A_28 : i1 to i32
    %cond3A = arith.constant 0 : i32
    %cond3A_29 = arith.cmpi ne, %convert_element_type3A, %cond3A : i32
    scf.if %cond3A_29 {
      %mul3A_35 = arith.constant 100000 : i32
      %mul3A_36 = arith.muli %arg1, %mul3A_35 : i32
      "tpu.trace_start"() <{level = 10 : i32, message = "gs_loop"}> : () -> ()
      "tpu.region"() ({
        %run_scoped3A = tpu.sem_alloc : memref<!tpu.dma_semaphore, #tpu.memory_space<semaphore_mem>>
        %dma_start3A_66 = tpu.memref_slice %arg2[%mul3A_36] : memref<1600000xi32, #tpu.memory_space<hbm>> -> memref<2000xi32, #tpu.memory_space<hbm>>
        %dma_start3A_67 = tpu.memref_slice %arg2[%mul3A_36] : memref<1600000xi32, #tpu.memory_space<hbm>> -> memref<2000xi32, #tpu.memory_space<hbm>>
        tpu.enqueue_dma source(%dma_start3A_67 : memref<2000xi32, #tpu.memory_space<hbm>>) target(%arg10 : memref<2000xi32, #tpu.memory_space<vmem>>) target_semaphore(%run_scoped3A : memref<!tpu.dma_semaphore, #tpu.memory_space<semaphore_mem>>)
        %dma_wait3A_68 = tpu.memref_slice %arg2[%mul3A_36] : memref<1600000xi32, #tpu.memory_space<hbm>> -> memref<2000xi32, #tpu.memory_space<hbm>>
        %dma_wait3A_69 = tpu.memref_slice %arg2[%mul3A_36] : memref<1600000xi32, #tpu.memory_space<hbm>> -> memref<2000xi32, #tpu.memory_space<hbm>>
        tpu.wait_dma2 semaphore(%run_scoped3A : memref<!tpu.dma_semaphore, #tpu.memory_space<semaphore_mem>>) src(%dma_wait3A_69 : memref<2000xi32, #tpu.memory_space<hbm>>) dst(%arg10 : memref<2000xi32, #tpu.memory_space<vmem>>)
        tpu.yield
      }) : () -> ()
      "tpu.region"() ({
        %run_scoped3A = tpu.sem_alloc : memref<!tpu.dma_semaphore, #tpu.memory_space<semaphore_mem>>
        %dma_start3A_66 = tpu.memref_slice %arg3[%mul3A_36] : memref<1600000xi32, #tpu.memory_space<hbm>> -> memref<2000xi32, #tpu.memory_space<hbm>>
        %dma_start3A_67 = tpu.memref_slice %arg3[%mul3A_36] : memref<1600000xi32, #tpu.memory_space<hbm>> -> memref<2000xi32, #tpu.memory_space<hbm>>
        tpu.enqueue_dma source(%dma_start3A_67 : memref<2000xi32, #tpu.memory_space<hbm>>) target(%arg11 : memref<2000xi32, #tpu.memory_space<vmem>>) target_semaphore(%run_scoped3A : memref<!tpu.dma_semaphore, #tpu.memory_space<semaphore_mem>>)
        %dma_wait3A_68 = tpu.memref_slice %arg3[%mul3A_36] : memref<1600000xi32, #tpu.memory_space<hbm>> -> memref<2000xi32, #tpu.memory_space<hbm>>
        %dma_wait3A_69 = tpu.memref_slice %arg3[%mul3A_36] : memref<1600000xi32, #tpu.memory_space<hbm>> -> memref<2000xi32, #tpu.memory_space<hbm>>
        tpu.wait_dma2 semaphore(%run_scoped3A : memref<!tpu.dma_semaphore, #tpu.memory_space<semaphore_mem>>) src(%dma_wait3A_69 : memref<2000xi32, #tpu.memory_space<hbm>>) dst(%arg11 : memref<2000xi32, #tpu.memory_space<vmem>>)
        tpu.yield
      }) : () -> ()
      %add3A = arith.constant 2000 : i32
      %add3A_37 = arith.addi %mul3A_36, %add3A : i32
      %dma_start3A = tpu.memref_slice %arg2[%add3A_37] : memref<1600000xi32, #tpu.memory_space<hbm>> -> memref<2000xi32, #tpu.memory_space<hbm>>
      %dma_start3A_38 = tpu.memref_slice %arg2[%add3A_37] : memref<1600000xi32, #tpu.memory_space<hbm>> -> memref<2000xi32, #tpu.memory_space<hbm>>
      tpu.enqueue_dma source(%dma_start3A_38 : memref<2000xi32, #tpu.memory_space<hbm>>) target(%arg12 : memref<2000xi32, #tpu.memory_space<vmem>>) target_semaphore(%arg19 : memref<!tpu.dma_semaphore, #tpu.memory_space<semaphore_mem>>)
      %dma_start3A_39 = tpu.memref_slice %arg3[%add3A_37] : memref<1600000xi32, #tpu.memory_space<hbm>> -> memref<2000xi32, #tpu.memory_space<hbm>>
      %dma_start3A_40 = tpu.memref_slice %arg3[%add3A_37] : memref<1600000xi32, #tpu.memory_space<hbm>> -> memref<2000xi32, #tpu.memory_space<hbm>>
      tpu.enqueue_dma source(%dma_start3A_40 : memref<2000xi32, #tpu.memory_space<hbm>>) target(%arg13 : memref<2000xi32, #tpu.memory_space<vmem>>) target_semaphore(%arg19 : memref<!tpu.dma_semaphore, #tpu.memory_space<semaphore_mem>>)
      %dma_start3A_41 = arith.constant 0 : i32
      %dma_start3A_42 = tpu.memref_slice %arg11[%dma_start3A_41] : memref<2000xi32, #tpu.memory_space<vmem>> -> memref<400xi32, #tpu.memory_space<vmem>>
      %dma_start3A_43 = arith.constant 0 : i32
      %dma_start3A_44 = arith.constant 0 : i32
      %dma_start3A_45 = tpu.memref_slice %arg5[%dma_start3A_43, %dma_start3A_44] : memref<100000x16xf32, #tpu.memory_space<hbm>> -> memref<100000x16xf32, #tpu.memory_space<hbm>>
      tpu.enqueue_indirect_dma source(%dma_start3A_45 : memref<100000x16xf32, #tpu.memory_space<hbm>>) target(%arg14 : memref<400x16xf32, #tpu.memory_space<vmem>>) offsets(%dma_start3A_42 : memref<400xi32, #tpu.memory_space<vmem>>) semaphore(%arg20 : memref<!tpu.dma_semaphore, #tpu.memory_space<semaphore_mem>>)
      %scan3A_46 = arith.constant 0 : i32
      %scan3A_47 = arith.constant 0 : i32
      %scan3A_48 = arith.constant 25 : i32
      %scan3A_49 = arith.addi %scan3A_47, %scan3A_48 : i32
      %scan3A_50 = arith.constant 1 : i32
      %scan3A_51 = scf.for %scan3A_66 = %scan3A_47 to %scan3A_49 step %scan3A_50 iter_args(%scan3A_67 = %scan3A_46) -> (i32)  : i32 {
        %gt3A = arith.constant 0 : i32
        %gt3A_68 = arith.cmpi sgt, %scan3A_66, %gt3A : i32
        %convert_element_type3A_69 = arith.extui %gt3A_68 : i1 to i32
        %cond3A_70 = arith.constant 0 : i32
        %cond3A_71 = arith.cmpi ne, %convert_element_type3A_69, %cond3A_70 : i32
        scf.if %cond3A_71 {
          %dma_wait3A_299 = arith.constant 0 : i32
          %dma_wait3A_300 = arith.constant 0 : i32
          %dma_wait3A_301 = tpu.memref_slice %arg5[%dma_wait3A_299, %dma_wait3A_300] : memref<100000x16xf32, #tpu.memory_space<hbm>> -> memref<400x16xf32, #tpu.memory_space<hbm>>
          %dma_wait3A_302 = arith.constant 0 : i32
          %dma_wait3A_303 = arith.constant 0 : i32
          %dma_wait3A_304 = tpu.memref_slice %arg5[%dma_wait3A_302, %dma_wait3A_303] : memref<100000x16xf32, #tpu.memory_space<hbm>> -> memref<400x16xf32, #tpu.memory_space<hbm>>
          tpu.wait_dma2 semaphore(%arg23 : memref<!tpu.dma_semaphore, #tpu.memory_space<semaphore_mem>>) src(%dma_wait3A_304 : memref<400x16xf32, #tpu.memory_space<hbm>>) dst(%arg15 : memref<400x16xf32, #tpu.memory_space<vmem>>)
          %mul3A_305 = arith.constant 2 : i32
          %mul3A_306 = arith.muli %mul3A_305, %scan3A_66 : i32
          %add3A_307 = arith.constant 1 : i32
          %add3A_308 = arith.addi %mul3A_306, %add3A_307 : i32
          %mul3A_309 = arith.constant 2000 : i32
          %mul3A_310 = arith.muli %add3A_308, %mul3A_309 : i32
          %add3A_311 = arith.addi %mul3A_36, %mul3A_310 : i32
          %dma_start3A_312 = tpu.memref_slice %arg2[%add3A_311] : memref<1600000xi32, #tpu.memory_space<hbm>> -> memref<2000xi32, #tpu.memory_space<hbm>>
          %dma_start3A_313 = tpu.memref_slice %arg2[%add3A_311] : memref<1600000xi32, #tpu.memory_space<hbm>> -> memref<2000xi32, #tpu.memory_space<hbm>>
          tpu.enqueue_dma source(%dma_start3A_313 : memref<2000xi32, #tpu.memory_space<hbm>>) target(%arg12 : memref<2000xi32, #tpu.memory_space<vmem>>) target_semaphore(%arg19 : memref<!tpu.dma_semaphore, #tpu.memory_space<semaphore_mem>>)
          %dma_start3A_314 = tpu.memref_slice %arg3[%add3A_311] : memref<1600000xi32, #tpu.memory_space<hbm>> -> memref<2000xi32, #tpu.memory_space<hbm>>
          %dma_start3A_315 = tpu.memref_slice %arg3[%add3A_311] : memref<1600000xi32, #tpu.memory_space<hbm>> -> memref<2000xi32, #tpu.memory_space<hbm>>
          tpu.enqueue_dma source(%dma_start3A_315 : memref<2000xi32, #tpu.memory_space<hbm>>) target(%arg13 : memref<2000xi32, #tpu.memory_space<vmem>>) target_semaphore(%arg19 : memref<!tpu.dma_semaphore, #tpu.memory_space<semaphore_mem>>)
        } else {
        }
        %dma_start3A_72 = arith.constant 400 : i32
        %dma_start3A_73 = tpu.memref_slice %arg11[%dma_start3A_72] : memref<2000xi32, #tpu.memory_space<vmem>> -> memref<400xi32, #tpu.memory_space<vmem>>
        %dma_start3A_74 = arith.constant 0 : i32
        %dma_start3A_75 = arith.constant 0 : i32
        %dma_start3A_76 = tpu.memref_slice %arg5[%dma_start3A_74, %dma_start3A_75] : memref<100000x16xf32, #tpu.memory_space<hbm>> -> memref<100000x16xf32, #tpu.memory_space<hbm>>
        tpu.enqueue_indirect_dma source(%dma_start3A_76 : memref<100000x16xf32, #tpu.memory_space<hbm>>) target(%arg15 : memref<400x16xf32, #tpu.memory_space<vmem>>) offsets(%dma_start3A_73 : memref<400xi32, #tpu.memory_space<vmem>>) semaphore(%arg21 : memref<!tpu.dma_semaphore, #tpu.memory_space<semaphore_mem>>)
        %dma_wait3A_77 = arith.constant 0 : i32
        %dma_wait3A_78 = arith.constant 0 : i32
        %dma_wait3A_79 = tpu.memref_slice %arg5[%dma_wait3A_77, %dma_wait3A_78] : memref<100000x16xf32, #tpu.memory_space<hbm>> -> memref<400x16xf32, #tpu.memory_space<hbm>>
        %dma_wait3A_80 = arith.constant 0 : i32
        %dma_wait3A_81 = arith.constant 0 : i32
        %dma_wait3A_82 = tpu.memref_slice %arg5[%dma_wait3A_80, %dma_wait3A_81] : memref<100000x16xf32, #tpu.memory_space<hbm>> -> memref<400x16xf32, #tpu.memory_space<hbm>>
        tpu.wait_dma2 semaphore(%arg20 : memref<!tpu.dma_semaphore, #tpu.memory_space<semaphore_mem>>) src(%dma_wait3A_82 : memref<400x16xf32, #tpu.memory_space<hbm>>) dst(%arg14 : memref<400x16xf32, #tpu.memory_space<vmem>>)
        %dma_start3A_83 = arith.constant 0 : i32
        %dma_start3A_84 = tpu.memref_slice %arg10[%dma_start3A_83] : memref<2000xi32, #tpu.memory_space<vmem>> -> memref<400xi32, #tpu.memory_space<vmem>>
        %dma_start3A_85 = arith.constant 0 : i32
        %dma_start3A_86 = arith.constant 0 : i32
        %dma_start3A_87 = tpu.memref_slice %arg17[%dma_start3A_85, %dma_start3A_86] : memref<100000x16xf32, #tpu.memory_space<vmem_shared>> -> memref<100000x16xf32, #tpu.memory_space<vmem_shared>>
        tpu.enqueue_indirect_dma source(%arg14 : memref<400x16xf32, #tpu.memory_space<vmem>>) target(%dma_start3A_87 : memref<100000x16xf32, #tpu.memory_space<vmem_shared>>) offsets(%dma_start3A_84 : memref<400xi32, #tpu.memory_space<vmem>>) semaphore(%arg22 : memref<!tpu.dma_semaphore, #tpu.memory_space<semaphore_mem>>) {add = true}
        %dma_wait3A_88 = arith.constant 0 : i32
        %dma_wait3A_89 = arith.constant 0 : i32
        %dma_wait3A_90 = tpu.memref_slice %arg5[%dma_wait3A_88, %dma_wait3A_89] : memref<100000x16xf32, #tpu.memory_space<hbm>> -> memref<400x16xf32, #tpu.memory_space<hbm>>
        %dma_wait3A_91 = arith.constant 0 : i32
        %dma_wait3A_92 = arith.constant 0 : i32
        %dma_wait3A_93 = tpu.memref_slice %arg5[%dma_wait3A_91, %dma_wait3A_92] : memref<100000x16xf32, #tpu.memory_space<hbm>> -> memref<400x16xf32, #tpu.memory_space<hbm>>
        tpu.wait_dma2 semaphore(%arg22 : memref<!tpu.dma_semaphore, #tpu.memory_space<semaphore_mem>>) src(%dma_wait3A_93 : memref<400x16xf32, #tpu.memory_space<hbm>>) dst(%arg14 : memref<400x16xf32, #tpu.memory_space<vmem>>)
        %dma_start3A_94 = arith.constant 800 : i32
        %dma_start3A_95 = tpu.memref_slice %arg11[%dma_start3A_94] : memref<2000xi32, #tpu.memory_space<vmem>> -> memref<400xi32, #tpu.memory_space<vmem>>
        %dma_start3A_96 = arith.constant 0 : i32
        %dma_start3A_97 = arith.constant 0 : i32
        %dma_start3A_98 = tpu.memref_slice %arg5[%dma_start3A_96, %dma_start3A_97] : memref<100000x16xf32, #tpu.memory_space<hbm>> -> memref<100000x16xf32, #tpu.memory_space<hbm>>
        tpu.enqueue_indirect_dma source(%dma_start3A_98 : memref<100000x16xf32, #tpu.memory_space<hbm>>) target(%arg14 : memref<400x16xf32, #tpu.memory_space<vmem>>) offsets(%dma_start3A_95 : memref<400xi32, #tpu.memory_space<vmem>>) semaphore(%arg20 : memref<!tpu.dma_semaphore, #tpu.memory_space<semaphore_mem>>)
        %dma_wait3A_99 = arith.constant 0 : i32
        %dma_wait3A_100 = arith.constant 0 : i32
        %dma_wait3A_101 = tpu.memref_slice %arg5[%dma_wait3A_99, %dma_wait3A_100] : memref<100000x16xf32, #tpu.memory_space<hbm>> -> memref<400x16xf32, #tpu.memory_space<hbm>>
        %dma_wait3A_102 = arith.constant 0 : i32
        %dma_wait3A_103 = arith.constant 0 : i32
        %dma_wait3A_104 = tpu.memref_slice %arg5[%dma_wait3A_102, %dma_wait3A_103] : memref<100000x16xf32, #tpu.memory_space<hbm>> -> memref<400x16xf32, #tpu.memory_space<hbm>>
        tpu.wait_dma2 semaphore(%arg21 : memref<!tpu.dma_semaphore, #tpu.memory_space<semaphore_mem>>) src(%dma_wait3A_104 : memref<400x16xf32, #tpu.memory_space<hbm>>) dst(%arg15 : memref<400x16xf32, #tpu.memory_space<vmem>>)
        %dma_start3A_105 = arith.constant 400 : i32
        %dma_start3A_106 = tpu.memref_slice %arg10[%dma_start3A_105] : memref<2000xi32, #tpu.memory_space<vmem>> -> memref<400xi32, #tpu.memory_space<vmem>>
        %dma_start3A_107 = arith.constant 0 : i32
        %dma_start3A_108 = arith.constant 0 : i32
        %dma_start3A_109 = tpu.memref_slice %arg17[%dma_start3A_107, %dma_start3A_108] : memref<100000x16xf32, #tpu.memory_space<vmem_shared>> -> memref<100000x16xf32, #tpu.memory_space<vmem_shared>>
        tpu.enqueue_indirect_dma source(%arg15 : memref<400x16xf32, #tpu.memory_space<vmem>>) target(%dma_start3A_109 : memref<100000x16xf32, #tpu.memory_space<vmem_shared>>) offsets(%dma_start3A_106 : memref<400xi32, #tpu.memory_space<vmem>>) semaphore(%arg23 : memref<!tpu.dma_semaphore, #tpu.memory_space<semaphore_mem>>) {add = true}
        %dma_wait3A_110 = arith.constant 0 : i32
        %dma_wait3A_111 = arith.constant 0 : i32
        %dma_wait3A_112 = tpu.memref_slice %arg5[%dma_wait3A_110, %dma_wait3A_111] : memref<100000x16xf32, #tpu.memory_space<hbm>> -> memref<400x16xf32, #tpu.memory_space<hbm>>
        %dma_wait3A_113 = arith.constant 0 : i32
        %dma_wait3A_114 = arith.constant 0 : i32
        %dma_wait3A_115 = tpu.memref_slice %arg5[%dma_wait3A_113, %dma_wait3A_114] : memref<100000x16xf32, #tpu.memory_space<hbm>> -> memref<400x16xf32, #tpu.memory_space<hbm>>
        tpu.wait_dma2 semaphore(%arg23 : memref<!tpu.dma_semaphore, #tpu.memory_space<semaphore_mem>>) src(%dma_wait3A_115 : memref<400x16xf32, #tpu.memory_space<hbm>>) dst(%arg15 : memref<400x16xf32, #tpu.memory_space<vmem>>)
        %dma_start3A_116 = arith.constant 1200 : i32
        %dma_start3A_117 = tpu.memref_slice %arg11[%dma_start3A_116] : memref<2000xi32, #tpu.memory_space<vmem>> -> memref<400xi32, #tpu.memory_space<vmem>>
        %dma_start3A_118 = arith.constant 0 : i32
        %dma_start3A_119 = arith.constant 0 : i32
        %dma_start3A_120 = tpu.memref_slice %arg5[%dma_start3A_118, %dma_start3A_119] : memref<100000x16xf32, #tpu.memory_space<hbm>> -> memref<100000x16xf32, #tpu.memory_space<hbm>>
        tpu.enqueue_indirect_dma source(%dma_start3A_120 : memref<100000x16xf32, #tpu.memory_space<hbm>>) target(%arg15 : memref<400x16xf32, #tpu.memory_space<vmem>>) offsets(%dma_start3A_117 : memref<400xi32, #tpu.memory_space<vmem>>) semaphore(%arg21 : memref<!tpu.dma_semaphore, #tpu.memory_space<semaphore_mem>>)
        %dma_wait3A_121 = arith.constant 0 : i32
        %dma_wait3A_122 = arith.constant 0 : i32
        %dma_wait3A_123 = tpu.memref_slice %arg5[%dma_wait3A_121, %dma_wait3A_122] : memref<100000x16xf32, #tpu.memory_space<hbm>> -> memref<400x16xf32, #tpu.memory_space<hbm>>
        %dma_wait3A_124 = arith.constant 0 : i32
        %dma_wait3A_125 = arith.constant 0 : i32
        %dma_wait3A_126 = tpu.memref_slice %arg5[%dma_wait3A_124, %dma_wait3A_125] : memref<100000x16xf32, #tpu.memory_space<hbm>> -> memref<400x16xf32, #tpu.memory_space<hbm>>
        tpu.wait_dma2 semaphore(%arg20 : memref<!tpu.dma_semaphore, #tpu.memory_space<semaphore_mem>>) src(%dma_wait3A_126 : memref<400x16xf32, #tpu.memory_space<hbm>>) dst(%arg14 : memref<400x16xf32, #tpu.memory_space<vmem>>)
        %dma_start3A_127 = arith.constant 800 : i32
        %dma_start3A_128 = tpu.memref_slice %arg10[%dma_start3A_127] : memref<2000xi32, #tpu.memory_space<vmem>> -> memref<400xi32, #tpu.memory_space<vmem>>
        %dma_start3A_129 = arith.constant 0 : i32
        %dma_start3A_130 = arith.constant 0 : i32
        %dma_start3A_131 = tpu.memref_slice %arg17[%dma_start3A_129, %dma_start3A_130] : memref<100000x16xf32, #tpu.memory_space<vmem_shared>> -> memref<100000x16xf32, #tpu.memory_space<vmem_shared>>
        tpu.enqueue_indirect_dma source(%arg14 : memref<400x16xf32, #tpu.memory_space<vmem>>) target(%dma_start3A_131 : memref<100000x16xf32, #tpu.memory_space<vmem_shared>>) offsets(%dma_start3A_128 : memref<400xi32, #tpu.memory_space<vmem>>) semaphore(%arg22 : memref<!tpu.dma_semaphore, #tpu.memory_space<semaphore_mem>>) {add = true}
        %dma_wait3A_132 = arith.constant 0 : i32
        %dma_wait3A_133 = arith.constant 0 : i32
        %dma_wait3A_134 = tpu.memref_slice %arg5[%dma_wait3A_132, %dma_wait3A_133] : memref<100000x16xf32, #tpu.memory_space<hbm>> -> memref<400x16xf32, #tpu.memory_space<hbm>>
        %dma_wait3A_135 = arith.constant 0 : i32
        %dma_wait3A_136 = arith.constant 0 : i32
        %dma_wait3A_137 = tpu.memref_slice %arg5[%dma_wait3A_135, %dma_wait3A_136] : memref<100000x16xf32, #tpu.memory_space<hbm>> -> memref<400x16xf32, #tpu.memory_space<hbm>>
        tpu.wait_dma2 semaphore(%arg22 : memref<!tpu.dma_semaphore, #tpu.memory_space<semaphore_mem>>) src(%dma_wait3A_137 : memref<400x16xf32, #tpu.memory_space<hbm>>) dst(%arg14 : memref<400x16xf32, #tpu.memory_space<vmem>>)
        %dma_start3A_138 = arith.constant 1600 : i32
        %dma_start3A_139 = tpu.memref_slice %arg11[%dma_start3A_138] : memref<2000xi32, #tpu.memory_space<vmem>> -> memref<400xi32, #tpu.memory_space<vmem>>
        %dma_start3A_140 = arith.constant 0 : i32
        %dma_start3A_141 = arith.constant 0 : i32
        %dma_start3A_142 = tpu.memref_slice %arg5[%dma_start3A_140, %dma_start3A_141] : memref<100000x16xf32, #tpu.memory_space<hbm>> -> memref<100000x16xf32, #tpu.memory_space<hbm>>
        tpu.enqueue_indirect_dma source(%dma_start3A_142 : memref<100000x16xf32, #tpu.memory_space<hbm>>) target(%arg14 : memref<400x16xf32, #tpu.memory_space<vmem>>) offsets(%dma_start3A_139 : memref<400xi32, #tpu.memory_space<vmem>>) semaphore(%arg20 : memref<!tpu.dma_semaphore, #tpu.memory_space<semaphore_mem>>)
        %dma_wait3A_143 = arith.constant 0 : i32
        %dma_wait3A_144 = arith.constant 0 : i32
        %dma_wait3A_145 = tpu.memref_slice %arg5[%dma_wait3A_143, %dma_wait3A_144] : memref<100000x16xf32, #tpu.memory_space<hbm>> -> memref<400x16xf32, #tpu.memory_space<hbm>>
        %dma_wait3A_146 = arith.constant 0 : i32
        %dma_wait3A_147 = arith.constant 0 : i32
        %dma_wait3A_148 = tpu.memref_slice %arg5[%dma_wait3A_146, %dma_wait3A_147] : memref<100000x16xf32, #tpu.memory_space<hbm>> -> memref<400x16xf32, #tpu.memory_space<hbm>>
        tpu.wait_dma2 semaphore(%arg21 : memref<!tpu.dma_semaphore, #tpu.memory_space<semaphore_mem>>) src(%dma_wait3A_148 : memref<400x16xf32, #tpu.memory_space<hbm>>) dst(%arg15 : memref<400x16xf32, #tpu.memory_space<vmem>>)
        %dma_start3A_149 = arith.constant 1200 : i32
        %dma_start3A_150 = tpu.memref_slice %arg10[%dma_start3A_149] : memref<2000xi32, #tpu.memory_space<vmem>> -> memref<400xi32, #tpu.memory_space<vmem>>
        %dma_start3A_151 = arith.constant 0 : i32
        %dma_start3A_152 = arith.constant 0 : i32
        %dma_start3A_153 = tpu.memref_slice %arg17[%dma_start3A_151, %dma_start3A_152] : memref<100000x16xf32, #tpu.memory_space<vmem_shared>> -> memref<100000x16xf32, #tpu.memory_space<vmem_shared>>
        tpu.enqueue_indirect_dma source(%arg15 : memref<400x16xf32, #tpu.memory_space<vmem>>) target(%dma_start3A_153 : memref<100000x16xf32, #tpu.memory_space<vmem_shared>>) offsets(%dma_start3A_150 : memref<400xi32, #tpu.memory_space<vmem>>) semaphore(%arg23 : memref<!tpu.dma_semaphore, #tpu.memory_space<semaphore_mem>>) {add = true}
        %dma_wait3A_154 = arith.constant 0 : i32
        %dma_wait3A_155 = arith.constant 0 : i32
        %dma_wait3A_156 = tpu.memref_slice %arg5[%dma_wait3A_154, %dma_wait3A_155] : memref<100000x16xf32, #tpu.memory_space<hbm>> -> memref<400x16xf32, #tpu.memory_space<hbm>>
        %dma_wait3A_157 = arith.constant 0 : i32
        %dma_wait3A_158 = arith.constant 0 : i32
        %dma_wait3A_159 = tpu.memref_slice %arg5[%dma_wait3A_157, %dma_wait3A_158] : memref<100000x16xf32, #tpu.memory_space<hbm>> -> memref<400x16xf32, #tpu.memory_space<hbm>>
        tpu.wait_dma2 semaphore(%arg23 : memref<!tpu.dma_semaphore, #tpu.memory_space<semaphore_mem>>) src(%dma_wait3A_159 : memref<400x16xf32, #tpu.memory_space<hbm>>) dst(%arg15 : memref<400x16xf32, #tpu.memory_space<vmem>>)
        %dma_wait3A_160 = arith.constant 0 : i32
        %dma_wait3A_161 = tpu.memref_slice %arg2[%dma_wait3A_160] : memref<1600000xi32, #tpu.memory_space<hbm>> -> memref<2000xi32, #tpu.memory_space<hbm>>
        %dma_wait3A_162 = arith.constant 0 : i32
        %dma_wait3A_163 = tpu.memref_slice %arg2[%dma_wait3A_162] : memref<1600000xi32, #tpu.memory_space<hbm>> -> memref<2000xi32, #tpu.memory_space<hbm>>
        tpu.wait_dma2 semaphore(%arg19 : memref<!tpu.dma_semaphore, #tpu.memory_space<semaphore_mem>>) src(%dma_wait3A_163 : memref<2000xi32, #tpu.memory_space<hbm>>) dst(%arg12 : memref<2000xi32, #tpu.memory_space<vmem>>)
        %dma_wait3A_164 = arith.constant 0 : i32
        %dma_wait3A_165 = tpu.memref_slice %arg3[%dma_wait3A_164] : memref<1600000xi32, #tpu.memory_space<hbm>> -> memref<2000xi32, #tpu.memory_space<hbm>>
        %dma_wait3A_166 = arith.constant 0 : i32
        %dma_wait3A_167 = tpu.memref_slice %arg3[%dma_wait3A_166] : memref<1600000xi32, #tpu.memory_space<hbm>> -> memref<2000xi32, #tpu.memory_space<hbm>>
        tpu.wait_dma2 semaphore(%arg19 : memref<!tpu.dma_semaphore, #tpu.memory_space<semaphore_mem>>) src(%dma_wait3A_167 : memref<2000xi32, #tpu.memory_space<hbm>>) dst(%arg13 : memref<2000xi32, #tpu.memory_space<vmem>>)
        %dma_start3A_168 = arith.constant 0 : i32
        %dma_start3A_169 = tpu.memref_slice %arg13[%dma_start3A_168] : memref<2000xi32, #tpu.memory_space<vmem>> -> memref<400xi32, #tpu.memory_space<vmem>>
        %dma_start3A_170 = arith.constant 0 : i32
        %dma_start3A_171 = arith.constant 0 : i32
        %dma_start3A_172 = tpu.memref_slice %arg5[%dma_start3A_170, %dma_start3A_171] : memref<100000x16xf32, #tpu.memory_space<hbm>> -> memref<100000x16xf32, #tpu.memory_space<hbm>>
        tpu.enqueue_indirect_dma source(%dma_start3A_172 : memref<100000x16xf32, #tpu.memory_space<hbm>>) target(%arg15 : memref<400x16xf32, #tpu.memory_space<vmem>>) offsets(%dma_start3A_169 : memref<400xi32, #tpu.memory_space<vmem>>) semaphore(%arg21 : memref<!tpu.dma_semaphore, #tpu.memory_space<semaphore_mem>>)
        %dma_wait3A_173 = arith.constant 0 : i32
        %dma_wait3A_174 = arith.constant 0 : i32
        %dma_wait3A_175 = tpu.memref_slice %arg5[%dma_wait3A_173, %dma_wait3A_174] : memref<100000x16xf32, #tpu.memory_space<hbm>> -> memref<400x16xf32, #tpu.memory_space<hbm>>
        %dma_wait3A_176 = arith.constant 0 : i32
        %dma_wait3A_177 = arith.constant 0 : i32
        %dma_wait3A_178 = tpu.memref_slice %arg5[%dma_wait3A_176, %dma_wait3A_177] : memref<100000x16xf32, #tpu.memory_space<hbm>> -> memref<400x16xf32, #tpu.memory_space<hbm>>
        tpu.wait_dma2 semaphore(%arg20 : memref<!tpu.dma_semaphore, #tpu.memory_space<semaphore_mem>>) src(%dma_wait3A_178 : memref<400x16xf32, #tpu.memory_space<hbm>>) dst(%arg14 : memref<400x16xf32, #tpu.memory_space<vmem>>)
        %dma_start3A_179 = arith.constant 1600 : i32
        %dma_start3A_180 = tpu.memref_slice %arg10[%dma_start3A_179] : memref<2000xi32, #tpu.memory_space<vmem>> -> memref<400xi32, #tpu.memory_space<vmem>>
        %dma_start3A_181 = arith.constant 0 : i32
        %dma_start3A_182 = arith.constant 0 : i32
        %dma_start3A_183 = tpu.memref_slice %arg17[%dma_start3A_181, %dma_start3A_182] : memref<100000x16xf32, #tpu.memory_space<vmem_shared>> -> memref<100000x16xf32, #tpu.memory_space<vmem_shared>>
        tpu.enqueue_indirect_dma source(%arg14 : memref<400x16xf32, #tpu.memory_space<vmem>>) target(%dma_start3A_183 : memref<100000x16xf32, #tpu.memory_space<vmem_shared>>) offsets(%dma_start3A_180 : memref<400xi32, #tpu.memory_space<vmem>>) semaphore(%arg22 : memref<!tpu.dma_semaphore, #tpu.memory_space<semaphore_mem>>) {add = true}
        %dma_wait3A_184 = arith.constant 0 : i32
        %dma_wait3A_185 = arith.constant 0 : i32
        %dma_wait3A_186 = tpu.memref_slice %arg5[%dma_wait3A_184, %dma_wait3A_185] : memref<100000x16xf32, #tpu.memory_space<hbm>> -> memref<400x16xf32, #tpu.memory_space<hbm>>
        %dma_wait3A_187 = arith.constant 0 : i32
        %dma_wait3A_188 = arith.constant 0 : i32
        %dma_wait3A_189 = tpu.memref_slice %arg5[%dma_wait3A_187, %dma_wait3A_188] : memref<100000x16xf32, #tpu.memory_space<hbm>> -> memref<400x16xf32, #tpu.memory_space<hbm>>
        tpu.wait_dma2 semaphore(%arg22 : memref<!tpu.dma_semaphore, #tpu.memory_space<semaphore_mem>>) src(%dma_wait3A_189 : memref<400x16xf32, #tpu.memory_space<hbm>>) dst(%arg14 : memref<400x16xf32, #tpu.memory_space<vmem>>)
        %lt3A = arith.constant 24 : i32
        %lt3A_190 = arith.cmpi slt, %scan3A_66, %lt3A : i32
        %convert_element_type3A_191 = arith.extui %lt3A_190 : i1 to i32
        %cond3A_192 = arith.constant 0 : i32
        %cond3A_193 = arith.cmpi ne, %convert_element_type3A_191, %cond3A_192 : i32
        scf.if %cond3A_193 {
          %mul3A_299 = arith.constant 2 : i32
          %mul3A_300 = arith.muli %mul3A_299, %scan3A_66 : i32
          %add3A_301 = arith.constant 2 : i32
          %add3A_302 = arith.addi %mul3A_300, %add3A_301 : i32
          %mul3A_303 = arith.constant 2000 : i32
          %mul3A_304 = arith.muli %add3A_302, %mul3A_303 : i32
          %add3A_305 = arith.addi %mul3A_36, %mul3A_304 : i32
          %dma_start3A_306 = tpu.memref_slice %arg2[%add3A_305] : memref<1600000xi32, #tpu.memory_space<hbm>> -> memref<2000xi32, #tpu.memory_space<hbm>>
          %dma_start3A_307 = tpu.memref_slice %arg2[%add3A_305] : memref<1600000xi32, #tpu.memory_space<hbm>> -> memref<2000xi32, #tpu.memory_space<hbm>>
          tpu.enqueue_dma source(%dma_start3A_307 : memref<2000xi32, #tpu.memory_space<hbm>>) target(%arg10 : memref<2000xi32, #tpu.memory_space<vmem>>) target_semaphore(%arg18 : memref<!tpu.dma_semaphore, #tpu.memory_space<semaphore_mem>>)
          %dma_start3A_308 = tpu.memref_slice %arg3[%add3A_305] : memref<1600000xi32, #tpu.memory_space<hbm>> -> memref<2000xi32, #tpu.memory_space<hbm>>
          %dma_start3A_309 = tpu.memref_slice %arg3[%add3A_305] : memref<1600000xi32, #tpu.memory_space<hbm>> -> memref<2000xi32, #tpu.memory_space<hbm>>
          tpu.enqueue_dma source(%dma_start3A_309 : memref<2000xi32, #tpu.memory_space<hbm>>) target(%arg11 : memref<2000xi32, #tpu.memory_space<vmem>>) target_semaphore(%arg18 : memref<!tpu.dma_semaphore, #tpu.memory_space<semaphore_mem>>)
        } else {
        }
        %dma_start3A_194 = arith.constant 400 : i32
        %dma_start3A_195 = tpu.memref_slice %arg13[%dma_start3A_194] : memref<2000xi32, #tpu.memory_space<vmem>> -> memref<400xi32, #tpu.memory_space<vmem>>
        %dma_start3A_196 = arith.constant 0 : i32
        %dma_start3A_197 = arith.constant 0 : i32
        %dma_start3A_198 = tpu.memref_slice %arg5[%dma_start3A_196, %dma_start3A_197] : memref<100000x16xf32, #tpu.memory_space<hbm>> -> memref<100000x16xf32, #tpu.memory_space<hbm>>
        tpu.enqueue_indirect_dma source(%dma_start3A_198 : memref<100000x16xf32, #tpu.memory_space<hbm>>) target(%arg14 : memref<400x16xf32, #tpu.memory_space<vmem>>) offsets(%dma_start3A_195 : memref<400xi32, #tpu.memory_space<vmem>>) semaphore(%arg20 : memref<!tpu.dma_semaphore, #tpu.memory_space<semaphore_mem>>)
        %dma_wait3A_199 = arith.constant 0 : i32
        %dma_wait3A_200 = arith.constant 0 : i32
        %dma_wait3A_201 = tpu.memref_slice %arg5[%dma_wait3A_199, %dma_wait3A_200] : memref<100000x16xf32, #tpu.memory_space<hbm>> -> memref<400x16xf32, #tpu.memory_space<hbm>>
        %dma_wait3A_202 = arith.constant 0 : i32
        %dma_wait3A_203 = arith.constant 0 : i32
        %dma_wait3A_204 = tpu.memref_slice %arg5[%dma_wait3A_202, %dma_wait3A_203] : memref<100000x16xf32, #tpu.memory_space<hbm>> -> memref<400x16xf32, #tpu.memory_space<hbm>>
        tpu.wait_dma2 semaphore(%arg21 : memref<!tpu.dma_semaphore, #tpu.memory_space<semaphore_mem>>) src(%dma_wait3A_204 : memref<400x16xf32, #tpu.memory_space<hbm>>) dst(%arg15 : memref<400x16xf32, #tpu.memory_space<vmem>>)
        %dma_start3A_205 = arith.constant 0 : i32
        %dma_start3A_206 = tpu.memref_slice %arg12[%dma_start3A_205] : memref<2000xi32, #tpu.memory_space<vmem>> -> memref<400xi32, #tpu.memory_space<vmem>>
        %dma_start3A_207 = arith.constant 0 : i32
        %dma_start3A_208 = arith.constant 0 : i32
        %dma_start3A_209 = tpu.memref_slice %arg17[%dma_start3A_207, %dma_start3A_208] : memref<100000x16xf32, #tpu.memory_space<vmem_shared>> -> memref<100000x16xf32, #tpu.memory_space<vmem_shared>>
        tpu.enqueue_indirect_dma source(%arg15 : memref<400x16xf32, #tpu.memory_space<vmem>>) target(%dma_start3A_209 : memref<100000x16xf32, #tpu.memory_space<vmem_shared>>) offsets(%dma_start3A_206 : memref<400xi32, #tpu.memory_space<vmem>>) semaphore(%arg23 : memref<!tpu.dma_semaphore, #tpu.memory_space<semaphore_mem>>) {add = true}
        %dma_wait3A_210 = arith.constant 0 : i32
        %dma_wait3A_211 = arith.constant 0 : i32
        %dma_wait3A_212 = tpu.memref_slice %arg5[%dma_wait3A_210, %dma_wait3A_211] : memref<100000x16xf32, #tpu.memory_space<hbm>> -> memref<400x16xf32, #tpu.memory_space<hbm>>
        %dma_wait3A_213 = arith.constant 0 : i32
        %dma_wait3A_214 = arith.constant 0 : i32
        %dma_wait3A_215 = tpu.memref_slice %arg5[%dma_wait3A_213, %dma_wait3A_214] : memref<100000x16xf32, #tpu.memory_space<hbm>> -> memref<400x16xf32, #tpu.memory_space<hbm>>
        tpu.wait_dma2 semaphore(%arg23 : memref<!tpu.dma_semaphore, #tpu.memory_space<semaphore_mem>>) src(%dma_wait3A_215 : memref<400x16xf32, #tpu.memory_space<hbm>>) dst(%arg15 : memref<400x16xf32, #tpu.memory_space<vmem>>)
        %dma_start3A_216 = arith.constant 800 : i32
        %dma_start3A_217 = tpu.memref_slice %arg13[%dma_start3A_216] : memref<2000xi32, #tpu.memory_space<vmem>> -> memref<400xi32, #tpu.memory_space<vmem>>
        %dma_start3A_218 = arith.constant 0 : i32
        %dma_start3A_219 = arith.constant 0 : i32
        %dma_start3A_220 = tpu.memref_slice %arg5[%dma_start3A_218, %dma_start3A_219] : memref<100000x16xf32, #tpu.memory_space<hbm>> -> memref<100000x16xf32, #tpu.memory_space<hbm>>
        tpu.enqueue_indirect_dma source(%dma_start3A_220 : memref<100000x16xf32, #tpu.memory_space<hbm>>) target(%arg15 : memref<400x16xf32, #tpu.memory_space<vmem>>) offsets(%dma_start3A_217 : memref<400xi32, #tpu.memory_space<vmem>>) semaphore(%arg21 : memref<!tpu.dma_semaphore, #tpu.memory_space<semaphore_mem>>)
        %dma_wait3A_221 = arith.constant 0 : i32
        %dma_wait3A_222 = arith.constant 0 : i32
        %dma_wait3A_223 = tpu.memref_slice %arg5[%dma_wait3A_221, %dma_wait3A_222] : memref<100000x16xf32, #tpu.memory_space<hbm>> -> memref<400x16xf32, #tpu.memory_space<hbm>>
        %dma_wait3A_224 = arith.constant 0 : i32
        %dma_wait3A_225 = arith.constant 0 : i32
        %dma_wait3A_226 = tpu.memref_slice %arg5[%dma_wait3A_224, %dma_wait3A_225] : memref<100000x16xf32, #tpu.memory_space<hbm>> -> memref<400x16xf32, #tpu.memory_space<hbm>>
        tpu.wait_dma2 semaphore(%arg20 : memref<!tpu.dma_semaphore, #tpu.memory_space<semaphore_mem>>) src(%dma_wait3A_226 : memref<400x16xf32, #tpu.memory_space<hbm>>) dst(%arg14 : memref<400x16xf32, #tpu.memory_space<vmem>>)
        %dma_start3A_227 = arith.constant 400 : i32
        %dma_start3A_228 = tpu.memref_slice %arg12[%dma_start3A_227] : memref<2000xi32, #tpu.memory_space<vmem>> -> memref<400xi32, #tpu.memory_space<vmem>>
        %dma_start3A_229 = arith.constant 0 : i32
        %dma_start3A_230 = arith.constant 0 : i32
        %dma_start3A_231 = tpu.memref_slice %arg17[%dma_start3A_229, %dma_start3A_230] : memref<100000x16xf32, #tpu.memory_space<vmem_shared>> -> memref<100000x16xf32, #tpu.memory_space<vmem_shared>>
        tpu.enqueue_indirect_dma source(%arg14 : memref<400x16xf32, #tpu.memory_space<vmem>>) target(%dma_start3A_231 : memref<100000x16xf32, #tpu.memory_space<vmem_shared>>) offsets(%dma_start3A_228 : memref<400xi32, #tpu.memory_space<vmem>>) semaphore(%arg22 : memref<!tpu.dma_semaphore, #tpu.memory_space<semaphore_mem>>) {add = true}
        %dma_wait3A_232 = arith.constant 0 : i32
        %dma_wait3A_233 = arith.constant 0 : i32
        %dma_wait3A_234 = tpu.memref_slice %arg5[%dma_wait3A_232, %dma_wait3A_233] : memref<100000x16xf32, #tpu.memory_space<hbm>> -> memref<400x16xf32, #tpu.memory_space<hbm>>
        %dma_wait3A_235 = arith.constant 0 : i32
        %dma_wait3A_236 = arith.constant 0 : i32
        %dma_wait3A_237 = tpu.memref_slice %arg5[%dma_wait3A_235, %dma_wait3A_236] : memref<100000x16xf32, #tpu.memory_space<hbm>> -> memref<400x16xf32, #tpu.memory_space<hbm>>
        tpu.wait_dma2 semaphore(%arg22 : memref<!tpu.dma_semaphore, #tpu.memory_space<semaphore_mem>>) src(%dma_wait3A_237 : memref<400x16xf32, #tpu.memory_space<hbm>>) dst(%arg14 : memref<400x16xf32, #tpu.memory_space<vmem>>)
        %dma_start3A_238 = arith.constant 1200 : i32
        %dma_start3A_239 = tpu.memref_slice %arg13[%dma_start3A_238] : memref<2000xi32, #tpu.memory_space<vmem>> -> memref<400xi32, #tpu.memory_space<vmem>>
        %dma_start3A_240 = arith.constant 0 : i32
        %dma_start3A_241 = arith.constant 0 : i32
        %dma_start3A_242 = tpu.memref_slice %arg5[%dma_start3A_240, %dma_start3A_241] : memref<100000x16xf32, #tpu.memory_space<hbm>> -> memref<100000x16xf32, #tpu.memory_space<hbm>>
        tpu.enqueue_indirect_dma source(%dma_start3A_242 : memref<100000x16xf32, #tpu.memory_space<hbm>>) target(%arg14 : memref<400x16xf32, #tpu.memory_space<vmem>>) offsets(%dma_start3A_239 : memref<400xi32, #tpu.memory_space<vmem>>) semaphore(%arg20 : memref<!tpu.dma_semaphore, #tpu.memory_space<semaphore_mem>>)
        %dma_wait3A_243 = arith.constant 0 : i32
        %dma_wait3A_244 = arith.constant 0 : i32
        %dma_wait3A_245 = tpu.memref_slice %arg5[%dma_wait3A_243, %dma_wait3A_244] : memref<100000x16xf32, #tpu.memory_space<hbm>> -> memref<400x16xf32, #tpu.memory_space<hbm>>
        %dma_wait3A_246 = arith.constant 0 : i32
        %dma_wait3A_247 = arith.constant 0 : i32
        %dma_wait3A_248 = tpu.memref_slice %arg5[%dma_wait3A_246, %dma_wait3A_247] : memref<100000x16xf32, #tpu.memory_space<hbm>> -> memref<400x16xf32, #tpu.memory_space<hbm>>
        tpu.wait_dma2 semaphore(%arg21 : memref<!tpu.dma_semaphore, #tpu.memory_space<semaphore_mem>>) src(%dma_wait3A_248 : memref<400x16xf32, #tpu.memory_space<hbm>>) dst(%arg15 : memref<400x16xf32, #tpu.memory_space<vmem>>)
        %dma_start3A_249 = arith.constant 800 : i32
        %dma_start3A_250 = tpu.memref_slice %arg12[%dma_start3A_249] : memref<2000xi32, #tpu.memory_space<vmem>> -> memref<400xi32, #tpu.memory_space<vmem>>
        %dma_start3A_251 = arith.constant 0 : i32
        %dma_start3A_252 = arith.constant 0 : i32
        %dma_start3A_253 = tpu.memref_slice %arg17[%dma_start3A_251, %dma_start3A_252] : memref<100000x16xf32, #tpu.memory_space<vmem_shared>> -> memref<100000x16xf32, #tpu.memory_space<vmem_shared>>
        tpu.enqueue_indirect_dma source(%arg15 : memref<400x16xf32, #tpu.memory_space<vmem>>) target(%dma_start3A_253 : memref<100000x16xf32, #tpu.memory_space<vmem_shared>>) offsets(%dma_start3A_250 : memref<400xi32, #tpu.memory_space<vmem>>) semaphore(%arg23 : memref<!tpu.dma_semaphore, #tpu.memory_space<semaphore_mem>>) {add = true}
        %dma_wait3A_254 = arith.constant 0 : i32
        %dma_wait3A_255 = arith.constant 0 : i32
        %dma_wait3A_256 = tpu.memref_slice %arg5[%dma_wait3A_254, %dma_wait3A_255] : memref<100000x16xf32, #tpu.memory_space<hbm>> -> memref<400x16xf32, #tpu.memory_space<hbm>>
        %dma_wait3A_257 = arith.constant 0 : i32
        %dma_wait3A_258 = arith.constant 0 : i32
        %dma_wait3A_259 = tpu.memref_slice %arg5[%dma_wait3A_257, %dma_wait3A_258] : memref<100000x16xf32, #tpu.memory_space<hbm>> -> memref<400x16xf32, #tpu.memory_space<hbm>>
        tpu.wait_dma2 semaphore(%arg23 : memref<!tpu.dma_semaphore, #tpu.memory_space<semaphore_mem>>) src(%dma_wait3A_259 : memref<400x16xf32, #tpu.memory_space<hbm>>) dst(%arg15 : memref<400x16xf32, #tpu.memory_space<vmem>>)
        %dma_start3A_260 = arith.constant 1600 : i32
        %dma_start3A_261 = tpu.memref_slice %arg13[%dma_start3A_260] : memref<2000xi32, #tpu.memory_space<vmem>> -> memref<400xi32, #tpu.memory_space<vmem>>
        %dma_start3A_262 = arith.constant 0 : i32
        %dma_start3A_263 = arith.constant 0 : i32
        %dma_start3A_264 = tpu.memref_slice %arg5[%dma_start3A_262, %dma_start3A_263] : memref<100000x16xf32, #tpu.memory_space<hbm>> -> memref<100000x16xf32, #tpu.memory_space<hbm>>
        tpu.enqueue_indirect_dma source(%dma_start3A_264 : memref<100000x16xf32, #tpu.memory_space<hbm>>) target(%arg15 : memref<400x16xf32, #tpu.memory_space<vmem>>) offsets(%dma_start3A_261 : memref<400xi32, #tpu.memory_space<vmem>>) semaphore(%arg21 : memref<!tpu.dma_semaphore, #tpu.memory_space<semaphore_mem>>)
        %dma_wait3A_265 = arith.constant 0 : i32
        %dma_wait3A_266 = arith.constant 0 : i32
        %dma_wait3A_267 = tpu.memref_slice %arg5[%dma_wait3A_265, %dma_wait3A_266] : memref<100000x16xf32, #tpu.memory_space<hbm>> -> memref<400x16xf32, #tpu.memory_space<hbm>>
        %dma_wait3A_268 = arith.constant 0 : i32
        %dma_wait3A_269 = arith.constant 0 : i32
        %dma_wait3A_270 = tpu.memref_slice %arg5[%dma_wait3A_268, %dma_wait3A_269] : memref<100000x16xf32, #tpu.memory_space<hbm>> -> memref<400x16xf32, #tpu.memory_space<hbm>>
        tpu.wait_dma2 semaphore(%arg20 : memref<!tpu.dma_semaphore, #tpu.memory_space<semaphore_mem>>) src(%dma_wait3A_270 : memref<400x16xf32, #tpu.memory_space<hbm>>) dst(%arg14 : memref<400x16xf32, #tpu.memory_space<vmem>>)
        %dma_start3A_271 = arith.constant 1200 : i32
        %dma_start3A_272 = tpu.memref_slice %arg12[%dma_start3A_271] : memref<2000xi32, #tpu.memory_space<vmem>> -> memref<400xi32, #tpu.memory_space<vmem>>
        %dma_start3A_273 = arith.constant 0 : i32
        %dma_start3A_274 = arith.constant 0 : i32
        %dma_start3A_275 = tpu.memref_slice %arg17[%dma_start3A_273, %dma_start3A_274] : memref<100000x16xf32, #tpu.memory_space<vmem_shared>> -> memref<100000x16xf32, #tpu.memory_space<vmem_shared>>
        tpu.enqueue_indirect_dma source(%arg14 : memref<400x16xf32, #tpu.memory_space<vmem>>) target(%dma_start3A_275 : memref<100000x16xf32, #tpu.memory_space<vmem_shared>>) offsets(%dma_start3A_272 : memref<400xi32, #tpu.memory_space<vmem>>) semaphore(%arg22 : memref<!tpu.dma_semaphore, #tpu.memory_space<semaphore_mem>>) {add = true}
        %dma_wait3A_276 = arith.constant 0 : i32
        %dma_wait3A_277 = arith.constant 0 : i32
        %dma_wait3A_278 = tpu.memref_slice %arg5[%dma_wait3A_276, %dma_wait3A_277] : memref<100000x16xf32, #tpu.memory_space<hbm>> -> memref<400x16xf32, #tpu.memory_space<hbm>>
        %dma_wait3A_279 = arith.constant 0 : i32
        %dma_wait3A_280 = arith.constant 0 : i32
        %dma_wait3A_281 = tpu.memref_slice %arg5[%dma_wait3A_279, %dma_wait3A_280] : memref<100000x16xf32, #tpu.memory_space<hbm>> -> memref<400x16xf32, #tpu.memory_space<hbm>>
        tpu.wait_dma2 semaphore(%arg22 : memref<!tpu.dma_semaphore, #tpu.memory_space<semaphore_mem>>) src(%dma_wait3A_281 : memref<400x16xf32, #tpu.memory_space<hbm>>) dst(%arg14 : memref<400x16xf32, #tpu.memory_space<vmem>>)
        %lt3A_282 = arith.constant 24 : i32
        %lt3A_283 = arith.cmpi slt, %scan3A_66, %lt3A_282 : i32
        %convert_element_type3A_284 = arith.extui %lt3A_283 : i1 to i32
        %cond3A_285 = arith.constant 0 : i32
        %cond3A_286 = arith.cmpi ne, %convert_element_type3A_284, %cond3A_285 : i32
        scf.if %cond3A_286 {
          %dma_wait3A_299 = arith.constant 0 : i32
          %dma_wait3A_300 = tpu.memref_slice %arg2[%dma_wait3A_299] : memref<1600000xi32, #tpu.memory_space<hbm>> -> memref<2000xi32, #tpu.memory_space<hbm>>
          %dma_wait3A_301 = arith.constant 0 : i32
          %dma_wait3A_302 = tpu.memref_slice %arg2[%dma_wait3A_301] : memref<1600000xi32, #tpu.memory_space<hbm>> -> memref<2000xi32, #tpu.memory_space<hbm>>
          tpu.wait_dma2 semaphore(%arg18 : memref<!tpu.dma_semaphore, #tpu.memory_space<semaphore_mem>>) src(%dma_wait3A_302 : memref<2000xi32, #tpu.memory_space<hbm>>) dst(%arg10 : memref<2000xi32, #tpu.memory_space<vmem>>)
          %dma_wait3A_303 = arith.constant 0 : i32
          %dma_wait3A_304 = tpu.memref_slice %arg3[%dma_wait3A_303] : memref<1600000xi32, #tpu.memory_space<hbm>> -> memref<2000xi32, #tpu.memory_space<hbm>>
          %dma_wait3A_305 = arith.constant 0 : i32
          %dma_wait3A_306 = tpu.memref_slice %arg3[%dma_wait3A_305] : memref<1600000xi32, #tpu.memory_space<hbm>> -> memref<2000xi32, #tpu.memory_space<hbm>>
          tpu.wait_dma2 semaphore(%arg18 : memref<!tpu.dma_semaphore, #tpu.memory_space<semaphore_mem>>) src(%dma_wait3A_306 : memref<2000xi32, #tpu.memory_space<hbm>>) dst(%arg11 : memref<2000xi32, #tpu.memory_space<vmem>>)
          %dma_start3A_307 = arith.constant 0 : i32
          %dma_start3A_308 = tpu.memref_slice %arg11[%dma_start3A_307] : memref<2000xi32, #tpu.memory_space<vmem>> -> memref<400xi32, #tpu.memory_space<vmem>>
          %dma_start3A_309 = arith.constant 0 : i32
          %dma_start3A_310 = arith.constant 0 : i32
          %dma_start3A_311 = tpu.memref_slice %arg5[%dma_start3A_309, %dma_start3A_310] : memref<100000x16xf32, #tpu.memory_space<hbm>> -> memref<100000x16xf32, #tpu.memory_space<hbm>>
          tpu.enqueue_indirect_dma source(%dma_start3A_311 : memref<100000x16xf32, #tpu.memory_space<hbm>>) target(%arg14 : memref<400x16xf32, #tpu.memory_space<vmem>>) offsets(%dma_start3A_308 : memref<400xi32, #tpu.memory_space<vmem>>) semaphore(%arg20 : memref<!tpu.dma_semaphore, #tpu.memory_space<semaphore_mem>>)
        } else {
        }
        %dma_wait3A_287 = arith.constant 0 : i32
        %dma_wait3A_288 = arith.constant 0 : i32
        %dma_wait3A_289 = tpu.memref_slice %arg5[%dma_wait3A_287, %dma_wait3A_288] : memref<100000x16xf32, #tpu.memory_space<hbm>> -> memref<400x16xf32, #tpu.memory_space<hbm>>
        %dma_wait3A_290 = arith.constant 0 : i32
        %dma_wait3A_291 = arith.constant 0 : i32
        %dma_wait3A_292 = tpu.memref_slice %arg5[%dma_wait3A_290, %dma_wait3A_291] : memref<100000x16xf32, #tpu.memory_space<hbm>> -> memref<400x16xf32, #tpu.memory_space<hbm>>
        tpu.wait_dma2 semaphore(%arg21 : memref<!tpu.dma_semaphore, #tpu.memory_space<semaphore_mem>>) src(%dma_wait3A_292 : memref<400x16xf32, #tpu.memory_space<hbm>>) dst(%arg15 : memref<400x16xf32, #tpu.memory_space<vmem>>)
        %dma_start3A_293 = arith.constant 1600 : i32
        %dma_start3A_294 = tpu.memref_slice %arg12[%dma_start3A_293] : memref<2000xi32, #tpu.memory_space<vmem>> -> memref<400xi32, #tpu.memory_space<vmem>>
        %dma_start3A_295 = arith.constant 0 : i32
        %dma_start3A_296 = arith.constant 0 : i32
        %dma_start3A_297 = tpu.memref_slice %arg17[%dma_start3A_295, %dma_start3A_296] : memref<100000x16xf32, #tpu.memory_space<vmem_shared>> -> memref<100000x16xf32, #tpu.memory_space<vmem_shared>>
        tpu.enqueue_indirect_dma source(%arg15 : memref<400x16xf32, #tpu.memory_space<vmem>>) target(%dma_start3A_297 : memref<100000x16xf32, #tpu.memory_space<vmem_shared>>) offsets(%dma_start3A_294 : memref<400xi32, #tpu.memory_space<vmem>>) semaphore(%arg23 : memref<!tpu.dma_semaphore, #tpu.memory_space<semaphore_mem>>) {add = true}
        %scan3A_298 = arith.constant 0 : i32
        scf.yield %scan3A_298 : i32
      }
      %scan3A_52 = arith.constant 25 : i32
      %dma_wait3A = arith.constant 0 : i32
      %dma_wait3A_53 = arith.constant 0 : i32
      %dma_wait3A_54 = tpu.memref_slice %arg5[%dma_wait3A, %dma_wait3A_53] : memref<100000x16xf32, #tpu.memory_space<hbm>> -> memref<400x16xf32, #tpu.memory_space<hbm>>
      %dma_wait3A_55 = arith.constant 0 : i32
      %dma_wait3A_56 = arith.constant 0 : i32
      %dma_wait3A_57 = tpu.memref_slice %arg5[%dma_wait3A_55, %dma_wait3A_56] : memref<100000x16xf32, #tpu.memory_space<hbm>> -> memref<400x16xf32, #tpu.memory_space<hbm>>
      tpu.wait_dma2 semaphore(%arg23 : memref<!tpu.dma_semaphore, #tpu.memory_space<semaphore_mem>>) src(%dma_wait3A_57 : memref<400x16xf32, #tpu.memory_space<hbm>>) dst(%arg15 : memref<400x16xf32, #tpu.memory_space<vmem>>)
      "tpu.trace_stop"() : () -> ()
      %barrier3A_58 = arith.constant 0 : index
      tpu.barrier barrier_id(%barrier3A_58)
      "tpu.trace_start"() <{level = 10 : i32, message = "agg_epi"}> : () -> ()
      %scan3A_59 = arith.constant 0 : i32
      %scan3A_60 = arith.constant 0 : i32
      %scan3A_61 = arith.constant 25 : i32
      %scan3A_62 = arith.addi %scan3A_60, %scan3A_61 : i32
      %scan3A_63 = arith.constant 1 : i32
      %scan3A_64 = scf.for %scan3A_66 = %scan3A_60 to %scan3A_62 step %scan3A_63 iter_args(%scan3A_67 = %scan3A_59) -> (i32)  : i32 {
        %mul3A_68 = arith.constant 250 : i32
        %mul3A_69 = arith.muli %scan3A_66, %mul3A_68 : i32
        %add3A_70 = arith.addi %mul3A_0, %mul3A_69 : i32
        "tpu.region"() ({
          %run_scoped3A = tpu.sem_alloc : memref<!tpu.dma_semaphore, #tpu.memory_space<semaphore_mem>>
          %dma_start3A_110 = arith.constant 0 : i32
          %dma_start3A_111 = tpu.memref_slice %arg17[%add3A_70, %dma_start3A_110] : memref<100000x16xf32, #tpu.memory_space<vmem_shared>> -> memref<250x16xf32, #tpu.memory_space<vmem_shared>>
          %dma_start3A_112 = arith.constant 0 : i32
          %dma_start3A_113 = tpu.memref_slice %arg17[%add3A_70, %dma_start3A_112] : memref<100000x16xf32, #tpu.memory_space<vmem_shared>> -> memref<250x16xf32, #tpu.memory_space<vmem_shared>>
          tpu.enqueue_dma source(%dma_start3A_113 : memref<250x16xf32, #tpu.memory_space<vmem_shared>>) target(%arg16 : memref<250x16xf32, #tpu.memory_space<vmem>>) target_semaphore(%run_scoped3A : memref<!tpu.dma_semaphore, #tpu.memory_space<semaphore_mem>>)
          %dma_wait3A_114 = arith.constant 0 : i32
          %dma_wait3A_115 = tpu.memref_slice %arg17[%add3A_70, %dma_wait3A_114] : memref<100000x16xf32, #tpu.memory_space<vmem_shared>> -> memref<250x16xf32, #tpu.memory_space<vmem_shared>>
          %dma_wait3A_116 = arith.constant 0 : i32
          %dma_wait3A_117 = tpu.memref_slice %arg17[%add3A_70, %dma_wait3A_116] : memref<100000x16xf32, #tpu.memory_space<vmem_shared>> -> memref<250x16xf32, #tpu.memory_space<vmem_shared>>
          tpu.wait_dma2 semaphore(%run_scoped3A : memref<!tpu.dma_semaphore, #tpu.memory_space<semaphore_mem>>) src(%dma_wait3A_117 : memref<250x16xf32, #tpu.memory_space<vmem_shared>>) dst(%arg16 : memref<250x16xf32, #tpu.memory_space<vmem>>)
          tpu.yield
        }) : () -> ()
        "tpu.region"() ({
          %run_scoped3A = tpu.sem_alloc : memref<!tpu.dma_semaphore, #tpu.memory_space<semaphore_mem>>
          %dma_start3A_110 = arith.constant 0 : i32
          %dma_start3A_111 = arith.constant 0 : i32
          %dma_start3A_112 = tpu.memref_slice %arg14[%dma_start3A_110, %dma_start3A_111] : memref<400x16xf32, #tpu.memory_space<vmem>> -> memref<250x16xf32, #tpu.memory_space<vmem>>
          %dma_start3A_113 = arith.constant 0 : i32
          %dma_start3A_114 = tpu.memref_slice %arg6[%add3A_70, %dma_start3A_113] : memref<100000x16xf32, #tpu.memory_space<hbm>> -> memref<250x16xf32, #tpu.memory_space<hbm>>
          %dma_start3A_115 = arith.constant 0 : i32
          %dma_start3A_116 = arith.constant 0 : i32
          %dma_start3A_117 = tpu.memref_slice %arg14[%dma_start3A_115, %dma_start3A_116] : memref<400x16xf32, #tpu.memory_space<vmem>> -> memref<250x16xf32, #tpu.memory_space<vmem>>
          %dma_start3A_118 = arith.constant 0 : i32
          %dma_start3A_119 = tpu.memref_slice %arg6[%add3A_70, %dma_start3A_118] : memref<100000x16xf32, #tpu.memory_space<hbm>> -> memref<250x16xf32, #tpu.memory_space<hbm>>
          tpu.enqueue_dma source(%dma_start3A_119 : memref<250x16xf32, #tpu.memory_space<hbm>>) target(%dma_start3A_117 : memref<250x16xf32, #tpu.memory_space<vmem>>) target_semaphore(%run_scoped3A : memref<!tpu.dma_semaphore, #tpu.memory_space<semaphore_mem>>)
          %dma_wait3A_120 = arith.constant 0 : i32
          %dma_wait3A_121 = arith.constant 0 : i32
          %dma_wait3A_122 = tpu.memref_slice %arg14[%dma_wait3A_120, %dma_wait3A_121] : memref<400x16xf32, #tpu.memory_space<vmem>> -> memref<250x16xf32, #tpu.memory_space<vmem>>
          %dma_wait3A_123 = arith.constant 0 : i32
          %dma_wait3A_124 = tpu.memref_slice %arg6[%add3A_70, %dma_wait3A_123] : memref<100000x16xf32, #tpu.memory_space<hbm>> -> memref<250x16xf32, #tpu.memory_space<hbm>>
          %dma_wait3A_125 = arith.constant 0 : i32
          %dma_wait3A_126 = arith.constant 0 : i32
          %dma_wait3A_127 = tpu.memref_slice %arg14[%dma_wait3A_125, %dma_wait3A_126] : memref<400x16xf32, #tpu.memory_space<vmem>> -> memref<250x16xf32, #tpu.memory_space<vmem>>
          %dma_wait3A_128 = arith.constant 0 : i32
          %dma_wait3A_129 = tpu.memref_slice %arg6[%add3A_70, %dma_wait3A_128] : memref<100000x16xf32, #tpu.memory_space<hbm>> -> memref<250x16xf32, #tpu.memory_space<hbm>>
          tpu.wait_dma2 semaphore(%run_scoped3A : memref<!tpu.dma_semaphore, #tpu.memory_space<semaphore_mem>>) src(%dma_wait3A_129 : memref<250x16xf32, #tpu.memory_space<hbm>>) dst(%dma_wait3A_127 : memref<250x16xf32, #tpu.memory_space<vmem>>)
          tpu.yield
        }) : () -> ()
        %scan3A_71 = arith.constant 0 : i32
        %scan3A_72 = arith.constant 0 : i32
        %scan3A_73 = arith.constant 248 : i32
        %scan3A_74 = arith.addi %scan3A_72, %scan3A_73 : i32
        %scan3A_75 = arith.constant 8 : i32
        %scan3A_76 = scf.for %scan3A_110 = %scan3A_72 to %scan3A_74 step %scan3A_75 iter_args(%scan3A_111 = %scan3A_71) -> (i32)  : i32 {
          %get3A_112 = arith.index_cast %scan3A_110 : i32 to index
          %get3A_113 = arith.constant 0 : index
          %get3A_114 = tpu.vector_load %arg16[%get3A_112, %get3A_113] {strides = array<i32>} : memref<250x16xf32, #tpu.memory_space<vmem>>, vector<16xf32>,
          %get3A_115 = arith.constant 0 : i32
          %get3A_116 = arith.constant 0 : i32
          %get3A_117 = tpu.memref_slice %arg14[%get3A_115, %get3A_116] : memref<400x16xf32, #tpu.memory_space<vmem>> -> memref<250x16xf32, #tpu.memory_space<vmem>>
          %get3A_118 = arith.index_cast %scan3A_110 : i32 to index
          %get3A_119 = arith.constant 0 : index
          %get3A_120 = tpu.vector_load %get3A_117[%get3A_118, %get3A_119] {strides = array<i32>} : memref<250x16xf32, #tpu.memory_space<vmem>>, vector<16xf32>,
          %mul3A_121 = arith.mulf %get3A_114, %get3A_120 : vector<16xf32>
          %swap3A_122 = arith.index_cast %scan3A_110 : i32 to index
          %swap3A_123 = arith.constant 0 : index
          %swap3A_124 = tpu.vector_load %arg16[%swap3A_122, %swap3A_123] {strides = array<i32>} : memref<250x16xf32, #tpu.memory_space<vmem>>, vector<16xf32>,
          tpu.vector_store %arg16[%swap3A_122, %swap3A_123], %mul3A_121 {strides = array<i32>} : memref<250x16xf32, #tpu.memory_space<vmem>>, vector<16xf32>,
          %scan3A_125 = arith.constant 0 : i32
          %scan3A_126 = arith.constant 1 : i32
          %scan3A_127 = arith.addi %scan3A_110, %scan3A_126 : i32
          %get3A_128 = arith.index_cast %scan3A_127 : i32 to index
          %get3A_129 = arith.constant 0 : index
          %get3A_130 = tpu.vector_load %arg16[%get3A_128, %get3A_129] {strides = array<i32>} : memref<250x16xf32, #tpu.memory_space<vmem>>, vector<16xf32>,
          %get3A_131 = arith.constant 0 : i32
          %get3A_132 = arith.constant 0 : i32
          %get3A_133 = tpu.memref_slice %arg14[%get3A_131, %get3A_132] : memref<400x16xf32, #tpu.memory_space<vmem>> -> memref<250x16xf32, #tpu.memory_space<vmem>>
          %get3A_134 = arith.index_cast %scan3A_127 : i32 to index
          %get3A_135 = arith.constant 0 : index
          %get3A_136 = tpu.vector_load %get3A_133[%get3A_134, %get3A_135] {strides = array<i32>} : memref<250x16xf32, #tpu.memory_space<vmem>>, vector<16xf32>,
          %mul3A_137 = arith.mulf %get3A_130, %get3A_136 : vector<16xf32>
          %swap3A_138 = arith.index_cast %scan3A_127 : i32 to index
          %swap3A_139 = arith.constant 0 : index
          %swap3A_140 = tpu.vector_load %arg16[%swap3A_138, %swap3A_139] {strides = array<i32>} : memref<250x16xf32, #tpu.memory_space<vmem>>, vector<16xf32>,
          tpu.vector_store %arg16[%swap3A_138, %swap3A_139], %mul3A_137 {strides = array<i32>} : memref<250x16xf32, #tpu.memory_space<vmem>>, vector<16xf32>,
          %scan3A_141 = arith.constant 0 : i32
          %scan3A_142 = arith.constant 2 : i32
          %scan3A_143 = arith.addi %scan3A_110, %scan3A_142 : i32
          %get3A_144 = arith.index_cast %scan3A_143 : i32 to index
          %get3A_145 = arith.constant 0 : index
          %get3A_146 = tpu.vector_load %arg16[%get3A_144, %get3A_145] {strides = array<i32>} : memref<250x16xf32, #tpu.memory_space<vmem>>, vector<16xf32>,
          %get3A_147 = arith.constant 0 : i32
          %get3A_148 = arith.constant 0 : i32
          %get3A_149 = tpu.memref_slice %arg14[%get3A_147, %get3A_148] : memref<400x16xf32, #tpu.memory_space<vmem>> -> memref<250x16xf32, #tpu.memory_space<vmem>>
          %get3A_150 = arith.index_cast %scan3A_143 : i32 to index
          %get3A_151 = arith.constant 0 : index
          %get3A_152 = tpu.vector_load %get3A_149[%get3A_150, %get3A_151] {strides = array<i32>} : memref<250x16xf32, #tpu.memory_space<vmem>>, vector<16xf32>,
          %mul3A_153 = arith.mulf %get3A_146, %get3A_152 : vector<16xf32>
          %swap3A_154 = arith.index_cast %scan3A_143 : i32 to index
          %swap3A_155 = arith.constant 0 : index
          %swap3A_156 = tpu.vector_load %arg16[%swap3A_154, %swap3A_155] {strides = array<i32>} : memref<250x16xf32, #tpu.memory_space<vmem>>, vector<16xf32>,
          tpu.vector_store %arg16[%swap3A_154, %swap3A_155], %mul3A_153 {strides = array<i32>} : memref<250x16xf32, #tpu.memory_space<vmem>>, vector<16xf32>,
          %scan3A_157 = arith.constant 0 : i32
          %scan3A_158 = arith.constant 3 : i32
          %scan3A_159 = arith.addi %scan3A_110, %scan3A_158 : i32
          %get3A_160 = arith.index_cast %scan3A_159 : i32 to index
          %get3A_161 = arith.constant 0 : index
          %get3A_162 = tpu.vector_load %arg16[%get3A_160, %get3A_161] {strides = array<i32>} : memref<250x16xf32, #tpu.memory_space<vmem>>, vector<16xf32>,
          %get3A_163 = arith.constant 0 : i32
          %get3A_164 = arith.constant 0 : i32
          %get3A_165 = tpu.memref_slice %arg14[%get3A_163, %get3A_164] : memref<400x16xf32, #tpu.memory_space<vmem>> -> memref<250x16xf32, #tpu.memory_space<vmem>>
          %get3A_166 = arith.index_cast %scan3A_159 : i32 to index
          %get3A_167 = arith.constant 0 : index
          %get3A_168 = tpu.vector_load %get3A_165[%get3A_166, %get3A_167] {strides = array<i32>} : memref<250x16xf32, #tpu.memory_space<vmem>>, vector<16xf32>,
          %mul3A_169 = arith.mulf %get3A_162, %get3A_168 : vector<16xf32>
          %swap3A_170 = arith.index_cast %scan3A_159 : i32 to index
          %swap3A_171 = arith.constant 0 : index
          %swap3A_172 = tpu.vector_load %arg16[%swap3A_170, %swap3A_171] {strides = array<i32>} : memref<250x16xf32, #tpu.memory_space<vmem>>, vector<16xf32>,
          tpu.vector_store %arg16[%swap3A_170, %swap3A_171], %mul3A_169 {strides = array<i32>} : memref<250x16xf32, #tpu.memory_space<vmem>>, vector<16xf32>,
          %scan3A_173 = arith.constant 0 : i32
          %scan3A_174 = arith.constant 4 : i32
          %scan3A_175 = arith.addi %scan3A_110, %scan3A_174 : i32
          %get3A_176 = arith.index_cast %scan3A_175 : i32 to index
          %get3A_177 = arith.constant 0 : index
          %get3A_178 = tpu.vector_load %arg16[%get3A_176, %get3A_177] {strides = array<i32>} : memref<250x16xf32, #tpu.memory_space<vmem>>, vector<16xf32>,
          %get3A_179 = arith.constant 0 : i32
          %get3A_180 = arith.constant 0 : i32
          %get3A_181 = tpu.memref_slice %arg14[%get3A_179, %get3A_180] : memref<400x16xf32, #tpu.memory_space<vmem>> -> memref<250x16xf32, #tpu.memory_space<vmem>>
          %get3A_182 = arith.index_cast %scan3A_175 : i32 to index
          %get3A_183 = arith.constant 0 : index
          %get3A_184 = tpu.vector_load %get3A_181[%get3A_182, %get3A_183] {strides = array<i32>} : memref<250x16xf32, #tpu.memory_space<vmem>>, vector<16xf32>,
          %mul3A_185 = arith.mulf %get3A_178, %get3A_184 : vector<16xf32>
          %swap3A_186 = arith.index_cast %scan3A_175 : i32 to index
          %swap3A_187 = arith.constant 0 : index
          %swap3A_188 = tpu.vector_load %arg16[%swap3A_186, %swap3A_187] {strides = array<i32>} : memref<250x16xf32, #tpu.memory_space<vmem>>, vector<16xf32>,
          tpu.vector_store %arg16[%swap3A_186, %swap3A_187], %mul3A_185 {strides = array<i32>} : memref<250x16xf32, #tpu.memory_space<vmem>>, vector<16xf32>,
          %scan3A_189 = arith.constant 0 : i32
          %scan3A_190 = arith.constant 5 : i32
          %scan3A_191 = arith.addi %scan3A_110, %scan3A_190 : i32
          %get3A_192 = arith.index_cast %scan3A_191 : i32 to index
          %get3A_193 = arith.constant 0 : index
          %get3A_194 = tpu.vector_load %arg16[%get3A_192, %get3A_193] {strides = array<i32>} : memref<250x16xf32, #tpu.memory_space<vmem>>, vector<16xf32>,
          %get3A_195 = arith.constant 0 : i32
          %get3A_196 = arith.constant 0 : i32
          %get3A_197 = tpu.memref_slice %arg14[%get3A_195, %get3A_196] : memref<400x16xf32, #tpu.memory_space<vmem>> -> memref<250x16xf32, #tpu.memory_space<vmem>>
          %get3A_198 = arith.index_cast %scan3A_191 : i32 to index
          %get3A_199 = arith.constant 0 : index
          %get3A_200 = tpu.vector_load %get3A_197[%get3A_198, %get3A_199] {strides = array<i32>} : memref<250x16xf32, #tpu.memory_space<vmem>>, vector<16xf32>,
          %mul3A_201 = arith.mulf %get3A_194, %get3A_200 : vector<16xf32>
          %swap3A_202 = arith.index_cast %scan3A_191 : i32 to index
          %swap3A_203 = arith.constant 0 : index
          %swap3A_204 = tpu.vector_load %arg16[%swap3A_202, %swap3A_203] {strides = array<i32>} : memref<250x16xf32, #tpu.memory_space<vmem>>, vector<16xf32>,
          tpu.vector_store %arg16[%swap3A_202, %swap3A_203], %mul3A_201 {strides = array<i32>} : memref<250x16xf32, #tpu.memory_space<vmem>>, vector<16xf32>,
          %scan3A_205 = arith.constant 0 : i32
          %scan3A_206 = arith.constant 6 : i32
          %scan3A_207 = arith.addi %scan3A_110, %scan3A_206 : i32
          %get3A_208 = arith.index_cast %scan3A_207 : i32 to index
          %get3A_209 = arith.constant 0 : index
          %get3A_210 = tpu.vector_load %arg16[%get3A_208, %get3A_209] {strides = array<i32>} : memref<250x16xf32, #tpu.memory_space<vmem>>, vector<16xf32>,
          %get3A_211 = arith.constant 0 : i32
          %get3A_212 = arith.constant 0 : i32
          %get3A_213 = tpu.memref_slice %arg14[%get3A_211, %get3A_212] : memref<400x16xf32, #tpu.memory_space<vmem>> -> memref<250x16xf32, #tpu.memory_space<vmem>>
          %get3A_214 = arith.index_cast %scan3A_207 : i32 to index
          %get3A_215 = arith.constant 0 : index
          %get3A_216 = tpu.vector_load %get3A_213[%get3A_214, %get3A_215] {strides = array<i32>} : memref<250x16xf32, #tpu.memory_space<vmem>>, vector<16xf32>,
          %mul3A_217 = arith.mulf %get3A_210, %get3A_216 : vector<16xf32>
          %swap3A_218 = arith.index_cast %scan3A_207 : i32 to index
          %swap3A_219 = arith.constant 0 : index
          %swap3A_220 = tpu.vector_load %arg16[%swap3A_218, %swap3A_219] {strides = array<i32>} : memref<250x16xf32, #tpu.memory_space<vmem>>, vector<16xf32>,
          tpu.vector_store %arg16[%swap3A_218, %swap3A_219], %mul3A_217 {strides = array<i32>} : memref<250x16xf32, #tpu.memory_space<vmem>>, vector<16xf32>,
          %scan3A_221 = arith.constant 0 : i32
          %scan3A_222 = arith.constant 7 : i32
          %scan3A_223 = arith.addi %scan3A_110, %scan3A_222 : i32
          %get3A_224 = arith.index_cast %scan3A_223 : i32 to index
          %get3A_225 = arith.constant 0 : index
          %get3A_226 = tpu.vector_load %arg16[%get3A_224, %get3A_225] {strides = array<i32>} : memref<250x16xf32, #tpu.memory_space<vmem>>, vector<16xf32>,
          %get3A_227 = arith.constant 0 : i32
          %get3A_228 = arith.constant 0 : i32
          %get3A_229 = tpu.memref_slice %arg14[%get3A_227, %get3A_228] : memref<400x16xf32, #tpu.memory_space<vmem>> -> memref<250x16xf32, #tpu.memory_space<vmem>>
          %get3A_230 = arith.index_cast %scan3A_223 : i32 to index
          %get3A_231 = arith.constant 0 : index
          %get3A_232 = tpu.vector_load %get3A_229[%get3A_230, %get3A_231] {strides = array<i32>} : memref<250x16xf32, #tpu.memory_space<vmem>>, vector<16xf32>,
          %mul3A_233 = arith.mulf %get3A_226, %get3A_232 : vector<16xf32>
          %swap3A_234 = arith.index_cast %scan3A_223 : i32 to index
          %swap3A_235 = arith.constant 0 : index
          %swap3A_236 = tpu.vector_load %arg16[%swap3A_234, %swap3A_235] {strides = array<i32>} : memref<250x16xf32, #tpu.memory_space<vmem>>, vector<16xf32>,
          tpu.vector_store %arg16[%swap3A_234, %swap3A_235], %mul3A_233 {strides = array<i32>} : memref<250x16xf32, #tpu.memory_space<vmem>>, vector<16xf32>,
          %scan3A_237 = arith.constant 0 : i32
          scf.yield %scan3A_237 : i32
        }
        %scan3A_77 = arith.constant 248 : i32
        %scan3A_78 = arith.addi %scan3A_72, %scan3A_77 : i32
        %get3A = arith.index_cast %scan3A_78 : i32 to index
        %get3A_79 = arith.constant 0 : index
        %get3A_80 = tpu.vector_load %arg16[%get3A, %get3A_79] {strides = array<i32>} : memref<250x16xf32, #tpu.memory_space<vmem>>, vector<16xf32>,
        %get3A_81 = arith.constant 0 : i32
        %get3A_82 = arith.constant 0 : i32
        %get3A_83 = tpu.memref_slice %arg14[%get3A_81, %get3A_82] : memref<400x16xf32, #tpu.memory_space<vmem>> -> memref<250x16xf32, #tpu.memory_space<vmem>>
        %get3A_84 = arith.index_cast %scan3A_78 : i32 to index
        %get3A_85 = arith.constant 0 : index
        %get3A_86 = tpu.vector_load %get3A_83[%get3A_84, %get3A_85] {strides = array<i32>} : memref<250x16xf32, #tpu.memory_space<vmem>>, vector<16xf32>,
        %mul3A_87 = arith.mulf %get3A_80, %get3A_86 : vector<16xf32>
        %swap3A_88 = arith.index_cast %scan3A_78 : i32 to index
        %swap3A_89 = arith.constant 0 : index
        %swap3A_90 = tpu.vector_load %arg16[%swap3A_88, %swap3A_89] {strides = array<i32>} : memref<250x16xf32, #tpu.memory_space<vmem>>, vector<16xf32>,
        tpu.vector_store %arg16[%swap3A_88, %swap3A_89], %mul3A_87 {strides = array<i32>} : memref<250x16xf32, #tpu.memory_space<vmem>>, vector<16xf32>,
        %scan3A_91 = arith.constant 0 : i32
        %scan3A_92 = arith.constant 249 : i32
        %scan3A_93 = arith.addi %scan3A_72, %scan3A_92 : i32
        %get3A_94 = arith.index_cast %scan3A_93 : i32 to index
        %get3A_95 = arith.constant 0 : index
        %get3A_96 = tpu.vector_load %arg16[%get3A_94, %get3A_95] {strides = array<i32>} : memref<250x16xf32, #tpu.memory_space<vmem>>, vector<16xf32>,
        %get3A_97 = arith.constant 0 : i32
        %get3A_98 = arith.constant 0 : i32
        %get3A_99 = tpu.memref_slice %arg14[%get3A_97, %get3A_98] : memref<400x16xf32, #tpu.memory_space<vmem>> -> memref<250x16xf32, #tpu.memory_space<vmem>>
        %get3A_100 = arith.index_cast %scan3A_93 : i32 to index
        %get3A_101 = arith.constant 0 : index
        %get3A_102 = tpu.vector_load %get3A_99[%get3A_100, %get3A_101] {strides = array<i32>} : memref<250x16xf32, #tpu.memory_space<vmem>>, vector<16xf32>,
        %mul3A_103 = arith.mulf %get3A_96, %get3A_102 : vector<16xf32>
        %swap3A_104 = arith.index_cast %scan3A_93 : i32 to index
        %swap3A_105 = arith.constant 0 : index
        %swap3A_106 = tpu.vector_load %arg16[%swap3A_104, %swap3A_105] {strides = array<i32>} : memref<250x16xf32, #tpu.memory_space<vmem>>, vector<16xf32>,
        tpu.vector_store %arg16[%swap3A_104, %swap3A_105], %mul3A_103 {strides = array<i32>} : memref<250x16xf32, #tpu.memory_space<vmem>>, vector<16xf32>,
        %scan3A_107 = arith.constant 0 : i32
        %scan3A_108 = arith.constant 250 : i32
        "tpu.region"() ({
          %run_scoped3A = tpu.sem_alloc : memref<!tpu.dma_semaphore, #tpu.memory_space<semaphore_mem>>
          %dma_start3A_110 = arith.constant 0 : i32
          %dma_start3A_111 = tpu.memref_slice %arg8[%add3A_70, %dma_start3A_110] : memref<100000x16xf32, #tpu.memory_space<hbm>> -> memref<250x16xf32, #tpu.memory_space<hbm>>
          %dma_start3A_112 = arith.constant 0 : i32
          %dma_start3A_113 = tpu.memref_slice %arg8[%add3A_70, %dma_start3A_112] : memref<100000x16xf32, #tpu.memory_space<hbm>> -> memref<250x16xf32, #tpu.memory_space<hbm>>
          tpu.enqueue_dma source(%arg16 : memref<250x16xf32, #tpu.memory_space<vmem>>) target(%dma_start3A_113 : memref<250x16xf32, #tpu.memory_space<hbm>>) target_semaphore(%run_scoped3A : memref<!tpu.dma_semaphore, #tpu.memory_space<semaphore_mem>>)
          %dma_wait3A_114 = arith.constant 0 : i32
          %dma_wait3A_115 = tpu.memref_slice %arg8[%add3A_70, %dma_wait3A_114] : memref<100000x16xf32, #tpu.memory_space<hbm>> -> memref<250x16xf32, #tpu.memory_space<hbm>>
          %dma_wait3A_116 = arith.constant 0 : i32
          %dma_wait3A_117 = tpu.memref_slice %arg8[%add3A_70, %dma_wait3A_116] : memref<100000x16xf32, #tpu.memory_space<hbm>> -> memref<250x16xf32, #tpu.memory_space<hbm>>
          tpu.wait_dma2 semaphore(%run_scoped3A : memref<!tpu.dma_semaphore, #tpu.memory_space<semaphore_mem>>) src(%arg16 : memref<250x16xf32, #tpu.memory_space<vmem>>) dst(%dma_wait3A_117 : memref<250x16xf32, #tpu.memory_space<hbm>>)
          tpu.yield
        }) : () -> ()
        %scan3A_109 = arith.constant 0 : i32
        scf.yield %scan3A_109 : i32
      }
      %scan3A_65 = arith.constant 25 : i32
      "tpu.trace_stop"() : () -> ()
    } else {
    }
    %eq3A_30 = arith.constant 1 : i32
    %eq3A_31 = arith.cmpi eq, %arg0, %eq3A_30 : i32
    %convert_element_type3A_32 = arith.extui %eq3A_31 : i1 to i32
    %cond3A_33 = arith.constant 0 : i32
    %cond3A_34 = arith.cmpi ne, %convert_element_type3A_32, %cond3A_33 : i32
    scf.if %cond3A_34 {
      %mul3A_35 = arith.constant 100000 : i32
      %mul3A_36 = arith.muli %arg1, %mul3A_35 : i32
      "tpu.trace_start"() <{level = 10 : i32, message = "gs_loop"}> : () -> ()
      "tpu.region"() ({
        %run_scoped3A = tpu.sem_alloc : memref<!tpu.dma_semaphore, #tpu.memory_space<semaphore_mem>>
        %dma_start3A_66 = tpu.memref_slice %arg3[%mul3A_36] : memref<1600000xi32, #tpu.memory_space<hbm>> -> memref<2000xi32, #tpu.memory_space<hbm>>
        %dma_start3A_67 = tpu.memref_slice %arg3[%mul3A_36] : memref<1600000xi32, #tpu.memory_space<hbm>> -> memref<2000xi32, #tpu.memory_space<hbm>>
        tpu.enqueue_dma source(%dma_start3A_67 : memref<2000xi32, #tpu.memory_space<hbm>>) target(%arg10 : memref<2000xi32, #tpu.memory_space<vmem>>) target_semaphore(%run_scoped3A : memref<!tpu.dma_semaphore, #tpu.memory_space<semaphore_mem>>)
        %dma_wait3A_68 = tpu.memref_slice %arg3[%mul3A_36] : memref<1600000xi32, #tpu.memory_space<hbm>> -> memref<2000xi32, #tpu.memory_space<hbm>>
        %dma_wait3A_69 = tpu.memref_slice %arg3[%mul3A_36] : memref<1600000xi32, #tpu.memory_space<hbm>> -> memref<2000xi32, #tpu.memory_space<hbm>>
        tpu.wait_dma2 semaphore(%run_scoped3A : memref<!tpu.dma_semaphore, #tpu.memory_space<semaphore_mem>>) src(%dma_wait3A_69 : memref<2000xi32, #tpu.memory_space<hbm>>) dst(%arg10 : memref<2000xi32, #tpu.memory_space<vmem>>)
        tpu.yield
      }) : () -> ()
      "tpu.region"() ({
        %run_scoped3A = tpu.sem_alloc : memref<!tpu.dma_semaphore, #tpu.memory_space<semaphore_mem>>
        %dma_start3A_66 = tpu.memref_slice %arg2[%mul3A_36] : memref<1600000xi32, #tpu.memory_space<hbm>> -> memref<2000xi32, #tpu.memory_space<hbm>>
        %dma_start3A_67 = tpu.memref_slice %arg2[%mul3A_36] : memref<1600000xi32, #tpu.memory_space<hbm>> -> memref<2000xi32, #tpu.memory_space<hbm>>
        tpu.enqueue_dma source(%dma_start3A_67 : memref<2000xi32, #tpu.memory_space<hbm>>) target(%arg11 : memref<2000xi32, #tpu.memory_space<vmem>>) target_semaphore(%run_scoped3A : memref<!tpu.dma_semaphore, #tpu.memory_space<semaphore_mem>>)
        %dma_wait3A_68 = tpu.memref_slice %arg2[%mul3A_36] : memref<1600000xi32, #tpu.memory_space<hbm>> -> memref<2000xi32, #tpu.memory_space<hbm>>
        %dma_wait3A_69 = tpu.memref_slice %arg2[%mul3A_36] : memref<1600000xi32, #tpu.memory_space<hbm>> -> memref<2000xi32, #tpu.memory_space<hbm>>
        tpu.wait_dma2 semaphore(%run_scoped3A : memref<!tpu.dma_semaphore, #tpu.memory_space<semaphore_mem>>) src(%dma_wait3A_69 : memref<2000xi32, #tpu.memory_space<hbm>>) dst(%arg11 : memref<2000xi32, #tpu.memory_space<vmem>>)
        tpu.yield
      }) : () -> ()
      %add3A = arith.constant 2000 : i32
      %add3A_37 = arith.addi %mul3A_36, %add3A : i32
      %dma_start3A = tpu.memref_slice %arg3[%add3A_37] : memref<1600000xi32, #tpu.memory_space<hbm>> -> memref<2000xi32, #tpu.memory_space<hbm>>
      %dma_start3A_38 = tpu.memref_slice %arg3[%add3A_37] : memref<1600000xi32, #tpu.memory_space<hbm>> -> memref<2000xi32, #tpu.memory_space<hbm>>
      tpu.enqueue_dma source(%dma_start3A_38 : memref<2000xi32, #tpu.memory_space<hbm>>) target(%arg12 : memref<2000xi32, #tpu.memory_space<vmem>>) target_semaphore(%arg19 : memref<!tpu.dma_semaphore, #tpu.memory_space<semaphore_mem>>)
      %dma_start3A_39 = tpu.memref_slice %arg2[%add3A_37] : memref<1600000xi32, #tpu.memory_space<hbm>> -> memref<2000xi32, #tpu.memory_space<hbm>>
      %dma_start3A_40 = tpu.memref_slice %arg2[%add3A_37] : memref<1600000xi32, #tpu.memory_space<hbm>> -> memref<2000xi32, #tpu.memory_space<hbm>>
      tpu.enqueue_dma source(%dma_start3A_40 : memref<2000xi32, #tpu.memory_space<hbm>>) target(%arg13 : memref<2000xi32, #tpu.memory_space<vmem>>) target_semaphore(%arg19 : memref<!tpu.dma_semaphore, #tpu.memory_space<semaphore_mem>>)
      %dma_start3A_41 = arith.constant 0 : i32
      %dma_start3A_42 = tpu.memref_slice %arg11[%dma_start3A_41] : memref<2000xi32, #tpu.memory_space<vmem>> -> memref<400xi32, #tpu.memory_space<vmem>>
      %dma_start3A_43 = arith.constant 0 : i32
      %dma_start3A_44 = arith.constant 0 : i32
      %dma_start3A_45 = tpu.memref_slice %arg4[%dma_start3A_43, %dma_start3A_44] : memref<100000x16xf32, #tpu.memory_space<hbm>> -> memref<100000x16xf32, #tpu.memory_space<hbm>>
      tpu.enqueue_indirect_dma source(%dma_start3A_45 : memref<100000x16xf32, #tpu.memory_space<hbm>>) target(%arg14 : memref<400x16xf32, #tpu.memory_space<vmem>>) offsets(%dma_start3A_42 : memref<400xi32, #tpu.memory_space<vmem>>) semaphore(%arg20 : memref<!tpu.dma_semaphore, #tpu.memory_space<semaphore_mem>>)
      %scan3A_46 = arith.constant 0 : i32
      %scan3A_47 = arith.constant 0 : i32
      %scan3A_48 = arith.constant 25 : i32
      %scan3A_49 = arith.addi %scan3A_47, %scan3A_48 : i32
      %scan3A_50 = arith.constant 1 : i32
      %scan3A_51 = scf.for %scan3A_66 = %scan3A_47 to %scan3A_49 step %scan3A_50 iter_args(%scan3A_67 = %scan3A_46) -> (i32)  : i32 {
        %gt3A = arith.constant 0 : i32
        %gt3A_68 = arith.cmpi sgt, %scan3A_66, %gt3A : i32
        %convert_element_type3A_69 = arith.extui %gt3A_68 : i1 to i32
        %cond3A_70 = arith.constant 0 : i32
        %cond3A_71 = arith.cmpi ne, %convert_element_type3A_69, %cond3A_70 : i32
        scf.if %cond3A_71 {
          %dma_wait3A_299 = arith.constant 0 : i32
          %dma_wait3A_300 = arith.constant 0 : i32
          %dma_wait3A_301 = tpu.memref_slice %arg4[%dma_wait3A_299, %dma_wait3A_300] : memref<100000x16xf32, #tpu.memory_space<hbm>> -> memref<400x16xf32, #tpu.memory_space<hbm>>
          %dma_wait3A_302 = arith.constant 0 : i32
          %dma_wait3A_303 = arith.constant 0 : i32
          %dma_wait3A_304 = tpu.memref_slice %arg4[%dma_wait3A_302, %dma_wait3A_303] : memref<100000x16xf32, #tpu.memory_space<hbm>> -> memref<400x16xf32, #tpu.memory_space<hbm>>
          tpu.wait_dma2 semaphore(%arg23 : memref<!tpu.dma_semaphore, #tpu.memory_space<semaphore_mem>>) src(%dma_wait3A_304 : memref<400x16xf32, #tpu.memory_space<hbm>>) dst(%arg15 : memref<400x16xf32, #tpu.memory_space<vmem>>)
          %mul3A_305 = arith.constant 2 : i32
          %mul3A_306 = arith.muli %mul3A_305, %scan3A_66 : i32
          %add3A_307 = arith.constant 1 : i32
          %add3A_308 = arith.addi %mul3A_306, %add3A_307 : i32
          %mul3A_309 = arith.constant 2000 : i32
          %mul3A_310 = arith.muli %add3A_308, %mul3A_309 : i32
          %add3A_311 = arith.addi %mul3A_36, %mul3A_310 : i32
          %dma_start3A_312 = tpu.memref_slice %arg3[%add3A_311] : memref<1600000xi32, #tpu.memory_space<hbm>> -> memref<2000xi32, #tpu.memory_space<hbm>>
          %dma_start3A_313 = tpu.memref_slice %arg3[%add3A_311] : memref<1600000xi32, #tpu.memory_space<hbm>> -> memref<2000xi32, #tpu.memory_space<hbm>>
          tpu.enqueue_dma source(%dma_start3A_313 : memref<2000xi32, #tpu.memory_space<hbm>>) target(%arg12 : memref<2000xi32, #tpu.memory_space<vmem>>) target_semaphore(%arg19 : memref<!tpu.dma_semaphore, #tpu.memory_space<semaphore_mem>>)
          %dma_start3A_314 = tpu.memref_slice %arg2[%add3A_311] : memref<1600000xi32, #tpu.memory_space<hbm>> -> memref<2000xi32, #tpu.memory_space<hbm>>
          %dma_start3A_315 = tpu.memref_slice %arg2[%add3A_311] : memref<1600000xi32, #tpu.memory_space<hbm>> -> memref<2000xi32, #tpu.memory_space<hbm>>
          tpu.enqueue_dma source(%dma_start3A_315 : memref<2000xi32, #tpu.memory_space<hbm>>) target(%arg13 : memref<2000xi32, #tpu.memory_space<vmem>>) target_semaphore(%arg19 : memref<!tpu.dma_semaphore, #tpu.memory_space<semaphore_mem>>)
        } else {
        }
        %dma_start3A_72 = arith.constant 400 : i32
        %dma_start3A_73 = tpu.memref_slice %arg11[%dma_start3A_72] : memref<2000xi32, #tpu.memory_space<vmem>> -> memref<400xi32, #tpu.memory_space<vmem>>
        %dma_start3A_74 = arith.constant 0 : i32
        %dma_start3A_75 = arith.constant 0 : i32
        %dma_start3A_76 = tpu.memref_slice %arg4[%dma_start3A_74, %dma_start3A_75] : memref<100000x16xf32, #tpu.memory_space<hbm>> -> memref<100000x16xf32, #tpu.memory_space<hbm>>
        tpu.enqueue_indirect_dma source(%dma_start3A_76 : memref<100000x16xf32, #tpu.memory_space<hbm>>) target(%arg15 : memref<400x16xf32, #tpu.memory_space<vmem>>) offsets(%dma_start3A_73 : memref<400xi32, #tpu.memory_space<vmem>>) semaphore(%arg21 : memref<!tpu.dma_semaphore, #tpu.memory_space<semaphore_mem>>)
        %dma_wait3A_77 = arith.constant 0 : i32
        %dma_wait3A_78 = arith.constant 0 : i32
        %dma_wait3A_79 = tpu.memref_slice %arg4[%dma_wait3A_77, %dma_wait3A_78] : memref<100000x16xf32, #tpu.memory_space<hbm>> -> memref<400x16xf32, #tpu.memory_space<hbm>>
        %dma_wait3A_80 = arith.constant 0 : i32
        %dma_wait3A_81 = arith.constant 0 : i32
        %dma_wait3A_82 = tpu.memref_slice %arg4[%dma_wait3A_80, %dma_wait3A_81] : memref<100000x16xf32, #tpu.memory_space<hbm>> -> memref<400x16xf32, #tpu.memory_space<hbm>>
        tpu.wait_dma2 semaphore(%arg20 : memref<!tpu.dma_semaphore, #tpu.memory_space<semaphore_mem>>) src(%dma_wait3A_82 : memref<400x16xf32, #tpu.memory_space<hbm>>) dst(%arg14 : memref<400x16xf32, #tpu.memory_space<vmem>>)
        %dma_start3A_83 = arith.constant 0 : i32
        %dma_start3A_84 = tpu.memref_slice %arg10[%dma_start3A_83] : memref<2000xi32, #tpu.memory_space<vmem>> -> memref<400xi32, #tpu.memory_space<vmem>>
        %dma_start3A_85 = arith.constant 0 : i32
        %dma_start3A_86 = arith.constant 0 : i32
        %dma_start3A_87 = tpu.memref_slice %arg17[%dma_start3A_85, %dma_start3A_86] : memref<100000x16xf32, #tpu.memory_space<vmem_shared>> -> memref<100000x16xf32, #tpu.memory_space<vmem_shared>>
        tpu.enqueue_indirect_dma source(%arg14 : memref<400x16xf32, #tpu.memory_space<vmem>>) target(%dma_start3A_87 : memref<100000x16xf32, #tpu.memory_space<vmem_shared>>) offsets(%dma_start3A_84 : memref<400xi32, #tpu.memory_space<vmem>>) semaphore(%arg22 : memref<!tpu.dma_semaphore, #tpu.memory_space<semaphore_mem>>) {add = true}
        %dma_wait3A_88 = arith.constant 0 : i32
        %dma_wait3A_89 = arith.constant 0 : i32
        %dma_wait3A_90 = tpu.memref_slice %arg4[%dma_wait3A_88, %dma_wait3A_89] : memref<100000x16xf32, #tpu.memory_space<hbm>> -> memref<400x16xf32, #tpu.memory_space<hbm>>
        %dma_wait3A_91 = arith.constant 0 : i32
        %dma_wait3A_92 = arith.constant 0 : i32
        %dma_wait3A_93 = tpu.memref_slice %arg4[%dma_wait3A_91, %dma_wait3A_92] : memref<100000x16xf32, #tpu.memory_space<hbm>> -> memref<400x16xf32, #tpu.memory_space<hbm>>
        tpu.wait_dma2 semaphore(%arg22 : memref<!tpu.dma_semaphore, #tpu.memory_space<semaphore_mem>>) src(%dma_wait3A_93 : memref<400x16xf32, #tpu.memory_space<hbm>>) dst(%arg14 : memref<400x16xf32, #tpu.memory_space<vmem>>)
        %dma_start3A_94 = arith.constant 800 : i32
        %dma_start3A_95 = tpu.memref_slice %arg11[%dma_start3A_94] : memref<2000xi32, #tpu.memory_space<vmem>> -> memref<400xi32, #tpu.memory_space<vmem>>
        %dma_start3A_96 = arith.constant 0 : i32
        %dma_start3A_97 = arith.constant 0 : i32
        %dma_start3A_98 = tpu.memref_slice %arg4[%dma_start3A_96, %dma_start3A_97] : memref<100000x16xf32, #tpu.memory_space<hbm>> -> memref<100000x16xf32, #tpu.memory_space<hbm>>
        tpu.enqueue_indirect_dma source(%dma_start3A_98 : memref<100000x16xf32, #tpu.memory_space<hbm>>) target(%arg14 : memref<400x16xf32, #tpu.memory_space<vmem>>) offsets(%dma_start3A_95 : memref<400xi32, #tpu.memory_space<vmem>>) semaphore(%arg20 : memref<!tpu.dma_semaphore, #tpu.memory_space<semaphore_mem>>)
        %dma_wait3A_99 = arith.constant 0 : i32
        %dma_wait3A_100 = arith.constant 0 : i32
        %dma_wait3A_101 = tpu.memref_slice %arg4[%dma_wait3A_99, %dma_wait3A_100] : memref<100000x16xf32, #tpu.memory_space<hbm>> -> memref<400x16xf32, #tpu.memory_space<hbm>>
        %dma_wait3A_102 = arith.constant 0 : i32
        %dma_wait3A_103 = arith.constant 0 : i32
        %dma_wait3A_104 = tpu.memref_slice %arg4[%dma_wait3A_102, %dma_wait3A_103] : memref<100000x16xf32, #tpu.memory_space<hbm>> -> memref<400x16xf32, #tpu.memory_space<hbm>>
        tpu.wait_dma2 semaphore(%arg21 : memref<!tpu.dma_semaphore, #tpu.memory_space<semaphore_mem>>) src(%dma_wait3A_104 : memref<400x16xf32, #tpu.memory_space<hbm>>) dst(%arg15 : memref<400x16xf32, #tpu.memory_space<vmem>>)
        %dma_start3A_105 = arith.constant 400 : i32
        %dma_start3A_106 = tpu.memref_slice %arg10[%dma_start3A_105] : memref<2000xi32, #tpu.memory_space<vmem>> -> memref<400xi32, #tpu.memory_space<vmem>>
        %dma_start3A_107 = arith.constant 0 : i32
        %dma_start3A_108 = arith.constant 0 : i32
        %dma_start3A_109 = tpu.memref_slice %arg17[%dma_start3A_107, %dma_start3A_108] : memref<100000x16xf32, #tpu.memory_space<vmem_shared>> -> memref<100000x16xf32, #tpu.memory_space<vmem_shared>>
        tpu.enqueue_indirect_dma source(%arg15 : memref<400x16xf32, #tpu.memory_space<vmem>>) target(%dma_start3A_109 : memref<100000x16xf32, #tpu.memory_space<vmem_shared>>) offsets(%dma_start3A_106 : memref<400xi32, #tpu.memory_space<vmem>>) semaphore(%arg23 : memref<!tpu.dma_semaphore, #tpu.memory_space<semaphore_mem>>) {add = true}
        %dma_wait3A_110 = arith.constant 0 : i32
        %dma_wait3A_111 = arith.constant 0 : i32
        %dma_wait3A_112 = tpu.memref_slice %arg4[%dma_wait3A_110, %dma_wait3A_111] : memref<100000x16xf32, #tpu.memory_space<hbm>> -> memref<400x16xf32, #tpu.memory_space<hbm>>
        %dma_wait3A_113 = arith.constant 0 : i32
        %dma_wait3A_114 = arith.constant 0 : i32
        %dma_wait3A_115 = tpu.memref_slice %arg4[%dma_wait3A_113, %dma_wait3A_114] : memref<100000x16xf32, #tpu.memory_space<hbm>> -> memref<400x16xf32, #tpu.memory_space<hbm>>
        tpu.wait_dma2 semaphore(%arg23 : memref<!tpu.dma_semaphore, #tpu.memory_space<semaphore_mem>>) src(%dma_wait3A_115 : memref<400x16xf32, #tpu.memory_space<hbm>>) dst(%arg15 : memref<400x16xf32, #tpu.memory_space<vmem>>)
        %dma_start3A_116 = arith.constant 1200 : i32
        %dma_start3A_117 = tpu.memref_slice %arg11[%dma_start3A_116] : memref<2000xi32, #tpu.memory_space<vmem>> -> memref<400xi32, #tpu.memory_space<vmem>>
        %dma_start3A_118 = arith.constant 0 : i32
        %dma_start3A_119 = arith.constant 0 : i32
        %dma_start3A_120 = tpu.memref_slice %arg4[%dma_start3A_118, %dma_start3A_119] : memref<100000x16xf32, #tpu.memory_space<hbm>> -> memref<100000x16xf32, #tpu.memory_space<hbm>>
        tpu.enqueue_indirect_dma source(%dma_start3A_120 : memref<100000x16xf32, #tpu.memory_space<hbm>>) target(%arg15 : memref<400x16xf32, #tpu.memory_space<vmem>>) offsets(%dma_start3A_117 : memref<400xi32, #tpu.memory_space<vmem>>) semaphore(%arg21 : memref<!tpu.dma_semaphore, #tpu.memory_space<semaphore_mem>>)
        %dma_wait3A_121 = arith.constant 0 : i32
        %dma_wait3A_122 = arith.constant 0 : i32
        %dma_wait3A_123 = tpu.memref_slice %arg4[%dma_wait3A_121, %dma_wait3A_122] : memref<100000x16xf32, #tpu.memory_space<hbm>> -> memref<400x16xf32, #tpu.memory_space<hbm>>
        %dma_wait3A_124 = arith.constant 0 : i32
        %dma_wait3A_125 = arith.constant 0 : i32
        %dma_wait3A_126 = tpu.memref_slice %arg4[%dma_wait3A_124, %dma_wait3A_125] : memref<100000x16xf32, #tpu.memory_space<hbm>> -> memref<400x16xf32, #tpu.memory_space<hbm>>
        tpu.wait_dma2 semaphore(%arg20 : memref<!tpu.dma_semaphore, #tpu.memory_space<semaphore_mem>>) src(%dma_wait3A_126 : memref<400x16xf32, #tpu.memory_space<hbm>>) dst(%arg14 : memref<400x16xf32, #tpu.memory_space<vmem>>)
        %dma_start3A_127 = arith.constant 800 : i32
        %dma_start3A_128 = tpu.memref_slice %arg10[%dma_start3A_127] : memref<2000xi32, #tpu.memory_space<vmem>> -> memref<400xi32, #tpu.memory_space<vmem>>
        %dma_start3A_129 = arith.constant 0 : i32
        %dma_start3A_130 = arith.constant 0 : i32
        %dma_start3A_131 = tpu.memref_slice %arg17[%dma_start3A_129, %dma_start3A_130] : memref<100000x16xf32, #tpu.memory_space<vmem_shared>> -> memref<100000x16xf32, #tpu.memory_space<vmem_shared>>
        tpu.enqueue_indirect_dma source(%arg14 : memref<400x16xf32, #tpu.memory_space<vmem>>) target(%dma_start3A_131 : memref<100000x16xf32, #tpu.memory_space<vmem_shared>>) offsets(%dma_start3A_128 : memref<400xi32, #tpu.memory_space<vmem>>) semaphore(%arg22 : memref<!tpu.dma_semaphore, #tpu.memory_space<semaphore_mem>>) {add = true}
        %dma_wait3A_132 = arith.constant 0 : i32
        %dma_wait3A_133 = arith.constant 0 : i32
        %dma_wait3A_134 = tpu.memref_slice %arg4[%dma_wait3A_132, %dma_wait3A_133] : memref<100000x16xf32, #tpu.memory_space<hbm>> -> memref<400x16xf32, #tpu.memory_space<hbm>>
        %dma_wait3A_135 = arith.constant 0 : i32
        %dma_wait3A_136 = arith.constant 0 : i32
        %dma_wait3A_137 = tpu.memref_slice %arg4[%dma_wait3A_135, %dma_wait3A_136] : memref<100000x16xf32, #tpu.memory_space<hbm>> -> memref<400x16xf32, #tpu.memory_space<hbm>>
        tpu.wait_dma2 semaphore(%arg22 : memref<!tpu.dma_semaphore, #tpu.memory_space<semaphore_mem>>) src(%dma_wait3A_137 : memref<400x16xf32, #tpu.memory_space<hbm>>) dst(%arg14 : memref<400x16xf32, #tpu.memory_space<vmem>>)
        %dma_start3A_138 = arith.constant 1600 : i32
        %dma_start3A_139 = tpu.memref_slice %arg11[%dma_start3A_138] : memref<2000xi32, #tpu.memory_space<vmem>> -> memref<400xi32, #tpu.memory_space<vmem>>
        %dma_start3A_140 = arith.constant 0 : i32
        %dma_start3A_141 = arith.constant 0 : i32
        %dma_start3A_142 = tpu.memref_slice %arg4[%dma_start3A_140, %dma_start3A_141] : memref<100000x16xf32, #tpu.memory_space<hbm>> -> memref<100000x16xf32, #tpu.memory_space<hbm>>
        tpu.enqueue_indirect_dma source(%dma_start3A_142 : memref<100000x16xf32, #tpu.memory_space<hbm>>) target(%arg14 : memref<400x16xf32, #tpu.memory_space<vmem>>) offsets(%dma_start3A_139 : memref<400xi32, #tpu.memory_space<vmem>>) semaphore(%arg20 : memref<!tpu.dma_semaphore, #tpu.memory_space<semaphore_mem>>)
        %dma_wait3A_143 = arith.constant 0 : i32
        %dma_wait3A_144 = arith.constant 0 : i32
        %dma_wait3A_145 = tpu.memref_slice %arg4[%dma_wait3A_143, %dma_wait3A_144] : memref<100000x16xf32, #tpu.memory_space<hbm>> -> memref<400x16xf32, #tpu.memory_space<hbm>>
        %dma_wait3A_146 = arith.constant 0 : i32
        %dma_wait3A_147 = arith.constant 0 : i32
        %dma_wait3A_148 = tpu.memref_slice %arg4[%dma_wait3A_146, %dma_wait3A_147] : memref<100000x16xf32, #tpu.memory_space<hbm>> -> memref<400x16xf32, #tpu.memory_space<hbm>>
        tpu.wait_dma2 semaphore(%arg21 : memref<!tpu.dma_semaphore, #tpu.memory_space<semaphore_mem>>) src(%dma_wait3A_148 : memref<400x16xf32, #tpu.memory_space<hbm>>) dst(%arg15 : memref<400x16xf32, #tpu.memory_space<vmem>>)
        %dma_start3A_149 = arith.constant 1200 : i32
        %dma_start3A_150 = tpu.memref_slice %arg10[%dma_start3A_149] : memref<2000xi32, #tpu.memory_space<vmem>> -> memref<400xi32, #tpu.memory_space<vmem>>
        %dma_start3A_151 = arith.constant 0 : i32
        %dma_start3A_152 = arith.constant 0 : i32
        %dma_start3A_153 = tpu.memref_slice %arg17[%dma_start3A_151, %dma_start3A_152] : memref<100000x16xf32, #tpu.memory_space<vmem_shared>> -> memref<100000x16xf32, #tpu.memory_space<vmem_shared>>
        tpu.enqueue_indirect_dma source(%arg15 : memref<400x16xf32, #tpu.memory_space<vmem>>) target(%dma_start3A_153 : memref<100000x16xf32, #tpu.memory_space<vmem_shared>>) offsets(%dma_start3A_150 : memref<400xi32, #tpu.memory_space<vmem>>) semaphore(%arg23 : memref<!tpu.dma_semaphore, #tpu.memory_space<semaphore_mem>>) {add = true}
        %dma_wait3A_154 = arith.constant 0 : i32
        %dma_wait3A_155 = arith.constant 0 : i32
        %dma_wait3A_156 = tpu.memref_slice %arg4[%dma_wait3A_154, %dma_wait3A_155] : memref<100000x16xf32, #tpu.memory_space<hbm>> -> memref<400x16xf32, #tpu.memory_space<hbm>>
        %dma_wait3A_157 = arith.constant 0 : i32
        %dma_wait3A_158 = arith.constant 0 : i32
        %dma_wait3A_159 = tpu.memref_slice %arg4[%dma_wait3A_157, %dma_wait3A_158] : memref<100000x16xf32, #tpu.memory_space<hbm>> -> memref<400x16xf32, #tpu.memory_space<hbm>>
        tpu.wait_dma2 semaphore(%arg23 : memref<!tpu.dma_semaphore, #tpu.memory_space<semaphore_mem>>) src(%dma_wait3A_159 : memref<400x16xf32, #tpu.memory_space<hbm>>) dst(%arg15 : memref<400x16xf32, #tpu.memory_space<vmem>>)
        %dma_wait3A_160 = arith.constant 0 : i32
        %dma_wait3A_161 = tpu.memref_slice %arg3[%dma_wait3A_160] : memref<1600000xi32, #tpu.memory_space<hbm>> -> memref<2000xi32, #tpu.memory_space<hbm>>
        %dma_wait3A_162 = arith.constant 0 : i32
        %dma_wait3A_163 = tpu.memref_slice %arg3[%dma_wait3A_162] : memref<1600000xi32, #tpu.memory_space<hbm>> -> memref<2000xi32, #tpu.memory_space<hbm>>
        tpu.wait_dma2 semaphore(%arg19 : memref<!tpu.dma_semaphore, #tpu.memory_space<semaphore_mem>>) src(%dma_wait3A_163 : memref<2000xi32, #tpu.memory_space<hbm>>) dst(%arg12 : memref<2000xi32, #tpu.memory_space<vmem>>)
        %dma_wait3A_164 = arith.constant 0 : i32
        %dma_wait3A_165 = tpu.memref_slice %arg2[%dma_wait3A_164] : memref<1600000xi32, #tpu.memory_space<hbm>> -> memref<2000xi32, #tpu.memory_space<hbm>>
        %dma_wait3A_166 = arith.constant 0 : i32
        %dma_wait3A_167 = tpu.memref_slice %arg2[%dma_wait3A_166] : memref<1600000xi32, #tpu.memory_space<hbm>> -> memref<2000xi32, #tpu.memory_space<hbm>>
        tpu.wait_dma2 semaphore(%arg19 : memref<!tpu.dma_semaphore, #tpu.memory_space<semaphore_mem>>) src(%dma_wait3A_167 : memref<2000xi32, #tpu.memory_space<hbm>>) dst(%arg13 : memref<2000xi32, #tpu.memory_space<vmem>>)
        %dma_start3A_168 = arith.constant 0 : i32
        %dma_start3A_169 = tpu.memref_slice %arg13[%dma_start3A_168] : memref<2000xi32, #tpu.memory_space<vmem>> -> memref<400xi32, #tpu.memory_space<vmem>>
        %dma_start3A_170 = arith.constant 0 : i32
        %dma_start3A_171 = arith.constant 0 : i32
        %dma_start3A_172 = tpu.memref_slice %arg4[%dma_start3A_170, %dma_start3A_171] : memref<100000x16xf32, #tpu.memory_space<hbm>> -> memref<100000x16xf32, #tpu.memory_space<hbm>>
        tpu.enqueue_indirect_dma source(%dma_start3A_172 : memref<100000x16xf32, #tpu.memory_space<hbm>>) target(%arg15 : memref<400x16xf32, #tpu.memory_space<vmem>>) offsets(%dma_start3A_169 : memref<400xi32, #tpu.memory_space<vmem>>) semaphore(%arg21 : memref<!tpu.dma_semaphore, #tpu.memory_space<semaphore_mem>>)
        %dma_wait3A_173 = arith.constant 0 : i32
        %dma_wait3A_174 = arith.constant 0 : i32
        %dma_wait3A_175 = tpu.memref_slice %arg4[%dma_wait3A_173, %dma_wait3A_174] : memref<100000x16xf32, #tpu.memory_space<hbm>> -> memref<400x16xf32, #tpu.memory_space<hbm>>
        %dma_wait3A_176 = arith.constant 0 : i32
        %dma_wait3A_177 = arith.constant 0 : i32
        %dma_wait3A_178 = tpu.memref_slice %arg4[%dma_wait3A_176, %dma_wait3A_177] : memref<100000x16xf32, #tpu.memory_space<hbm>> -> memref<400x16xf32, #tpu.memory_space<hbm>>
        tpu.wait_dma2 semaphore(%arg20 : memref<!tpu.dma_semaphore, #tpu.memory_space<semaphore_mem>>) src(%dma_wait3A_178 : memref<400x16xf32, #tpu.memory_space<hbm>>) dst(%arg14 : memref<400x16xf32, #tpu.memory_space<vmem>>)
        %dma_start3A_179 = arith.constant 1600 : i32
        %dma_start3A_180 = tpu.memref_slice %arg10[%dma_start3A_179] : memref<2000xi32, #tpu.memory_space<vmem>> -> memref<400xi32, #tpu.memory_space<vmem>>
        %dma_start3A_181 = arith.constant 0 : i32
        %dma_start3A_182 = arith.constant 0 : i32
        %dma_start3A_183 = tpu.memref_slice %arg17[%dma_start3A_181, %dma_start3A_182] : memref<100000x16xf32, #tpu.memory_space<vmem_shared>> -> memref<100000x16xf32, #tpu.memory_space<vmem_shared>>
        tpu.enqueue_indirect_dma source(%arg14 : memref<400x16xf32, #tpu.memory_space<vmem>>) target(%dma_start3A_183 : memref<100000x16xf32, #tpu.memory_space<vmem_shared>>) offsets(%dma_start3A_180 : memref<400xi32, #tpu.memory_space<vmem>>) semaphore(%arg22 : memref<!tpu.dma_semaphore, #tpu.memory_space<semaphore_mem>>) {add = true}
        %dma_wait3A_184 = arith.constant 0 : i32
        %dma_wait3A_185 = arith.constant 0 : i32
        %dma_wait3A_186 = tpu.memref_slice %arg4[%dma_wait3A_184, %dma_wait3A_185] : memref<100000x16xf32, #tpu.memory_space<hbm>> -> memref<400x16xf32, #tpu.memory_space<hbm>>
        %dma_wait3A_187 = arith.constant 0 : i32
        %dma_wait3A_188 = arith.constant 0 : i32
        %dma_wait3A_189 = tpu.memref_slice %arg4[%dma_wait3A_187, %dma_wait3A_188] : memref<100000x16xf32, #tpu.memory_space<hbm>> -> memref<400x16xf32, #tpu.memory_space<hbm>>
        tpu.wait_dma2 semaphore(%arg22 : memref<!tpu.dma_semaphore, #tpu.memory_space<semaphore_mem>>) src(%dma_wait3A_189 : memref<400x16xf32, #tpu.memory_space<hbm>>) dst(%arg14 : memref<400x16xf32, #tpu.memory_space<vmem>>)
        %lt3A = arith.constant 24 : i32
        %lt3A_190 = arith.cmpi slt, %scan3A_66, %lt3A : i32
        %convert_element_type3A_191 = arith.extui %lt3A_190 : i1 to i32
        %cond3A_192 = arith.constant 0 : i32
        %cond3A_193 = arith.cmpi ne, %convert_element_type3A_191, %cond3A_192 : i32
        scf.if %cond3A_193 {
          %mul3A_299 = arith.constant 2 : i32
          %mul3A_300 = arith.muli %mul3A_299, %scan3A_66 : i32
          %add3A_301 = arith.constant 2 : i32
          %add3A_302 = arith.addi %mul3A_300, %add3A_301 : i32
          %mul3A_303 = arith.constant 2000 : i32
          %mul3A_304 = arith.muli %add3A_302, %mul3A_303 : i32
          %add3A_305 = arith.addi %mul3A_36, %mul3A_304 : i32
          %dma_start3A_306 = tpu.memref_slice %arg3[%add3A_305] : memref<1600000xi32, #tpu.memory_space<hbm>> -> memref<2000xi32, #tpu.memory_space<hbm>>
          %dma_start3A_307 = tpu.memref_slice %arg3[%add3A_305] : memref<1600000xi32, #tpu.memory_space<hbm>> -> memref<2000xi32, #tpu.memory_space<hbm>>
          tpu.enqueue_dma source(%dma_start3A_307 : memref<2000xi32, #tpu.memory_space<hbm>>) target(%arg10 : memref<2000xi32, #tpu.memory_space<vmem>>) target_semaphore(%arg18 : memref<!tpu.dma_semaphore, #tpu.memory_space<semaphore_mem>>)
          %dma_start3A_308 = tpu.memref_slice %arg2[%add3A_305] : memref<1600000xi32, #tpu.memory_space<hbm>> -> memref<2000xi32, #tpu.memory_space<hbm>>
          %dma_start3A_309 = tpu.memref_slice %arg2[%add3A_305] : memref<1600000xi32, #tpu.memory_space<hbm>> -> memref<2000xi32, #tpu.memory_space<hbm>>
          tpu.enqueue_dma source(%dma_start3A_309 : memref<2000xi32, #tpu.memory_space<hbm>>) target(%arg11 : memref<2000xi32, #tpu.memory_space<vmem>>) target_semaphore(%arg18 : memref<!tpu.dma_semaphore, #tpu.memory_space<semaphore_mem>>)
        } else {
        }
        %dma_start3A_194 = arith.constant 400 : i32
        %dma_start3A_195 = tpu.memref_slice %arg13[%dma_start3A_194] : memref<2000xi32, #tpu.memory_space<vmem>> -> memref<400xi32, #tpu.memory_space<vmem>>
        %dma_start3A_196 = arith.constant 0 : i32
        %dma_start3A_197 = arith.constant 0 : i32
        %dma_start3A_198 = tpu.memref_slice %arg4[%dma_start3A_196, %dma_start3A_197] : memref<100000x16xf32, #tpu.memory_space<hbm>> -> memref<100000x16xf32, #tpu.memory_space<hbm>>
        tpu.enqueue_indirect_dma source(%dma_start3A_198 : memref<100000x16xf32, #tpu.memory_space<hbm>>) target(%arg14 : memref<400x16xf32, #tpu.memory_space<vmem>>) offsets(%dma_start3A_195 : memref<400xi32, #tpu.memory_space<vmem>>) semaphore(%arg20 : memref<!tpu.dma_semaphore, #tpu.memory_space<semaphore_mem>>)
        %dma_wait3A_199 = arith.constant 0 : i32
        %dma_wait3A_200 = arith.constant 0 : i32
        %dma_wait3A_201 = tpu.memref_slice %arg4[%dma_wait3A_199, %dma_wait3A_200] : memref<100000x16xf32, #tpu.memory_space<hbm>> -> memref<400x16xf32, #tpu.memory_space<hbm>>
        %dma_wait3A_202 = arith.constant 0 : i32
        %dma_wait3A_203 = arith.constant 0 : i32
        %dma_wait3A_204 = tpu.memref_slice %arg4[%dma_wait3A_202, %dma_wait3A_203] : memref<100000x16xf32, #tpu.memory_space<hbm>> -> memref<400x16xf32, #tpu.memory_space<hbm>>
        tpu.wait_dma2 semaphore(%arg21 : memref<!tpu.dma_semaphore, #tpu.memory_space<semaphore_mem>>) src(%dma_wait3A_204 : memref<400x16xf32, #tpu.memory_space<hbm>>) dst(%arg15 : memref<400x16xf32, #tpu.memory_space<vmem>>)
        %dma_start3A_205 = arith.constant 0 : i32
        %dma_start3A_206 = tpu.memref_slice %arg12[%dma_start3A_205] : memref<2000xi32, #tpu.memory_space<vmem>> -> memref<400xi32, #tpu.memory_space<vmem>>
        %dma_start3A_207 = arith.constant 0 : i32
        %dma_start3A_208 = arith.constant 0 : i32
        %dma_start3A_209 = tpu.memref_slice %arg17[%dma_start3A_207, %dma_start3A_208] : memref<100000x16xf32, #tpu.memory_space<vmem_shared>> -> memref<100000x16xf32, #tpu.memory_space<vmem_shared>>
        tpu.enqueue_indirect_dma source(%arg15 : memref<400x16xf32, #tpu.memory_space<vmem>>) target(%dma_start3A_209 : memref<100000x16xf32, #tpu.memory_space<vmem_shared>>) offsets(%dma_start3A_206 : memref<400xi32, #tpu.memory_space<vmem>>) semaphore(%arg23 : memref<!tpu.dma_semaphore, #tpu.memory_space<semaphore_mem>>) {add = true}
        %dma_wait3A_210 = arith.constant 0 : i32
        %dma_wait3A_211 = arith.constant 0 : i32
        %dma_wait3A_212 = tpu.memref_slice %arg4[%dma_wait3A_210, %dma_wait3A_211] : memref<100000x16xf32, #tpu.memory_space<hbm>> -> memref<400x16xf32, #tpu.memory_space<hbm>>
        %dma_wait3A_213 = arith.constant 0 : i32
        %dma_wait3A_214 = arith.constant 0 : i32
        %dma_wait3A_215 = tpu.memref_slice %arg4[%dma_wait3A_213, %dma_wait3A_214] : memref<100000x16xf32, #tpu.memory_space<hbm>> -> memref<400x16xf32, #tpu.memory_space<hbm>>
        tpu.wait_dma2 semaphore(%arg23 : memref<!tpu.dma_semaphore, #tpu.memory_space<semaphore_mem>>) src(%dma_wait3A_215 : memref<400x16xf32, #tpu.memory_space<hbm>>) dst(%arg15 : memref<400x16xf32, #tpu.memory_space<vmem>>)
        %dma_start3A_216 = arith.constant 800 : i32
        %dma_start3A_217 = tpu.memref_slice %arg13[%dma_start3A_216] : memref<2000xi32, #tpu.memory_space<vmem>> -> memref<400xi32, #tpu.memory_space<vmem>>
        %dma_start3A_218 = arith.constant 0 : i32
        %dma_start3A_219 = arith.constant 0 : i32
        %dma_start3A_220 = tpu.memref_slice %arg4[%dma_start3A_218, %dma_start3A_219] : memref<100000x16xf32, #tpu.memory_space<hbm>> -> memref<100000x16xf32, #tpu.memory_space<hbm>>
        tpu.enqueue_indirect_dma source(%dma_start3A_220 : memref<100000x16xf32, #tpu.memory_space<hbm>>) target(%arg15 : memref<400x16xf32, #tpu.memory_space<vmem>>) offsets(%dma_start3A_217 : memref<400xi32, #tpu.memory_space<vmem>>) semaphore(%arg21 : memref<!tpu.dma_semaphore, #tpu.memory_space<semaphore_mem>>)
        %dma_wait3A_221 = arith.constant 0 : i32
        %dma_wait3A_222 = arith.constant 0 : i32
        %dma_wait3A_223 = tpu.memref_slice %arg4[%dma_wait3A_221, %dma_wait3A_222] : memref<100000x16xf32, #tpu.memory_space<hbm>> -> memref<400x16xf32, #tpu.memory_space<hbm>>
        %dma_wait3A_224 = arith.constant 0 : i32
        %dma_wait3A_225 = arith.constant 0 : i32
        %dma_wait3A_226 = tpu.memref_slice %arg4[%dma_wait3A_224, %dma_wait3A_225] : memref<100000x16xf32, #tpu.memory_space<hbm>> -> memref<400x16xf32, #tpu.memory_space<hbm>>
        tpu.wait_dma2 semaphore(%arg20 : memref<!tpu.dma_semaphore, #tpu.memory_space<semaphore_mem>>) src(%dma_wait3A_226 : memref<400x16xf32, #tpu.memory_space<hbm>>) dst(%arg14 : memref<400x16xf32, #tpu.memory_space<vmem>>)
        %dma_start3A_227 = arith.constant 400 : i32
        %dma_start3A_228 = tpu.memref_slice %arg12[%dma_start3A_227] : memref<2000xi32, #tpu.memory_space<vmem>> -> memref<400xi32, #tpu.memory_space<vmem>>
        %dma_start3A_229 = arith.constant 0 : i32
        %dma_start3A_230 = arith.constant 0 : i32
        %dma_start3A_231 = tpu.memref_slice %arg17[%dma_start3A_229, %dma_start3A_230] : memref<100000x16xf32, #tpu.memory_space<vmem_shared>> -> memref<100000x16xf32, #tpu.memory_space<vmem_shared>>
        tpu.enqueue_indirect_dma source(%arg14 : memref<400x16xf32, #tpu.memory_space<vmem>>) target(%dma_start3A_231 : memref<100000x16xf32, #tpu.memory_space<vmem_shared>>) offsets(%dma_start3A_228 : memref<400xi32, #tpu.memory_space<vmem>>) semaphore(%arg22 : memref<!tpu.dma_semaphore, #tpu.memory_space<semaphore_mem>>) {add = true}
        %dma_wait3A_232 = arith.constant 0 : i32
        %dma_wait3A_233 = arith.constant 0 : i32
        %dma_wait3A_234 = tpu.memref_slice %arg4[%dma_wait3A_232, %dma_wait3A_233] : memref<100000x16xf32, #tpu.memory_space<hbm>> -> memref<400x16xf32, #tpu.memory_space<hbm>>
        %dma_wait3A_235 = arith.constant 0 : i32
        %dma_wait3A_236 = arith.constant 0 : i32
        %dma_wait3A_237 = tpu.memref_slice %arg4[%dma_wait3A_235, %dma_wait3A_236] : memref<100000x16xf32, #tpu.memory_space<hbm>> -> memref<400x16xf32, #tpu.memory_space<hbm>>
        tpu.wait_dma2 semaphore(%arg22 : memref<!tpu.dma_semaphore, #tpu.memory_space<semaphore_mem>>) src(%dma_wait3A_237 : memref<400x16xf32, #tpu.memory_space<hbm>>) dst(%arg14 : memref<400x16xf32, #tpu.memory_space<vmem>>)
        %dma_start3A_238 = arith.constant 1200 : i32
        %dma_start3A_239 = tpu.memref_slice %arg13[%dma_start3A_238] : memref<2000xi32, #tpu.memory_space<vmem>> -> memref<400xi32, #tpu.memory_space<vmem>>
        %dma_start3A_240 = arith.constant 0 : i32
        %dma_start3A_241 = arith.constant 0 : i32
        %dma_start3A_242 = tpu.memref_slice %arg4[%dma_start3A_240, %dma_start3A_241] : memref<100000x16xf32, #tpu.memory_space<hbm>> -> memref<100000x16xf32, #tpu.memory_space<hbm>>
        tpu.enqueue_indirect_dma source(%dma_start3A_242 : memref<100000x16xf32, #tpu.memory_space<hbm>>) target(%arg14 : memref<400x16xf32, #tpu.memory_space<vmem>>) offsets(%dma_start3A_239 : memref<400xi32, #tpu.memory_space<vmem>>) semaphore(%arg20 : memref<!tpu.dma_semaphore, #tpu.memory_space<semaphore_mem>>)
        %dma_wait3A_243 = arith.constant 0 : i32
        %dma_wait3A_244 = arith.constant 0 : i32
        %dma_wait3A_245 = tpu.memref_slice %arg4[%dma_wait3A_243, %dma_wait3A_244] : memref<100000x16xf32, #tpu.memory_space<hbm>> -> memref<400x16xf32, #tpu.memory_space<hbm>>
        %dma_wait3A_246 = arith.constant 0 : i32
        %dma_wait3A_247 = arith.constant 0 : i32
        %dma_wait3A_248 = tpu.memref_slice %arg4[%dma_wait3A_246, %dma_wait3A_247] : memref<100000x16xf32, #tpu.memory_space<hbm>> -> memref<400x16xf32, #tpu.memory_space<hbm>>
        tpu.wait_dma2 semaphore(%arg21 : memref<!tpu.dma_semaphore, #tpu.memory_space<semaphore_mem>>) src(%dma_wait3A_248 : memref<400x16xf32, #tpu.memory_space<hbm>>) dst(%arg15 : memref<400x16xf32, #tpu.memory_space<vmem>>)
        %dma_start3A_249 = arith.constant 800 : i32
        %dma_start3A_250 = tpu.memref_slice %arg12[%dma_start3A_249] : memref<2000xi32, #tpu.memory_space<vmem>> -> memref<400xi32, #tpu.memory_space<vmem>>
        %dma_start3A_251 = arith.constant 0 : i32
        %dma_start3A_252 = arith.constant 0 : i32
        %dma_start3A_253 = tpu.memref_slice %arg17[%dma_start3A_251, %dma_start3A_252] : memref<100000x16xf32, #tpu.memory_space<vmem_shared>> -> memref<100000x16xf32, #tpu.memory_space<vmem_shared>>
        tpu.enqueue_indirect_dma source(%arg15 : memref<400x16xf32, #tpu.memory_space<vmem>>) target(%dma_start3A_253 : memref<100000x16xf32, #tpu.memory_space<vmem_shared>>) offsets(%dma_start3A_250 : memref<400xi32, #tpu.memory_space<vmem>>) semaphore(%arg23 : memref<!tpu.dma_semaphore, #tpu.memory_space<semaphore_mem>>) {add = true}
        %dma_wait3A_254 = arith.constant 0 : i32
        %dma_wait3A_255 = arith.constant 0 : i32
        %dma_wait3A_256 = tpu.memref_slice %arg4[%dma_wait3A_254, %dma_wait3A_255] : memref<100000x16xf32, #tpu.memory_space<hbm>> -> memref<400x16xf32, #tpu.memory_space<hbm>>
        %dma_wait3A_257 = arith.constant 0 : i32
        %dma_wait3A_258 = arith.constant 0 : i32
        %dma_wait3A_259 = tpu.memref_slice %arg4[%dma_wait3A_257, %dma_wait3A_258] : memref<100000x16xf32, #tpu.memory_space<hbm>> -> memref<400x16xf32, #tpu.memory_space<hbm>>
        tpu.wait_dma2 semaphore(%arg23 : memref<!tpu.dma_semaphore, #tpu.memory_space<semaphore_mem>>) src(%dma_wait3A_259 : memref<400x16xf32, #tpu.memory_space<hbm>>) dst(%arg15 : memref<400x16xf32, #tpu.memory_space<vmem>>)
        %dma_start3A_260 = arith.constant 1600 : i32
        %dma_start3A_261 = tpu.memref_slice %arg13[%dma_start3A_260] : memref<2000xi32, #tpu.memory_space<vmem>> -> memref<400xi32, #tpu.memory_space<vmem>>
        %dma_start3A_262 = arith.constant 0 : i32
        %dma_start3A_263 = arith.constant 0 : i32
        %dma_start3A_264 = tpu.memref_slice %arg4[%dma_start3A_262, %dma_start3A_263] : memref<100000x16xf32, #tpu.memory_space<hbm>> -> memref<100000x16xf32, #tpu.memory_space<hbm>>
        tpu.enqueue_indirect_dma source(%dma_start3A_264 : memref<100000x16xf32, #tpu.memory_space<hbm>>) target(%arg15 : memref<400x16xf32, #tpu.memory_space<vmem>>) offsets(%dma_start3A_261 : memref<400xi32, #tpu.memory_space<vmem>>) semaphore(%arg21 : memref<!tpu.dma_semaphore, #tpu.memory_space<semaphore_mem>>)
        %dma_wait3A_265 = arith.constant 0 : i32
        %dma_wait3A_266 = arith.constant 0 : i32
        %dma_wait3A_267 = tpu.memref_slice %arg4[%dma_wait3A_265, %dma_wait3A_266] : memref<100000x16xf32, #tpu.memory_space<hbm>> -> memref<400x16xf32, #tpu.memory_space<hbm>>
        %dma_wait3A_268 = arith.constant 0 : i32
        %dma_wait3A_269 = arith.constant 0 : i32
        %dma_wait3A_270 = tpu.memref_slice %arg4[%dma_wait3A_268, %dma_wait3A_269] : memref<100000x16xf32, #tpu.memory_space<hbm>> -> memref<400x16xf32, #tpu.memory_space<hbm>>
        tpu.wait_dma2 semaphore(%arg20 : memref<!tpu.dma_semaphore, #tpu.memory_space<semaphore_mem>>) src(%dma_wait3A_270 : memref<400x16xf32, #tpu.memory_space<hbm>>) dst(%arg14 : memref<400x16xf32, #tpu.memory_space<vmem>>)
        %dma_start3A_271 = arith.constant 1200 : i32
        %dma_start3A_272 = tpu.memref_slice %arg12[%dma_start3A_271] : memref<2000xi32, #tpu.memory_space<vmem>> -> memref<400xi32, #tpu.memory_space<vmem>>
        %dma_start3A_273 = arith.constant 0 : i32
        %dma_start3A_274 = arith.constant 0 : i32
        %dma_start3A_275 = tpu.memref_slice %arg17[%dma_start3A_273, %dma_start3A_274] : memref<100000x16xf32, #tpu.memory_space<vmem_shared>> -> memref<100000x16xf32, #tpu.memory_space<vmem_shared>>
        tpu.enqueue_indirect_dma source(%arg14 : memref<400x16xf32, #tpu.memory_space<vmem>>) target(%dma_start3A_275 : memref<100000x16xf32, #tpu.memory_space<vmem_shared>>) offsets(%dma_start3A_272 : memref<400xi32, #tpu.memory_space<vmem>>) semaphore(%arg22 : memref<!tpu.dma_semaphore, #tpu.memory_space<semaphore_mem>>) {add = true}
        %dma_wait3A_276 = arith.constant 0 : i32
        %dma_wait3A_277 = arith.constant 0 : i32
        %dma_wait3A_278 = tpu.memref_slice %arg4[%dma_wait3A_276, %dma_wait3A_277] : memref<100000x16xf32, #tpu.memory_space<hbm>> -> memref<400x16xf32, #tpu.memory_space<hbm>>
        %dma_wait3A_279 = arith.constant 0 : i32
        %dma_wait3A_280 = arith.constant 0 : i32
        %dma_wait3A_281 = tpu.memref_slice %arg4[%dma_wait3A_279, %dma_wait3A_280] : memref<100000x16xf32, #tpu.memory_space<hbm>> -> memref<400x16xf32, #tpu.memory_space<hbm>>
        tpu.wait_dma2 semaphore(%arg22 : memref<!tpu.dma_semaphore, #tpu.memory_space<semaphore_mem>>) src(%dma_wait3A_281 : memref<400x16xf32, #tpu.memory_space<hbm>>) dst(%arg14 : memref<400x16xf32, #tpu.memory_space<vmem>>)
        %lt3A_282 = arith.constant 24 : i32
        %lt3A_283 = arith.cmpi slt, %scan3A_66, %lt3A_282 : i32
        %convert_element_type3A_284 = arith.extui %lt3A_283 : i1 to i32
        %cond3A_285 = arith.constant 0 : i32
        %cond3A_286 = arith.cmpi ne, %convert_element_type3A_284, %cond3A_285 : i32
        scf.if %cond3A_286 {
          %dma_wait3A_299 = arith.constant 0 : i32
          %dma_wait3A_300 = tpu.memref_slice %arg3[%dma_wait3A_299] : memref<1600000xi32, #tpu.memory_space<hbm>> -> memref<2000xi32, #tpu.memory_space<hbm>>
          %dma_wait3A_301 = arith.constant 0 : i32
          %dma_wait3A_302 = tpu.memref_slice %arg3[%dma_wait3A_301] : memref<1600000xi32, #tpu.memory_space<hbm>> -> memref<2000xi32, #tpu.memory_space<hbm>>
          tpu.wait_dma2 semaphore(%arg18 : memref<!tpu.dma_semaphore, #tpu.memory_space<semaphore_mem>>) src(%dma_wait3A_302 : memref<2000xi32, #tpu.memory_space<hbm>>) dst(%arg10 : memref<2000xi32, #tpu.memory_space<vmem>>)
          %dma_wait3A_303 = arith.constant 0 : i32
          %dma_wait3A_304 = tpu.memref_slice %arg2[%dma_wait3A_303] : memref<1600000xi32, #tpu.memory_space<hbm>> -> memref<2000xi32, #tpu.memory_space<hbm>>
          %dma_wait3A_305 = arith.constant 0 : i32
          %dma_wait3A_306 = tpu.memref_slice %arg2[%dma_wait3A_305] : memref<1600000xi32, #tpu.memory_space<hbm>> -> memref<2000xi32, #tpu.memory_space<hbm>>
          tpu.wait_dma2 semaphore(%arg18 : memref<!tpu.dma_semaphore, #tpu.memory_space<semaphore_mem>>) src(%dma_wait3A_306 : memref<2000xi32, #tpu.memory_space<hbm>>) dst(%arg11 : memref<2000xi32, #tpu.memory_space<vmem>>)
          %dma_start3A_307 = arith.constant 0 : i32
          %dma_start3A_308 = tpu.memref_slice %arg11[%dma_start3A_307] : memref<2000xi32, #tpu.memory_space<vmem>> -> memref<400xi32, #tpu.memory_space<vmem>>
          %dma_start3A_309 = arith.constant 0 : i32
          %dma_start3A_310 = arith.constant 0 : i32
          %dma_start3A_311 = tpu.memref_slice %arg4[%dma_start3A_309, %dma_start3A_310] : memref<100000x16xf32, #tpu.memory_space<hbm>> -> memref<100000x16xf32, #tpu.memory_space<hbm>>
          tpu.enqueue_indirect_dma source(%dma_start3A_311 : memref<100000x16xf32, #tpu.memory_space<hbm>>) target(%arg14 : memref<400x16xf32, #tpu.memory_space<vmem>>) offsets(%dma_start3A_308 : memref<400xi32, #tpu.memory_space<vmem>>) semaphore(%arg20 : memref<!tpu.dma_semaphore, #tpu.memory_space<semaphore_mem>>)
        } else {
        }
        %dma_wait3A_287 = arith.constant 0 : i32
        %dma_wait3A_288 = arith.constant 0 : i32
        %dma_wait3A_289 = tpu.memref_slice %arg4[%dma_wait3A_287, %dma_wait3A_288] : memref<100000x16xf32, #tpu.memory_space<hbm>> -> memref<400x16xf32, #tpu.memory_space<hbm>>
        %dma_wait3A_290 = arith.constant 0 : i32
        %dma_wait3A_291 = arith.constant 0 : i32
        %dma_wait3A_292 = tpu.memref_slice %arg4[%dma_wait3A_290, %dma_wait3A_291] : memref<100000x16xf32, #tpu.memory_space<hbm>> -> memref<400x16xf32, #tpu.memory_space<hbm>>
        tpu.wait_dma2 semaphore(%arg21 : memref<!tpu.dma_semaphore, #tpu.memory_space<semaphore_mem>>) src(%dma_wait3A_292 : memref<400x16xf32, #tpu.memory_space<hbm>>) dst(%arg15 : memref<400x16xf32, #tpu.memory_space<vmem>>)
        %dma_start3A_293 = arith.constant 1600 : i32
        %dma_start3A_294 = tpu.memref_slice %arg12[%dma_start3A_293] : memref<2000xi32, #tpu.memory_space<vmem>> -> memref<400xi32, #tpu.memory_space<vmem>>
        %dma_start3A_295 = arith.constant 0 : i32
        %dma_start3A_296 = arith.constant 0 : i32
        %dma_start3A_297 = tpu.memref_slice %arg17[%dma_start3A_295, %dma_start3A_296] : memref<100000x16xf32, #tpu.memory_space<vmem_shared>> -> memref<100000x16xf32, #tpu.memory_space<vmem_shared>>
        tpu.enqueue_indirect_dma source(%arg15 : memref<400x16xf32, #tpu.memory_space<vmem>>) target(%dma_start3A_297 : memref<100000x16xf32, #tpu.memory_space<vmem_shared>>) offsets(%dma_start3A_294 : memref<400xi32, #tpu.memory_space<vmem>>) semaphore(%arg23 : memref<!tpu.dma_semaphore, #tpu.memory_space<semaphore_mem>>) {add = true}
        %scan3A_298 = arith.constant 0 : i32
        scf.yield %scan3A_298 : i32
      }
      %scan3A_52 = arith.constant 25 : i32
      %dma_wait3A = arith.constant 0 : i32
      %dma_wait3A_53 = arith.constant 0 : i32
      %dma_wait3A_54 = tpu.memref_slice %arg4[%dma_wait3A, %dma_wait3A_53] : memref<100000x16xf32, #tpu.memory_space<hbm>> -> memref<400x16xf32, #tpu.memory_space<hbm>>
      %dma_wait3A_55 = arith.constant 0 : i32
      %dma_wait3A_56 = arith.constant 0 : i32
      %dma_wait3A_57 = tpu.memref_slice %arg4[%dma_wait3A_55, %dma_wait3A_56] : memref<100000x16xf32, #tpu.memory_space<hbm>> -> memref<400x16xf32, #tpu.memory_space<hbm>>
      tpu.wait_dma2 semaphore(%arg23 : memref<!tpu.dma_semaphore, #tpu.memory_space<semaphore_mem>>) src(%dma_wait3A_57 : memref<400x16xf32, #tpu.memory_space<hbm>>) dst(%arg15 : memref<400x16xf32, #tpu.memory_space<vmem>>)
      "tpu.trace_stop"() : () -> ()
      %barrier3A_58 = arith.constant 0 : index
      tpu.barrier barrier_id(%barrier3A_58)
      "tpu.trace_start"() <{level = 10 : i32, message = "agg_epi"}> : () -> ()
      %scan3A_59 = arith.constant 0 : i32
      %scan3A_60 = arith.constant 0 : i32
      %scan3A_61 = arith.constant 25 : i32
      %scan3A_62 = arith.addi %scan3A_60, %scan3A_61 : i32
      %scan3A_63 = arith.constant 1 : i32
      %scan3A_64 = scf.for %scan3A_66 = %scan3A_60 to %scan3A_62 step %scan3A_63 iter_args(%scan3A_67 = %scan3A_59) -> (i32)  : i32 {
        %mul3A_68 = arith.constant 250 : i32
        %mul3A_69 = arith.muli %scan3A_66, %mul3A_68 : i32
        %add3A_70 = arith.addi %mul3A_0, %mul3A_69 : i32
        "tpu.region"() ({
          %run_scoped3A = tpu.sem_alloc : memref<!tpu.dma_semaphore, #tpu.memory_space<semaphore_mem>>
          %dma_start3A_110 = arith.constant 0 : i32
          %dma_start3A_111 = tpu.memref_slice %arg17[%add3A_70, %dma_start3A_110] : memref<100000x16xf32, #tpu.memory_space<vmem_shared>> -> memref<250x16xf32, #tpu.memory_space<vmem_shared>>
          %dma_start3A_112 = arith.constant 0 : i32
          %dma_start3A_113 = tpu.memref_slice %arg17[%add3A_70, %dma_start3A_112] : memref<100000x16xf32, #tpu.memory_space<vmem_shared>> -> memref<250x16xf32, #tpu.memory_space<vmem_shared>>
          tpu.enqueue_dma source(%dma_start3A_113 : memref<250x16xf32, #tpu.memory_space<vmem_shared>>) target(%arg16 : memref<250x16xf32, #tpu.memory_space<vmem>>) target_semaphore(%run_scoped3A : memref<!tpu.dma_semaphore, #tpu.memory_space<semaphore_mem>>)
          %dma_wait3A_114 = arith.constant 0 : i32
          %dma_wait3A_115 = tpu.memref_slice %arg17[%add3A_70, %dma_wait3A_114] : memref<100000x16xf32, #tpu.memory_space<vmem_shared>> -> memref<250x16xf32, #tpu.memory_space<vmem_shared>>
          %dma_wait3A_116 = arith.constant 0 : i32
          %dma_wait3A_117 = tpu.memref_slice %arg17[%add3A_70, %dma_wait3A_116] : memref<100000x16xf32, #tpu.memory_space<vmem_shared>> -> memref<250x16xf32, #tpu.memory_space<vmem_shared>>
          tpu.wait_dma2 semaphore(%run_scoped3A : memref<!tpu.dma_semaphore, #tpu.memory_space<semaphore_mem>>) src(%dma_wait3A_117 : memref<250x16xf32, #tpu.memory_space<vmem_shared>>) dst(%arg16 : memref<250x16xf32, #tpu.memory_space<vmem>>)
          tpu.yield
        }) : () -> ()
        "tpu.region"() ({
          %run_scoped3A = tpu.sem_alloc : memref<!tpu.dma_semaphore, #tpu.memory_space<semaphore_mem>>
          %dma_start3A_110 = arith.constant 0 : i32
          %dma_start3A_111 = arith.constant 0 : i32
          %dma_start3A_112 = tpu.memref_slice %arg14[%dma_start3A_110, %dma_start3A_111] : memref<400x16xf32, #tpu.memory_space<vmem>> -> memref<250x16xf32, #tpu.memory_space<vmem>>
          %dma_start3A_113 = arith.constant 0 : i32
          %dma_start3A_114 = tpu.memref_slice %arg7[%add3A_70, %dma_start3A_113] : memref<100000x16xf32, #tpu.memory_space<hbm>> -> memref<250x16xf32, #tpu.memory_space<hbm>>
          %dma_start3A_115 = arith.constant 0 : i32
          %dma_start3A_116 = arith.constant 0 : i32
          %dma_start3A_117 = tpu.memref_slice %arg14[%dma_start3A_115, %dma_start3A_116] : memref<400x16xf32, #tpu.memory_space<vmem>> -> memref<250x16xf32, #tpu.memory_space<vmem>>
          %dma_start3A_118 = arith.constant 0 : i32
          %dma_start3A_119 = tpu.memref_slice %arg7[%add3A_70, %dma_start3A_118] : memref<100000x16xf32, #tpu.memory_space<hbm>> -> memref<250x16xf32, #tpu.memory_space<hbm>>
          tpu.enqueue_dma source(%dma_start3A_119 : memref<250x16xf32, #tpu.memory_space<hbm>>) target(%dma_start3A_117 : memref<250x16xf32, #tpu.memory_space<vmem>>) target_semaphore(%run_scoped3A : memref<!tpu.dma_semaphore, #tpu.memory_space<semaphore_mem>>)
          %dma_wait3A_120 = arith.constant 0 : i32
          %dma_wait3A_121 = arith.constant 0 : i32
          %dma_wait3A_122 = tpu.memref_slice %arg14[%dma_wait3A_120, %dma_wait3A_121] : memref<400x16xf32, #tpu.memory_space<vmem>> -> memref<250x16xf32, #tpu.memory_space<vmem>>
          %dma_wait3A_123 = arith.constant 0 : i32
          %dma_wait3A_124 = tpu.memref_slice %arg7[%add3A_70, %dma_wait3A_123] : memref<100000x16xf32, #tpu.memory_space<hbm>> -> memref<250x16xf32, #tpu.memory_space<hbm>>
          %dma_wait3A_125 = arith.constant 0 : i32
          %dma_wait3A_126 = arith.constant 0 : i32
          %dma_wait3A_127 = tpu.memref_slice %arg14[%dma_wait3A_125, %dma_wait3A_126] : memref<400x16xf32, #tpu.memory_space<vmem>> -> memref<250x16xf32, #tpu.memory_space<vmem>>
          %dma_wait3A_128 = arith.constant 0 : i32
          %dma_wait3A_129 = tpu.memref_slice %arg7[%add3A_70, %dma_wait3A_128] : memref<100000x16xf32, #tpu.memory_space<hbm>> -> memref<250x16xf32, #tpu.memory_space<hbm>>
          tpu.wait_dma2 semaphore(%run_scoped3A : memref<!tpu.dma_semaphore, #tpu.memory_space<semaphore_mem>>) src(%dma_wait3A_129 : memref<250x16xf32, #tpu.memory_space<hbm>>) dst(%dma_wait3A_127 : memref<250x16xf32, #tpu.memory_space<vmem>>)
          tpu.yield
        }) : () -> ()
        %scan3A_71 = arith.constant 0 : i32
        %scan3A_72 = arith.constant 0 : i32
        %scan3A_73 = arith.constant 248 : i32
        %scan3A_74 = arith.addi %scan3A_72, %scan3A_73 : i32
        %scan3A_75 = arith.constant 8 : i32
        %scan3A_76 = scf.for %scan3A_110 = %scan3A_72 to %scan3A_74 step %scan3A_75 iter_args(%scan3A_111 = %scan3A_71) -> (i32)  : i32 {
          %get3A_112 = arith.index_cast %scan3A_110 : i32 to index
          %get3A_113 = arith.constant 0 : index
          %get3A_114 = tpu.vector_load %arg16[%get3A_112, %get3A_113] {strides = array<i32>} : memref<250x16xf32, #tpu.memory_space<vmem>>, vector<16xf32>,
          %get3A_115 = arith.constant 0 : i32
          %get3A_116 = arith.constant 0 : i32
          %get3A_117 = tpu.memref_slice %arg14[%get3A_115, %get3A_116] : memref<400x16xf32, #tpu.memory_space<vmem>> -> memref<250x16xf32, #tpu.memory_space<vmem>>
          %get3A_118 = arith.index_cast %scan3A_110 : i32 to index
          %get3A_119 = arith.constant 0 : index
          %get3A_120 = tpu.vector_load %get3A_117[%get3A_118, %get3A_119] {strides = array<i32>} : memref<250x16xf32, #tpu.memory_space<vmem>>, vector<16xf32>,
          %mul3A_121 = arith.mulf %get3A_114, %get3A_120 : vector<16xf32>
          %swap3A_122 = arith.index_cast %scan3A_110 : i32 to index
          %swap3A_123 = arith.constant 0 : index
          %swap3A_124 = tpu.vector_load %arg16[%swap3A_122, %swap3A_123] {strides = array<i32>} : memref<250x16xf32, #tpu.memory_space<vmem>>, vector<16xf32>,
          tpu.vector_store %arg16[%swap3A_122, %swap3A_123], %mul3A_121 {strides = array<i32>} : memref<250x16xf32, #tpu.memory_space<vmem>>, vector<16xf32>,
          %scan3A_125 = arith.constant 0 : i32
          %scan3A_126 = arith.constant 1 : i32
          %scan3A_127 = arith.addi %scan3A_110, %scan3A_126 : i32
          %get3A_128 = arith.index_cast %scan3A_127 : i32 to index
          %get3A_129 = arith.constant 0 : index
          %get3A_130 = tpu.vector_load %arg16[%get3A_128, %get3A_129] {strides = array<i32>} : memref<250x16xf32, #tpu.memory_space<vmem>>, vector<16xf32>,
          %get3A_131 = arith.constant 0 : i32
          %get3A_132 = arith.constant 0 : i32
          %get3A_133 = tpu.memref_slice %arg14[%get3A_131, %get3A_132] : memref<400x16xf32, #tpu.memory_space<vmem>> -> memref<250x16xf32, #tpu.memory_space<vmem>>
          %get3A_134 = arith.index_cast %scan3A_127 : i32 to index
          %get3A_135 = arith.constant 0 : index
          %get3A_136 = tpu.vector_load %get3A_133[%get3A_134, %get3A_135] {strides = array<i32>} : memref<250x16xf32, #tpu.memory_space<vmem>>, vector<16xf32>,
          %mul3A_137 = arith.mulf %get3A_130, %get3A_136 : vector<16xf32>
          %swap3A_138 = arith.index_cast %scan3A_127 : i32 to index
          %swap3A_139 = arith.constant 0 : index
          %swap3A_140 = tpu.vector_load %arg16[%swap3A_138, %swap3A_139] {strides = array<i32>} : memref<250x16xf32, #tpu.memory_space<vmem>>, vector<16xf32>,
          tpu.vector_store %arg16[%swap3A_138, %swap3A_139], %mul3A_137 {strides = array<i32>} : memref<250x16xf32, #tpu.memory_space<vmem>>, vector<16xf32>,
          %scan3A_141 = arith.constant 0 : i32
          %scan3A_142 = arith.constant 2 : i32
          %scan3A_143 = arith.addi %scan3A_110, %scan3A_142 : i32
          %get3A_144 = arith.index_cast %scan3A_143 : i32 to index
          %get3A_145 = arith.constant 0 : index
          %get3A_146 = tpu.vector_load %arg16[%get3A_144, %get3A_145] {strides = array<i32>} : memref<250x16xf32, #tpu.memory_space<vmem>>, vector<16xf32>,
          %get3A_147 = arith.constant 0 : i32
          %get3A_148 = arith.constant 0 : i32
          %get3A_149 = tpu.memref_slice %arg14[%get3A_147, %get3A_148] : memref<400x16xf32, #tpu.memory_space<vmem>> -> memref<250x16xf32, #tpu.memory_space<vmem>>
          %get3A_150 = arith.index_cast %scan3A_143 : i32 to index
          %get3A_151 = arith.constant 0 : index
          %get3A_152 = tpu.vector_load %get3A_149[%get3A_150, %get3A_151] {strides = array<i32>} : memref<250x16xf32, #tpu.memory_space<vmem>>, vector<16xf32>,
          %mul3A_153 = arith.mulf %get3A_146, %get3A_152 : vector<16xf32>
          %swap3A_154 = arith.index_cast %scan3A_143 : i32 to index
          %swap3A_155 = arith.constant 0 : index
          %swap3A_156 = tpu.vector_load %arg16[%swap3A_154, %swap3A_155] {strides = array<i32>} : memref<250x16xf32, #tpu.memory_space<vmem>>, vector<16xf32>,
          tpu.vector_store %arg16[%swap3A_154, %swap3A_155], %mul3A_153 {strides = array<i32>} : memref<250x16xf32, #tpu.memory_space<vmem>>, vector<16xf32>,
          %scan3A_157 = arith.constant 0 : i32
          %scan3A_158 = arith.constant 3 : i32
          %scan3A_159 = arith.addi %scan3A_110, %scan3A_158 : i32
          %get3A_160 = arith.index_cast %scan3A_159 : i32 to index
          %get3A_161 = arith.constant 0 : index
          %get3A_162 = tpu.vector_load %arg16[%get3A_160, %get3A_161] {strides = array<i32>} : memref<250x16xf32, #tpu.memory_space<vmem>>, vector<16xf32>,
          %get3A_163 = arith.constant 0 : i32
          %get3A_164 = arith.constant 0 : i32
          %get3A_165 = tpu.memref_slice %arg14[%get3A_163, %get3A_164] : memref<400x16xf32, #tpu.memory_space<vmem>> -> memref<250x16xf32, #tpu.memory_space<vmem>>
          %get3A_166 = arith.index_cast %scan3A_159 : i32 to index
          %get3A_167 = arith.constant 0 : index
          %get3A_168 = tpu.vector_load %get3A_165[%get3A_166, %get3A_167] {strides = array<i32>} : memref<250x16xf32, #tpu.memory_space<vmem>>, vector<16xf32>,
          %mul3A_169 = arith.mulf %get3A_162, %get3A_168 : vector<16xf32>
          %swap3A_170 = arith.index_cast %scan3A_159 : i32 to index
          %swap3A_171 = arith.constant 0 : index
          %swap3A_172 = tpu.vector_load %arg16[%swap3A_170, %swap3A_171] {strides = array<i32>} : memref<250x16xf32, #tpu.memory_space<vmem>>, vector<16xf32>,
          tpu.vector_store %arg16[%swap3A_170, %swap3A_171], %mul3A_169 {strides = array<i32>} : memref<250x16xf32, #tpu.memory_space<vmem>>, vector<16xf32>,
          %scan3A_173 = arith.constant 0 : i32
          %scan3A_174 = arith.constant 4 : i32
          %scan3A_175 = arith.addi %scan3A_110, %scan3A_174 : i32
          %get3A_176 = arith.index_cast %scan3A_175 : i32 to index
          %get3A_177 = arith.constant 0 : index
          %get3A_178 = tpu.vector_load %arg16[%get3A_176, %get3A_177] {strides = array<i32>} : memref<250x16xf32, #tpu.memory_space<vmem>>, vector<16xf32>,
          %get3A_179 = arith.constant 0 : i32
          %get3A_180 = arith.constant 0 : i32
          %get3A_181 = tpu.memref_slice %arg14[%get3A_179, %get3A_180] : memref<400x16xf32, #tpu.memory_space<vmem>> -> memref<250x16xf32, #tpu.memory_space<vmem>>
          %get3A_182 = arith.index_cast %scan3A_175 : i32 to index
          %get3A_183 = arith.constant 0 : index
          %get3A_184 = tpu.vector_load %get3A_181[%get3A_182, %get3A_183] {strides = array<i32>} : memref<250x16xf32, #tpu.memory_space<vmem>>, vector<16xf32>,
          %mul3A_185 = arith.mulf %get3A_178, %get3A_184 : vector<16xf32>
          %swap3A_186 = arith.index_cast %scan3A_175 : i32 to index
          %swap3A_187 = arith.constant 0 : index
          %swap3A_188 = tpu.vector_load %arg16[%swap3A_186, %swap3A_187] {strides = array<i32>} : memref<250x16xf32, #tpu.memory_space<vmem>>, vector<16xf32>,
          tpu.vector_store %arg16[%swap3A_186, %swap3A_187], %mul3A_185 {strides = array<i32>} : memref<250x16xf32, #tpu.memory_space<vmem>>, vector<16xf32>,
          %scan3A_189 = arith.constant 0 : i32
          %scan3A_190 = arith.constant 5 : i32
          %scan3A_191 = arith.addi %scan3A_110, %scan3A_190 : i32
          %get3A_192 = arith.index_cast %scan3A_191 : i32 to index
          %get3A_193 = arith.constant 0 : index
          %get3A_194 = tpu.vector_load %arg16[%get3A_192, %get3A_193] {strides = array<i32>} : memref<250x16xf32, #tpu.memory_space<vmem>>, vector<16xf32>,
          %get3A_195 = arith.constant 0 : i32
          %get3A_196 = arith.constant 0 : i32
          %get3A_197 = tpu.memref_slice %arg14[%get3A_195, %get3A_196] : memref<400x16xf32, #tpu.memory_space<vmem>> -> memref<250x16xf32, #tpu.memory_space<vmem>>
          %get3A_198 = arith.index_cast %scan3A_191 : i32 to index
          %get3A_199 = arith.constant 0 : index
          %get3A_200 = tpu.vector_load %get3A_197[%get3A_198, %get3A_199] {strides = array<i32>} : memref<250x16xf32, #tpu.memory_space<vmem>>, vector<16xf32>,
          %mul3A_201 = arith.mulf %get3A_194, %get3A_200 : vector<16xf32>
          %swap3A_202 = arith.index_cast %scan3A_191 : i32 to index
          %swap3A_203 = arith.constant 0 : index
          %swap3A_204 = tpu.vector_load %arg16[%swap3A_202, %swap3A_203] {strides = array<i32>} : memref<250x16xf32, #tpu.memory_space<vmem>>, vector<16xf32>,
          tpu.vector_store %arg16[%swap3A_202, %swap3A_203], %mul3A_201 {strides = array<i32>} : memref<250x16xf32, #tpu.memory_space<vmem>>, vector<16xf32>,
          %scan3A_205 = arith.constant 0 : i32
          %scan3A_206 = arith.constant 6 : i32
          %scan3A_207 = arith.addi %scan3A_110, %scan3A_206 : i32
          %get3A_208 = arith.index_cast %scan3A_207 : i32 to index
          %get3A_209 = arith.constant 0 : index
          %get3A_210 = tpu.vector_load %arg16[%get3A_208, %get3A_209] {strides = array<i32>} : memref<250x16xf32, #tpu.memory_space<vmem>>, vector<16xf32>,
          %get3A_211 = arith.constant 0 : i32
          %get3A_212 = arith.constant 0 : i32
          %get3A_213 = tpu.memref_slice %arg14[%get3A_211, %get3A_212] : memref<400x16xf32, #tpu.memory_space<vmem>> -> memref<250x16xf32, #tpu.memory_space<vmem>>
          %get3A_214 = arith.index_cast %scan3A_207 : i32 to index
          %get3A_215 = arith.constant 0 : index
          %get3A_216 = tpu.vector_load %get3A_213[%get3A_214, %get3A_215] {strides = array<i32>} : memref<250x16xf32, #tpu.memory_space<vmem>>, vector<16xf32>,
          %mul3A_217 = arith.mulf %get3A_210, %get3A_216 : vector<16xf32>
          %swap3A_218 = arith.index_cast %scan3A_207 : i32 to index
          %swap3A_219 = arith.constant 0 : index
          %swap3A_220 = tpu.vector_load %arg16[%swap3A_218, %swap3A_219] {strides = array<i32>} : memref<250x16xf32, #tpu.memory_space<vmem>>, vector<16xf32>,
          tpu.vector_store %arg16[%swap3A_218, %swap3A_219], %mul3A_217 {strides = array<i32>} : memref<250x16xf32, #tpu.memory_space<vmem>>, vector<16xf32>,
          %scan3A_221 = arith.constant 0 : i32
          %scan3A_222 = arith.constant 7 : i32
          %scan3A_223 = arith.addi %scan3A_110, %scan3A_222 : i32
          %get3A_224 = arith.index_cast %scan3A_223 : i32 to index
          %get3A_225 = arith.constant 0 : index
          %get3A_226 = tpu.vector_load %arg16[%get3A_224, %get3A_225] {strides = array<i32>} : memref<250x16xf32, #tpu.memory_space<vmem>>, vector<16xf32>,
          %get3A_227 = arith.constant 0 : i32
          %get3A_228 = arith.constant 0 : i32
          %get3A_229 = tpu.memref_slice %arg14[%get3A_227, %get3A_228] : memref<400x16xf32, #tpu.memory_space<vmem>> -> memref<250x16xf32, #tpu.memory_space<vmem>>
          %get3A_230 = arith.index_cast %scan3A_223 : i32 to index
          %get3A_231 = arith.constant 0 : index
          %get3A_232 = tpu.vector_load %get3A_229[%get3A_230, %get3A_231] {strides = array<i32>} : memref<250x16xf32, #tpu.memory_space<vmem>>, vector<16xf32>,
          %mul3A_233 = arith.mulf %get3A_226, %get3A_232 : vector<16xf32>
          %swap3A_234 = arith.index_cast %scan3A_223 : i32 to index
          %swap3A_235 = arith.constant 0 : index
          %swap3A_236 = tpu.vector_load %arg16[%swap3A_234, %swap3A_235] {strides = array<i32>} : memref<250x16xf32, #tpu.memory_space<vmem>>, vector<16xf32>,
          tpu.vector_store %arg16[%swap3A_234, %swap3A_235], %mul3A_233 {strides = array<i32>} : memref<250x16xf32, #tpu.memory_space<vmem>>, vector<16xf32>,
          %scan3A_237 = arith.constant 0 : i32
          scf.yield %scan3A_237 : i32
        }
        %scan3A_77 = arith.constant 248 : i32
        %scan3A_78 = arith.addi %scan3A_72, %scan3A_77 : i32
        %get3A = arith.index_cast %scan3A_78 : i32 to index
        %get3A_79 = arith.constant 0 : index
        %get3A_80 = tpu.vector_load %arg16[%get3A, %get3A_79] {strides = array<i32>} : memref<250x16xf32, #tpu.memory_space<vmem>>, vector<16xf32>,
        %get3A_81 = arith.constant 0 : i32
        %get3A_82 = arith.constant 0 : i32
        %get3A_83 = tpu.memref_slice %arg14[%get3A_81, %get3A_82] : memref<400x16xf32, #tpu.memory_space<vmem>> -> memref<250x16xf32, #tpu.memory_space<vmem>>
        %get3A_84 = arith.index_cast %scan3A_78 : i32 to index
        %get3A_85 = arith.constant 0 : index
        %get3A_86 = tpu.vector_load %get3A_83[%get3A_84, %get3A_85] {strides = array<i32>} : memref<250x16xf32, #tpu.memory_space<vmem>>, vector<16xf32>,
        %mul3A_87 = arith.mulf %get3A_80, %get3A_86 : vector<16xf32>
        %swap3A_88 = arith.index_cast %scan3A_78 : i32 to index
        %swap3A_89 = arith.constant 0 : index
        %swap3A_90 = tpu.vector_load %arg16[%swap3A_88, %swap3A_89] {strides = array<i32>} : memref<250x16xf32, #tpu.memory_space<vmem>>, vector<16xf32>,
        tpu.vector_store %arg16[%swap3A_88, %swap3A_89], %mul3A_87 {strides = array<i32>} : memref<250x16xf32, #tpu.memory_space<vmem>>, vector<16xf32>,
        %scan3A_91 = arith.constant 0 : i32
        %scan3A_92 = arith.constant 249 : i32
        %scan3A_93 = arith.addi %scan3A_72, %scan3A_92 : i32
        %get3A_94 = arith.index_cast %scan3A_93 : i32 to index
        %get3A_95 = arith.constant 0 : index
        %get3A_96 = tpu.vector_load %arg16[%get3A_94, %get3A_95] {strides = array<i32>} : memref<250x16xf32, #tpu.memory_space<vmem>>, vector<16xf32>,
        %get3A_97 = arith.constant 0 : i32
        %get3A_98 = arith.constant 0 : i32
        %get3A_99 = tpu.memref_slice %arg14[%get3A_97, %get3A_98] : memref<400x16xf32, #tpu.memory_space<vmem>> -> memref<250x16xf32, #tpu.memory_space<vmem>>
        %get3A_100 = arith.index_cast %scan3A_93 : i32 to index
        %get3A_101 = arith.constant 0 : index
        %get3A_102 = tpu.vector_load %get3A_99[%get3A_100, %get3A_101] {strides = array<i32>} : memref<250x16xf32, #tpu.memory_space<vmem>>, vector<16xf32>,
        %mul3A_103 = arith.mulf %get3A_96, %get3A_102 : vector<16xf32>
        %swap3A_104 = arith.index_cast %scan3A_93 : i32 to index
        %swap3A_105 = arith.constant 0 : index
        %swap3A_106 = tpu.vector_load %arg16[%swap3A_104, %swap3A_105] {strides = array<i32>} : memref<250x16xf32, #tpu.memory_space<vmem>>, vector<16xf32>,
        tpu.vector_store %arg16[%swap3A_104, %swap3A_105], %mul3A_103 {strides = array<i32>} : memref<250x16xf32, #tpu.memory_space<vmem>>, vector<16xf32>,
        %scan3A_107 = arith.constant 0 : i32
        %scan3A_108 = arith.constant 250 : i32
        "tpu.region"() ({
          %run_scoped3A = tpu.sem_alloc : memref<!tpu.dma_semaphore, #tpu.memory_space<semaphore_mem>>
          %dma_start3A_110 = arith.constant 0 : i32
          %dma_start3A_111 = tpu.memref_slice %arg9[%add3A_70, %dma_start3A_110] : memref<100000x16xf32, #tpu.memory_space<hbm>> -> memref<250x16xf32, #tpu.memory_space<hbm>>
          %dma_start3A_112 = arith.constant 0 : i32
          %dma_start3A_113 = tpu.memref_slice %arg9[%add3A_70, %dma_start3A_112] : memref<100000x16xf32, #tpu.memory_space<hbm>> -> memref<250x16xf32, #tpu.memory_space<hbm>>
          tpu.enqueue_dma source(%arg16 : memref<250x16xf32, #tpu.memory_space<vmem>>) target(%dma_start3A_113 : memref<250x16xf32, #tpu.memory_space<hbm>>) target_semaphore(%run_scoped3A : memref<!tpu.dma_semaphore, #tpu.memory_space<semaphore_mem>>)
          %dma_wait3A_114 = arith.constant 0 : i32
          %dma_wait3A_115 = tpu.memref_slice %arg9[%add3A_70, %dma_wait3A_114] : memref<100000x16xf32, #tpu.memory_space<hbm>> -> memref<250x16xf32, #tpu.memory_space<hbm>>
          %dma_wait3A_116 = arith.constant 0 : i32
          %dma_wait3A_117 = tpu.memref_slice %arg9[%add3A_70, %dma_wait3A_116] : memref<100000x16xf32, #tpu.memory_space<hbm>> -> memref<250x16xf32, #tpu.memory_space<hbm>>
          tpu.wait_dma2 semaphore(%run_scoped3A : memref<!tpu.dma_semaphore, #tpu.memory_space<semaphore_mem>>) src(%arg16 : memref<250x16xf32, #tpu.memory_space<vmem>>) dst(%dma_wait3A_117 : memref<250x16xf32, #tpu.memory_space<hbm>>)
          tpu.yield
        }) : () -> ()
        %scan3A_109 = arith.constant 0 : i32
        scf.yield %scan3A_109 : i32
      }
      %scan3A_65 = arith.constant 25 : i32
      "tpu.trace_stop"() : () -> ()
    } else {
    }
    return
  }
}

</mosaic_0001>

<sc_bundles>
// kernel: kernel.4.cloned.1.call-start
scs
__scs_entry_jumppad:
0x0: {  	(pc) =	sbr.rel $0x88, $3  }
0x1: {  	(tag) =	ssettag $0x0;
	lr =	simm.s32 $0x1  }
0x2: {  	[smem:$0x3F9D] =	sst lr;
	_ =	strace $0xD0000000  }
0x3: {  	_ = 	snop  }
0x4: {  	_ = 	snop  }
0x5: {  	_ = 	snop  }
0x6: {  	_ = 	snop  }
0x7: {  	_ = 	snop  }
__scs_overlays_trampoline_lowered:
0x8: {  	[smem:$0x3FAC] =	sst s0  }
0x9: {  	[smem:$0x3FAD] =	sst s1  }
0xa: {  	[smem:$0x3FAE] =	sst s2  }
0xb: {  	[smem:$0x3FAF] =	sst s3  }
0xc: {  	[smem:$0x3FB0] =	sst s4  }
0xd: {  	[smem:$0x3FB1] =	sst s5  }
0xe: {  	[smem:$0x3FB2] =	sst s6  }
0xf: {  	[smem:$0x3FB3] =	sst s7  }
0x10: {  	[smem:$0x3FB4] =	sst s8  }
0x11: {  	[smem:$0x3FB5] =	sst s9;
	s0 =	simm.s32 @!p0 $0x0  }
0x12: {  	s1 =	sld [smem:$0x3F9B];
	s0 =	simm.s32 @p0 $0x1  }
0x13: {  	[smem:$0x3FB6] =	sst s0;
	s0 =	simm.s32 @!p1 $0x0  }
0x14: {  	s2 =	sld [smem:$0x3F9A];
	s0 =	simm.s32 @p1 $0x1  }
0x15: {  	[smem:$0x3FB7] =	sst s0;
	s0 =	simm.s32 @!p2 $0x0  }
0x16: {  	s3 =	sld [smem:$0x3FDB];
	s0 =	simm.s32 @p2 $0x1  }
0x17: {  	s4 =	simm.s32 $0x1BF5;
	[smem:$0x3FB9] =	sst s0  }
0x18: {  	s0 =	sld [smem:$0x3F9C];
	_ =	swait.ge [sflag:s4], $0x0  }
0x19: {  	s7 =	sld [smem:$0x3F9D]  }
0x1a: {  	s8 =	sadd.s32 $0xFFFFE003, lr  }
0x1b: {  	s9 =	sadd.s32 $0xFFFFFEF7, lr;
	s5 =	simm.s32 $0xFFFFFFFF;
	p2 =	slt.u32 s8, $0xFFFFF086  }
0x1c: {  	p1 =	slt.u32 s9, $0xF7A;
	s5 =	simm.s32 @!p2 $0x0  }
0x1d: {  	s5 =	simm.s32 @p1 $0x1;
	p0 =	seq.s32 s7, s2  }
0x1e: {  	s7 =	smul.u32 @!p0 $0xF7A, s2;
	p2 =	seq.s32 @!p0 s5, $0x0  }
0x1f: {  	s9 =	smul.u32 $0xF7A, s1;
	s8 =	simm.s32 @!p0 $0x1BF5;
	p2 =	por !p2, p0  }
0x20: {  	[sflag:s8] =	ssyncset.s32 @!p0 $0xFFFFF086;
	s6 =	sadd.s32 @!p0 s3, s7;
	s7 =	simm.s32 @!p0 $0x108  }
0x21: {  	s3 =	sadd.s32 s3, s9;
	s6 =	sadd.s32 @!p0 $0x88, s6;
	s7 =	simm.s32 @p2 $0x1082  }
0x22: {  	[simem:s7], [sflag:s8] =	dma.local @!p0 [hbm:s6], $0xF7A  }
0x23: {  	s9 =	sor.u32 $0xD0000000, s2;
	s6 =	simm.s32 $0x108;
	_ =	swait.ge @!p0 [sflag:s8], $0x0  }
0x24: {  	s3 =	sadd.s32 $0x88, s3;
	s6 =	simm.s32 @!p1 $0x1082;
	[sflag:s4] =	ssyncset.s32 $0xFFFFF086  }
0x25: {  	[simem:s6], [sflag:s4] =	dma.local [hbm:s3], $0xF7A  }
0x26: {  	[smem:$0x3F9D] =	sst s1;
	(tag) =	ssettag s2;
	_ =	strace s9  }
0x27: {  	s1 =	sld [smem:$0x3FAD]  }
0x28: {  	s2 =	sld [smem:$0x3FAE]  }
0x29: {  	s4 =	sld [smem:$0x3FB0]  }
0x2a: {  	p0 =	seq.s32 s5, $0x0;
	s5 =	sld [smem:$0x3FB1]  }
0x2b: {  	s6 =	sld [smem:$0x3FB2]  }
0x2c: {  	s7 =	sld [smem:$0x3FB3]  }
0x2d: {  	s3 =	simm.s32 $0x108;
	s8 =	sld [smem:$0x3FB4]  }
0x2e: {  	s3 =	simm.s32 @!p0 $0x1082;
	s9 =	sld [smem:$0x3FB5]  }
0x2f: {  	lr =	sadd.s32 s0, s3;
	s0 =	sld [smem:$0x3FAC]  }
0x30: {  	s3 =	sld [smem:$0x3FAF]  }
0x31: {  	[smem:$0x3FB8] =	sst s10  }
0x32: {  	s10 =	sld [smem:$0x3FB6];
	_ =	sdelay $0x3  }
0x33: {  	p0 =	seq.s32 s10, $0x1;
	s10 =	sld [smem:$0x3FB8];
	_ =	sdelay $0x3  }
0x34: {  	[smem:$0x3FB8] =	sst s10  }
0x35: {  	s10 =	sld [smem:$0x3FB7];
	_ =	sdelay $0x3  }
0x36: {  	p1 =	seq.s32 s10, $0x1;
	s10 =	sld [smem:$0x3FB8];
	_ =	sdelay $0x3  }
0x37: {  	[smem:$0x3FB8] =	sst s10  }
0x38: {  	s10 =	sld [smem:$0x3FB9]  }
0x39: {  	_ = 	snop;
	(pc) =	sbr.ind lr, $3  }
0x3a: {  	_ = 	snop  }
0x3b: {  	_ = 	snop  }
0x3c: {  	p2 =	seq.s32 s10, $0x1;
	s10 =	sld [smem:$0x3FB8]  }
0x3d: {  	_ =	shalt  }
0x3e: {  	_ =	shalt  }
0x3f: {  	_ =	shalt  }
0x40: {  	_ =	shalt  }
0x41: {  	_ =	shalt  }
0x42: {  	_ =	shalt  }
0x43: {  	_ =	shalt  }
0x44: {  	_ =	shalt  }
0x45: {  	_ =	shalt  }
0x46: {  	_ =	shalt  }
0x47: {  	_ =	shalt  }
0x48: {  	_ =	shalt  }
0x49: {  	_ =	shalt  }
0x4a: {  	_ =	shalt  }
0x4b: {  	_ =	shalt  }
0x4c: {  	_ =	shalt  }
0x4d: {  	_ =	shalt  }
0x4e: {  	_ =	shalt  }
0x4f: {  	_ =	shalt  }
0x50: {  	_ =	shalt  }
0x51: {  	_ =	shalt  }
0x52: {  	_ =	shalt  }
0x53: {  	_ =	shalt  }
0x54: {  	_ =	shalt  }
0x55: {  	_ =	shalt  }
0x56: {  	_ =	shalt  }
0x57: {  	_ =	shalt  }
0x58: {  	_ =	shalt  }
0x59: {  	_ =	shalt  }
0x5a: {  	_ =	shalt  }
0x5b: {  	_ =	shalt  }
0x5c: {  	_ =	shalt  }
0x5d: {  	_ =	shalt  }
0x5e: {  	_ =	shalt  }
0x5f: {  	_ =	shalt  }
0x60: {  	_ =	shalt  }
0x61: {  	_ =	shalt  }
0x62: {  	_ =	shalt  }
0x63: {  	_ =	shalt  }
0x64: {  	_ =	shalt  }
0x65: {  	_ =	shalt  }
0x66: {  	_ =	shalt  }
0x67: {  	_ =	shalt  }
0x68: {  	_ =	shalt  }
0x69: {  	_ =	shalt  }
0x6a: {  	_ =	shalt  }
0x6b: {  	_ =	shalt  }
0x6c: {  	_ =	shalt  }
0x6d: {  	_ =	shalt  }
0x6e: {  	_ =	shalt  }
0x6f: {  	_ =	shalt  }
0x70: {  	_ =	shalt  }
0x71: {  	_ =	shalt  }
0x72: {  	_ =	shalt  }
0x73: {  	_ =	shalt  }
0x74: {  	_ =	shalt  }
0x75: {  	_ =	shalt  }
0x76: {  	_ =	shalt  }
0x77: {  	_ =	shalt  }
0x78: {  	_ =	shalt  }
0x79: {  	_ =	shalt  }
0x7a: {  	_ =	shalt  }
0x7b: {  	_ =	shalt  }
0x7c: {  	_ =	shalt  }
0x7d: {  	_ =	shalt  }
0x7e: {  	_ =	shalt  }
0x7f: {  	_ =	shalt  }
0x80: {  	_ =	shalt  }
0x81: {  	_ =	shalt  }
0x82: {  	_ =	shalt  }
0x83: {  	_ =	shalt  }
0x84: {  	_ =	shalt  }
0x85: {  	_ =	shalt  }
0x86: {  	_ =	shalt  }
0x87: {  	_ =	shalt  }
.Lfunc_end0:
.L_simem_size_0:
called_computation_lowered:
.L_overlay_start_0:
0x88: {  	s2 =	sld [smem:$0x3FD9]  }
0x89: {  	s3 =	sld [smem:$0x3FFE];
	_ =	sdelay $0x1  }
0x8a: {  	s1 =	srdreg.scid  }
0x8b: {  	s0 =	sand.u32 $0x1, s1  }
0x8c: {  	s14 =	sshll.u32 s0, $0xA;
	s2 =	sadd.s32 s3, s2  }
0x8d: {  	s2 =	sadd.s32 s2, s14  }
0x8e: {  	[smem:$0x3FC4] =	sst s2  }
0x8f: {  	_ = 	snop  }
0x90: {  	s2 =	sld [smem:$0x3FD0];
	_ =	sdelay $0x1  }
0x91: {  	s15 =	sld [smem:$0x3FC9]  }
0x92: {  	s5 =	simm.s32 $0xA;
	s6 =	simm.s32 $0x10;
	s4 =	sld [smem:$0x3FC8]  }
0x93: {  	[smem:s6], [sflag:s5] =	dma.local [hbm:s2], $0x1  }
0x94: {  	_ =	swait.eq [sflag:s5], $0x1  }
0x95: {  	[sflag:s5] =	ssyncset.done $0x0  }
0x96: {  	s16 =	sld [smem:$0x10];
	[sflag:s5] =	ssyncadd.s32 $0xFFFFFFFF  }
0x97: {  	s17 =	sld [smem:$0x11];
	(tm) =	ssettm $0x1  }
0x98: {  	s18 =	sld [smem:$0x3FFB];
	_ =	sdelay $0x3  }
0x99: {  	_ =	strace s18  }
0x9a: {  	s6 =	sld [smem:$0x3FFC];
	_ =	sdelay $0x3  }
0x9b: {  	_ =	strace s6  }
0x9c: {  	s6 =	sld [smem:$0x3FFD];
	_ =	sdelay $0x3  }
0x9d: {  	_ =	strace s6  }
0x9e: {  	_ =	strace $0x8FFFFFFF  }
0x9f: {  	s19 =	sld [smem:$0x3FDB];
	_ =	sdelay $0x1  }
0xa0: {  	s7 =	simm.s32 $_scs_section_size  }
0xa1: {  	s8 =	simm.s32 $_size__tile_overlayer_lowered;
	s9 =	simm.s32 $_tile_overlayer_lowered  }
0xa2: {  	s22 =	simm.s32 $0x1BFF;
	s21 =	sshll.u32 s9, $0x1;
	s6 =	sadd.s32 s7, s19  }
0xa3: {  	s10 =	simm.s32 $0x0;
	s20 =	sshll.u32 s8, $0x1;
	s8 =	sadd.s32 s21, s6  }
0xa4: {  	[timem:s10], [sflag:s22] =	dma.local [hbm:s8], s20  }
0xa5: {  	_ =	swait.ge [sflag:s22], s20  }
0xa6: {  	s7 =	ssub.s32 $0x0, s20;
	[sflag:s22] =	ssyncset.done $0x0  }
0xa7: {  	[sflag:s22] =	ssyncadd.s32 s7;
	_ =	sdelay $0x1  }
0xa8: {  	s23 =	simm.s32 $0x1B8B  }
0xa9: {  	_ =	swait.ge [sflag:s23], $0x1  }
0xaa: {  	[sflag:s23] =	ssyncset.done $0x0  }
0xab: {  	s25 =	simm.s32 $0x1B8E;
	s24 =	sld [smem:$0x3FFE];
	[sflag:s23] =	ssyncadd.s32 $0xFFFFFFFF  }
0xac: {  	s26 =	simm.s32 $execute0_lowered;
	[smem:$0x3FD2] =	sst s25  }
0xad: {  	s8 =	sshll.u32 s26, $0x1;
	_ =	strace $0x80000046;
	[dreg:$0x1] =	wrdreg $0xFFFFFFFF  }
0xae: {  	s28 =	simm.s32 $_size_execute0_lowered;
	s6 =	sadd.s32 s6, s8;
	[dreg:$0x0] =	wrdreg $0x0  }
0xaf: {  	s8 =	sshll.u32 s28, $0x1;
	[dreg:$0x2] =	wrdreg s6  }
0xb0: {  	[dreg:$0x3] =	wrdreg s8  }
0xb1: {  	[dreg:$0x4] =	wrdreg $0xC0  }
0xb2: {  	_ =	task [dreg:s10], $0x5FFFF  }
0xb3: {  	[dreg:$0x1] =	wrdreg $0xFFFFFFFF  }
0xb4: {  	[dreg:$0x0] =	wrdreg $0x60  }
0xb5: {  	[dreg:$0x2] =	wrdreg s15  }
0xb6: {  	[dreg:$0x3] =	wrdreg s4  }
0xb7: {  	[dreg:$0x4] =	wrdreg s17  }
0xb8: {  	[dreg:$0x5] =	wrdreg s16  }
0xb9: {  	[dreg:$0x6] =	wrdreg s24  }
0xba: {  	[dreg:$0x7] =	wrdreg $0x2BC00  }
0xbb: {  	[dreg:$0x8] =	wrdreg $0x9  }
0xbc: {  	_ =	task.clear_ibuf [dreg:s10], $0x9FFFF;
	_ =	strace $0x90000046  }
0xbd: {  	s29 =	simm.s32 $0x9;
	_ =	strace $0x8000004C  }
0xbe: {  	_ =	swait.ge [sflag:s29], $0x1  }
0xbf: {  	[sflag:s29] =	ssyncadd.s32 $0xFFFFFFFF  }
0xc0: {  	_ =	strace $0x9000004C  }
0xc1: {  	_ =	sfence  }
0xc2: {  	s30 =	sld [smem:$0x0];
	_ =	sdelay $0x2  }
0xc3: {  	s31 =	sshll.u32 s1, $0xD;
	s1 =	sshrl.u32 s1, $0x2  }
0xc4: {  	s3 =	sand.u32 $0x4000, s31;
	s1 =	sadd.s32 s1, s30  }
0xc5: {  	s0 =	sor.u32 s3, s0;
	s1 =	sshll.u32 s1, $0x11  }
0xc6: {  	s0 =	sor.u32 s1, s0  }
0xc7: {  	s0 =	sadd.s32 $0x8F2B, s0  }
0xc8: {  	[sflag:s0] =	ssyncadd.remote.s32 $0x1  }
0xc9: {  	_ =	sfence.sel $0xFFFF  }
0xca: {  	[dreg:$0x0] =	wrdreg $0xFFFFFFFF;
	(pc) =	sbr.abs _section_cstart, $3  }
0xcb: {  	[dreg:$0x1] =	wrdreg $0xFFFFFFFF  }
0xcc: {  	_ =	task.clear_ibuf [dreg:s10], $0x2FFFF;
	_ =	strace $0x9FFFFFFF  }
0xcd: {  	(tm) =	ssettm $0x7FFFFFFF  }
tec
execute0_lowered:
.L_overlay_start_1:
0x0: {  	(tag) =	ssettag $0x1  }
0x1: {  	s0 =	rddreg [dreg:$0x0]  }
0x2: {  	s4 =	rddreg [dreg:$0x1]  }
0x3: {  	s1 =	rddreg [dreg:$0x2]  }
0x4: {  	s2 =	rddreg [dreg:$0x3]  }
0x5: {  	s9 =	rddreg [dreg:$0x4]  }
0x6: {  	s3 =	rddreg [dreg:$0x5];
	s5 =	simm.s32 $0x0  }
0x7: {  	s6 =	srdreg.scid;
	s16 =	stileid.u32;
	s21 =	simm.s32 $0x1C20  }
0x8: {  	s22 =	simm.s32 $0x3;
	s23 =	simm.s32 $0x190;
	s24 =	simm.s32 $0x320  }
0x9: {  	s25 =	simm.s32 $0x1;
	s26 =	simm.s32 $0x2;
	s28 =	simm.s32 $0x0  }
0xa: {  	[smem:$0x7FF] =	sst s5;
	s11 =	sand.u32 $0x1, s6;
	s12 =	smul.u32 $0x186A0, s16  }
0xb: {  	s6 =	sadd.s32 $0x1400, s9;
	s7 =	sadd.s32 $0x32200, s9;
	s14 =	smul.u32 $0x61A80, s16  }
0xc: {  	s8 =	sadd.s32 $0x63000, s9;
	s9 =	sadd.s32 $0x93E00, s9;
	s20 =	smul.u32 $0x30D4, s16  }
0xd: {  	_ =	strace $0x80000047;
	s10 =	ssub.s32 $0x2, s11;
	p0 =	seq.s32 s11, $0x1  }
0xe: {  	v0 =	vimm.f32 $0.0e+00;
	v2 =	vlaneseq.u32;
	s13 =	sshrl.u32 s10, $0x1;
	s12 =	sshrl.u32 s12, $0x3;
	s14 =	sshrl.u32 s14, $0x2  }
0xf: {  	v1 =	vimm.f32 $1.000000000e+00;
	v3 =	vimm.s32 $0x4;
	v4 =	vimm.s32 $0x1;
	s19 =	sadd.s32 s20, s4;
	s13 =	ssub.s32 s10, s13;
	s10 =	smul.u32 $0x186A, s16  }
.Ltmp0:
0x10: {  	v5 =	vimm.s32 $0x0;
	v6 =	vimm.s32 $0x2;
	v7 =	vimm.s32 $0x3;
	s20 =	sadd.s32 s20, s0;
	s29 =	sadd.s32 s4, s12;
	(pc) =	sbr.rel .LBB2_1-.Ltmp0, $4  }
0x11: {  	v8 =	vimm.s32 $0x5;
	v9 =	vimm.s32 $0x6;
	v10 =	vimm.s32 $0x7;
	s30 =	sadd.s32 s0, s12;
	s31 =	sadd.s32 $0x32, s12;
	[dreg:$0x7] =	wrdreg s29  }
0x12: {  	v11 =	vimm.s32 $0x8;
	v12 =	vimm.s32 $0x9;
	v13 =	vimm.s32 $0xA;
	s12 =	sadd.s32 $0x64, s12;
	s18 =	sadd.s32 s14, s3;
	[dreg:$0x8] =	wrdreg s30  }
0x13: {  	v14 =	vimm.s32 $0xB;
	v15 =	vimm.s32 $0xC;
	v16 =	vimm.s32 $0xD;
	s13 =	smax.u32 s13, $0x1;
	s15 =	sadd.s32 s4, s31;
	s16 =	sadd.s32 s0, s31  }
0x14: {  	v17 =	vimm.s32 $0xE;
	v18 =	vimm.s32 $0xF;
	v2 =	vmul.u32 $0x10, v2;
	s17 =	sadd.s32 s0, s12;
	[dreg:$0x9] =	wrdreg s15;
	s15 =	sadd.s32 s4, s12  }
.LBB2_24:
0x15: {  	s28 =	sadd.s32 $0x1, s28  }
0x16: {  	p1 =	sne.s32 s28, s13  }
.Ltmp1:
0x17: {  	_ = 	snop;
	(pc) =	sbr.rel @!p1 .LBB2_25-.Ltmp1, $1  }
0x18: {  	_ =	sdelay $0x3  }
.LBB2_1:
0x19: {  	s0 =	simm.s32 $0x1C60  }
0x1a: {  	[tilespmem:s0+$0xFFFFFFC0] =	vst v0  }
0x1b: {  	[tilespmem:s0+$0x30] =	vst v0  }
0x1c: {  	[tilespmem:s0+$0x20] =	vst v0  }
0x1d: {  	[tilespmem:s0+$0x10] =	vst v0  }
0x1e: {  	[tilespmem:s0+$0x0] =	vst v0  }
0x1f: {  	[tilespmem:s0+$0xFFFFFFF0] =	vst v0  }
0x20: {  	s4 =	simm.s32 $0x0;
	[tilespmem:s0+$0xFFFFFFE0] =	vst v0  }
.LBB2_2:
0x21: {  	s4 =	sadd.s32 $0x8, s4;
	[tilespmem:s0+$0xFFFFFFD0] =	vst v0;
	s0 =	sadd.s32 $0x80, s0  }
0x22: {  	[tilespmem:s0+$0xFFFFFFC0] =	vst v0;
	p1 =	slt.u32 s4, $0xF0  }
0x23: {  	[tilespmem:s0+$0x30] =	vst v0  }
.Ltmp2:
0x24: {  	[tilespmem:s0+$0x20] =	vst v0;
	(pc) =	sbr.rel @p1 .LBB2_2-.Ltmp2, $4  }
0x25: {  	[tilespmem:s0+$0x10] =	vst v0  }
0x26: {  	[tilespmem:s0+$0x0] =	vst v0  }
0x27: {  	[tilespmem:s0+$0xFFFFFFF0] =	vst v0  }
0x28: {  	[tilespmem:s0+$0xFFFFFFE0] =	vst v0  }
0x29: {  	[tilespmem:s0+$0xFFFFFFD0] =	vst v0  }
0x2a: {  	[tilespmem:$0x2BA0] =	vst v0  }
0x2b: {  	s31 =	sadd.s32 $0x0, s18;
	[tilespmem:$0x2BB0] =	vst v0  }
0x2c: {  	[spmem:s31] =	stream.linear.scatter [tilespmem:s21], [sflag:$0x3], $0xFA0, $0x38;
	[tilespmem:$0x1B260] =	vst v63  }
0x2d: {  	s0 =	simm.s32 $0x3E80;
	_ =	swait.ge [sflag:s22], $0xFA0  }
.LBB2_4:
0x2e: {  	s4 =	sshra.s32 s0, $0x2;
	[sflag:s22] =	ssyncset.done $0x0;
	p1 =	sne.s32 s0, $0x5DC00  }
.Ltmp3:
0x2f: {  	s4 =	sadd.s32 s4, s18;
	[sflag:s22] =	ssyncadd.s32 $0xFFFFF060;
	(pc) =	sbr.rel @p1 .LBB2_4-.Ltmp3, $3  }
0x30: {  	[spmem:s4] =	stream.linear.scatter [tilespmem:s21], [sflag:$0x3], $0xFA0, $0x38;
	[tilespmem:$0x1B260] =	vst v63  }
0x31: {  	s0 =	sadd.s32 $0x3E80, s0;
	_ =	sdelay $0x1  }
0x32: {  	_ =	swait.ge [sflag:s22], $0xFA0  }
0x33: {  	[sflag:s22] =	ssyncset.done $0x0  }
0x34: {  	s0 =	simm.s32 $0x360;
	[sflag:s22] =	ssyncadd.s32 $0xFFFFF060  }
0x35: {  	[tilespmem:s0+$0xFFFFFFC0] =	vst v1  }
0x36: {  	[tilespmem:s0+$0x30] =	vst v1  }
0x37: {  	[tilespmem:s0+$0x20] =	vst v1  }
0x38: {  	[tilespmem:s0+$0x10] =	vst v1  }
0x39: {  	[tilespmem:s0+$0x0] =	vst v1  }
0x3a: {  	[tilespmem:s0+$0xFFFFFFF0] =	vst v1  }
0x3b: {  	s4 =	simm.s32 $0x0;
	[tilespmem:s0+$0xFFFFFFE0] =	vst v1  }
.LBB2_6:
0x3c: {  	s4 =	sadd.s32 $0x8, s4;
	[tilespmem:s0+$0xFFFFFFD0] =	vst v1;
	s0 =	sadd.s32 $0x80, s0  }
0x3d: {  	[tilespmem:s0+$0xFFFFFFC0] =	vst v1;
	p1 =	slt.u32 s4, $0x188  }
0x3e: {  	[tilespmem:s0+$0x30] =	vst v1  }
.Ltmp4:
0x3f: {  	[tilespmem:s0+$0x20] =	vst v1;
	(pc) =	sbr.rel @p1 .LBB2_6-.Ltmp4, $4  }
0x40: {  	[tilespmem:s0+$0x10] =	vst v1  }
0x41: {  	[tilespmem:s0+$0x0] =	vst v1  }
0x42: {  	[tilespmem:s0+$0xFFFFFFF0] =	vst v1  }
0x43: {  	[tilespmem:s0+$0xFFFFFFE0] =	vst v1  }
.Ltmp5:
0x44: {  	(pc) =	sbr.rel @!p0 .LBB2_8-.Ltmp5, $3  }
0x45: {  	_ = 	snop  }
0x46: {  	[tilespmem:s0+$0xFFFFFFD0] =	vst v1  }
0x47: {  	[bflag:$0x0] =	sbarrier.arrive $0xFFFF;
	_ =	sdelay $0x1  }
0x48: {  	_ =	strace $0x8000004A  }
0x49: {  	s0 =	rddreg [dreg:$0x8]  }
0x4a: {  	[tilespmem:s5], [sflag:$0x3] =	stream.linear.gather [hbm4b:s0+s5], $0x190, $0x200038;
	[tilespmem:$0x1B260] =	vst v63  }
0x4b: {  	_ =	swait.ge [sflag:s22], $0x190  }
0x4c: {  	[sflag:s22] =	ssyncset.done $0x0  }
0x4d: {  	[sflag:s22] =	ssyncadd.s32 $0xFFFFFE70  }
0x4e: {  	[spmem:s3] =	stream.indirect.scatter.add.f32 [tilespmem:s24], [sflag:$0x1], $0x10, s5, s23, $0x2000b8;
	[tilespmem:$0x1B260] =	vst v63  }
0x4f: {  	_ = 	snop  }
0x50: {  	[tilespmem:s23], [sflag:$0x3] =	stream.linear.gather [hbm4b:s16+s5], $0x190, $0x200038;
	[tilespmem:$0x1B260] =	vst v63  }
0x51: {  	_ =	swait.ge [sflag:s22], $0x190  }
0x52: {  	[sflag:s22] =	ssyncset.done $0x0  }
0x53: {  	[sflag:s22] =	ssyncadd.s32 $0xFFFFFE70  }
0x54: {  	[spmem:s3] =	stream.indirect.scatter.add.f32 [tilespmem:s24], [sflag:$0x2], $0x10, s23, s23, $0x2000b8;
	[tilespmem:$0x1B260] =	vst v63  }
0x55: {  	_ =	swait.ge [sflag:s25], $0x1900  }
0x56: {  	[sflag:s25] =	ssyncset.done $0x0  }
0x57: {  	[sflag:s25] =	ssyncadd.s32 $0xFFFFE700  }
0x58: {  	[tilespmem:s5], [sflag:$0x3] =	stream.linear.gather [hbm4b:s17+s5], $0x190, $0x200038;
	[tilespmem:$0x1B260] =	vst v63  }
0x59: {  	_ =	swait.ge [sflag:s22], $0x190  }
0x5a: {  	[sflag:s22] =	ssyncset.done $0x0  }
0x5b: {  	s0 =	simm.s32 $0xFFFFCFF4;
	[sflag:s22] =	ssyncadd.s32 $0xFFFFFE70  }
0x5c: {  	[spmem:s3] =	stream.indirect.scatter.add.f32 [tilespmem:s24], [sflag:$0x1], $0x10, s5, s23, $0x2000b8;
	[tilespmem:$0x1B260] =	vst v63  }
.LBB2_17:
0x5d: {  	_ =	swait.ge [sflag:s26], $0x1900  }
0x5e: {  	s4 =	sadd.s32 s0, s20;
	[sflag:s26] =	ssyncset.done $0x0  }
0x5f: {  	s11 =	sadd.s32 $0x30A2, s4;
	[sflag:s26] =	ssyncadd.s32 $0xFFFFE700  }
0x60: {  	[tilespmem:s23], [sflag:$0x3] =	stream.linear.gather [hbm4b:s11+s5], $0x190, $0x200038;
	[tilespmem:$0x1B260] =	vst v63  }
0x61: {  	_ =	swait.ge [sflag:s22], $0x190  }
0x62: {  	p1 =	seq.s32 s0, $0x0;
	[sflag:s22] =	ssyncset.done $0x0  }
.Ltmp6:
0x63: {  	[sflag:s22] =	ssyncadd.s32 $0xFFFFFE70;
	(pc) =	sbr.rel @p1 .LBB2_19-.Ltmp6, $4  }
0x64: {  	[spmem:s3] =	stream.indirect.scatter.add.f32 [tilespmem:s24], [sflag:$0x2], $0x10, s23, s23, $0x2000b8;
	[tilespmem:$0x1B260] =	vst v63  }
0x65: {  	_ =	swait.ge [sflag:s25], $0x1900  }
0x66: {  	[sflag:s25] =	ssyncset.done $0x0  }
0x67: {  	[sflag:s25] =	ssyncadd.s32 $0xFFFFE700  }
0x68: {  	s4 =	sadd.s32 $0x30D4, s4  }
0x69: {  	[tilespmem:s5], [sflag:$0x3] =	stream.linear.gather [hbm4b:s4+s5], $0x190, $0x200038;
	[tilespmem:$0x1B260] =	vst v63  }
.Ltmp7:
0x6a: {  	_ = 	snop;
	(pc) =	sbr.rel .LBB2_17-.Ltmp7, $4  }
0x6b: {  	_ =	swait.ge [sflag:s22], $0x190  }
0x6c: {  	[sflag:s22] =	ssyncset.done $0x0  }
0x6d: {  	s0 =	sadd.s32 $0x64, s0;
	[sflag:s22] =	ssyncadd.s32 $0xFFFFFE70  }
0x6e: {  	[spmem:s3] =	stream.indirect.scatter.add.f32 [tilespmem:s24], [sflag:$0x1], $0x10, s5, s23, $0x2000b8;
	[tilespmem:$0x1B260] =	vst v63  }
.LBB2_8:
0x6f: {  	_ =	strace $0x80000048  }
0x70: {  	s0 =	rddreg [dreg:$0x7]  }
0x71: {  	[tilespmem:s5], [sflag:$0x3] =	stream.linear.gather [hbm4b:s0+s5], $0x190, $0x200038;
	[tilespmem:$0x1B260] =	vst v63  }
0x72: {  	_ =	swait.ge [sflag:s22], $0x190  }
0x73: {  	[sflag:s22] =	ssyncset.done $0x0  }
0x74: {  	[sflag:s22] =	ssyncadd.s32 $0xFFFFFE70  }
0x75: {  	[spmem:s3] =	stream.indirect.scatter.add.f32 [tilespmem:s24], [sflag:$0x1], $0x10, s5, s23, $0x2000b8;
	[tilespmem:$0x1B260] =	vst v63  }
0x76: {  	s31 =	rddreg [dreg:$0x9]  }
0x77: {  	[tilespmem:s23], [sflag:$0x3] =	stream.linear.gather [hbm4b:s31+s5], $0x190, $0x200038;
	[tilespmem:$0x1B260] =	vst v63  }
0x78: {  	_ =	swait.ge [sflag:s22], $0x190  }
0x79: {  	[sflag:s22] =	ssyncset.done $0x0  }
0x7a: {  	[sflag:s22] =	ssyncadd.s32 $0xFFFFFE70  }
0x7b: {  	[spmem:s3] =	stream.indirect.scatter.add.f32 [tilespmem:s24], [sflag:$0x2], $0x10, s23, s23, $0x2000b8;
	[tilespmem:$0x1B260] =	vst v63  }
0x7c: {  	_ =	swait.ge [sflag:s25], $0x1900  }
0x7d: {  	[sflag:s25] =	ssyncset.done $0x0  }
0x7e: {  	[sflag:s25] =	ssyncadd.s32 $0xFFFFE700  }
0x7f: {  	[tilespmem:s5], [sflag:$0x3] =	stream.linear.gather [hbm4b:s15+s5], $0x190, $0x200038;
	[tilespmem:$0x1B260] =	vst v63  }
0x80: {  	_ =	swait.ge [sflag:s22], $0x190  }
0x81: {  	[sflag:s22] =	ssyncset.done $0x0  }
0x82: {  	s0 =	simm.s32 $0xFFFFCFF4;
	[sflag:s22] =	ssyncadd.s32 $0xFFFFFE70  }
0x83: {  	[spmem:s3] =	stream.indirect.scatter.add.f32 [tilespmem:s24], [sflag:$0x1], $0x10, s5, s23, $0x2000b8;
	[tilespmem:$0x1B260] =	vst v63  }
.LBB2_9:
0x84: {  	_ =	swait.ge [sflag:s26], $0x1900  }
0x85: {  	s4 =	sadd.s32 s0, s19;
	[sflag:s26] =	ssyncset.done $0x0  }
0x86: {  	s11 =	sadd.s32 $0x30A2, s4;
	[sflag:s26] =	ssyncadd.s32 $0xFFFFE700  }
0x87: {  	[tilespmem:s23], [sflag:$0x3] =	stream.linear.gather [hbm4b:s11+s5], $0x190, $0x200038;
	[tilespmem:$0x1B260] =	vst v63  }
0x88: {  	_ =	swait.ge [sflag:s22], $0x190  }
0x89: {  	p1 =	seq.s32 s0, $0x0;
	[sflag:s22] =	ssyncset.done $0x0  }
.Ltmp8:
0x8a: {  	[sflag:s22] =	ssyncadd.s32 $0xFFFFFE70;
	(pc) =	sbr.rel @p1 .LBB2_11-.Ltmp8, $4  }
0x8b: {  	[spmem:s3] =	stream.indirect.scatter.add.f32 [tilespmem:s24], [sflag:$0x2], $0x10, s23, s23, $0x2000b8;
	[tilespmem:$0x1B260] =	vst v63  }
0x8c: {  	_ =	swait.ge [sflag:s25], $0x1900  }
0x8d: {  	[sflag:s25] =	ssyncset.done $0x0  }
0x8e: {  	[sflag:s25] =	ssyncadd.s32 $0xFFFFE700  }
0x8f: {  	s4 =	sadd.s32 $0x30D4, s4  }
0x90: {  	[tilespmem:s5], [sflag:$0x3] =	stream.linear.gather [hbm4b:s4+s5], $0x190, $0x200038;
	[tilespmem:$0x1B260] =	vst v63  }
.Ltmp9:
0x91: {  	_ = 	snop;
	(pc) =	sbr.rel .LBB2_9-.Ltmp9, $4  }
0x92: {  	_ =	swait.ge [sflag:s22], $0x190  }
0x93: {  	[sflag:s22] =	ssyncset.done $0x0  }
0x94: {  	s0 =	sadd.s32 $0x64, s0;
	[sflag:s22] =	ssyncadd.s32 $0xFFFFFE70  }
0x95: {  	[spmem:s3] =	stream.indirect.scatter.add.f32 [tilespmem:s24], [sflag:$0x1], $0x10, s5, s23, $0x2000b8;
	[tilespmem:$0x1B260] =	vst v63  }
.LBB2_19:
0x96: {  	_ =	swait.ge [sflag:s26], $0x1900  }
0x97: {  	[sflag:s26] =	ssyncset.done $0x0  }
0x98: {  	[sflag:s26] =	ssyncadd.s32 $0xFFFFE700  }
0x99: {  	_ =	strace $0x9000004A  }
0x9a: {  	[bflag:$0x0] =	sbarrier.arrive $0xFFFF  }
0x9b: {  	s29 =	simm.s32 $0x0;
	s30 =	simm.s32 $0x0;
	_ =	strace $0x8000004B  }
.LBB2_20:
0x9c: {  	s0 =	smul.u32 $0xFA, s30;
	_ =	sdelay $0x1  }
0x9d: {  	s0 =	sadd.s32 s10, s0  }
0x9e: {  	s4 =	sshll.u32 s0, $0x4  }
0x9f: {  	s4 =	sand.u32 $0x3FFFFFF0, s4  }
0xa0: {  	s4 =	sadd.s32 s4, s3  }
0xa1: {  	[tilespmem:s21], [sflag:$0x3] =	stream.linear.gather [spmem:s4], $0xFA0, $0x200038;
	[tilespmem:$0x1B260] =	vst v63  }
0xa2: {  	v19 =	vmov s29;
	_ =	swait.ge [sflag:s22], $0xFA0  }
0xa3: {  	v19 =	vshll.u32 v19, $0x4;
	s31 =	sshll.u32 s0, $0x1;
	[sflag:s22] =	ssyncset.done $0x0  }
0xa4: {  	v19 =	vor.u32 v2, v19;
	s0 =	sadd.s32 s1, s31;
	[sflag:s22] =	ssyncadd.s32 $0xFFFFF060  }
0xa5: {  	[tilespmem:s24], [sflag:$0x3] =	stream.linear.gather [hbm4b:s0+s29], $0xFA0, $0x200038;
	[tilespmem:$0x1B260] =	vst v63  }
0xa6: {  	_ =	swait.ge [sflag:s22], $0xFA0  }
0xa7: {  	[sflag:s22] =	ssyncset.done $0x0  }
0xa8: {  	[sflag:s22] =	ssyncadd.s32 $0xFFFFF060  }
0xa9: {  	v19 =	vld.idx.msk [tilespmem:v19+s21+$0x0], $0xffff;
	_ =	sdelay $0x4  }
0xaa: {  	v20 =	vshra.s32 v19, $0x1;
	v21 =	vmul.f32 $5.000000000e-01, v19  }
0xab: {  	v20 =	vsub.s32 $0x5F3759DF, v20  }
0xac: {  	v22 =	vmul.f32 v20, v21;
	_ =	sdelay $0x1  }
0xad: {  	v22 =	vmul.f32 v20, v22;
	_ =	sdelay $0x1  }
0xae: {  	v22 =	vsub.f32 $1.500000000e+00, v22;
	_ =	sdelay $0x1  }
0xaf: {  	v20 =	vmul.f32 v20, v22;
	_ =	sdelay $0x1  }
0xb0: {  	v21 =	vmul.f32 v20, v21;
	_ =	sdelay $0x1  }
0xb1: {  	v21 =	vmul.f32 v21, v20;
	_ =	sdelay $0x1  }
0xb2: {  	v21 =	vsub.f32 $1.500000000e+00, v21;
	_ =	sdelay $0x1  }
0xb3: {  	v20 =	vmul.f32 v21, v20  }
0xb4: {  	vm0 =	vgt.f32 v19, $0.0e+00  }
0xb5: {  	v19 =	vnsel vm0, $0x0, v20  }
0xb6: {  	v20 =	vperm.xlane v19, v5  }
0xb7: {  	s4 =	simm.s32 $0x1CA0  }
0xb8: {  	s0 =	simm.s32 $0x3A0;
	[tilespmem:s4+$0xFFFFFF80] =	vst v20  }
0xb9: {  	v21 =	vld [tilespmem:s0+$0xFFFFFF80];
	_ =	sdelay $0x4  }
0xba: {  	v20 =	vmul.f32 v21, v20  }
0xbb: {  	v21 =	vperm.xlane v19, v4  }
0xbc: {  	[tilespmem:s0+$0xFFFFFF80] =	vst v20  }
0xbd: {  	[tilespmem:s4+$0xFFFFFF90] =	vst v21  }
0xbe: {  	v20 =	vld [tilespmem:s0+$0xFFFFFF90];
	_ =	sdelay $0x4  }
0xbf: {  	v20 =	vmul.f32 v20, v21  }
0xc0: {  	v21 =	vperm.xlane v19, v6  }
0xc1: {  	[tilespmem:s0+$0xFFFFFF90] =	vst v20  }
0xc2: {  	[tilespmem:s4+$0xFFFFFFA0] =	vst v21  }
0xc3: {  	v20 =	vld [tilespmem:s0+$0xFFFFFFA0];
	_ =	sdelay $0x4  }
0xc4: {  	v20 =	vmul.f32 v20, v21  }
0xc5: {  	v21 =	vperm.xlane v19, v7  }
0xc6: {  	[tilespmem:s0+$0xFFFFFFA0] =	vst v20  }
0xc7: {  	[tilespmem:s4+$0xFFFFFFB0] =	vst v21  }
0xc8: {  	v20 =	vld [tilespmem:s0+$0xFFFFFFB0];
	_ =	sdelay $0x4  }
0xc9: {  	v20 =	vmul.f32 v20, v21  }
0xca: {  	v21 =	vperm.xlane v19, v3  }
0xcb: {  	[tilespmem:s0+$0xFFFFFFB0] =	vst v20  }
0xcc: {  	[tilespmem:s4+$0xFFFFFFC0] =	vst v21  }
0xcd: {  	v20 =	vld [tilespmem:s0+$0xFFFFFFC0];
	_ =	sdelay $0x4  }
0xce: {  	v20 =	vmul.f32 v20, v21  }
0xcf: {  	v21 =	vperm.xlane v19, v8  }
0xd0: {  	[tilespmem:s0+$0xFFFFFFC0] =	vst v20  }
0xd1: {  	[tilespmem:s4+$0xFFFFFFD0] =	vst v21  }
0xd2: {  	v20 =	vld [tilespmem:s0+$0xFFFFFFD0];
	_ =	sdelay $0x4  }
0xd3: {  	v20 =	vmul.f32 v20, v21  }
0xd4: {  	v21 =	vperm.xlane v19, v9  }
0xd5: {  	[tilespmem:s0+$0xFFFFFFD0] =	vst v20  }
0xd6: {  	[tilespmem:s4+$0xFFFFFFE0] =	vst v21  }
0xd7: {  	v20 =	vld [tilespmem:s0+$0xFFFFFFE0];
	_ =	sdelay $0x4  }
0xd8: {  	v20 =	vmul.f32 v20, v21  }
0xd9: {  	v21 =	vperm.xlane v19, v10  }
0xda: {  	[tilespmem:s0+$0xFFFFFFE0] =	vst v20  }
0xdb: {  	[tilespmem:s4+$0xFFFFFFF0] =	vst v21  }
0xdc: {  	v20 =	vld [tilespmem:s0+$0xFFFFFFF0];
	_ =	sdelay $0x4  }
0xdd: {  	v20 =	vmul.f32 v20, v21  }
0xde: {  	v21 =	vperm.xlane v19, v11  }
0xdf: {  	[tilespmem:s0+$0xFFFFFFF0] =	vst v20  }
0xe0: {  	[tilespmem:s4+$0x0] =	vst v21  }
0xe1: {  	v20 =	vld [tilespmem:s0+$0x0];
	_ =	sdelay $0x4  }
0xe2: {  	v20 =	vmul.f32 v20, v21  }
0xe3: {  	v21 =	vperm.xlane v19, v12  }
0xe4: {  	[tilespmem:s0+$0x0] =	vst v20  }
0xe5: {  	[tilespmem:s4+$0x10] =	vst v21  }
0xe6: {  	v20 =	vld [tilespmem:s0+$0x10];
	_ =	sdelay $0x4  }
0xe7: {  	v20 =	vmul.f32 v20, v21  }
0xe8: {  	v21 =	vperm.xlane v19, v13  }
0xe9: {  	[tilespmem:s0+$0x10] =	vst v20  }
0xea: {  	[tilespmem:s4+$0x20] =	vst v21  }
0xeb: {  	v20 =	vld [tilespmem:s0+$0x20];
	_ =	sdelay $0x4  }
0xec: {  	v20 =	vmul.f32 v20, v21  }
0xed: {  	v21 =	vperm.xlane v19, v14  }
0xee: {  	[tilespmem:s0+$0x20] =	vst v20  }
0xef: {  	[tilespmem:s4+$0x30] =	vst v21  }
0xf0: {  	v20 =	vld [tilespmem:s0+$0x30];
	_ =	sdelay $0x4  }
0xf1: {  	v20 =	vmul.f32 v20, v21  }
0xf2: {  	v21 =	vperm.xlane v19, v15  }
0xf3: {  	[tilespmem:s0+$0x30] =	vst v20  }
0xf4: {  	[tilespmem:s4+$0x40] =	vst v21  }
0xf5: {  	v20 =	vld [tilespmem:s0+$0x40];
	_ =	sdelay $0x4  }
0xf6: {  	v20 =	vmul.f32 v20, v21  }
0xf7: {  	v21 =	vperm.xlane v19, v16  }
0xf8: {  	[tilespmem:s0+$0x40] =	vst v20  }
0xf9: {  	[tilespmem:s4+$0x50] =	vst v21  }
0xfa: {  	v20 =	vld [tilespmem:s0+$0x50];
	_ =	sdelay $0x4  }
0xfb: {  	v20 =	vmul.f32 v20, v21  }
0xfc: {  	v21 =	vperm.xlane v19, v17  }
0xfd: {  	[tilespmem:s0+$0x50] =	vst v20  }
0xfe: {  	[tilespmem:s4+$0x60] =	vst v21  }
0xff: {  	v20 =	vld [tilespmem:s0+$0x60];
	_ =	sdelay $0x4  }
0x100: {  	v20 =	vmul.f32 v20, v21  }
0x101: {  	v21 =	vperm.xlane v19, v18  }
0x102: {  	[tilespmem:s0+$0x60] =	vst v20  }
0x103: {  	[tilespmem:s4+$0x70] =	vst v21  }
0x104: {  	s11 =	simm.s32 $0x10;
	v20 =	vld [tilespmem:s0+$0x70]  }
0x105: {  	v19 =	vmov s11  }
0x106: {  	v19 =	vshll.u32 v19, $0x4  }
0x107: {  	v19 =	vor.u32 v2, v19;
	_ =	sdelay $0x1  }
0x108: {  	s14 =	simm.s32 $0x20;
	v20 =	vmul.f32 v20, v21  }
.LBB2_21:
0x109: {  	s4 =	sadd.s32 $0x100, s4  }
0x10a: {  	s12 =	smov.u32 s14;
	s11 =	sadd.s32 $0x10, s14;
	[tilespmem:s0+$0x70] =	vst v20;
	s0 =	sadd.s32 $0x100, s0  }
0x10b: {  	p1 =	sne.s32 s14, $0xE0;
	v19 =	vld.idx.msk [tilespmem:v19+s21+$0x0], $0xffff;
	_ =	sdelay $0x5  }
0x10c: {  	v20 =	vshra.s32 v19, $0x1;
	v21 =	vmul.f32 $5.000000000e-01, v19  }
0x10d: {  	v20 =	vsub.s32 $0x5F3759DF, v20  }
0x10e: {  	v22 =	vmul.f32 v20, v21;
	_ =	sdelay $0x1  }
0x10f: {  	v22 =	vmul.f32 v20, v22;
	_ =	sdelay $0x1  }
0x110: {  	v22 =	vsub.f32 $1.500000000e+00, v22;
	_ =	sdelay $0x1  }
0x111: {  	v20 =	vmul.f32 v20, v22;
	_ =	sdelay $0x1  }
0x112: {  	v21 =	vmul.f32 v20, v21;
	_ =	sdelay $0x1  }
0x113: {  	v21 =	vmul.f32 v21, v20;
	_ =	sdelay $0x1  }
0x114: {  	v21 =	vsub.f32 $1.500000000e+00, v21;
	_ =	sdelay $0x1  }
0x115: {  	v20 =	vmul.f32 v21, v20  }
0x116: {  	vm0 =	vgt.f32 v19, $0.0e+00  }
0x117: {  	v19 =	vnsel vm0, $0x0, v20  }
0x118: {  	v20 =	vperm.xlane v19, v5;
	_ =	sdelay $0x1  }
0x119: {  	[tilespmem:s4+$0xFFFFFF80] =	vst v20  }
0x11a: {  	v21 =	vld [tilespmem:s0+$0xFFFFFF80];
	_ =	sdelay $0x4  }
0x11b: {  	v20 =	vmul.f32 v21, v20  }
0x11c: {  	v21 =	vperm.xlane v19, v4  }
0x11d: {  	[tilespmem:s0+$0xFFFFFF80] =	vst v20  }
0x11e: {  	[tilespmem:s4+$0xFFFFFF90] =	vst v21  }
0x11f: {  	v20 =	vld [tilespmem:s0+$0xFFFFFF90];
	_ =	sdelay $0x4  }
0x120: {  	v20 =	vmul.f32 v20, v21  }
0x121: {  	v21 =	vperm.xlane v19, v6  }
0x122: {  	[tilespmem:s0+$0xFFFFFF90] =	vst v20  }
0x123: {  	[tilespmem:s4+$0xFFFFFFA0] =	vst v21  }
0x124: {  	v20 =	vld [tilespmem:s0+$0xFFFFFFA0];
	_ =	sdelay $0x4  }
0x125: {  	v20 =	vmul.f32 v20, v21  }
0x126: {  	v21 =	vperm.xlane v19, v7  }
0x127: {  	[tilespmem:s0+$0xFFFFFFA0] =	vst v20  }
0x128: {  	[tilespmem:s4+$0xFFFFFFB0] =	vst v21  }
0x129: {  	v20 =	vld [tilespmem:s0+$0xFFFFFFB0];
	_ =	sdelay $0x4  }
0x12a: {  	v20 =	vmul.f32 v20, v21  }
0x12b: {  	v21 =	vperm.xlane v19, v3  }
0x12c: {  	[tilespmem:s0+$0xFFFFFFB0] =	vst v20  }
0x12d: {  	[tilespmem:s4+$0xFFFFFFC0] =	vst v21  }
0x12e: {  	v20 =	vld [tilespmem:s0+$0xFFFFFFC0];
	_ =	sdelay $0x4  }
0x12f: {  	v20 =	vmul.f32 v20, v21  }
0x130: {  	v21 =	vperm.xlane v19, v8  }
0x131: {  	[tilespmem:s0+$0xFFFFFFC0] =	vst v20  }
0x132: {  	[tilespmem:s4+$0xFFFFFFD0] =	vst v21  }
0x133: {  	v20 =	vld [tilespmem:s0+$0xFFFFFFD0];
	_ =	sdelay $0x4  }
0x134: {  	v20 =	vmul.f32 v20, v21  }
0x135: {  	v21 =	vperm.xlane v19, v9  }
0x136: {  	[tilespmem:s0+$0xFFFFFFD0] =	vst v20  }
0x137: {  	[tilespmem:s4+$0xFFFFFFE0] =	vst v21  }
0x138: {  	v20 =	vld [tilespmem:s0+$0xFFFFFFE0];
	_ =	sdelay $0x4  }
0x139: {  	v20 =	vmul.f32 v20, v21  }
0x13a: {  	v21 =	vperm.xlane v19, v10  }
0x13b: {  	[tilespmem:s0+$0xFFFFFFE0] =	vst v20  }
0x13c: {  	[tilespmem:s4+$0xFFFFFFF0] =	vst v21  }
0x13d: {  	v20 =	vld [tilespmem:s0+$0xFFFFFFF0];
	_ =	sdelay $0x4  }
0x13e: {  	v20 =	vmul.f32 v20, v21  }
0x13f: {  	v21 =	vperm.xlane v19, v11  }
0x140: {  	[tilespmem:s0+$0xFFFFFFF0] =	vst v20  }
0x141: {  	[tilespmem:s4+$0x0] =	vst v21  }
0x142: {  	v20 =	vld [tilespmem:s0+$0x0];
	_ =	sdelay $0x4  }
0x143: {  	v20 =	vmul.f32 v20, v21  }
0x144: {  	v21 =	vperm.xlane v19, v12  }
0x145: {  	[tilespmem:s0+$0x0] =	vst v20  }
0x146: {  	[tilespmem:s4+$0x10] =	vst v21  }
0x147: {  	v20 =	vld [tilespmem:s0+$0x10];
	_ =	sdelay $0x4  }
0x148: {  	v20 =	vmul.f32 v20, v21  }
0x149: {  	v21 =	vperm.xlane v19, v13  }
0x14a: {  	[tilespmem:s0+$0x10] =	vst v20  }
0x14b: {  	[tilespmem:s4+$0x20] =	vst v21  }
0x14c: {  	v20 =	vld [tilespmem:s0+$0x20];
	_ =	sdelay $0x4  }
0x14d: {  	v20 =	vmul.f32 v20, v21  }
0x14e: {  	v21 =	vperm.xlane v19, v14  }
0x14f: {  	[tilespmem:s0+$0x20] =	vst v20  }
0x150: {  	[tilespmem:s4+$0x30] =	vst v21  }
0x151: {  	v20 =	vld [tilespmem:s0+$0x30];
	_ =	sdelay $0x4  }
0x152: {  	v20 =	vmul.f32 v20, v21  }
0x153: {  	v21 =	vperm.xlane v19, v15  }
0x154: {  	[tilespmem:s0+$0x30] =	vst v20  }
0x155: {  	[tilespmem:s4+$0x40] =	vst v21  }
0x156: {  	v20 =	vld [tilespmem:s0+$0x40];
	_ =	sdelay $0x4  }
0x157: {  	v20 =	vmul.f32 v20, v21  }
0x158: {  	v21 =	vperm.xlane v19, v16  }
0x159: {  	[tilespmem:s0+$0x40] =	vst v20  }
0x15a: {  	[tilespmem:s4+$0x50] =	vst v21  }
0x15b: {  	v20 =	vld [tilespmem:s0+$0x50];
	_ =	sdelay $0x4  }
0x15c: {  	v20 =	vmul.f32 v20, v21  }
0x15d: {  	v21 =	vperm.xlane v19, v17  }
0x15e: {  	[tilespmem:s0+$0x50] =	vst v20  }
0x15f: {  	[tilespmem:s4+$0x60] =	vst v21  }
0x160: {  	v20 =	vld [tilespmem:s0+$0x60];
	_ =	sdelay $0x4  }
0x161: {  	v20 =	vmul.f32 v20, v21  }
0x162: {  	v21 =	vperm.xlane v19, v18  }
0x163: {  	[tilespmem:s0+$0x60] =	vst v20  }
0x164: {  	[tilespmem:s4+$0x70] =	vst v21  }
0x165: {  	v20 =	vld [tilespmem:s0+$0x70]  }
.Ltmp10:
0x166: {  	v19 =	vmov s12;
	(pc) =	sbr.rel @p1 .LBB2_21-.Ltmp10, $3  }
0x167: {  	v19 =	vshll.u32 v19, $0x4  }
0x168: {  	v19 =	vor.u32 v2, v19;
	_ =	sdelay $0x1  }
0x169: {  	s14 =	smov.u32 s11;
	v20 =	vmul.f32 v20, v21  }
0x16a: {  	_ =	sdelay $0x2  }
0x16b: {  	[tilespmem:s0+$0x70] =	vst v20  }
0x16c: {  	v19 =	vld.idx.msk [tilespmem:v19+s21+$0x0], $0xffff;
	_ =	sdelay $0x4  }
0x16d: {  	v20 =	vshra.s32 v19, $0x1;
	v21 =	vmul.f32 $5.000000000e-01, v19  }
0x16e: {  	v20 =	vsub.s32 $0x5F3759DF, v20  }
0x16f: {  	v22 =	vmul.f32 v20, v21;
	_ =	sdelay $0x1  }
0x170: {  	v22 =	vmul.f32 v20, v22;
	_ =	sdelay $0x1  }
0x171: {  	v22 =	vsub.f32 $1.500000000e+00, v22;
	_ =	sdelay $0x1  }
0x172: {  	v20 =	vmul.f32 v20, v22;
	_ =	sdelay $0x1  }
0x173: {  	v21 =	vmul.f32 v20, v21;
	_ =	sdelay $0x1  }
0x174: {  	v21 =	vmul.f32 v21, v20;
	_ =	sdelay $0x1  }
0x175: {  	v21 =	vsub.f32 $1.500000000e+00, v21;
	_ =	sdelay $0x1  }
0x176: {  	v20 =	vmul.f32 v21, v20  }
0x177: {  	vm0 =	vgt.f32 v19, $0.0e+00  }
0x178: {  	v19 =	vnsel vm0, $0x0, v20  }
0x179: {  	v20 =	vperm.xlane v19, v5  }
0x17a: {  	s4 =	sadd.s32 $0x100, s4  }
0x17b: {  	s12 =	sadd.s32 $0x100, s0;
	[tilespmem:s4+$0xFFFFFF80] =	vst v20  }
0x17c: {  	v39 =	vld [tilespmem:s12+$0xFFFFFF80];
	_ =	sdelay $0x4  }
0x17d: {  	v20 =	vmul.f32 v39, v20  }
0x17e: {  	v40 =	vperm.xlane v19, v4  }
0x17f: {  	[tilespmem:s12+$0xFFFFFF80] =	vst v20  }
0x180: {  	[tilespmem:s4+$0xFFFFFF90] =	vst v40  }
0x181: {  	v20 =	vld [tilespmem:s12+$0xFFFFFF90];
	_ =	sdelay $0x4  }
0x182: {  	v20 =	vmul.f32 v20, v40  }
0x183: {  	v41 =	vperm.xlane v19, v6  }
0x184: {  	[tilespmem:s12+$0xFFFFFF90] =	vst v20  }
0x185: {  	[tilespmem:s4+$0xFFFFFFA0] =	vst v41  }
0x186: {  	v20 =	vld [tilespmem:s12+$0xFFFFFFA0];
	_ =	sdelay $0x4  }
0x187: {  	v20 =	vmul.f32 v20, v41  }
0x188: {  	v42 =	vperm.xlane v19, v7  }
0x189: {  	[tilespmem:s12+$0xFFFFFFA0] =	vst v20  }
0x18a: {  	[tilespmem:s4+$0xFFFFFFB0] =	vst v42  }
0x18b: {  	v20 =	vld [tilespmem:s12+$0xFFFFFFB0];
	_ =	sdelay $0x4  }
0x18c: {  	v20 =	vmul.f32 v20, v42  }
0x18d: {  	v43 =	vperm.xlane v19, v3  }
0x18e: {  	[tilespmem:s12+$0xFFFFFFB0] =	vst v20  }
0x18f: {  	[tilespmem:s4+$0xFFFFFFC0] =	vst v43  }
0x190: {  	v20 =	vld [tilespmem:s12+$0xFFFFFFC0];
	_ =	sdelay $0x4  }
0x191: {  	v20 =	vmul.f32 v20, v43  }
0x192: {  	v44 =	vperm.xlane v19, v8  }
0x193: {  	[tilespmem:s12+$0xFFFFFFC0] =	vst v20  }
0x194: {  	[tilespmem:s4+$0xFFFFFFD0] =	vst v44  }
0x195: {  	v20 =	vld [tilespmem:s12+$0xFFFFFFD0];
	_ =	sdelay $0x4  }
0x196: {  	v20 =	vmul.f32 v20, v44  }
0x197: {  	v45 =	vperm.xlane v19, v9  }
0x198: {  	[tilespmem:s12+$0xFFFFFFD0] =	vst v20  }
0x199: {  	[tilespmem:s4+$0xFFFFFFE0] =	vst v45  }
0x19a: {  	v20 =	vld [tilespmem:s12+$0xFFFFFFE0];
	_ =	sdelay $0x4  }
0x19b: {  	v20 =	vmul.f32 v20, v45  }
0x19c: {  	v46 =	vperm.xlane v19, v10  }
0x19d: {  	[tilespmem:s12+$0xFFFFFFE0] =	vst v20  }
0x19e: {  	[tilespmem:s4+$0xFFFFFFF0] =	vst v46  }
0x19f: {  	v20 =	vld [tilespmem:s12+$0xFFFFFFF0];
	_ =	sdelay $0x4  }
0x1a0: {  	v20 =	vmul.f32 v20, v46  }
0x1a1: {  	v47 =	vperm.xlane v19, v11  }
0x1a2: {  	[tilespmem:s12+$0xFFFFFFF0] =	vst v20  }
0x1a3: {  	[tilespmem:s4+$0x0] =	vst v47  }
0x1a4: {  	v20 =	vld [tilespmem:s12+$0x0];
	_ =	sdelay $0x4  }
0x1a5: {  	v20 =	vmul.f32 v20, v47  }
0x1a6: {  	v48 =	vperm.xlane v19, v12  }
0x1a7: {  	[tilespmem:s12+$0x0] =	vst v20  }
0x1a8: {  	[tilespmem:s4+$0x10] =	vst v48  }
0x1a9: {  	v20 =	vld [tilespmem:s12+$0x10];
	_ =	sdelay $0x4  }
0x1aa: {  	v20 =	vmul.f32 v20, v48  }
0x1ab: {  	v49 =	vperm.xlane v19, v13  }
0x1ac: {  	[tilespmem:s12+$0x10] =	vst v20  }
0x1ad: {  	[tilespmem:s4+$0x20] =	vst v49  }
0x1ae: {  	v20 =	vld [tilespmem:s12+$0x20];
	_ =	sdelay $0x4  }
0x1af: {  	v20 =	vmul.f32 v20, v49  }
0x1b0: {  	v50 =	vperm.xlane v19, v14  }
0x1b1: {  	[tilespmem:s12+$0x20] =	vst v20  }
0x1b2: {  	[tilespmem:s4+$0x30] =	vst v50  }
0x1b3: {  	v20 =	vld [tilespmem:s12+$0x30];
	_ =	sdelay $0x4  }
0x1b4: {  	v20 =	vmul.f32 v20, v50  }
0x1b5: {  	v51 =	vperm.xlane v19, v15  }
0x1b6: {  	[tilespmem:s12+$0x30] =	vst v20  }
0x1b7: {  	[tilespmem:s4+$0x40] =	vst v51  }
0x1b8: {  	v20 =	vld [tilespmem:s12+$0x40];
	_ =	sdelay $0x4  }
0x1b9: {  	v20 =	vmul.f32 v20, v51  }
0x1ba: {  	v52 =	vperm.xlane v19, v16  }
0x1bb: {  	[tilespmem:s12+$0x40] =	vst v20  }
0x1bc: {  	[tilespmem:s4+$0x50] =	vst v52  }
0x1bd: {  	v20 =	vld [tilespmem:s12+$0x50];
	_ =	sdelay $0x4  }
0x1be: {  	v20 =	vmul.f32 v20, v52  }
0x1bf: {  	v53 =	vperm.xlane v19, v17  }
0x1c0: {  	[tilespmem:s12+$0x50] =	vst v20  }
0x1c1: {  	[tilespmem:s4+$0x60] =	vst v53  }
0x1c2: {  	v20 =	vld [tilespmem:s12+$0x60];
	_ =	sdelay $0x4  }
0x1c3: {  	v20 =	vmul.f32 v20, v53  }
0x1c4: {  	v19 =	vperm.xlane v19, v18  }
0x1c5: {  	[tilespmem:s12+$0x60] =	vst v20  }
0x1c6: {  	[tilespmem:s4+$0x70] =	vst v19  }
0x1c7: {  	v20 =	vld [tilespmem:s12+$0x70];
	_ =	sdelay $0x4  }
0x1c8: {  	v19 =	vmul.f32 v20, v19;
	_ =	sdelay $0x1  }
0x1c9: {  	[tilespmem:s12+$0x70] =	vst v19  }
0x1ca: {  	v19 =	vld [tilespmem:$0x2B20];
	_ =	sdelay $0x4  }
0x1cb: {  	v20 =	vshra.s32 v19, $0x1;
	v54 =	vmul.f32 $5.000000000e-01, v19  }
0x1cc: {  	v20 =	vsub.s32 $0x5F3759DF, v20  }
0x1cd: {  	v55 =	vmul.f32 v20, v54;
	_ =	sdelay $0x1  }
0x1ce: {  	v23 =	vld [tilespmem:$0x2B30];
	v22 =	vmul.f32 v20, v55;
	_ =	sdelay $0x1  }
0x1cf: {  	v22 =	vsub.f32 $1.500000000e+00, v22  }
0x1d0: {  	v26 =	vld [tilespmem:$0x2B40]  }
0x1d1: {  	v30 =	vld [tilespmem:$0x2B60];
	v20 =	vmul.f32 v20, v22  }
0x1d2: {  	v32 =	vld [tilespmem:$0x2B70];
	v24 =	vshra.s32 v23, $0x1;
	v25 =	vmul.f32 $5.000000000e-01, v23  }
0x1d3: {  	v56 =	vsub.s32 $0x5F3759DF, v24;
	v21 =	vmul.f32 v20, v54  }
0x1d4: {  	v29 =	vld [tilespmem:$0x2B50];
	v24 =	vmul.f32 v56, v25  }
0x1d5: {  	v57 =	vshra.s32 v26, $0x1;
	v28 =	vmul.f32 $5.000000000e-01, v26;
	v21 =	vmul.f32 v21, v20  }
0x1d6: {  	vm6 =	vgt.f32 v19, $0.0e+00;
	v34 =	vshra.s32 v30, $0x1;
	v24 =	vmul.f32 v56, v24  }
0x1d7: {  	v27 =	vld [tilespmem:$0x1220];
	v46 =	vshra.s32 v32, $0x1;
	v37 =	vmul.f32 $5.000000000e-01, v32;
	v21 =	vsub.f32 $1.500000000e+00, v21  }
0x1d8: {  	v63 =	vsub.s32 $0x5F3759DF, v34;
	v34 =	vsub.s32 $0x5F3759DF, v46;
	v24 =	vsub.f32 $1.500000000e+00, v24  }
0x1d9: {  	v36 =	vld [tilespmem:$0x2B80];
	v62 =	vshra.s32 v29, $0x1;
	v38 =	vmul.f32 v34, v37;
	v20 =	vmul.f32 v21, v20  }
0x1da: {  	v31 =	vmul.f32 $5.000000000e-01, v29;
	v58 =	vsub.s32 $0x5F3759DF, v57;
	v22 =	vmul.f32 v56, v24  }
0x1db: {  	v60 =	vmul.f32 v58, v28;
	v38 =	vmul.f32 v34, v38;
	v19 =	vnsel vm6, $0x0, v20  }
0x1dc: {  	v59 =	vmul.f32 v22, v25;
	v25 =	vmul.f32 v19, v27;
	v27 =	vsub.s32 $0x5F3759DF, v62  }
0x1dd: {  	v61 =	vmul.f32 v58, v60;
	v33 =	vmul.f32 v27, v31  }
0x1de: {  	v39 =	vshra.s32 v36, $0x1;
	v50 =	vsub.f32 $1.500000000e+00, v38  }
0x1df: {  	v40 =	vmul.f32 $5.000000000e-01, v36;
	v24 =	vsub.f32 $1.500000000e+00, v61;
	v44 =	vmul.f32 v27, v33  }
0x1e0: {  	v48 =	vsub.s32 $0x5F3759DF, v39;
	v52 =	vmul.f32 v34, v50  }
0x1e1: {  	v39 =	vmul.f32 v48, v40;
	v34 =	vld [tilespmem:$0x2B90];
	v21 =	vmul.f32 v58, v24;
	v24 =	vsub.f32 $1.500000000e+00, v44  }
0x1e2: {  	v35 =	vmul.f32 $5.000000000e-01, v30;
	v37 =	vmul.f32 v52, v37  }
0x1e3: {  	vm7 =	vgt.f32 v23, $0.0e+00;
	v51 =	vmul.f32 v48, v39;
	v24 =	vmul.f32 v27, v24  }
0x1e4: {  	vm8 =	vgt.f32 v26, $0.0e+00;
	v45 =	vmul.f32 v63, v35;
	v55 =	vmul.f32 v37, v52  }
0x1e5: {  	v53 =	vsub.f32 $1.500000000e+00, v51;
	v20 =	vmul.f32 v59, v22;
	v31 =	vmul.f32 v24, v31  }
0x1e6: {  	v57 =	vshra.s32 v34, $0x1;
	v28 =	vmul.f32 v21, v28;
	v33 =	vmul.f32 v63, v45  }
0x1e7: {  	v26 =	vsub.f32 $1.500000000e+00, v55;
	v20 =	vsub.f32 $1.500000000e+00, v20;
	v31 =	vmul.f32 v31, v24  }
0x1e8: {  	v58 =	vmul.f32 $5.000000000e-01, v34;
	v49 =	vmul.f32 v28, v21;
	v47 =	vsub.f32 $1.500000000e+00, v33;
	v33 =	vld [tilespmem:$0x2BA0]  }
0x1e9: {  	v59 =	vld [tilespmem:$0x1230];
	v28 =	vmul.f32 v48, v53;
	v20 =	vmul.f32 v20, v22;
	v31 =	vsub.f32 $1.500000000e+00, v31  }
0x1ea: {  	v23 =	vmul.f32 v26, v52;
	v22 =	vmul.f32 v63, v47;
	v27 =	vsub.f32 $1.500000000e+00, v49  }
0x1eb: {  	v56 =	vmul.f32 v28, v40;
	v20 =	vnsel vm7, $0x0, v20;
	v24 =	vmul.f32 v31, v24;
	v31 =	vld [tilespmem:$0x2BB0]  }
0x1ec: {  	v35 =	vmul.f32 v22, v35;
	v21 =	vmul.f32 v27, v21;
	v27 =	vsub.s32 $0x5F3759DF, v57  }
0x1ed: {  	v60 =	vmul.f32 v27, v58;
	v61 =	vshra.s32 v33, $0x1;
	v41 =	vmul.f32 $5.000000000e-01, v33  }
0x1ee: {  	v63 =	vmul.f32 v20, v59;
	v35 =	vmul.f32 v35, v22;
	v40 =	vsub.s32 $0x5F3759DF, v61  }
0x1ef: {  	vm9 =	vgt.f32 v29, $0.0e+00;
	v44 =	vld [tilespmem:$0x1240];
	v39 =	vmul.f32 v27, v60;
	v45 =	vmul.f32 v40, v41  }
0x1f0: {  	v54 =	vsub.f32 $1.500000000e+00, v35;
	v42 =	vshra.s32 v31, $0x1;
	v43 =	vmul.f32 $5.000000000e-01, v31  }
0x1f1: {  	v35 =	vmul.f32 v56, v28;
	v39 =	vsub.f32 $1.500000000e+00, v39;
	v42 =	vsub.s32 $0x5F3759DF, v42  }
0x1f2: {  	[tilespmem:$0x2B20] =	vst v19;
	v19 =	vld [tilespmem:$0x1250];
	v21 =	vnsel vm8, $0x0, v21;
	v45 =	vmul.f32 v40, v45;
	v62 =	vmul.f32 v42, v43  }
0x1f3: {  	[tilespmem:$0x1220] =	vst v25;
	v22 =	vmul.f32 v54, v22;
	v35 =	vsub.f32 $1.500000000e+00, v35;
	v27 =	vmul.f32 v27, v39  }
0x1f4: {  	[tilespmem:$0x2B30] =	vst v20;
	v38 =	vsub.f32 $1.500000000e+00, v45;
	v39 =	vmul.f32 v21, v44;
	v26 =	vmul.f32 v42, v62  }
0x1f5: {  	vm10 =	vgt.f32 v30, $0.0e+00;
	v47 =	vld [tilespmem:$0x1280];
	[tilespmem:$0x1230] =	vst v63;
	v20 =	vmul.f32 v35, v28;
	v45 =	vmul.f32 v27, v58  }
0x1f6: {  	[tilespmem:$0x2B40] =	vst v21;
	v44 =	vld [tilespmem:$0x1270];
	v24 =	vnsel vm9, $0x0, v24;
	v40 =	vmul.f32 v40, v38;
	v26 =	vsub.f32 $1.500000000e+00, v26  }
0x1f7: {  	vm11 =	vgt.f32 v32, $0.0e+00;
	[tilespmem:$0x1240] =	vst v39;
	v19 =	vmul.f32 v24, v19;
	v48 =	vmul.f32 v45, v27  }
0x1f8: {  	vm12 =	vgt.f32 v36, $0.0e+00;
	v35 =	vld [tilespmem:$0x1260];
	[tilespmem:$0x2B50] =	vst v24;
	v49 =	vmul.f32 v40, v41;
	v46 =	vmul.f32 v42, v26  }
0x1f9: {  	v22 =	vnsel vm10, $0x0, v22;
	v20 =	vnsel vm12, $0x0, v20;
	[tilespmem:$0x1250] =	vst v19;
	v19 =	vnsel vm11, $0x0, v23  }
0x1fa: {  	v52 =	vld [tilespmem:$0x1290];
	[tilespmem:$0x2B60] =	vst v22;
	v51 =	vsub.f32 $1.500000000e+00, v48;
	v53 =	vmul.f32 v49, v40;
	v54 =	vmul.f32 v46, v43  }
0x1fb: {  	v59 =	vmul.f32 v20, v47;
	[tilespmem:$0x2B80] =	vst v20;
	v55 =	vmul.f32 v19, v44  }
0x1fc: {  	v57 =	vld [tilespmem:$0x12A0];
	[tilespmem:$0x2B70] =	vst v19;
	v19 =	vmul.f32 v51, v27;
	v56 =	vsub.f32 $1.500000000e+00, v53;
	v58 =	vmul.f32 v54, v46  }
0x1fd: {  	vm13 =	vgt.f32 v34, $0.0e+00;
	v50 =	vmul.f32 v22, v35;
	[tilespmem:$0x1280] =	vst v59  }
0x1fe: {  	v61 =	vld [tilespmem:$0x12B0];
	[tilespmem:$0x1270] =	vst v55;
	v19 =	vnsel vm13, $0x0, v19;
	v20 =	vmul.f32 v56, v40;
	v60 =	vsub.f32 $1.500000000e+00, v58  }
0x1ff: {  	vm14 =	vgt.f32 v33, $0.0e+00;
	[tilespmem:$0x1260] =	vst v50;
	v62 =	vmul.f32 v19, v52  }
0x200: {  	[tilespmem:$0x2B90] =	vst v19;
	v20 =	vnsel vm14, $0x0, v20;
	v19 =	vmul.f32 v60, v46  }
0x201: {  	vm15 =	vgt.f32 v31, $0.0e+00;
	[tilespmem:$0x1290] =	vst v62;
	v63 =	vmul.f32 v20, v57  }
0x202: {  	[tilespmem:$0x2BA0] =	vst v20;
	v19 =	vnsel vm15, $0x0, v19  }
0x203: {  	[tilespmem:$0x12A0] =	vst v63;
	v20 =	vmul.f32 v19, v61  }
0x204: {  	[tilespmem:$0x2BB0] =	vst v19  }
0x205: {  	s14 =	sadd.s32 s8, s31;
	[tilespmem:$0x12B0] =	vst v20  }
0x206: {  	[hbm4b:s14+s5] =	stream.linear.scatter [tilespmem:s21], [sflag:$0x3], $0xFA0, $0x200038;
	[tilespmem:$0x1B260] =	vst v63  }
0x207: {  	s30 =	sadd.s32 $0x1, s30;
	_ =	swait.ge [sflag:s22], $0xFA0  }
0x208: {  	p1 =	sne.s32 s30, $0x19;
	[sflag:s22] =	ssyncset.done $0x0  }
.Ltmp11:
0x209: {  	s31 =	sadd.s32 s9, s31;
	[sflag:s22] =	ssyncadd.s32 $0xFFFFF060;
	(pc) =	sbr.rel @p1 .LBB2_20-.Ltmp11, $4  }
0x20a: {  	[hbm4b:s31+s5] =	stream.linear.scatter [tilespmem:s24], [sflag:$0x3], $0xFA0, $0x200038;
	[tilespmem:$0x1B260] =	vst v63  }
0x20b: {  	_ =	swait.ge [sflag:s22], $0xFA0  }
0x20c: {  	[sflag:s22] =	ssyncset.done $0x0  }
0x20d: {  	[sflag:s22] =	ssyncadd.s32 $0xFFFFF060  }
.Ltmp12:
0x20e: {  	(pc) =	sbr.rel .LBB2_24-.Ltmp12, $2  }
0x20f: {  	_ =	sdelay $0x2  }
0x210: {  	_ =	strace $0x9000004B  }
.LBB2_11:
0x211: {  	_ =	swait.ge [sflag:s26], $0x1900  }
0x212: {  	[sflag:s26] =	ssyncset.done $0x0  }
0x213: {  	[sflag:s26] =	ssyncadd.s32 $0xFFFFE700  }
0x214: {  	_ =	strace $0x90000048  }
0x215: {  	[bflag:$0x0] =	sbarrier.arrive $0xFFFF  }
0x216: {  	s29 =	simm.s32 $0x0;
	s30 =	simm.s32 $0x0;
	_ =	strace $0x80000049  }
.LBB2_12:
0x217: {  	s0 =	smul.u32 $0xFA, s30;
	_ =	sdelay $0x1  }
0x218: {  	s0 =	sadd.s32 s10, s0  }
0x219: {  	s4 =	sshll.u32 s0, $0x4  }
0x21a: {  	s4 =	sand.u32 $0x3FFFFFF0, s4  }
0x21b: {  	s4 =	sadd.s32 s4, s3  }
0x21c: {  	[tilespmem:s21], [sflag:$0x3] =	stream.linear.gather [spmem:s4], $0xFA0, $0x200038;
	[tilespmem:$0x1B260] =	vst v63  }
0x21d: {  	v19 =	vmov s29;
	_ =	swait.ge [sflag:s22], $0xFA0  }
0x21e: {  	v19 =	vshll.u32 v19, $0x4;
	s31 =	sshll.u32 s0, $0x1;
	[sflag:s22] =	ssyncset.done $0x0  }
0x21f: {  	v19 =	vor.u32 v2, v19;
	s0 =	sadd.s32 s2, s31;
	[sflag:s22] =	ssyncadd.s32 $0xFFFFF060  }
0x220: {  	[tilespmem:s24], [sflag:$0x3] =	stream.linear.gather [hbm4b:s0+s29], $0xFA0, $0x200038;
	[tilespmem:$0x1B260] =	vst v63  }
0x221: {  	_ =	swait.ge [sflag:s22], $0xFA0  }
0x222: {  	[sflag:s22] =	ssyncset.done $0x0  }
0x223: {  	[sflag:s22] =	ssyncadd.s32 $0xFFFFF060  }
0x224: {  	v19 =	vld.idx.msk [tilespmem:v19+s21+$0x0], $0xffff;
	_ =	sdelay $0x4  }
0x225: {  	v20 =	vshra.s32 v19, $0x1;
	v21 =	vmul.f32 $5.000000000e-01, v19  }
0x226: {  	v20 =	vsub.s32 $0x5F3759DF, v20  }
0x227: {  	v22 =	vmul.f32 v20, v21;
	_ =	sdelay $0x1  }
0x228: {  	v22 =	vmul.f32 v20, v22;
	_ =	sdelay $0x1  }
0x229: {  	v22 =	vsub.f32 $1.500000000e+00, v22;
	_ =	sdelay $0x1  }
0x22a: {  	v20 =	vmul.f32 v20, v22;
	_ =	sdelay $0x1  }
0x22b: {  	v21 =	vmul.f32 v20, v21;
	_ =	sdelay $0x1  }
0x22c: {  	v21 =	vmul.f32 v21, v20;
	_ =	sdelay $0x1  }
0x22d: {  	v21 =	vsub.f32 $1.500000000e+00, v21;
	_ =	sdelay $0x1  }
0x22e: {  	v20 =	vmul.f32 v21, v20  }
0x22f: {  	vm0 =	vgt.f32 v19, $0.0e+00  }
0x230: {  	v19 =	vnsel vm0, $0x0, v20  }
0x231: {  	v20 =	vperm.xlane v19, v5  }
0x232: {  	s4 =	simm.s32 $0x1CA0  }
0x233: {  	s0 =	simm.s32 $0x3A0;
	[tilespmem:s4+$0xFFFFFF80] =	vst v20  }
0x234: {  	v21 =	vld [tilespmem:s0+$0xFFFFFF80];
	_ =	sdelay $0x4  }
0x235: {  	v20 =	vmul.f32 v21, v20  }
0x236: {  	v21 =	vperm.xlane v19, v4  }
0x237: {  	[tilespmem:s0+$0xFFFFFF80] =	vst v20  }
0x238: {  	[tilespmem:s4+$0xFFFFFF90] =	vst v21  }
0x239: {  	v20 =	vld [tilespmem:s0+$0xFFFFFF90];
	_ =	sdelay $0x4  }
0x23a: {  	v20 =	vmul.f32 v20, v21  }
0x23b: {  	v21 =	vperm.xlane v19, v6  }
0x23c: {  	[tilespmem:s0+$0xFFFFFF90] =	vst v20  }
0x23d: {  	[tilespmem:s4+$0xFFFFFFA0] =	vst v21  }
0x23e: {  	v20 =	vld [tilespmem:s0+$0xFFFFFFA0];
	_ =	sdelay $0x4  }
0x23f: {  	v20 =	vmul.f32 v20, v21  }
0x240: {  	v21 =	vperm.xlane v19, v7  }
0x241: {  	[tilespmem:s0+$0xFFFFFFA0] =	vst v20  }
0x242: {  	[tilespmem:s4+$0xFFFFFFB0] =	vst v21  }
0x243: {  	v20 =	vld [tilespmem:s0+$0xFFFFFFB0];
	_ =	sdelay $0x4  }
0x244: {  	v20 =	vmul.f32 v20, v21  }
0x245: {  	v21 =	vperm.xlane v19, v3  }
0x246: {  	[tilespmem:s0+$0xFFFFFFB0] =	vst v20  }
0x247: {  	[tilespmem:s4+$0xFFFFFFC0] =	vst v21  }
0x248: {  	v20 =	vld [tilespmem:s0+$0xFFFFFFC0];
	_ =	sdelay $0x4  }
0x249: {  	v20 =	vmul.f32 v20, v21  }
0x24a: {  	v21 =	vperm.xlane v19, v8  }
0x24b: {  	[tilespmem:s0+$0xFFFFFFC0] =	vst v20  }
0x24c: {  	[tilespmem:s4+$0xFFFFFFD0] =	vst v21  }
0x24d: {  	v20 =	vld [tilespmem:s0+$0xFFFFFFD0];
	_ =	sdelay $0x4  }
0x24e: {  	v20 =	vmul.f32 v20, v21  }
0x24f: {  	v21 =	vperm.xlane v19, v9  }
0x250: {  	[tilespmem:s0+$0xFFFFFFD0] =	vst v20  }
0x251: {  	[tilespmem:s4+$0xFFFFFFE0] =	vst v21  }
0x252: {  	v20 =	vld [tilespmem:s0+$0xFFFFFFE0];
	_ =	sdelay $0x4  }
0x253: {  	v20 =	vmul.f32 v20, v21  }
0x254: {  	v21 =	vperm.xlane v19, v10  }
0x255: {  	[tilespmem:s0+$0xFFFFFFE0] =	vst v20  }
0x256: {  	[tilespmem:s4+$0xFFFFFFF0] =	vst v21  }
0x257: {  	v20 =	vld [tilespmem:s0+$0xFFFFFFF0];
	_ =	sdelay $0x4  }
0x258: {  	v20 =	vmul.f32 v20, v21  }
0x259: {  	v21 =	vperm.xlane v19, v11  }
0x25a: {  	[tilespmem:s0+$0xFFFFFFF0] =	vst v20  }
0x25b: {  	[tilespmem:s4+$0x0] =	vst v21  }
0x25c: {  	v20 =	vld [tilespmem:s0+$0x0];
	_ =	sdelay $0x4  }
0x25d: {  	v20 =	vmul.f32 v20, v21  }
0x25e: {  	v21 =	vperm.xlane v19, v12  }
0x25f: {  	[tilespmem:s0+$0x0] =	vst v20  }
0x260: {  	[tilespmem:s4+$0x10] =	vst v21  }
0x261: {  	v20 =	vld [tilespmem:s0+$0x10];
	_ =	sdelay $0x4  }
0x262: {  	v20 =	vmul.f32 v20, v21  }
0x263: {  	v21 =	vperm.xlane v19, v13  }
0x264: {  	[tilespmem:s0+$0x10] =	vst v20  }
0x265: {  	[tilespmem:s4+$0x20] =	vst v21  }
0x266: {  	v20 =	vld [tilespmem:s0+$0x20];
	_ =	sdelay $0x4  }
0x267: {  	v20 =	vmul.f32 v20, v21  }
0x268: {  	v21 =	vperm.xlane v19, v14  }
0x269: {  	[tilespmem:s0+$0x20] =	vst v20  }
0x26a: {  	[tilespmem:s4+$0x30] =	vst v21  }
0x26b: {  	v20 =	vld [tilespmem:s0+$0x30];
	_ =	sdelay $0x4  }
0x26c: {  	v20 =	vmul.f32 v20, v21  }
0x26d: {  	v21 =	vperm.xlane v19, v15  }
0x26e: {  	[tilespmem:s0+$0x30] =	vst v20  }
0x26f: {  	[tilespmem:s4+$0x40] =	vst v21  }
0x270: {  	v20 =	vld [tilespmem:s0+$0x40];
	_ =	sdelay $0x4  }
0x271: {  	v20 =	vmul.f32 v20, v21  }
0x272: {  	v21 =	vperm.xlane v19, v16  }
0x273: {  	[tilespmem:s0+$0x40] =	vst v20  }
0x274: {  	[tilespmem:s4+$0x50] =	vst v21  }
0x275: {  	v20 =	vld [tilespmem:s0+$0x50];
	_ =	sdelay $0x4  }
0x276: {  	v20 =	vmul.f32 v20, v21  }
0x277: {  	v21 =	vperm.xlane v19, v17  }
0x278: {  	[tilespmem:s0+$0x50] =	vst v20  }
0x279: {  	[tilespmem:s4+$0x60] =	vst v21  }
0x27a: {  	v20 =	vld [tilespmem:s0+$0x60];
	_ =	sdelay $0x4  }
0x27b: {  	v20 =	vmul.f32 v20, v21  }
0x27c: {  	v21 =	vperm.xlane v19, v18  }
0x27d: {  	[tilespmem:s0+$0x60] =	vst v20  }
0x27e: {  	[tilespmem:s4+$0x70] =	vst v21  }
0x27f: {  	s11 =	simm.s32 $0x10;
	v20 =	vld [tilespmem:s0+$0x70]  }
0x280: {  	v19 =	vmov s11  }
0x281: {  	v19 =	vshll.u32 v19, $0x4  }
0x282: {  	v19 =	vor.u32 v2, v19;
	_ =	sdelay $0x1  }
0x283: {  	s11 =	simm.s32 $0x20;
	v20 =	vmul.f32 v20, v21  }
.LBB2_13:
0x284: {  	s4 =	sadd.s32 $0x100, s4  }
0x285: {  	s12 =	smov.u32 s11;
	s14 =	sadd.s32 $0x10, s11;
	[tilespmem:s0+$0x70] =	vst v20;
	s0 =	sadd.s32 $0x100, s0  }
0x286: {  	p1 =	sne.s32 s11, $0xE0;
	v19 =	vld.idx.msk [tilespmem:v19+s21+$0x0], $0xffff;
	_ =	sdelay $0x5  }
0x287: {  	v20 =	vshra.s32 v19, $0x1;
	v21 =	vmul.f32 $5.000000000e-01, v19  }
0x288: {  	v20 =	vsub.s32 $0x5F3759DF, v20  }
0x289: {  	v22 =	vmul.f32 v20, v21;
	_ =	sdelay $0x1  }
0x28a: {  	v22 =	vmul.f32 v20, v22;
	_ =	sdelay $0x1  }
0x28b: {  	v22 =	vsub.f32 $1.500000000e+00, v22;
	_ =	sdelay $0x1  }
0x28c: {  	v20 =	vmul.f32 v20, v22;
	_ =	sdelay $0x1  }
0x28d: {  	v21 =	vmul.f32 v20, v21;
	_ =	sdelay $0x1  }
0x28e: {  	v21 =	vmul.f32 v21, v20;
	_ =	sdelay $0x1  }
0x28f: {  	v21 =	vsub.f32 $1.500000000e+00, v21;
	_ =	sdelay $0x1  }
0x290: {  	v20 =	vmul.f32 v21, v20  }
0x291: {  	vm0 =	vgt.f32 v19, $0.0e+00  }
0x292: {  	v19 =	vnsel vm0, $0x0, v20  }
0x293: {  	v20 =	vperm.xlane v19, v5;
	_ =	sdelay $0x1  }
0x294: {  	[tilespmem:s4+$0xFFFFFF80] =	vst v20  }
0x295: {  	v21 =	vld [tilespmem:s0+$0xFFFFFF80];
	_ =	sdelay $0x4  }
0x296: {  	v20 =	vmul.f32 v21, v20  }
0x297: {  	v21 =	vperm.xlane v19, v4  }
0x298: {  	[tilespmem:s0+$0xFFFFFF80] =	vst v20  }
0x299: {  	[tilespmem:s4+$0xFFFFFF90] =	vst v21  }
0x29a: {  	v20 =	vld [tilespmem:s0+$0xFFFFFF90];
	_ =	sdelay $0x4  }
0x29b: {  	v20 =	vmul.f32 v20, v21  }
0x29c: {  	v21 =	vperm.xlane v19, v6  }
0x29d: {  	[tilespmem:s0+$0xFFFFFF90] =	vst v20  }
0x29e: {  	[tilespmem:s4+$0xFFFFFFA0] =	vst v21  }
0x29f: {  	v20 =	vld [tilespmem:s0+$0xFFFFFFA0];
	_ =	sdelay $0x4  }
0x2a0: {  	v20 =	vmul.f32 v20, v21  }
0x2a1: {  	v21 =	vperm.xlane v19, v7  }
0x2a2: {  	[tilespmem:s0+$0xFFFFFFA0] =	vst v20  }
0x2a3: {  	[tilespmem:s4+$0xFFFFFFB0] =	vst v21  }
0x2a4: {  	v20 =	vld [tilespmem:s0+$0xFFFFFFB0];
	_ =	sdelay $0x4  }
0x2a5: {  	v20 =	vmul.f32 v20, v21  }
0x2a6: {  	v21 =	vperm.xlane v19, v3  }
0x2a7: {  	[tilespmem:s0+$0xFFFFFFB0] =	vst v20  }
0x2a8: {  	[tilespmem:s4+$0xFFFFFFC0] =	vst v21  }
0x2a9: {  	v20 =	vld [tilespmem:s0+$0xFFFFFFC0];
	_ =	sdelay $0x4  }
0x2aa: {  	v20 =	vmul.f32 v20, v21  }
0x2ab: {  	v21 =	vperm.xlane v19, v8  }
0x2ac: {  	[tilespmem:s0+$0xFFFFFFC0] =	vst v20  }
0x2ad: {  	[tilespmem:s4+$0xFFFFFFD0] =	vst v21  }
0x2ae: {  	v20 =	vld [tilespmem:s0+$0xFFFFFFD0];
	_ =	sdelay $0x4  }
0x2af: {  	v20 =	vmul.f32 v20, v21  }
0x2b0: {  	v21 =	vperm.xlane v19, v9  }
0x2b1: {  	[tilespmem:s0+$0xFFFFFFD0] =	vst v20  }
0x2b2: {  	[tilespmem:s4+$0xFFFFFFE0] =	vst v21  }
0x2b3: {  	v20 =	vld [tilespmem:s0+$0xFFFFFFE0];
	_ =	sdelay $0x4  }
0x2b4: {  	v20 =	vmul.f32 v20, v21  }
0x2b5: {  	v21 =	vperm.xlane v19, v10  }
0x2b6: {  	[tilespmem:s0+$0xFFFFFFE0] =	vst v20  }
0x2b7: {  	[tilespmem:s4+$0xFFFFFFF0] =	vst v21  }
0x2b8: {  	v20 =	vld [tilespmem:s0+$0xFFFFFFF0];
	_ =	sdelay $0x4  }
0x2b9: {  	v20 =	vmul.f32 v20, v21  }
0x2ba: {  	v21 =	vperm.xlane v19, v11  }
0x2bb: {  	[tilespmem:s0+$0xFFFFFFF0] =	vst v20  }
0x2bc: {  	[tilespmem:s4+$0x0] =	vst v21  }
0x2bd: {  	v20 =	vld [tilespmem:s0+$0x0];
	_ =	sdelay $0x4  }
0x2be: {  	v20 =	vmul.f32 v20, v21  }
0x2bf: {  	v21 =	vperm.xlane v19, v12  }
0x2c0: {  	[tilespmem:s0+$0x0] =	vst v20  }
0x2c1: {  	[tilespmem:s4+$0x10] =	vst v21  }
0x2c2: {  	v20 =	vld [tilespmem:s0+$0x10];
	_ =	sdelay $0x4  }
0x2c3: {  	v20 =	vmul.f32 v20, v21  }
0x2c4: {  	v21 =	vperm.xlane v19, v13  }
0x2c5: {  	[tilespmem:s0+$0x10] =	vst v20  }
0x2c6: {  	[tilespmem:s4+$0x20] =	vst v21  }
0x2c7: {  	v20 =	vld [tilespmem:s0+$0x20];
	_ =	sdelay $0x4  }
0x2c8: {  	v20 =	vmul.f32 v20, v21  }
0x2c9: {  	v21 =	vperm.xlane v19, v14  }
0x2ca: {  	[tilespmem:s0+$0x20] =	vst v20  }
0x2cb: {  	[tilespmem:s4+$0x30] =	vst v21  }
0x2cc: {  	v20 =	vld [tilespmem:s0+$0x30];
	_ =	sdelay $0x4  }
0x2cd: {  	v20 =	vmul.f32 v20, v21  }
0x2ce: {  	v21 =	vperm.xlane v19, v15  }
0x2cf: {  	[tilespmem:s0+$0x30] =	vst v20  }
0x2d0: {  	[tilespmem:s4+$0x40] =	vst v21  }
0x2d1: {  	v20 =	vld [tilespmem:s0+$0x40];
	_ =	sdelay $0x4  }
0x2d2: {  	v20 =	vmul.f32 v20, v21  }
0x2d3: {  	v21 =	vperm.xlane v19, v16  }
0x2d4: {  	[tilespmem:s0+$0x40] =	vst v20  }
0x2d5: {  	[tilespmem:s4+$0x50] =	vst v21  }
0x2d6: {  	v20 =	vld [tilespmem:s0+$0x50];
	_ =	sdelay $0x4  }
0x2d7: {  	v20 =	vmul.f32 v20, v21  }
0x2d8: {  	v21 =	vperm.xlane v19, v17  }
0x2d9: {  	[tilespmem:s0+$0x50] =	vst v20  }
0x2da: {  	[tilespmem:s4+$0x60] =	vst v21  }
0x2db: {  	v20 =	vld [tilespmem:s0+$0x60];
	_ =	sdelay $0x4  }
0x2dc: {  	v20 =	vmul.f32 v20, v21  }
0x2dd: {  	v21 =	vperm.xlane v19, v18  }
0x2de: {  	[tilespmem:s0+$0x60] =	vst v20  }
0x2df: {  	[tilespmem:s4+$0x70] =	vst v21  }
0x2e0: {  	v20 =	vld [tilespmem:s0+$0x70]  }
.Ltmp13:
0x2e1: {  	v19 =	vmov s12;
	(pc) =	sbr.rel @p1 .LBB2_13-.Ltmp13, $3  }
0x2e2: {  	v19 =	vshll.u32 v19, $0x4  }
0x2e3: {  	v19 =	vor.u32 v2, v19;
	_ =	sdelay $0x1  }
0x2e4: {  	s11 =	smov.u32 s14;
	v20 =	vmul.f32 v20, v21  }
0x2e5: {  	_ =	sdelay $0x2  }
0x2e6: {  	[tilespmem:s0+$0x70] =	vst v20  }
0x2e7: {  	v19 =	vld.idx.msk [tilespmem:v19+s21+$0x0], $0xffff;
	_ =	sdelay $0x4  }
0x2e8: {  	v20 =	vshra.s32 v19, $0x1;
	v21 =	vmul.f32 $5.000000000e-01, v19  }
0x2e9: {  	v20 =	vsub.s32 $0x5F3759DF, v20  }
0x2ea: {  	v22 =	vmul.f32 v20, v21;
	_ =	sdelay $0x1  }
0x2eb: {  	v22 =	vmul.f32 v20, v22;
	_ =	sdelay $0x1  }
0x2ec: {  	v22 =	vsub.f32 $1.500000000e+00, v22;
	_ =	sdelay $0x1  }
0x2ed: {  	v20 =	vmul.f32 v20, v22;
	_ =	sdelay $0x1  }
0x2ee: {  	v21 =	vmul.f32 v20, v21;
	_ =	sdelay $0x1  }
0x2ef: {  	v21 =	vmul.f32 v21, v20;
	_ =	sdelay $0x1  }
0x2f0: {  	v21 =	vsub.f32 $1.500000000e+00, v21;
	_ =	sdelay $0x1  }
0x2f1: {  	v20 =	vmul.f32 v21, v20  }
0x2f2: {  	vm0 =	vgt.f32 v19, $0.0e+00  }
0x2f3: {  	v19 =	vnsel vm0, $0x0, v20  }
0x2f4: {  	v20 =	vperm.xlane v19, v5  }
0x2f5: {  	s4 =	sadd.s32 $0x100, s4  }
0x2f6: {  	s12 =	sadd.s32 $0x100, s0;
	[tilespmem:s4+$0xFFFFFF80] =	vst v20  }
0x2f7: {  	v39 =	vld [tilespmem:s12+$0xFFFFFF80];
	_ =	sdelay $0x4  }
0x2f8: {  	v20 =	vmul.f32 v39, v20  }
0x2f9: {  	v40 =	vperm.xlane v19, v4  }
0x2fa: {  	[tilespmem:s12+$0xFFFFFF80] =	vst v20  }
0x2fb: {  	[tilespmem:s4+$0xFFFFFF90] =	vst v40  }
0x2fc: {  	v20 =	vld [tilespmem:s12+$0xFFFFFF90];
	_ =	sdelay $0x4  }
0x2fd: {  	v20 =	vmul.f32 v20, v40  }
0x2fe: {  	v41 =	vperm.xlane v19, v6  }
0x2ff: {  	[tilespmem:s12+$0xFFFFFF90] =	vst v20  }
0x300: {  	[tilespmem:s4+$0xFFFFFFA0] =	vst v41  }
0x301: {  	v20 =	vld [tilespmem:s12+$0xFFFFFFA0];
	_ =	sdelay $0x4  }
0x302: {  	v20 =	vmul.f32 v20, v41  }
0x303: {  	v42 =	vperm.xlane v19, v7  }
0x304: {  	[tilespmem:s12+$0xFFFFFFA0] =	vst v20  }
0x305: {  	[tilespmem:s4+$0xFFFFFFB0] =	vst v42  }
0x306: {  	v20 =	vld [tilespmem:s12+$0xFFFFFFB0];
	_ =	sdelay $0x4  }
0x307: {  	v20 =	vmul.f32 v20, v42  }
0x308: {  	v43 =	vperm.xlane v19, v3  }
0x309: {  	[tilespmem:s12+$0xFFFFFFB0] =	vst v20  }
0x30a: {  	[tilespmem:s4+$0xFFFFFFC0] =	vst v43  }
0x30b: {  	v20 =	vld [tilespmem:s12+$0xFFFFFFC0];
	_ =	sdelay $0x4  }
0x30c: {  	v20 =	vmul.f32 v20, v43  }
0x30d: {  	v44 =	vperm.xlane v19, v8  }
0x30e: {  	[tilespmem:s12+$0xFFFFFFC0] =	vst v20  }
0x30f: {  	[tilespmem:s4+$0xFFFFFFD0] =	vst v44  }
0x310: {  	v20 =	vld [tilespmem:s12+$0xFFFFFFD0];
	_ =	sdelay $0x4  }
0x311: {  	v20 =	vmul.f32 v20, v44  }
0x312: {  	v45 =	vperm.xlane v19, v9  }
0x313: {  	[tilespmem:s12+$0xFFFFFFD0] =	vst v20  }
0x314: {  	[tilespmem:s4+$0xFFFFFFE0] =	vst v45  }
0x315: {  	v20 =	vld [tilespmem:s12+$0xFFFFFFE0];
	_ =	sdelay $0x4  }
0x316: {  	v20 =	vmul.f32 v20, v45  }
0x317: {  	v46 =	vperm.xlane v19, v10  }
0x318: {  	[tilespmem:s12+$0xFFFFFFE0] =	vst v20  }
0x319: {  	[tilespmem:s4+$0xFFFFFFF0] =	vst v46  }
0x31a: {  	v20 =	vld [tilespmem:s12+$0xFFFFFFF0];
	_ =	sdelay $0x4  }
0x31b: {  	v20 =	vmul.f32 v20, v46  }
0x31c: {  	v47 =	vperm.xlane v19, v11  }
0x31d: {  	[tilespmem:s12+$0xFFFFFFF0] =	vst v20  }
0x31e: {  	[tilespmem:s4+$0x0] =	vst v47  }
0x31f: {  	v20 =	vld [tilespmem:s12+$0x0];
	_ =	sdelay $0x4  }
0x320: {  	v20 =	vmul.f32 v20, v47  }
0x321: {  	v48 =	vperm.xlane v19, v12  }
0x322: {  	[tilespmem:s12+$0x0] =	vst v20  }
0x323: {  	[tilespmem:s4+$0x10] =	vst v48  }
0x324: {  	v20 =	vld [tilespmem:s12+$0x10];
	_ =	sdelay $0x4  }
0x325: {  	v20 =	vmul.f32 v20, v48  }
0x326: {  	v49 =	vperm.xlane v19, v13  }
0x327: {  	[tilespmem:s12+$0x10] =	vst v20  }
0x328: {  	[tilespmem:s4+$0x20] =	vst v49  }
0x329: {  	v20 =	vld [tilespmem:s12+$0x20];
	_ =	sdelay $0x4  }
0x32a: {  	v20 =	vmul.f32 v20, v49  }
0x32b: {  	v50 =	vperm.xlane v19, v14  }
0x32c: {  	[tilespmem:s12+$0x20] =	vst v20  }
0x32d: {  	[tilespmem:s4+$0x30] =	vst v50  }
0x32e: {  	v20 =	vld [tilespmem:s12+$0x30];
	_ =	sdelay $0x4  }
0x32f: {  	v20 =	vmul.f32 v20, v50  }
0x330: {  	v51 =	vperm.xlane v19, v15  }
0x331: {  	[tilespmem:s12+$0x30] =	vst v20  }
0x332: {  	[tilespmem:s4+$0x40] =	vst v51  }
0x333: {  	v20 =	vld [tilespmem:s12+$0x40];
	_ =	sdelay $0x4  }
0x334: {  	v20 =	vmul.f32 v20, v51  }
0x335: {  	v52 =	vperm.xlane v19, v16  }
0x336: {  	[tilespmem:s12+$0x40] =	vst v20  }
0x337: {  	[tilespmem:s4+$0x50] =	vst v52  }
0x338: {  	v20 =	vld [tilespmem:s12+$0x50];
	_ =	sdelay $0x4  }
0x339: {  	v20 =	vmul.f32 v20, v52  }
0x33a: {  	v53 =	vperm.xlane v19, v17  }
0x33b: {  	[tilespmem:s12+$0x50] =	vst v20  }
0x33c: {  	[tilespmem:s4+$0x60] =	vst v53  }
0x33d: {  	v20 =	vld [tilespmem:s12+$0x60];
	_ =	sdelay $0x4  }
0x33e: {  	v20 =	vmul.f32 v20, v53  }
0x33f: {  	v19 =	vperm.xlane v19, v18  }
0x340: {  	[tilespmem:s12+$0x60] =	vst v20  }
0x341: {  	[tilespmem:s4+$0x70] =	vst v19  }
0x342: {  	v20 =	vld [tilespmem:s12+$0x70];
	_ =	sdelay $0x4  }
0x343: {  	v19 =	vmul.f32 v20, v19;
	_ =	sdelay $0x1  }
0x344: {  	[tilespmem:s12+$0x70] =	vst v19  }
0x345: {  	v19 =	vld [tilespmem:$0x2B20];
	_ =	sdelay $0x4  }
0x346: {  	v20 =	vshra.s32 v19, $0x1;
	v54 =	vmul.f32 $5.000000000e-01, v19  }
0x347: {  	v20 =	vsub.s32 $0x5F3759DF, v20  }
0x348: {  	v55 =	vmul.f32 v20, v54;
	_ =	sdelay $0x1  }
0x349: {  	v23 =	vld [tilespmem:$0x2B30];
	v22 =	vmul.f32 v20, v55;
	_ =	sdelay $0x1  }
0x34a: {  	v22 =	vsub.f32 $1.500000000e+00, v22  }
0x34b: {  	v26 =	vld [tilespmem:$0x2B40]  }
0x34c: {  	v30 =	vld [tilespmem:$0x2B60];
	v20 =	vmul.f32 v20, v22  }
0x34d: {  	v32 =	vld [tilespmem:$0x2B70];
	v24 =	vshra.s32 v23, $0x1;
	v25 =	vmul.f32 $5.000000000e-01, v23  }
0x34e: {  	v56 =	vsub.s32 $0x5F3759DF, v24;
	v21 =	vmul.f32 v20, v54  }
0x34f: {  	v29 =	vld [tilespmem:$0x2B50];
	v24 =	vmul.f32 v56, v25  }
0x350: {  	v57 =	vshra.s32 v26, $0x1;
	v28 =	vmul.f32 $5.000000000e-01, v26;
	v21 =	vmul.f32 v21, v20  }
0x351: {  	vm6 =	vgt.f32 v19, $0.0e+00;
	v34 =	vshra.s32 v30, $0x1;
	v24 =	vmul.f32 v56, v24  }
0x352: {  	v27 =	vld [tilespmem:$0x1220];
	v46 =	vshra.s32 v32, $0x1;
	v37 =	vmul.f32 $5.000000000e-01, v32;
	v21 =	vsub.f32 $1.500000000e+00, v21  }
0x353: {  	v63 =	vsub.s32 $0x5F3759DF, v34;
	v34 =	vsub.s32 $0x5F3759DF, v46;
	v24 =	vsub.f32 $1.500000000e+00, v24  }
0x354: {  	v36 =	vld [tilespmem:$0x2B80];
	v62 =	vshra.s32 v29, $0x1;
	v38 =	vmul.f32 v34, v37;
	v20 =	vmul.f32 v21, v20  }
0x355: {  	v31 =	vmul.f32 $5.000000000e-01, v29;
	v58 =	vsub.s32 $0x5F3759DF, v57;
	v22 =	vmul.f32 v56, v24  }
0x356: {  	v60 =	vmul.f32 v58, v28;
	v38 =	vmul.f32 v34, v38;
	v19 =	vnsel vm6, $0x0, v20  }
0x357: {  	v59 =	vmul.f32 v22, v25;
	v25 =	vmul.f32 v19, v27;
	v27 =	vsub.s32 $0x5F3759DF, v62  }
0x358: {  	v61 =	vmul.f32 v58, v60;
	v33 =	vmul.f32 v27, v31  }
0x359: {  	v39 =	vshra.s32 v36, $0x1;
	v50 =	vsub.f32 $1.500000000e+00, v38  }
0x35a: {  	v40 =	vmul.f32 $5.000000000e-01, v36;
	v24 =	vsub.f32 $1.500000000e+00, v61;
	v44 =	vmul.f32 v27, v33  }
0x35b: {  	v48 =	vsub.s32 $0x5F3759DF, v39;
	v52 =	vmul.f32 v34, v50  }
0x35c: {  	v39 =	vmul.f32 v48, v40;
	v34 =	vld [tilespmem:$0x2B90];
	v21 =	vmul.f32 v58, v24;
	v24 =	vsub.f32 $1.500000000e+00, v44  }
0x35d: {  	v35 =	vmul.f32 $5.000000000e-01, v30;
	v37 =	vmul.f32 v52, v37  }
0x35e: {  	vm7 =	vgt.f32 v23, $0.0e+00;
	v51 =	vmul.f32 v48, v39;
	v24 =	vmul.f32 v27, v24  }
0x35f: {  	vm8 =	vgt.f32 v26, $0.0e+00;
	v45 =	vmul.f32 v63, v35;
	v55 =	vmul.f32 v37, v52  }
0x360: {  	v53 =	vsub.f32 $1.500000000e+00, v51;
	v20 =	vmul.f32 v59, v22;
	v31 =	vmul.f32 v24, v31  }
0x361: {  	v57 =	vshra.s32 v34, $0x1;
	v28 =	vmul.f32 v21, v28;
	v33 =	vmul.f32 v63, v45  }
0x362: {  	v26 =	vsub.f32 $1.500000000e+00, v55;
	v20 =	vsub.f32 $1.500000000e+00, v20;
	v31 =	vmul.f32 v31, v24  }
0x363: {  	v58 =	vmul.f32 $5.000000000e-01, v34;
	v49 =	vmul.f32 v28, v21;
	v47 =	vsub.f32 $1.500000000e+00, v33;
	v33 =	vld [tilespmem:$0x2BA0]  }
0x364: {  	v59 =	vld [tilespmem:$0x1230];
	v28 =	vmul.f32 v48, v53;
	v20 =	vmul.f32 v20, v22;
	v31 =	vsub.f32 $1.500000000e+00, v31  }
0x365: {  	v23 =	vmul.f32 v26, v52;
	v22 =	vmul.f32 v63, v47;
	v27 =	vsub.f32 $1.500000000e+00, v49  }
0x366: {  	v56 =	vmul.f32 v28, v40;
	v20 =	vnsel vm7, $0x0, v20;
	v24 =	vmul.f32 v31, v24;
	v31 =	vld [tilespmem:$0x2BB0]  }
0x367: {  	v35 =	vmul.f32 v22, v35;
	v21 =	vmul.f32 v27, v21;
	v27 =	vsub.s32 $0x5F3759DF, v57  }
0x368: {  	v60 =	vmul.f32 v27, v58;
	v61 =	vshra.s32 v33, $0x1;
	v41 =	vmul.f32 $5.000000000e-01, v33  }
0x369: {  	v63 =	vmul.f32 v20, v59;
	v35 =	vmul.f32 v35, v22;
	v40 =	vsub.s32 $0x5F3759DF, v61  }
0x36a: {  	vm9 =	vgt.f32 v29, $0.0e+00;
	v44 =	vld [tilespmem:$0x1240];
	v39 =	vmul.f32 v27, v60;
	v45 =	vmul.f32 v40, v41  }
0x36b: {  	v54 =	vsub.f32 $1.500000000e+00, v35;
	v42 =	vshra.s32 v31, $0x1;
	v43 =	vmul.f32 $5.000000000e-01, v31  }
0x36c: {  	v35 =	vmul.f32 v56, v28;
	v39 =	vsub.f32 $1.500000000e+00, v39;
	v42 =	vsub.s32 $0x5F3759DF, v42  }
0x36d: {  	[tilespmem:$0x2B20] =	vst v19;
	v19 =	vld [tilespmem:$0x1250];
	v21 =	vnsel vm8, $0x0, v21;
	v45 =	vmul.f32 v40, v45;
	v62 =	vmul.f32 v42, v43  }
0x36e: {  	[tilespmem:$0x1220] =	vst v25;
	v22 =	vmul.f32 v54, v22;
	v35 =	vsub.f32 $1.500000000e+00, v35;
	v27 =	vmul.f32 v27, v39  }
0x36f: {  	[tilespmem:$0x2B30] =	vst v20;
	v38 =	vsub.f32 $1.500000000e+00, v45;
	v39 =	vmul.f32 v21, v44;
	v26 =	vmul.f32 v42, v62  }
0x370: {  	vm10 =	vgt.f32 v30, $0.0e+00;
	v47 =	vld [tilespmem:$0x1280];
	[tilespmem:$0x1230] =	vst v63;
	v20 =	vmul.f32 v35, v28;
	v45 =	vmul.f32 v27, v58  }
0x371: {  	[tilespmem:$0x2B40] =	vst v21;
	v44 =	vld [tilespmem:$0x1270];
	v24 =	vnsel vm9, $0x0, v24;
	v40 =	vmul.f32 v40, v38;
	v26 =	vsub.f32 $1.500000000e+00, v26  }
0x372: {  	vm11 =	vgt.f32 v32, $0.0e+00;
	[tilespmem:$0x1240] =	vst v39;
	v19 =	vmul.f32 v24, v19;
	v48 =	vmul.f32 v45, v27  }
0x373: {  	vm12 =	vgt.f32 v36, $0.0e+00;
	v35 =	vld [tilespmem:$0x1260];
	[tilespmem:$0x2B50] =	vst v24;
	v49 =	vmul.f32 v40, v41;
	v46 =	vmul.f32 v42, v26  }
0x374: {  	v22 =	vnsel vm10, $0x0, v22;
	v20 =	vnsel vm12, $0x0, v20;
	[tilespmem:$0x1250] =	vst v19;
	v19 =	vnsel vm11, $0x0, v23  }
0x375: {  	v52 =	vld [tilespmem:$0x1290];
	[tilespmem:$0x2B60] =	vst v22;
	v51 =	vsub.f32 $1.500000000e+00, v48;
	v53 =	vmul.f32 v49, v40;
	v54 =	vmul.f32 v46, v43  }
0x376: {  	v59 =	vmul.f32 v20, v47;
	[tilespmem:$0x2B80] =	vst v20;
	v55 =	vmul.f32 v19, v44  }
0x377: {  	v57 =	vld [tilespmem:$0x12A0];
	[tilespmem:$0x2B70] =	vst v19;
	v19 =	vmul.f32 v51, v27;
	v56 =	vsub.f32 $1.500000000e+00, v53;
	v58 =	vmul.f32 v54, v46  }
0x378: {  	vm13 =	vgt.f32 v34, $0.0e+00;
	v50 =	vmul.f32 v22, v35;
	[tilespmem:$0x1280] =	vst v59  }
0x379: {  	v61 =	vld [tilespmem:$0x12B0];
	[tilespmem:$0x1270] =	vst v55;
	v19 =	vnsel vm13, $0x0, v19;
	v20 =	vmul.f32 v56, v40;
	v60 =	vsub.f32 $1.500000000e+00, v58  }
0x37a: {  	vm14 =	vgt.f32 v33, $0.0e+00;
	[tilespmem:$0x1260] =	vst v50;
	v62 =	vmul.f32 v19, v52  }
0x37b: {  	[tilespmem:$0x2B90] =	vst v19;
	v20 =	vnsel vm14, $0x0, v20;
	v19 =	vmul.f32 v60, v46  }
0x37c: {  	vm15 =	vgt.f32 v31, $0.0e+00;
	[tilespmem:$0x1290] =	vst v62;
	v63 =	vmul.f32 v20, v57  }
0x37d: {  	[tilespmem:$0x2BA0] =	vst v20;
	v19 =	vnsel vm15, $0x0, v19  }
0x37e: {  	[tilespmem:$0x12A0] =	vst v63;
	v20 =	vmul.f32 v19, v61  }
0x37f: {  	[tilespmem:$0x2BB0] =	vst v19  }
0x380: {  	s14 =	sadd.s32 s6, s31;
	[tilespmem:$0x12B0] =	vst v20  }
0x381: {  	[hbm4b:s14+s5] =	stream.linear.scatter [tilespmem:s21], [sflag:$0x3], $0xFA0, $0x200038;
	[tilespmem:$0x1B260] =	vst v63  }
0x382: {  	s30 =	sadd.s32 $0x1, s30;
	_ =	swait.ge [sflag:s22], $0xFA0  }
0x383: {  	p1 =	sne.s32 s30, $0x19;
	[sflag:s22] =	ssyncset.done $0x0  }
.Ltmp14:
0x384: {  	s31 =	sadd.s32 s7, s31;
	[sflag:s22] =	ssyncadd.s32 $0xFFFFF060;
	(pc) =	sbr.rel @p1 .LBB2_12-.Ltmp14, $4  }
0x385: {  	[hbm4b:s31+s5] =	stream.linear.scatter [tilespmem:s24], [sflag:$0x3], $0xFA0, $0x200038;
	[tilespmem:$0x1B260] =	vst v63  }
0x386: {  	_ =	swait.ge [sflag:s22], $0xFA0  }
0x387: {  	[sflag:s22] =	ssyncset.done $0x0  }
0x388: {  	[sflag:s22] =	ssyncadd.s32 $0xFFFFF060  }
.Ltmp15:
0x389: {  	(pc) =	sbr.rel .LBB2_24-.Ltmp15, $2  }
0x38a: {  	_ =	sdelay $0x2  }
0x38b: {  	_ =	strace $0x90000049  }
.LBB2_25:
0x38c: {  	_ =	sfence.sel $0x180000  }
0x38d: {  	[bflag:$0x0] =	sbarrier.arrive $0xFFFF  }
0x38e: {  	_ =	strace $0x90000047  }
0x38f: {  	s0 =	stileid.u32;
	[bflag:$0x2] =	sbarrier.arrive $0xFFFF  }
0x390: {  	p0 =	sne.s32 s0, $0x0;
	s0 =	rddreg [dreg:$0x6]  }
0x391: {  	s0 =	sadd.s32 @!p0 $0x100000, s0  }
0x392: {  	[sflag:s0] =	ssyncadd.tile.s32 @!p0 $0x1;
	_ =	shalt  }
.Lfunc_end2:
_tile_overlayer_lowered:
.L_overlay_start_2:
0x393: {  	(tag) =	ssettag $0x2  }
0x394: {  	s0 =	rddreg [dreg:$0x0];
	s2 =	stileid.u32  }
0x395: {  	s1 =	rddreg [dreg:$0x1];
	p0 =	sne.s32 s2, $0x0  }
0x396: {  	s3 =	rddreg [dreg:$0x2];
	[bflag:$0x3] =	sbarrier.arrive $0xFFFF;
	s2 =	simm.s32 @!p0 $0x1C03  }
0x397: {  	[timem:s3], [sflag:s2] =	dma.local @!p0 [hbm:s0], s1  }
0x398: {  	s0 =	simm.s32 @!p0 $0x3  }
0x399: {  	_ =	swait.ge @!p0 [sflag:s0], s1  }
0x39a: {  	s1 =	ssub.s32 @!p0 $0x0, s1;
	[sflag:s0] =	ssyncset.done @!p0 $0x0  }
0x39b: {  	[sflag:s0] =	ssyncadd.s32 @!p0 s1  }
0x39c: {  	[bflag:$0x3] =	sbarrier.arrive $0xFFFF  }
0x39d: {  	_ =	shalt  }

// kernel: kernel.7.cloned.1.call-start
scs
__scs_entry_jumppad:
0x0: {  	(pc) =	sbr.rel $0x88, $3  }
0x1: {  	(tag) =	ssettag $0x0;
	lr =	simm.s32 $0x1  }
0x2: {  	[smem:$0x3F9D] =	sst lr;
	_ =	strace $0xD0000000  }
0x3: {  	_ = 	snop  }
0x4: {  	_ = 	snop  }
0x5: {  	_ = 	snop  }
0x6: {  	_ = 	snop  }
0x7: {  	_ = 	snop  }
__scs_overlays_trampoline_lowered:
0x8: {  	[smem:$0x3FAC] =	sst s0  }
0x9: {  	[smem:$0x3FAD] =	sst s1  }
0xa: {  	[smem:$0x3FAE] =	sst s2  }
0xb: {  	[smem:$0x3FAF] =	sst s3  }
0xc: {  	[smem:$0x3FB0] =	sst s4  }
0xd: {  	[smem:$0x3FB1] =	sst s5  }
0xe: {  	[smem:$0x3FB2] =	sst s6  }
0xf: {  	[smem:$0x3FB3] =	sst s7  }
0x10: {  	[smem:$0x3FB4] =	sst s8  }
0x11: {  	[smem:$0x3FB5] =	sst s9;
	s0 =	simm.s32 @!p0 $0x0  }
0x12: {  	s1 =	sld [smem:$0x3F9B];
	s0 =	simm.s32 @p0 $0x1  }
0x13: {  	[smem:$0x3FB6] =	sst s0;
	s0 =	simm.s32 @!p1 $0x0  }
0x14: {  	s2 =	sld [smem:$0x3F9A];
	s0 =	simm.s32 @p1 $0x1  }
0x15: {  	[smem:$0x3FB7] =	sst s0;
	s0 =	simm.s32 @!p2 $0x0  }
0x16: {  	s3 =	sld [smem:$0x3FDB];
	s0 =	simm.s32 @p2 $0x1  }
0x17: {  	s4 =	simm.s32 $0x1BF5;
	[smem:$0x3FB9] =	sst s0  }
0x18: {  	s0 =	sld [smem:$0x3F9C];
	_ =	swait.ge [sflag:s4], $0x0  }
0x19: {  	s7 =	sld [smem:$0x3F9D]  }
0x1a: {  	s8 =	sadd.s32 $0xFFFFE003, lr  }
0x1b: {  	s9 =	sadd.s32 $0xFFFFFEF7, lr;
	s5 =	simm.s32 $0xFFFFFFFF;
	p2 =	slt.u32 s8, $0xFFFFF086  }
0x1c: {  	p1 =	slt.u32 s9, $0xF7A;
	s5 =	simm.s32 @!p2 $0x0  }
0x1d: {  	s5 =	simm.s32 @p1 $0x1;
	p0 =	seq.s32 s7, s2  }
0x1e: {  	s7 =	smul.u32 @!p0 $0xF7A, s2;
	p2 =	seq.s32 @!p0 s5, $0x0  }
0x1f: {  	s9 =	smul.u32 $0xF7A, s1;
	s8 =	simm.s32 @!p0 $0x1BF5;
	p2 =	por !p2, p0  }
0x20: {  	[sflag:s8] =	ssyncset.s32 @!p0 $0xFFFFF086;
	s6 =	sadd.s32 @!p0 s3, s7;
	s7 =	simm.s32 @!p0 $0x108  }
0x21: {  	s3 =	sadd.s32 s3, s9;
	s6 =	sadd.s32 @!p0 $0x88, s6;
	s7 =	simm.s32 @p2 $0x1082  }
0x22: {  	[simem:s7], [sflag:s8] =	dma.local @!p0 [hbm:s6], $0xF7A  }
0x23: {  	s9 =	sor.u32 $0xD0000000, s2;
	s6 =	simm.s32 $0x108;
	_ =	swait.ge @!p0 [sflag:s8], $0x0  }
0x24: {  	s3 =	sadd.s32 $0x88, s3;
	s6 =	simm.s32 @!p1 $0x1082;
	[sflag:s4] =	ssyncset.s32 $0xFFFFF086  }
0x25: {  	[simem:s6], [sflag:s4] =	dma.local [hbm:s3], $0xF7A  }
0x26: {  	[smem:$0x3F9D] =	sst s1;
	(tag) =	ssettag s2;
	_ =	strace s9  }
0x27: {  	s1 =	sld [smem:$0x3FAD]  }
0x28: {  	s2 =	sld [smem:$0x3FAE]  }
0x29: {  	s4 =	sld [smem:$0x3FB0]  }
0x2a: {  	p0 =	seq.s32 s5, $0x0;
	s5 =	sld [smem:$0x3FB1]  }
0x2b: {  	s6 =	sld [smem:$0x3FB2]  }
0x2c: {  	s7 =	sld [smem:$0x3FB3]  }
0x2d: {  	s3 =	simm.s32 $0x108;
	s8 =	sld [smem:$0x3FB4]  }
0x2e: {  	s3 =	simm.s32 @!p0 $0x1082;
	s9 =	sld [smem:$0x3FB5]  }
0x2f: {  	lr =	sadd.s32 s0, s3;
	s0 =	sld [smem:$0x3FAC]  }
0x30: {  	s3 =	sld [smem:$0x3FAF]  }
0x31: {  	[smem:$0x3FB8] =	sst s10  }
0x32: {  	s10 =	sld [smem:$0x3FB6];
	_ =	sdelay $0x3  }
0x33: {  	p0 =	seq.s32 s10, $0x1;
	s10 =	sld [smem:$0x3FB8];
	_ =	sdelay $0x3  }
0x34: {  	[smem:$0x3FB8] =	sst s10  }
0x35: {  	s10 =	sld [smem:$0x3FB7];
	_ =	sdelay $0x3  }
0x36: {  	p1 =	seq.s32 s10, $0x1;
	s10 =	sld [smem:$0x3FB8];
	_ =	sdelay $0x3  }
0x37: {  	[smem:$0x3FB8] =	sst s10  }
0x38: {  	s10 =	sld [smem:$0x3FB9]  }
0x39: {  	_ = 	snop;
	(pc) =	sbr.ind lr, $3  }
0x3a: {  	_ = 	snop  }
0x3b: {  	_ = 	snop  }
0x3c: {  	p2 =	seq.s32 s10, $0x1;
	s10 =	sld [smem:$0x3FB8]  }
0x3d: {  	_ =	shalt  }
0x3e: {  	_ =	shalt  }
0x3f: {  	_ =	shalt  }
0x40: {  	_ =	shalt  }
0x41: {  	_ =	shalt  }
0x42: {  	_ =	shalt  }
0x43: {  	_ =	shalt  }
0x44: {  	_ =	shalt  }
0x45: {  	_ =	shalt  }
0x46: {  	_ =	shalt  }
0x47: {  	_ =	shalt  }
0x48: {  	_ =	shalt  }
0x49: {  	_ =	shalt  }
0x4a: {  	_ =	shalt  }
0x4b: {  	_ =	shalt  }
0x4c: {  	_ =	shalt  }
0x4d: {  	_ =	shalt  }
0x4e: {  	_ =	shalt  }
0x4f: {  	_ =	shalt  }
0x50: {  	_ =	shalt  }
0x51: {  	_ =	shalt  }
0x52: {  	_ =	shalt  }
0x53: {  	_ =	shalt  }
0x54: {  	_ =	shalt  }
0x55: {  	_ =	shalt  }
0x56: {  	_ =	shalt  }
0x57: {  	_ =	shalt  }
0x58: {  	_ =	shalt  }
0x59: {  	_ =	shalt  }
0x5a: {  	_ =	shalt  }
0x5b: {  	_ =	shalt  }
0x5c: {  	_ =	shalt  }
0x5d: {  	_ =	shalt  }
0x5e: {  	_ =	shalt  }
0x5f: {  	_ =	shalt  }
0x60: {  	_ =	shalt  }
0x61: {  	_ =	shalt  }
0x62: {  	_ =	shalt  }
0x63: {  	_ =	shalt  }
0x64: {  	_ =	shalt  }
0x65: {  	_ =	shalt  }
0x66: {  	_ =	shalt  }
0x67: {  	_ =	shalt  }
0x68: {  	_ =	shalt  }
0x69: {  	_ =	shalt  }
0x6a: {  	_ =	shalt  }
0x6b: {  	_ =	shalt  }
0x6c: {  	_ =	shalt  }
0x6d: {  	_ =	shalt  }
0x6e: {  	_ =	shalt  }
0x6f: {  	_ =	shalt  }
0x70: {  	_ =	shalt  }
0x71: {  	_ =	shalt  }
0x72: {  	_ =	shalt  }
0x73: {  	_ =	shalt  }
0x74: {  	_ =	shalt  }
0x75: {  	_ =	shalt  }
0x76: {  	_ =	shalt  }
0x77: {  	_ =	shalt  }
0x78: {  	_ =	shalt  }
0x79: {  	_ =	shalt  }
0x7a: {  	_ =	shalt  }
0x7b: {  	_ =	shalt  }
0x7c: {  	_ =	shalt  }
0x7d: {  	_ =	shalt  }
0x7e: {  	_ =	shalt  }
0x7f: {  	_ =	shalt  }
0x80: {  	_ =	shalt  }
0x81: {  	_ =	shalt  }
0x82: {  	_ =	shalt  }
0x83: {  	_ =	shalt  }
0x84: {  	_ =	shalt  }
0x85: {  	_ =	shalt  }
0x86: {  	_ =	shalt  }
0x87: {  	_ =	shalt  }
.Lfunc_end0:
.L_simem_size_0:
called_computation.1_lowered:
.L_overlay_start_0:
0x88: {  	s2 =	sld [smem:$0x3FD9]  }
0x89: {  	s3 =	sld [smem:$0x3FFE];
	_ =	sdelay $0x1  }
0x8a: {  	s1 =	srdreg.scid  }
0x8b: {  	s0 =	sand.u32 $0x1, s1  }
0x8c: {  	s14 =	sshll.u32 s0, $0xA;
	s2 =	sadd.s32 s3, s2  }
0x8d: {  	s2 =	sadd.s32 s2, s14  }
0x8e: {  	[smem:$0x3FC4] =	sst s2  }
0x8f: {  	_ = 	snop  }
0x90: {  	s2 =	sld [smem:$0x3FD0];
	_ =	sdelay $0x1  }
0x91: {  	s15 =	sld [smem:$0x3FC9]  }
0x92: {  	s5 =	simm.s32 $0xA;
	s6 =	simm.s32 $0x10;
	s4 =	sld [smem:$0x3FC8]  }
0x93: {  	[smem:s6], [sflag:s5] =	dma.local [hbm:s2], $0x1  }
0x94: {  	_ =	swait.eq [sflag:s5], $0x1  }
0x95: {  	[sflag:s5] =	ssyncset.done $0x0  }
0x96: {  	s16 =	sld [smem:$0x10];
	[sflag:s5] =	ssyncadd.s32 $0xFFFFFFFF  }
0x97: {  	s17 =	sld [smem:$0x11];
	(tm) =	ssettm $0x1  }
0x98: {  	s18 =	sld [smem:$0x3FFB];
	_ =	sdelay $0x3  }
0x99: {  	_ =	strace s18  }
0x9a: {  	s6 =	sld [smem:$0x3FFC];
	_ =	sdelay $0x3  }
0x9b: {  	_ =	strace s6  }
0x9c: {  	s6 =	sld [smem:$0x3FFD];
	_ =	sdelay $0x3  }
0x9d: {  	_ =	strace s6  }
0x9e: {  	_ =	strace $0x8FFFFFFF  }
0x9f: {  	s19 =	sld [smem:$0x3FDB];
	_ =	sdelay $0x1  }
0xa0: {  	s7 =	simm.s32 $_scs_section_size  }
0xa1: {  	s8 =	simm.s32 $_size__tile_overlayer_lowered;
	s9 =	simm.s32 $_tile_overlayer_lowered  }
0xa2: {  	s22 =	simm.s32 $0x1BFF;
	s21 =	sshll.u32 s9, $0x1;
	s6 =	sadd.s32 s7, s19  }
0xa3: {  	s10 =	simm.s32 $0x0;
	s20 =	sshll.u32 s8, $0x1;
	s8 =	sadd.s32 s21, s6  }
0xa4: {  	[timem:s10], [sflag:s22] =	dma.local [hbm:s8], s20  }
0xa5: {  	_ =	swait.ge [sflag:s22], s20  }
0xa6: {  	s7 =	ssub.s32 $0x0, s20;
	[sflag:s22] =	ssyncset.done $0x0  }
0xa7: {  	[sflag:s22] =	ssyncadd.s32 s7;
	_ =	sdelay $0x1  }
0xa8: {  	s23 =	simm.s32 $0x1B8B  }
0xa9: {  	_ =	swait.ge [sflag:s23], $0x1  }
0xaa: {  	[sflag:s23] =	ssyncset.done $0x0  }
0xab: {  	s25 =	simm.s32 $0x1B8E;
	s24 =	sld [smem:$0x3FFE];
	[sflag:s23] =	ssyncadd.s32 $0xFFFFFFFF  }
0xac: {  	s26 =	simm.s32 $execute0_lowered;
	[smem:$0x3FD2] =	sst s25  }
0xad: {  	s8 =	sshll.u32 s26, $0x1;
	_ =	strace $0x8000004D;
	[dreg:$0x1] =	wrdreg $0xFFFFFFFF  }
0xae: {  	s28 =	simm.s32 $_size_execute0_lowered;
	s6 =	sadd.s32 s6, s8;
	[dreg:$0x0] =	wrdreg $0x0  }
0xaf: {  	s8 =	sshll.u32 s28, $0x1;
	[dreg:$0x2] =	wrdreg s6  }
0xb0: {  	[dreg:$0x3] =	wrdreg s8  }
0xb1: {  	[dreg:$0x4] =	wrdreg $0xC0  }
0xb2: {  	_ =	task [dreg:s10], $0x5FFFF  }
0xb3: {  	[dreg:$0x1] =	wrdreg $0xFFFFFFFF  }
0xb4: {  	[dreg:$0x0] =	wrdreg $0x60  }
0xb5: {  	[dreg:$0x2] =	wrdreg s15  }
0xb6: {  	[dreg:$0x3] =	wrdreg s4  }
0xb7: {  	[dreg:$0x4] =	wrdreg s24  }
0xb8: {  	[dreg:$0x5] =	wrdreg s16  }
0xb9: {  	[dreg:$0x6] =	wrdreg s17  }
0xba: {  	[dreg:$0x7] =	wrdreg $0x60E00  }
0xbb: {  	[dreg:$0x8] =	wrdreg $0x9  }
0xbc: {  	_ =	task.clear_ibuf [dreg:s10], $0x9FFFF;
	_ =	strace $0x9000004D  }
0xbd: {  	s29 =	simm.s32 $0x9;
	_ =	strace $0x80000053  }
0xbe: {  	_ =	swait.ge [sflag:s29], $0x1  }
0xbf: {  	[sflag:s29] =	ssyncadd.s32 $0xFFFFFFFF  }
0xc0: {  	_ =	strace $0x90000053  }
0xc1: {  	_ =	sfence  }
0xc2: {  	s30 =	sld [smem:$0x0];
	_ =	sdelay $0x2  }
0xc3: {  	s31 =	sshll.u32 s1, $0xD;
	s1 =	sshrl.u32 s1, $0x2  }
0xc4: {  	s3 =	sand.u32 $0x4000, s31;
	s1 =	sadd.s32 s1, s30  }
0xc5: {  	s0 =	sor.u32 s3, s0;
	s1 =	sshll.u32 s1, $0x11  }
0xc6: {  	s0 =	sor.u32 s1, s0  }
0xc7: {  	s0 =	sadd.s32 $0x8F2B, s0  }
0xc8: {  	[sflag:s0] =	ssyncadd.remote.s32 $0x1  }
0xc9: {  	_ =	sfence.sel $0xFFFF  }
0xca: {  	[dreg:$0x0] =	wrdreg $0xFFFFFFFF;
	(pc) =	sbr.abs _section_cstart, $3  }
0xcb: {  	[dreg:$0x1] =	wrdreg $0xFFFFFFFF  }
0xcc: {  	_ =	task.clear_ibuf [dreg:s10], $0x2FFFF;
	_ =	strace $0x9FFFFFFF  }
0xcd: {  	(tm) =	ssettm $0x7FFFFFFF  }
tec
execute0_lowered:
.L_overlay_start_1:
0x0: {  	(tag) =	ssettag $0x1  }
0x1: {  	s0 =	rddreg [dreg:$0x0]  }
0x2: {  	s1 =	rddreg [dreg:$0x1]  }
0x3: {  	s2 =	rddreg [dreg:$0x2]  }
0x4: {  	s3 =	rddreg [dreg:$0x5];
	s4 =	simm.s32 $0x0  }
0x5: {  	s5 =	srdreg.scid;
	s10 =	stileid.u32;
	s19 =	simm.s32 $0x5140  }
0x6: {  	s15 =	simm.s32 $0xFA0;
	s28 =	simm.s32 $0x3840;
	s29 =	simm.s32 $0x3  }
0x7: {  	s30 =	simm.s32 $0x5;
	s14 =	simm.s32 $0x2;
	s13 =	simm.s32 $0x1900  }
0x8: {  	s16 =	simm.s32 $0x1A90;
	[smem:$0x7FF] =	sst s4;
	s9 =	smul.u32 $0x186A0, s10  }
0x9: {  	s6 =	sadd.s32 $0x93E00, s2;
	s5 =	sand.u32 $0x1, s5;
	s21 =	smul.u32 $0x186A, s10  }
0xa: {  	s7 =	sadd.s32 $0x32200, s2;
	s11 =	sadd.s32 $0x63000, s2;
	s24 =	smul.u32 $0x61A80, s10  }
0xb: {  	s2 =	sadd.s32 $0x1400, s2;
	s25 =	smul.u32 $0x30D4, s10;
	s10 =	simm.s32 $0xC80  }
0xc: {  	_ =	strace $0x8000004E;
	s8 =	ssub.s32 $0x2, s5;
	[dreg:$0x7] =	wrdreg s11  }
0xd: {  	[dreg:$0x8] =	wrdreg s2;
	p0 =	seq.s32 s5, $0x1;
	s11 =	simm.s32 $0x0  }
0xe: {  	s20 =	sshrl.u32 s8, $0x1;
	[dreg:$0x9] =	wrdreg s21;
	s22 =	sshrl.u32 s9, $0x3  }
0xf: {  	s5 =	sshrl.u32 s24, $0x2;
	s17 =	sadd.s32 s25, s1;
	s18 =	sadd.s32 s25, s0  }
0x10: {  	s24 =	simm.s32 $0x190;
	s25 =	simm.s32 $0x1F40;
	s21 =	simm.s32 $0x320  }
0x11: {  	s2 =	ssub.s32 s8, s20;
	s23 =	sadd.s32 s0, s22;
	s9 =	sadd.s32 s1, s22  }
0x12: {  	s8 =	sadd.s32 $0xFA, s22;
	s31 =	sadd.s32 s5, s3;
	[dreg:$0xa] =	wrdreg s23  }
0x13: {  	s20 =	simm.s32 $0x7;
	s5 =	simm.s32 $0x6;
	[dreg:$0xb] =	wrdreg s9  }
.Ltmp0:
0x14: {  	s26 =	sadd.s32 s0, s8;
	[dreg:$0xf] =	wrdreg s31;
	(pc) =	sbr.rel .LBB2_1-.Ltmp0, $4  }
0x15: {  	s22 =	simm.s32 $0xE10;
	s8 =	sadd.s32 s1, s8;
	[dreg:$0xc] =	wrdreg s26  }
0x16: {  	s2 =	smax.u32 s2, $0x1;
	s9 =	simm.s32 $0xAF0;
	[dreg:$0xd] =	wrdreg s8  }
0x17: {  	s0 =	simm.s32 $0x4;
	s23 =	simm.s32 $0x4B0;
	[dreg:$0xe] =	wrdreg s2  }
0x18: {  	v0 =	vimm.f32 $0.0e+00;
	s2 =	simm.s32 $0x1770;
	s8 =	simm.s32 $0x960;
	s26 =	simm.s32 $0x640  }
.LBB2_20:
0x19: {  	s11 =	sadd.s32 $0x1, s11;
	s1 =	rddreg [dreg:$0xe]  }
0x1a: {  	p1 =	sne.s32 s11, s1  }
.Ltmp1:
0x1b: {  	_ = 	snop;
	(pc) =	sbr.rel @!p1 .LBB2_21-.Ltmp1, $4  }
0x1c: {  	_ = 	snop  }
0x1d: {  	s15 =	simm.s32 $0xFA0;
	s2 =	simm.s32 $0x1770;
	s8 =	simm.s32 $0x960  }
0x1e: {  	s9 =	simm.s32 $0xAF0;
	s10 =	simm.s32 $0xC80;
	s21 =	simm.s32 $0x320  }
0x1f: {  	s13 =	simm.s32 $0x1900;
	s16 =	simm.s32 $0x1A90;
	s31 =	rddreg [dreg:$0xf]  }
.LBB2_1:
0x20: {  	[dreg:$0x10] =	wrdreg s11;
	s11 =	simm.s32 $0x5180  }
0x21: {  	[tilespmem:s11+$0xFFFFFFC0] =	vst v0  }
0x22: {  	[tilespmem:s11+$0x30] =	vst v0  }
0x23: {  	[tilespmem:s11+$0x20] =	vst v0  }
0x24: {  	[tilespmem:s11+$0x10] =	vst v0  }
0x25: {  	[tilespmem:s11+$0x0] =	vst v0  }
0x26: {  	[tilespmem:s11+$0xFFFFFFF0] =	vst v0  }
0x27: {  	s12 =	simm.s32 $0x0;
	[tilespmem:s11+$0xFFFFFFE0] =	vst v0  }
.LBB2_2:
0x28: {  	s12 =	sadd.s32 $0x8, s12;
	[tilespmem:s11+$0xFFFFFFD0] =	vst v0;
	s11 =	sadd.s32 $0x80, s11  }
0x29: {  	[tilespmem:s11+$0xFFFFFFC0] =	vst v0;
	p1 =	slt.u32 s12, $0xF0  }
0x2a: {  	[tilespmem:s11+$0x30] =	vst v0  }
.Ltmp2:
0x2b: {  	[tilespmem:s11+$0x20] =	vst v0;
	(pc) =	sbr.rel @p1 .LBB2_2-.Ltmp2, $4  }
0x2c: {  	[tilespmem:s11+$0x10] =	vst v0  }
0x2d: {  	[tilespmem:s11+$0x0] =	vst v0  }
0x2e: {  	[tilespmem:s11+$0xFFFFFFF0] =	vst v0  }
0x2f: {  	[tilespmem:s11+$0xFFFFFFE0] =	vst v0  }
0x30: {  	[tilespmem:s11+$0xFFFFFFD0] =	vst v0  }
0x31: {  	[tilespmem:$0x60C0] =	vst v0  }
0x32: {  	s12 =	sadd.s32 $0x0, s31;
	[tilespmem:$0x60D0] =	vst v0  }
0x33: {  	[spmem:s12] =	stream.linear.scatter [tilespmem:s19], [sflag:$0x7], $0xFA0, $0x38;
	[tilespmem:$0x1E780] =	vst v63  }
0x34: {  	s11 =	simm.s32 $0x3E80;
	_ =	swait.ge [sflag:s20], $0xFA0  }
.LBB2_4:
0x35: {  	s12 =	sshra.s32 s11, $0x2;
	[sflag:s20] =	ssyncset.done $0x0;
	p1 =	sne.s32 s11, $0x5DC00  }
.Ltmp3:
0x36: {  	s12 =	sadd.s32 s12, s31;
	[sflag:s20] =	ssyncadd.s32 $0xFFFFF060;
	(pc) =	sbr.rel @p1 .LBB2_4-.Ltmp3, $3  }
0x37: {  	[spmem:s12] =	stream.linear.scatter [tilespmem:s19], [sflag:$0x7], $0xFA0, $0x38;
	[tilespmem:$0x1E780] =	vst v63  }
0x38: {  	s11 =	sadd.s32 $0x3E80, s11;
	_ =	sdelay $0x1  }
0x39: {  	_ =	swait.ge [sflag:s20], $0xFA0  }
.Ltmp4:
0x3a: {  	(pc) =	sbr.rel @!p0 .LBB2_6-.Ltmp4, $3  }
0x3b: {  	[sflag:s20] =	ssyncset.done $0x0  }
0x3c: {  	[sflag:s20] =	ssyncadd.s32 $0xFFFFF060  }
0x3d: {  	[bflag:$0x0] =	sbarrier.arrive $0xFFFF;
	_ =	sdelay $0x1  }
0x3e: {  	_ =	strace $0x80000051  }
0x3f: {  	s1 =	simm.s32 $0x0;
	s11 =	rddreg [dreg:$0xb]  }
0x40: {  	[tilespmem:s1], [sflag:$0x7] =	stream.linear.gather [hbm4b:s11+s1], $0x7D0, $0x200038;
	[tilespmem:$0x1E780] =	vst v63  }
0x41: {  	_ =	swait.ge [sflag:s20], $0x7D0  }
0x42: {  	[sflag:s20] =	ssyncset.done $0x0  }
0x43: {  	s12 =	simm.s32 $0x7D0;
	s19 =	rddreg [dreg:$0xa];
	[sflag:s20] =	ssyncadd.s32 $0xFFFFF830  }
0x44: {  	[tilespmem:s12], [sflag:$0x7] =	stream.linear.gather [hbm4b:s19+s1], $0x7D0, $0x200038;
	[tilespmem:$0x1E780] =	vst v63  }
0x45: {  	_ =	swait.ge [sflag:s20], $0x7D0  }
0x46: {  	[sflag:s20] =	ssyncset.done $0x0  }
0x47: {  	s19 =	rddreg [dreg:$0xd];
	[sflag:s20] =	ssyncadd.s32 $0xFFFFF830  }
0x48: {  	[tilespmem:s15], [sflag:$0x2] =	stream.linear.gather [hbm4b:s19+s1], $0x7D0, $0x200038;
	[tilespmem:$0x1E780] =	vst v63  }
0x49: {  	p1 =	por $0x1, $0x1;
	s19 =	rddreg [dreg:$0xc]  }
0x4a: {  	[tilespmem:s2], [sflag:$0x2] =	stream.linear.gather [hbm4b:s19+s1], $0x7D0, $0x200038;
	[tilespmem:$0x1E780] =	vst v63  }
0x4b: {  	s1 =	simm.s32 @!p1 $0x6  }
0x4c: {  	[tilespmem:s25], [sflag:$0x3] =	stream.indirect.gather [hbm4b:s6+s24], $0x10, s12, s24, $0x2000b8;
	[tilespmem:$0x1E780] =	vst v63  }
0x4d: {  	_ =	swait.ge @!p1 [sflag:s1], $0x1900  }
0x4e: {  	s11 =	sadd.s32 @!p1 $0x0, s17;
	s12 =	simm.s32 @!p1 $0xFA0;
	[sflag:s1] =	ssyncset.done @!p1 $0x0  }
0x4f: {  	[sflag:s1] =	ssyncadd.s32 @!p1 $0xFFFFE700;
	s1 =	sadd.s32 @!p1 $0xFA, s11;
	s11 =	simm.s32 @!p1 $0x0  }
0x50: {  	[tilespmem:s12], [sflag:$0x2] =	stream.linear.gather @!p1 [hbm4b:s1+s11], $0x7D0, $0x200038;
	[tilespmem:$0x1E780] =	vst v63  }
0x51: {  	s1 =	sadd.s32 @!p1 $0x0, s18  }
0x52: {  	s12 =	simm.s32 @!p1 $0x1770;
	s1 =	sadd.s32 @!p1 $0xFA, s1  }
0x53: {  	[tilespmem:s12], [sflag:$0x2] =	stream.linear.gather @!p1 [hbm4b:s1+s11], $0x7D0, $0x200038;
	[tilespmem:$0x1E780] =	vst v63  }
0x54: {  	_ = 	snop  }
0x55: {  	[tilespmem:s28], [sflag:$0x4] =	stream.indirect.gather [hbm4b:s6+s24], $0x10, s8, s24, $0x2000b8;
	[tilespmem:$0x1E780] =	vst v63  }
0x56: {  	_ =	swait.ge [sflag:s29], $0x1900  }
0x57: {  	[sflag:s29] =	ssyncset.done $0x0  }
0x58: {  	[sflag:s29] =	ssyncadd.s32 $0xFFFFE700  }
0x59: {  	[spmem:s3] =	stream.indirect.scatter.add.f32 [tilespmem:s25], [sflag:$0x5], $0x10, s4, s24, $0x2000b8;
	[tilespmem:$0x1E780] =	vst v63  }
0x5a: {  	_ =	swait.ge [sflag:s30], $0x1900  }
0x5b: {  	[sflag:s30] =	ssyncset.done $0x0  }
0x5c: {  	[sflag:s30] =	ssyncadd.s32 $0xFFFFE700  }
0x5d: {  	[tilespmem:s25], [sflag:$0x3] =	stream.indirect.gather [hbm4b:s6+s24], $0x10, s9, s24, $0x2000b8;
	[tilespmem:$0x1E780] =	vst v63  }
0x5e: {  	_ =	swait.ge [sflag:s0], $0x1900  }
0x5f: {  	[sflag:s0] =	ssyncset.done $0x0  }
0x60: {  	[sflag:s0] =	ssyncadd.s32 $0xFFFFE700  }
0x61: {  	[spmem:s3] =	stream.indirect.scatter.add.f32 [tilespmem:s28], [sflag:$0x6], $0x10, s24, s24, $0x2000b8;
	[tilespmem:$0x1E780] =	vst v63  }
0x62: {  	_ =	swait.ge [sflag:s5], $0x1900  }
0x63: {  	[sflag:s5] =	ssyncset.done $0x0  }
0x64: {  	[sflag:s5] =	ssyncadd.s32 $0xFFFFE700  }
0x65: {  	[tilespmem:s28], [sflag:$0x4] =	stream.indirect.gather [hbm4b:s6+s24], $0x10, s10, s24, $0x2000b8;
	[tilespmem:$0x1E780] =	vst v63  }
0x66: {  	_ =	swait.ge [sflag:s29], $0x1900  }
0x67: {  	[sflag:s29] =	ssyncset.done $0x0  }
0x68: {  	[sflag:s29] =	ssyncadd.s32 $0xFFFFE700  }
0x69: {  	[spmem:s3] =	stream.indirect.scatter.add.f32 [tilespmem:s25], [sflag:$0x5], $0x10, s21, s24, $0x2000b8;
	[tilespmem:$0x1E780] =	vst v63  }
0x6a: {  	_ =	swait.ge [sflag:s30], $0x1900  }
0x6b: {  	[sflag:s30] =	ssyncset.done $0x0  }
0x6c: {  	[sflag:s30] =	ssyncadd.s32 $0xFFFFE700  }
0x6d: {  	[tilespmem:s25], [sflag:$0x3] =	stream.indirect.gather [hbm4b:s6+s24], $0x10, s22, s24, $0x2000b8;
	[tilespmem:$0x1E780] =	vst v63  }
0x6e: {  	_ =	swait.ge [sflag:s0], $0x1900  }
0x6f: {  	[sflag:s0] =	ssyncset.done $0x0  }
0x70: {  	[sflag:s0] =	ssyncadd.s32 $0xFFFFE700  }
0x71: {  	[spmem:s3] =	stream.indirect.scatter.add.f32 [tilespmem:s28], [sflag:$0x6], $0x10, s23, s24, $0x2000b8;
	[tilespmem:$0x1E780] =	vst v63  }
0x72: {  	_ =	swait.ge [sflag:s5], $0x1900  }
0x73: {  	[sflag:s5] =	ssyncset.done $0x0  }
0x74: {  	[sflag:s5] =	ssyncadd.s32 $0xFFFFE700  }
0x75: {  	_ =	swait.ge [sflag:s14], $0x7D0  }
0x76: {  	[sflag:s14] =	ssyncset.done $0x0  }
0x77: {  	[sflag:s14] =	ssyncadd.s32 $0xFFFFF830  }
0x78: {  	_ =	swait.ge [sflag:s14], $0x7D0  }
0x79: {  	[sflag:s14] =	ssyncset.done $0x0  }
0x7a: {  	[sflag:s14] =	ssyncadd.s32 $0xFFFFF830  }
0x7b: {  	[tilespmem:s28], [sflag:$0x4] =	stream.indirect.gather [hbm4b:s6+s24], $0x10, s2, s24, $0x2000b8;
	[tilespmem:$0x1E780] =	vst v63  }
0x7c: {  	_ =	swait.ge [sflag:s29], $0x1900  }
0x7d: {  	[sflag:s29] =	ssyncset.done $0x0  }
0x7e: {  	[sflag:s29] =	ssyncadd.s32 $0xFFFFE700  }
0x7f: {  	[spmem:s3] =	stream.indirect.scatter.add.f32 [tilespmem:s25], [sflag:$0x5], $0x10, s26, s24, $0x2000b8;
	[tilespmem:$0x1E780] =	vst v63  }
0x80: {  	p1 =	por $0x0, $0x0;
	_ =	swait.ge [sflag:s30], $0x1900  }
0x81: {  	s1 =	sadd.s32 @!p1 $0x0, s17;
	s11 =	sadd.s32 @!p1 $0x0, s18;
	[sflag:s30] =	ssyncset.done $0x0  }
0x82: {  	s12 =	simm.s32 @!p1 $0x0;
	s1 =	sadd.s32 @!p1 $0x1F4, s1;
	[sflag:s30] =	ssyncadd.s32 $0xFFFFE700  }
0x83: {  	[tilespmem:s12], [sflag:$0x1] =	stream.linear.gather @!p1 [hbm4b:s1+s12], $0x7D0, $0x200038;
	[tilespmem:$0x1E780] =	vst v63  }
0x84: {  	s1 =	sadd.s32 @!p1 $0x1F4, s11;
	s11 =	simm.s32 @!p1 $0x7D0  }
0x85: {  	[tilespmem:s11], [sflag:$0x1] =	stream.linear.gather @!p1 [hbm4b:s1+s12], $0x7D0, $0x200038;
	[tilespmem:$0x1E780] =	vst v63  }
0x86: {  	_ = 	snop  }
0x87: {  	[tilespmem:s25], [sflag:$0x3] =	stream.indirect.gather [hbm4b:s6+s24], $0x10, s13, s24, $0x2000b8;
	[tilespmem:$0x1E780] =	vst v63  }
0x88: {  	_ =	swait.ge [sflag:s0], $0x1900  }
0x89: {  	[sflag:s0] =	ssyncset.done $0x0  }
0x8a: {  	[sflag:s0] =	ssyncadd.s32 $0xFFFFE700  }
0x8b: {  	[spmem:s3] =	stream.indirect.scatter.add.f32 [tilespmem:s28], [sflag:$0x6], $0x10, s15, s24, $0x2000b8;
	[tilespmem:$0x1E780] =	vst v63  }
0x8c: {  	_ =	swait.ge [sflag:s5], $0x1900  }
0x8d: {  	[sflag:s5] =	ssyncset.done $0x0  }
0x8e: {  	[sflag:s5] =	ssyncadd.s32 $0xFFFFE700  }
0x8f: {  	[tilespmem:s28], [sflag:$0x4] =	stream.indirect.gather [hbm4b:s6+s24], $0x10, s16, s24, $0x2000b8;
	[tilespmem:$0x1E780] =	vst v63  }
0x90: {  	_ =	swait.ge [sflag:s29], $0x1900  }
0x91: {  	[sflag:s29] =	ssyncset.done $0x0  }
0x92: {  	s19 =	simm.s32 $0x1130;
	[sflag:s29] =	ssyncadd.s32 $0xFFFFE700  }
0x93: {  	[spmem:s3] =	stream.indirect.scatter.add.f32 [tilespmem:s25], [sflag:$0x5], $0x10, s19, s24, $0x2000b8;
	[tilespmem:$0x1E780] =	vst v63  }
0x94: {  	_ =	swait.ge [sflag:s30], $0x1900  }
0x95: {  	[sflag:s30] =	ssyncset.done $0x0  }
0x96: {  	s21 =	simm.s32 $0x1C20;
	[sflag:s30] =	ssyncadd.s32 $0xFFFFE700  }
0x97: {  	[tilespmem:s25], [sflag:$0x3] =	stream.indirect.gather [hbm4b:s6+s24], $0x10, s21, s24, $0x2000b8;
	[tilespmem:$0x1E780] =	vst v63  }
0x98: {  	_ =	swait.ge [sflag:s0], $0x1900  }
0x99: {  	[sflag:s0] =	ssyncset.done $0x0  }
0x9a: {  	s22 =	simm.s32 $0x12C0;
	[sflag:s0] =	ssyncadd.s32 $0xFFFFE700  }
0x9b: {  	[spmem:s3] =	stream.indirect.scatter.add.f32 [tilespmem:s28], [sflag:$0x6], $0x10, s22, s24, $0x2000b8;
	[tilespmem:$0x1E780] =	vst v63  }
0x9c: {  	_ =	swait.ge [sflag:s5], $0x1900  }
0x9d: {  	[sflag:s5] =	ssyncset.done $0x0  }
0x9e: {  	s23 =	simm.s32 $0x1DB0;
	[sflag:s5] =	ssyncadd.s32 $0xFFFFE700  }
0x9f: {  	[tilespmem:s28], [sflag:$0x4] =	stream.indirect.gather [hbm4b:s6+s24], $0x10, s23, s24, $0x2000b8;
	[tilespmem:$0x1E780] =	vst v63  }
0xa0: {  	_ =	swait.ge [sflag:s29], $0x1900  }
0xa1: {  	[sflag:s29] =	ssyncset.done $0x0  }
0xa2: {  	s26 =	simm.s32 $0x1450;
	[sflag:s29] =	ssyncadd.s32 $0xFFFFE700  }
0xa3: {  	[spmem:s3] =	stream.indirect.scatter.add.f32 [tilespmem:s25], [sflag:$0x5], $0x10, s26, s24, $0x2000b8;
	[tilespmem:$0x1E780] =	vst v63  }
0xa4: {  	_ =	swait.ge [sflag:s30], $0x1900  }
0xa5: {  	[sflag:s30] =	ssyncset.done $0x0  }
0xa6: {  	s1 =	simm.s32 @!p1 $0x1;
	[sflag:s30] =	ssyncadd.s32 $0xFFFFE700  }
0xa7: {  	s31 =	simm.s32 $0x1F4;
	_ =	swait.ge @!p1 [sflag:s1], $0x7D0  }
0xa8: {  	p2 =	por $0x0, $0x0;
	s8 =	simm.s32 $0x960;
	[sflag:s1] =	ssyncset.done @!p1 $0x0  }
0xa9: {  	s4 =	simm.s32 $0x640;
	s9 =	simm.s32 $0xAF0;
	[sflag:s1] =	ssyncadd.s32 @!p1 $0xFFFFF830  }
0xaa: {  	s10 =	simm.s32 $0xC80;
	s2 =	simm.s32 $0x1770;
	_ =	swait.ge @!p1 [sflag:s1], $0x7D0  }
0xab: {  	s12 =	simm.s32 @!p1 $0x1F40;
	s16 =	simm.s32 $0x15E0;
	[sflag:s1] =	ssyncset.done @!p1 $0x0  }
0xac: {  	s19 =	simm.s32 $0x0;
	[sflag:s1] =	ssyncadd.s32 @!p1 $0xFFFFF830;
	s1 =	simm.s32 @!p1 $0x190  }
0xad: {  	[tilespmem:s12], [sflag:$0x3] =	stream.indirect.gather @!p1 [hbm4b:s6+s1], $0x10, s11, s1, $0x2000b8;
	[tilespmem:$0x1E780] =	vst v63  }
0xae: {  	s21 =	simm.s32 $0x3E8;
	s22 =	simm.s32 $0x320;
	_ =	swait.ge [sflag:s0], $0x1900  }
0xaf: {  	s23 =	simm.s32 $0xE10;
	s26 =	simm.s32 $0x4B0;
	[sflag:s0] =	ssyncset.done $0x0  }
.LBB2_14:
0xb0: {  	s1 =	simm.s32 @!p2 $0x6  }
0xb1: {  	[sflag:s0] =	ssyncadd.s32 $0xFFFFE700;
	s11 =	smov.u32 s21;
	s21 =	sadd.s32 $0x1F4, s21  }
0xb2: {  	[spmem:s3] =	stream.indirect.scatter.add.f32 [tilespmem:s28], [sflag:$0x6], $0x10, s16, s24, $0x2000b8;
	[tilespmem:$0x1E780] =	vst v63  }
0xb3: {  	s12 =	sadd.s32 @!p2 s31, s18;
	p1 =	sne.s32 s21, $0x30D4;
	_ =	swait.ge @!p2 [sflag:s1], $0x1900  }
0xb4: {  	s13 =	sadd.s32 @!p2 s31, s17;
	s15 =	simm.s32 @!p2 $0xFA0;
	[sflag:s1] =	ssyncset.done @!p2 $0x0  }
0xb5: {  	[sflag:s1] =	ssyncadd.s32 @!p2 $0xFFFFE700;
	s1 =	sadd.s32 @!p2 $0xFA, s13;
	s13 =	simm.s32 @!p2 $0x0  }
0xb6: {  	[tilespmem:s15], [sflag:$0x2] =	stream.linear.gather @!p2 [hbm4b:s1+s13], $0x7D0, $0x200038;
	[tilespmem:$0x1E780] =	vst v63  }
0xb7: {  	s15 =	simm.s32 $0xFA0  }
0xb8: {  	s1 =	sadd.s32 @!p2 $0xFA, s12;
	s12 =	simm.s32 @!p2 $0x1770  }
0xb9: {  	[tilespmem:s12], [sflag:$0x2] =	stream.linear.gather @!p2 [hbm4b:s1+s13], $0x7D0, $0x200038;
	[tilespmem:$0x1E780] =	vst v63  }
0xba: {  	_ = 	snop  }
0xbb: {  	[tilespmem:s28], [sflag:$0x4] =	stream.indirect.gather [hbm4b:s6+s24], $0x10, s8, s24, $0x2000b8;
	[tilespmem:$0x1E780] =	vst v63  }
0xbc: {  	_ =	swait.ge [sflag:s29], $0x1900  }
0xbd: {  	[sflag:s29] =	ssyncset.done $0x0  }
0xbe: {  	[sflag:s29] =	ssyncadd.s32 $0xFFFFE700  }
0xbf: {  	[spmem:s3] =	stream.indirect.scatter.add.f32 [tilespmem:s25], [sflag:$0x5], $0x10, s19, s24, $0x2000b8;
	[tilespmem:$0x1E780] =	vst v63  }
0xc0: {  	_ =	swait.ge [sflag:s30], $0x1900  }
0xc1: {  	[sflag:s30] =	ssyncset.done $0x0  }
0xc2: {  	[sflag:s30] =	ssyncadd.s32 $0xFFFFE700  }
0xc3: {  	[tilespmem:s25], [sflag:$0x3] =	stream.indirect.gather [hbm4b:s6+s24], $0x10, s9, s24, $0x2000b8;
	[tilespmem:$0x1E780] =	vst v63  }
0xc4: {  	_ =	swait.ge [sflag:s0], $0x1900  }
0xc5: {  	[sflag:s0] =	ssyncset.done $0x0  }
0xc6: {  	[sflag:s0] =	ssyncadd.s32 $0xFFFFE700  }
0xc7: {  	[spmem:s3] =	stream.indirect.scatter.add.f32 [tilespmem:s28], [sflag:$0x6], $0x10, s24, s24, $0x2000b8;
	[tilespmem:$0x1E780] =	vst v63  }
0xc8: {  	_ =	swait.ge [sflag:s5], $0x1900  }
0xc9: {  	[sflag:s5] =	ssyncset.done $0x0  }
0xca: {  	[sflag:s5] =	ssyncadd.s32 $0xFFFFE700  }
0xcb: {  	[tilespmem:s28], [sflag:$0x4] =	stream.indirect.gather [hbm4b:s6+s24], $0x10, s10, s24, $0x2000b8;
	[tilespmem:$0x1E780] =	vst v63  }
0xcc: {  	_ =	swait.ge [sflag:s29], $0x1900  }
0xcd: {  	[sflag:s29] =	ssyncset.done $0x0  }
0xce: {  	[sflag:s29] =	ssyncadd.s32 $0xFFFFE700  }
0xcf: {  	[spmem:s3] =	stream.indirect.scatter.add.f32 [tilespmem:s25], [sflag:$0x5], $0x10, s22, s24, $0x2000b8;
	[tilespmem:$0x1E780] =	vst v63  }
0xd0: {  	_ =	swait.ge [sflag:s30], $0x1900  }
0xd1: {  	[sflag:s30] =	ssyncset.done $0x0  }
0xd2: {  	[sflag:s30] =	ssyncadd.s32 $0xFFFFE700  }
0xd3: {  	[tilespmem:s25], [sflag:$0x3] =	stream.indirect.gather [hbm4b:s6+s24], $0x10, s23, s24, $0x2000b8;
	[tilespmem:$0x1E780] =	vst v63  }
0xd4: {  	_ =	swait.ge [sflag:s0], $0x1900  }
0xd5: {  	[sflag:s0] =	ssyncset.done $0x0  }
0xd6: {  	[sflag:s0] =	ssyncadd.s32 $0xFFFFE700  }
0xd7: {  	[spmem:s3] =	stream.indirect.scatter.add.f32 [tilespmem:s28], [sflag:$0x6], $0x10, s26, s24, $0x2000b8;
	[tilespmem:$0x1E780] =	vst v63  }
0xd8: {  	_ =	swait.ge [sflag:s5], $0x1900  }
0xd9: {  	[sflag:s5] =	ssyncset.done $0x0  }
0xda: {  	[sflag:s5] =	ssyncadd.s32 $0xFFFFE700  }
0xdb: {  	_ =	swait.ge [sflag:s14], $0x7D0  }
0xdc: {  	[sflag:s14] =	ssyncset.done $0x0  }
0xdd: {  	[sflag:s14] =	ssyncadd.s32 $0xFFFFF830  }
0xde: {  	_ =	swait.ge [sflag:s14], $0x7D0  }
0xdf: {  	[sflag:s14] =	ssyncset.done $0x0  }
0xe0: {  	[sflag:s14] =	ssyncadd.s32 $0xFFFFF830  }
0xe1: {  	[tilespmem:s28], [sflag:$0x4] =	stream.indirect.gather [hbm4b:s6+s24], $0x10, s2, s24, $0x2000b8;
	[tilespmem:$0x1E780] =	vst v63  }
0xe2: {  	_ =	swait.ge [sflag:s29], $0x1900  }
0xe3: {  	[sflag:s29] =	ssyncset.done $0x0  }
0xe4: {  	[sflag:s29] =	ssyncadd.s32 $0xFFFFE700  }
0xe5: {  	[spmem:s3] =	stream.indirect.scatter.add.f32 [tilespmem:s25], [sflag:$0x5], $0x10, s4, s24, $0x2000b8;
	[tilespmem:$0x1E780] =	vst v63  }
0xe6: {  	p2 =	seq.s32 s31, $0x2EE0;
	_ =	swait.ge [sflag:s30], $0x1900  }
0xe7: {  	s1 =	sadd.s32 @!p2 s31, s17;
	s12 =	sadd.s32 @!p2 s31, s18;
	[sflag:s30] =	ssyncset.done $0x0  }
0xe8: {  	s13 =	simm.s32 @!p2 $0x0;
	s1 =	sadd.s32 @!p2 $0x1F4, s1;
	[sflag:s30] =	ssyncadd.s32 $0xFFFFE700  }
0xe9: {  	[tilespmem:s13], [sflag:$0x1] =	stream.linear.gather @!p2 [hbm4b:s1+s13], $0x7D0, $0x200038;
	[tilespmem:$0x1E780] =	vst v63  }
0xea: {  	s31 =	smov.u32 s11;
	s1 =	sadd.s32 @!p2 $0x1F4, s12;
	s12 =	simm.s32 @!p2 $0x7D0  }
0xeb: {  	[tilespmem:s12], [sflag:$0x1] =	stream.linear.gather @!p2 [hbm4b:s1+s13], $0x7D0, $0x200038;
	[tilespmem:$0x1E780] =	vst v63  }
0xec: {  	s13 =	simm.s32 $0x1900;
	_ =	sdelay $0x1  }
0xed: {  	[tilespmem:s25], [sflag:$0x3] =	stream.indirect.gather [hbm4b:s6+s24], $0x10, s13, s24, $0x2000b8;
	[tilespmem:$0x1E780] =	vst v63  }
0xee: {  	_ =	swait.ge [sflag:s0], $0x1900  }
0xef: {  	[sflag:s0] =	ssyncset.done $0x0  }
0xf0: {  	[sflag:s0] =	ssyncadd.s32 $0xFFFFE700  }
0xf1: {  	[spmem:s3] =	stream.indirect.scatter.add.f32 [tilespmem:s28], [sflag:$0x6], $0x10, s15, s24, $0x2000b8;
	[tilespmem:$0x1E780] =	vst v63  }
0xf2: {  	_ =	swait.ge [sflag:s5], $0x1900  }
0xf3: {  	[sflag:s5] =	ssyncset.done $0x0  }
0xf4: {  	s1 =	simm.s32 $0x1A90;
	[sflag:s5] =	ssyncadd.s32 $0xFFFFE700  }
0xf5: {  	[tilespmem:s28], [sflag:$0x4] =	stream.indirect.gather [hbm4b:s6+s24], $0x10, s1, s24, $0x2000b8;
	[tilespmem:$0x1E780] =	vst v63  }
0xf6: {  	_ =	swait.ge [sflag:s29], $0x1900  }
0xf7: {  	[sflag:s29] =	ssyncset.done $0x0  }
0xf8: {  	s1 =	simm.s32 $0x1130;
	[sflag:s29] =	ssyncadd.s32 $0xFFFFE700  }
0xf9: {  	[spmem:s3] =	stream.indirect.scatter.add.f32 [tilespmem:s25], [sflag:$0x5], $0x10, s1, s24, $0x2000b8;
	[tilespmem:$0x1E780] =	vst v63  }
0xfa: {  	_ =	swait.ge [sflag:s30], $0x1900  }
0xfb: {  	[sflag:s30] =	ssyncset.done $0x0  }
0xfc: {  	s1 =	simm.s32 $0x1C20;
	[sflag:s30] =	ssyncadd.s32 $0xFFFFE700  }
0xfd: {  	[tilespmem:s25], [sflag:$0x3] =	stream.indirect.gather [hbm4b:s6+s24], $0x10, s1, s24, $0x2000b8;
	[tilespmem:$0x1E780] =	vst v63  }
0xfe: {  	_ =	swait.ge [sflag:s0], $0x1900  }
0xff: {  	[sflag:s0] =	ssyncset.done $0x0  }
0x100: {  	s1 =	simm.s32 $0x12C0;
	[sflag:s0] =	ssyncadd.s32 $0xFFFFE700  }
0x101: {  	[spmem:s3] =	stream.indirect.scatter.add.f32 [tilespmem:s28], [sflag:$0x6], $0x10, s1, s24, $0x2000b8;
	[tilespmem:$0x1E780] =	vst v63  }
0x102: {  	_ =	swait.ge [sflag:s5], $0x1900  }
0x103: {  	[sflag:s5] =	ssyncset.done $0x0  }
0x104: {  	s1 =	simm.s32 $0x1DB0;
	[sflag:s5] =	ssyncadd.s32 $0xFFFFE700  }
0x105: {  	[tilespmem:s28], [sflag:$0x4] =	stream.indirect.gather [hbm4b:s6+s24], $0x10, s1, s24, $0x2000b8;
	[tilespmem:$0x1E780] =	vst v63  }
0x106: {  	_ =	swait.ge [sflag:s29], $0x1900  }
0x107: {  	[sflag:s29] =	ssyncset.done $0x0  }
0x108: {  	s1 =	simm.s32 $0x1450;
	[sflag:s29] =	ssyncadd.s32 $0xFFFFE700  }
0x109: {  	[spmem:s3] =	stream.indirect.scatter.add.f32 [tilespmem:s25], [sflag:$0x5], $0x10, s1, s24, $0x2000b8;
	[tilespmem:$0x1E780] =	vst v63  }
0x10a: {  	_ =	swait.ge [sflag:s30], $0x1900  }
0x10b: {  	[sflag:s30] =	ssyncset.done $0x0  }
0x10c: {  	s1 =	simm.s32 @!p2 $0x1;
	[sflag:s30] =	ssyncadd.s32 $0xFFFFE700  }
0x10d: {  	_ =	swait.ge @!p2 [sflag:s1], $0x7D0  }
0x10e: {  	[sflag:s1] =	ssyncset.done @!p2 $0x0  }
0x10f: {  	[sflag:s1] =	ssyncadd.s32 @!p2 $0xFFFFF830  }
0x110: {  	_ =	swait.ge @!p2 [sflag:s1], $0x7D0  }
.Ltmp5:
0x111: {  	[sflag:s1] =	ssyncset.done @!p2 $0x0;
	(pc) =	sbr.rel @p1 .LBB2_14-.Ltmp5, $4  }
0x112: {  	s11 =	simm.s32 @!p2 $0x1F40;
	[sflag:s1] =	ssyncadd.s32 @!p2 $0xFFFFF830;
	s1 =	simm.s32 @!p2 $0x190  }
0x113: {  	[tilespmem:s11], [sflag:$0x3] =	stream.indirect.gather @!p2 [hbm4b:s6+s1], $0x10, s12, s1, $0x2000b8;
	[tilespmem:$0x1E780] =	vst v63  }
0x114: {  	_ =	swait.ge [sflag:s0], $0x1900  }
0x115: {  	p2 =	seq.s32 s31, $0x0;
	[sflag:s0] =	ssyncset.done $0x0  }
0x116: {  	s1 =	simm.s32 @!p2 $0x6;
	[sflag:s0] =	ssyncadd.s32 $0xFFFFE700;
	s16 =	simm.s32 $0x15E0  }
0x117: {  	[spmem:s3] =	stream.indirect.scatter.add.f32 [tilespmem:s28], [sflag:$0x6], $0x10, s16, s24, $0x2000b8;
	[tilespmem:$0x1E780] =	vst v63  }
0x118: {  	_ =	swait.ge @!p2 [sflag:s1], $0x1900  }
0x119: {  	s11 =	sadd.s32 @!p2 s31, s17;
	s12 =	simm.s32 @!p2 $0xFA0;
	[sflag:s1] =	ssyncset.done @!p2 $0x0  }
0x11a: {  	[sflag:s1] =	ssyncadd.s32 @!p2 $0xFFFFE700;
	s1 =	sadd.s32 @!p2 $0xFA, s11;
	s11 =	simm.s32 @!p2 $0x0  }
0x11b: {  	[tilespmem:s12], [sflag:$0x2] =	stream.linear.gather @!p2 [hbm4b:s1+s11], $0x7D0, $0x200038;
	[tilespmem:$0x1E780] =	vst v63  }
0x11c: {  	s1 =	sadd.s32 @!p2 s31, s18  }
0x11d: {  	s12 =	simm.s32 @!p2 $0x1770;
	s1 =	sadd.s32 @!p2 $0xFA, s1  }
0x11e: {  	[tilespmem:s12], [sflag:$0x2] =	stream.linear.gather @!p2 [hbm4b:s1+s11], $0x7D0, $0x200038;
	[tilespmem:$0x1E780] =	vst v63  }
0x11f: {  	_ = 	snop  }
0x120: {  	[tilespmem:s28], [sflag:$0x4] =	stream.indirect.gather [hbm4b:s6+s24], $0x10, s8, s24, $0x2000b8;
	[tilespmem:$0x1E780] =	vst v63  }
0x121: {  	_ =	swait.ge [sflag:s29], $0x1900  }
0x122: {  	[sflag:s29] =	ssyncset.done $0x0  }
0x123: {  	[sflag:s29] =	ssyncadd.s32 $0xFFFFE700  }
0x124: {  	[spmem:s3] =	stream.indirect.scatter.add.f32 [tilespmem:s25], [sflag:$0x5], $0x10, s19, s24, $0x2000b8;
	[tilespmem:$0x1E780] =	vst v63  }
0x125: {  	_ =	swait.ge [sflag:s30], $0x1900  }
0x126: {  	[sflag:s30] =	ssyncset.done $0x0  }
0x127: {  	[sflag:s30] =	ssyncadd.s32 $0xFFFFE700  }
0x128: {  	[tilespmem:s25], [sflag:$0x3] =	stream.indirect.gather [hbm4b:s6+s24], $0x10, s9, s24, $0x2000b8;
	[tilespmem:$0x1E780] =	vst v63  }
0x129: {  	_ =	swait.ge [sflag:s0], $0x1900  }
0x12a: {  	[sflag:s0] =	ssyncset.done $0x0  }
0x12b: {  	[sflag:s0] =	ssyncadd.s32 $0xFFFFE700  }
0x12c: {  	[spmem:s3] =	stream.indirect.scatter.add.f32 [tilespmem:s28], [sflag:$0x6], $0x10, s24, s24, $0x2000b8;
	[tilespmem:$0x1E780] =	vst v63  }
0x12d: {  	_ =	swait.ge [sflag:s5], $0x1900  }
0x12e: {  	[sflag:s5] =	ssyncset.done $0x0  }
0x12f: {  	[sflag:s5] =	ssyncadd.s32 $0xFFFFE700  }
0x130: {  	[tilespmem:s28], [sflag:$0x4] =	stream.indirect.gather [hbm4b:s6+s24], $0x10, s10, s24, $0x2000b8;
	[tilespmem:$0x1E780] =	vst v63  }
0x131: {  	_ =	swait.ge [sflag:s29], $0x1900  }
0x132: {  	[sflag:s29] =	ssyncset.done $0x0  }
0x133: {  	[sflag:s29] =	ssyncadd.s32 $0xFFFFE700  }
0x134: {  	[spmem:s3] =	stream.indirect.scatter.add.f32 [tilespmem:s25], [sflag:$0x5], $0x10, s22, s24, $0x2000b8;
	[tilespmem:$0x1E780] =	vst v63  }
0x135: {  	_ =	swait.ge [sflag:s30], $0x1900  }
0x136: {  	[sflag:s30] =	ssyncset.done $0x0  }
0x137: {  	[sflag:s30] =	ssyncadd.s32 $0xFFFFE700  }
0x138: {  	[tilespmem:s25], [sflag:$0x3] =	stream.indirect.gather [hbm4b:s6+s24], $0x10, s23, s24, $0x2000b8;
	[tilespmem:$0x1E780] =	vst v63  }
0x139: {  	_ =	swait.ge [sflag:s0], $0x1900  }
0x13a: {  	[sflag:s0] =	ssyncset.done $0x0  }
0x13b: {  	[sflag:s0] =	ssyncadd.s32 $0xFFFFE700  }
0x13c: {  	[spmem:s3] =	stream.indirect.scatter.add.f32 [tilespmem:s28], [sflag:$0x6], $0x10, s26, s24, $0x2000b8;
	[tilespmem:$0x1E780] =	vst v63  }
0x13d: {  	_ =	swait.ge [sflag:s5], $0x1900  }
0x13e: {  	[sflag:s5] =	ssyncset.done $0x0  }
0x13f: {  	[sflag:s5] =	ssyncadd.s32 $0xFFFFE700  }
0x140: {  	_ =	swait.ge [sflag:s14], $0x7D0  }
0x141: {  	[sflag:s14] =	ssyncset.done $0x0  }
0x142: {  	[sflag:s14] =	ssyncadd.s32 $0xFFFFF830  }
0x143: {  	_ =	swait.ge [sflag:s14], $0x7D0  }
0x144: {  	[sflag:s14] =	ssyncset.done $0x0  }
0x145: {  	[sflag:s14] =	ssyncadd.s32 $0xFFFFF830  }
0x146: {  	[tilespmem:s28], [sflag:$0x4] =	stream.indirect.gather [hbm4b:s6+s24], $0x10, s2, s24, $0x2000b8;
	[tilespmem:$0x1E780] =	vst v63  }
0x147: {  	_ =	swait.ge [sflag:s29], $0x1900  }
0x148: {  	[sflag:s29] =	ssyncset.done $0x0  }
0x149: {  	[sflag:s29] =	ssyncadd.s32 $0xFFFFE700  }
0x14a: {  	[spmem:s3] =	stream.indirect.scatter.add.f32 [tilespmem:s25], [sflag:$0x5], $0x10, s4, s24, $0x2000b8;
	[tilespmem:$0x1E780] =	vst v63  }
0x14b: {  	p1 =	seq.s32 s31, $0x2EE0;
	_ =	swait.ge [sflag:s30], $0x1900  }
0x14c: {  	s1 =	sadd.s32 @!p1 s31, s17;
	s11 =	sadd.s32 @!p1 s31, s18;
	[sflag:s30] =	ssyncset.done $0x0  }
0x14d: {  	s12 =	simm.s32 @!p1 $0x0;
	s1 =	sadd.s32 @!p1 $0x1F4, s1;
	[sflag:s30] =	ssyncadd.s32 $0xFFFFE700  }
0x14e: {  	[tilespmem:s12], [sflag:$0x1] =	stream.linear.gather @!p1 [hbm4b:s1+s12], $0x7D0, $0x200038;
	[tilespmem:$0x1E780] =	vst v63  }
0x14f: {  	s1 =	sadd.s32 @!p1 $0x1F4, s11;
	s11 =	simm.s32 @!p1 $0x7D0  }
0x150: {  	[tilespmem:s11], [sflag:$0x1] =	stream.linear.gather @!p1 [hbm4b:s1+s12], $0x7D0, $0x200038;
	[tilespmem:$0x1E780] =	vst v63  }
0x151: {  	_ = 	snop  }
0x152: {  	[tilespmem:s25], [sflag:$0x3] =	stream.indirect.gather [hbm4b:s6+s24], $0x10, s13, s24, $0x2000b8;
	[tilespmem:$0x1E780] =	vst v63  }
0x153: {  	_ =	swait.ge [sflag:s0], $0x1900  }
0x154: {  	[sflag:s0] =	ssyncset.done $0x0  }
0x155: {  	[sflag:s0] =	ssyncadd.s32 $0xFFFFE700  }
0x156: {  	[spmem:s3] =	stream.indirect.scatter.add.f32 [tilespmem:s28], [sflag:$0x6], $0x10, s15, s24, $0x2000b8;
	[tilespmem:$0x1E780] =	vst v63  }
0x157: {  	_ =	swait.ge [sflag:s5], $0x1900  }
0x158: {  	[sflag:s5] =	ssyncset.done $0x0  }
0x159: {  	s19 =	simm.s32 $0x1A90;
	[sflag:s5] =	ssyncadd.s32 $0xFFFFE700  }
0x15a: {  	[tilespmem:s28], [sflag:$0x4] =	stream.indirect.gather [hbm4b:s6+s24], $0x10, s19, s24, $0x2000b8;
	[tilespmem:$0x1E780] =	vst v63  }
0x15b: {  	_ =	swait.ge [sflag:s29], $0x1900  }
0x15c: {  	[sflag:s29] =	ssyncset.done $0x0  }
0x15d: {  	s21 =	simm.s32 $0x1130;
	[sflag:s29] =	ssyncadd.s32 $0xFFFFE700  }
0x15e: {  	[spmem:s3] =	stream.indirect.scatter.add.f32 [tilespmem:s25], [sflag:$0x5], $0x10, s21, s24, $0x2000b8;
	[tilespmem:$0x1E780] =	vst v63  }
0x15f: {  	_ =	swait.ge [sflag:s30], $0x1900  }
0x160: {  	[sflag:s30] =	ssyncset.done $0x0  }
0x161: {  	s22 =	simm.s32 $0x1C20;
	[sflag:s30] =	ssyncadd.s32 $0xFFFFE700  }
0x162: {  	[tilespmem:s25], [sflag:$0x3] =	stream.indirect.gather [hbm4b:s6+s24], $0x10, s22, s24, $0x2000b8;
	[tilespmem:$0x1E780] =	vst v63  }
0x163: {  	_ =	swait.ge [sflag:s0], $0x1900  }
0x164: {  	[sflag:s0] =	ssyncset.done $0x0  }
0x165: {  	s23 =	simm.s32 $0x12C0;
	[sflag:s0] =	ssyncadd.s32 $0xFFFFE700  }
0x166: {  	[spmem:s3] =	stream.indirect.scatter.add.f32 [tilespmem:s28], [sflag:$0x6], $0x10, s23, s24, $0x2000b8;
	[tilespmem:$0x1E780] =	vst v63  }
0x167: {  	_ =	swait.ge [sflag:s5], $0x1900  }
0x168: {  	[sflag:s5] =	ssyncset.done $0x0  }
0x169: {  	s26 =	simm.s32 $0x1DB0;
	[sflag:s5] =	ssyncadd.s32 $0xFFFFE700  }
0x16a: {  	[tilespmem:s28], [sflag:$0x4] =	stream.indirect.gather [hbm4b:s6+s24], $0x10, s26, s24, $0x2000b8;
	[tilespmem:$0x1E780] =	vst v63  }
0x16b: {  	_ =	swait.ge [sflag:s29], $0x1900  }
0x16c: {  	[sflag:s29] =	ssyncset.done $0x0  }
0x16d: {  	s31 =	simm.s32 $0x1450;
	[sflag:s29] =	ssyncadd.s32 $0xFFFFE700  }
0x16e: {  	[spmem:s3] =	stream.indirect.scatter.add.f32 [tilespmem:s25], [sflag:$0x5], $0x10, s31, s24, $0x2000b8;
	[tilespmem:$0x1E780] =	vst v63  }
0x16f: {  	_ =	swait.ge [sflag:s30], $0x1900  }
0x170: {  	[sflag:s30] =	ssyncset.done $0x0  }
0x171: {  	s1 =	simm.s32 @!p1 $0x1;
	[sflag:s30] =	ssyncadd.s32 $0xFFFFE700  }
0x172: {  	_ =	swait.ge @!p1 [sflag:s1], $0x7D0  }
0x173: {  	[sflag:s1] =	ssyncset.done @!p1 $0x0  }
0x174: {  	[sflag:s1] =	ssyncadd.s32 @!p1 $0xFFFFF830  }
0x175: {  	_ =	swait.ge @!p1 [sflag:s1], $0x7D0  }
0x176: {  	[sflag:s1] =	ssyncset.done @!p1 $0x0  }
0x177: {  	s12 =	simm.s32 @!p1 $0x1F40;
	[sflag:s1] =	ssyncadd.s32 @!p1 $0xFFFFF830;
	s1 =	simm.s32 @!p1 $0x190  }
0x178: {  	[tilespmem:s12], [sflag:$0x3] =	stream.indirect.gather @!p1 [hbm4b:s6+s1], $0x10, s11, s1, $0x2000b8;
	[tilespmem:$0x1E780] =	vst v63  }
0x179: {  	_ =	swait.ge [sflag:s0], $0x1900  }
0x17a: {  	[sflag:s0] =	ssyncset.done $0x0  }
0x17b: {  	[sflag:s0] =	ssyncadd.s32 $0xFFFFE700  }
0x17c: {  	[spmem:s3] =	stream.indirect.scatter.add.f32 [tilespmem:s28], [sflag:$0x6], $0x10, s16, s24, $0x2000b8;
	[tilespmem:$0x1E780] =	vst v63  }
0x17d: {  	_ =	swait.ge [sflag:s5], $0x1900  }
0x17e: {  	[sflag:s5] =	ssyncset.done $0x0  }
0x17f: {  	[sflag:s5] =	ssyncadd.s32 $0xFFFFE700  }
0x180: {  	_ =	strace $0x90000051  }
0x181: {  	s4 =	simm.s32 $0x0;
	s19 =	simm.s32 $0x5140;
	[bflag:$0x0] =	sbarrier.arrive $0xFFFF  }
0x182: {  	s21 =	simm.s32 $0x0;
	s22 =	simm.s32 $0xE10;
	_ =	strace $0x80000052  }
0x183: {  	s23 =	simm.s32 $0x4B0;
	s26 =	simm.s32 $0x640;
	s15 =	rddreg [dreg:$0x4]  }
.LBB2_16:
0x184: {  	s1 =	smul.u32 $0xFA, s21  }
0x185: {  	s11 =	rddreg [dreg:$0x9]  }
0x186: {  	s1 =	sadd.s32 s11, s1  }
0x187: {  	s11 =	sshll.u32 s1, $0x4  }
0x188: {  	s11 =	sand.u32 $0x3FFFFFF0, s11  }
0x189: {  	s11 =	sadd.s32 s11, s3  }
0x18a: {  	[tilespmem:s19], [sflag:$0x7] =	stream.linear.gather [spmem:s11], $0xFA0, $0x200038;
	[tilespmem:$0x1E780] =	vst v63  }
0x18b: {  	_ =	swait.ge [sflag:s20], $0xFA0  }
0x18c: {  	s2 =	sshll.u32 s1, $0x1;
	[sflag:s20] =	ssyncset.done $0x0;
	s16 =	rddreg [dreg:$0x8]  }
0x18d: {  	[sflag:s20] =	ssyncadd.s32 $0xFFFFF060;
	s1 =	sadd.s32 s16, s2  }
0x18e: {  	[tilespmem:s25], [sflag:$0x7] =	stream.linear.gather [hbm4b:s1+s4], $0xFA0, $0x200038;
	[tilespmem:$0x1E780] =	vst v63  }
0x18f: {  	_ =	swait.ge [sflag:s20], $0xFA0  }
0x190: {  	[sflag:s20] =	ssyncset.done $0x0  }
0x191: {  	s31 =	simm.s32 $0x5180;
	[sflag:s20] =	ssyncadd.s32 $0xFFFFF060  }
0x192: {  	s11 =	simm.s32 $0x1F80;
	v1 =	vld [tilespmem:s31+$0xFFFFFFC0]  }
0x193: {  	v2 =	vld [tilespmem:s11+$0xFFFFFFC0];
	_ =	sdelay $0x4  }
0x194: {  	v1 =	vmul.f32 v2, v1;
	_ =	sdelay $0x1  }
0x195: {  	[tilespmem:s31+$0xFFFFFFC0] =	vst v1;
	v1 =	vld [tilespmem:s31+$0xFFFFFFD0]  }
0x196: {  	v2 =	vld [tilespmem:s11+$0xFFFFFFD0];
	_ =	sdelay $0x4  }
0x197: {  	v1 =	vmul.f32 v2, v1;
	_ =	sdelay $0x1  }
0x198: {  	[tilespmem:s31+$0xFFFFFFD0] =	vst v1;
	v1 =	vld [tilespmem:s31+$0xFFFFFFE0]  }
0x199: {  	v2 =	vld [tilespmem:s11+$0xFFFFFFE0];
	_ =	sdelay $0x4  }
0x19a: {  	v1 =	vmul.f32 v2, v1;
	_ =	sdelay $0x1  }
0x19b: {  	[tilespmem:s31+$0xFFFFFFE0] =	vst v1;
	v1 =	vld [tilespmem:s31+$0xFFFFFFF0]  }
0x19c: {  	v2 =	vld [tilespmem:s11+$0xFFFFFFF0];
	_ =	sdelay $0x4  }
0x19d: {  	v1 =	vmul.f32 v2, v1;
	_ =	sdelay $0x1  }
0x19e: {  	[tilespmem:s31+$0xFFFFFFF0] =	vst v1;
	v1 =	vld [tilespmem:s31+$0x0]  }
0x19f: {  	v2 =	vld [tilespmem:s11+$0x0];
	_ =	sdelay $0x4  }
0x1a0: {  	v1 =	vmul.f32 v2, v1;
	_ =	sdelay $0x1  }
0x1a1: {  	[tilespmem:s31+$0x0] =	vst v1;
	v1 =	vld [tilespmem:s31+$0x10]  }
0x1a2: {  	v2 =	vld [tilespmem:s11+$0x10];
	_ =	sdelay $0x4  }
0x1a3: {  	v1 =	vmul.f32 v2, v1;
	_ =	sdelay $0x1  }
0x1a4: {  	[tilespmem:s31+$0x10] =	vst v1;
	v1 =	vld [tilespmem:s31+$0x20]  }
0x1a5: {  	v2 =	vld [tilespmem:s11+$0x20];
	_ =	sdelay $0x4  }
0x1a6: {  	v1 =	vmul.f32 v2, v1;
	_ =	sdelay $0x1  }
0x1a7: {  	[tilespmem:s31+$0x20] =	vst v1;
	v1 =	vld [tilespmem:s31+$0x30]  }
0x1a8: {  	v2 =	vld [tilespmem:s11+$0x30];
	_ =	sdelay $0x4  }
0x1a9: {  	v1 =	vmul.f32 v2, v1  }
0x1aa: {  	s12 =	simm.s32 $0x0;
	s13 =	simm.s32 $0x5200  }
.LBB2_17:
0x1ab: {  	v2 =	vld [tilespmem:s13+$0xFFFFFFC0];
	[tilespmem:s31+$0x30] =	vst v1;
	s11 =	sadd.s32 $0x80, s11;
	s31 =	smov.u32 s13  }
0x1ac: {  	s12 =	sadd.s32 $0x8, s12;
	v1 =	vld [tilespmem:s11+$0xFFFFFFC0]  }
0x1ad: {  	p1 =	slt.u32 s12, $0xF0;
	_ =	sdelay $0x3  }
0x1ae: {  	v1 =	vmul.f32 v1, v2;
	_ =	sdelay $0x1  }
0x1af: {  	[tilespmem:s13+$0xFFFFFFC0] =	vst v1;
	v1 =	vld [tilespmem:s13+$0xFFFFFFD0]  }
0x1b0: {  	v2 =	vld [tilespmem:s11+$0xFFFFFFD0];
	_ =	sdelay $0x4  }
0x1b1: {  	v1 =	vmul.f32 v2, v1;
	_ =	sdelay $0x1  }
0x1b2: {  	[tilespmem:s13+$0xFFFFFFD0] =	vst v1;
	v1 =	vld [tilespmem:s13+$0xFFFFFFE0]  }
0x1b3: {  	v2 =	vld [tilespmem:s11+$0xFFFFFFE0];
	_ =	sdelay $0x4  }
0x1b4: {  	v1 =	vmul.f32 v2, v1;
	_ =	sdelay $0x1  }
0x1b5: {  	[tilespmem:s13+$0xFFFFFFE0] =	vst v1;
	v1 =	vld [tilespmem:s13+$0xFFFFFFF0]  }
0x1b6: {  	v2 =	vld [tilespmem:s11+$0xFFFFFFF0];
	_ =	sdelay $0x4  }
0x1b7: {  	v1 =	vmul.f32 v2, v1;
	_ =	sdelay $0x1  }
0x1b8: {  	[tilespmem:s13+$0xFFFFFFF0] =	vst v1;
	v1 =	vld [tilespmem:s13+$0x0]  }
0x1b9: {  	v2 =	vld [tilespmem:s11+$0x0];
	_ =	sdelay $0x4  }
0x1ba: {  	v1 =	vmul.f32 v2, v1;
	_ =	sdelay $0x1  }
0x1bb: {  	[tilespmem:s13+$0x0] =	vst v1;
	v1 =	vld [tilespmem:s13+$0x10]  }
0x1bc: {  	v2 =	vld [tilespmem:s11+$0x10];
	_ =	sdelay $0x4  }
0x1bd: {  	v1 =	vmul.f32 v2, v1;
	_ =	sdelay $0x1  }
0x1be: {  	[tilespmem:s13+$0x10] =	vst v1;
	v1 =	vld [tilespmem:s13+$0x20]  }
0x1bf: {  	v2 =	vld [tilespmem:s11+$0x20];
	_ =	sdelay $0x4  }
0x1c0: {  	v1 =	vmul.f32 v2, v1;
	_ =	sdelay $0x1  }
0x1c1: {  	[tilespmem:s13+$0x20] =	vst v1;
	v1 =	vld [tilespmem:s13+$0x30]  }
0x1c2: {  	v2 =	vld [tilespmem:s11+$0x30];
	_ =	sdelay $0x1  }
.Ltmp6:
0x1c3: {  	(pc) =	sbr.rel @p1 .LBB2_17-.Ltmp6, $3  }
0x1c4: {  	_ =	sdelay $0x1  }
0x1c5: {  	v1 =	vmul.f32 v2, v1  }
0x1c6: {  	s13 =	sadd.s32 $0x80, s13  }
0x1c7: {  	[tilespmem:s31+$0x30] =	vst v1  }
0x1c8: {  	v1 =	vld [tilespmem:$0x60C0]  }
0x1c9: {  	v2 =	vld [tilespmem:$0x2EC0]  }
0x1ca: {  	v3 =	vld [tilespmem:$0x60D0]  }
0x1cb: {  	v4 =	vld [tilespmem:$0x2ED0];
	_ =	sdelay $0x3  }
0x1cc: {  	v1 =	vmul.f32 v2, v1  }
0x1cd: {  	s21 =	sadd.s32 $0x1, s21;
	v2 =	vmul.f32 v4, v3  }
0x1ce: {  	p1 =	sne.s32 s21, $0x19;
	[tilespmem:$0x60C0] =	vst v1  }
.Ltmp7:
0x1cf: {  	s1 =	sadd.s32 s15, s2;
	[tilespmem:$0x60D0] =	vst v2;
	(pc) =	sbr.rel @p1 .LBB2_16-.Ltmp7, $4  }
0x1d0: {  	[hbm4b:s1+s4] =	stream.linear.scatter [tilespmem:s19], [sflag:$0x7], $0xFA0, $0x200038;
	[tilespmem:$0x1E780] =	vst v63  }
0x1d1: {  	_ =	swait.ge [sflag:s20], $0xFA0  }
0x1d2: {  	[sflag:s20] =	ssyncset.done $0x0  }
0x1d3: {  	[sflag:s20] =	ssyncadd.s32 $0xFFFFF060  }
.Ltmp8:
0x1d4: {  	(pc) =	sbr.rel .LBB2_20-.Ltmp8, $3  }
0x1d5: {  	_ =	sdelay $0x1  }
0x1d6: {  	_ =	strace $0x90000052  }
0x1d7: {  	s11 =	rddreg [dreg:$0x10]  }
.LBB2_6:
0x1d8: {  	_ =	strace $0x8000004F  }
0x1d9: {  	s11 =	simm.s32 $0x0;
	s1 =	rddreg [dreg:$0xa]  }
0x1da: {  	[tilespmem:s11], [sflag:$0x7] =	stream.linear.gather [hbm4b:s1+s11], $0x7D0, $0x200038;
	[tilespmem:$0x1E780] =	vst v63  }
0x1db: {  	_ =	swait.ge [sflag:s20], $0x7D0  }
0x1dc: {  	[sflag:s20] =	ssyncset.done $0x0  }
0x1dd: {  	s12 =	simm.s32 $0x7D0;
	s13 =	rddreg [dreg:$0xb];
	[sflag:s20] =	ssyncadd.s32 $0xFFFFF830  }
0x1de: {  	[tilespmem:s12], [sflag:$0x7] =	stream.linear.gather [hbm4b:s13+s11], $0x7D0, $0x200038;
	[tilespmem:$0x1E780] =	vst v63  }
0x1df: {  	_ =	swait.ge [sflag:s20], $0x7D0  }
0x1e0: {  	[sflag:s20] =	ssyncset.done $0x0  }
0x1e1: {  	s19 =	rddreg [dreg:$0xc];
	[sflag:s20] =	ssyncadd.s32 $0xFFFFF830  }
0x1e2: {  	[tilespmem:s15], [sflag:$0x2] =	stream.linear.gather [hbm4b:s19+s11], $0x7D0, $0x200038;
	[tilespmem:$0x1E780] =	vst v63  }
0x1e3: {  	p1 =	por $0x1, $0x1;
	s13 =	rddreg [dreg:$0xd]  }
0x1e4: {  	[tilespmem:s2], [sflag:$0x2] =	stream.linear.gather [hbm4b:s13+s11], $0x7D0, $0x200038;
	[tilespmem:$0x1E780] =	vst v63  }
0x1e5: {  	s11 =	simm.s32 @!p1 $0x6  }
0x1e6: {  	[tilespmem:s25], [sflag:$0x3] =	stream.indirect.gather [hbm4b:s7+s24], $0x10, s12, s24, $0x2000b8;
	[tilespmem:$0x1E780] =	vst v63  }
0x1e7: {  	_ =	swait.ge @!p1 [sflag:s11], $0x1900  }
0x1e8: {  	s13 =	simm.s32 @!p1 $0xFA0;
	s12 =	sadd.s32 @!p1 $0x0, s18;
	[sflag:s11] =	ssyncset.done @!p1 $0x0  }
0x1e9: {  	[sflag:s11] =	ssyncadd.s32 @!p1 $0xFFFFE700;
	s11 =	sadd.s32 @!p1 $0xFA, s12;
	s12 =	simm.s32 @!p1 $0x0  }
0x1ea: {  	[tilespmem:s13], [sflag:$0x2] =	stream.linear.gather @!p1 [hbm4b:s11+s12], $0x7D0, $0x200038;
	[tilespmem:$0x1E780] =	vst v63  }
0x1eb: {  	s11 =	sadd.s32 @!p1 $0x0, s17  }
0x1ec: {  	s13 =	simm.s32 @!p1 $0x1770;
	s11 =	sadd.s32 @!p1 $0xFA, s11  }
0x1ed: {  	[tilespmem:s13], [sflag:$0x2] =	stream.linear.gather @!p1 [hbm4b:s11+s12], $0x7D0, $0x200038;
	[tilespmem:$0x1E780] =	vst v63  }
0x1ee: {  	_ = 	snop  }
0x1ef: {  	[tilespmem:s28], [sflag:$0x4] =	stream.indirect.gather [hbm4b:s7+s24], $0x10, s8, s24, $0x2000b8;
	[tilespmem:$0x1E780] =	vst v63  }
0x1f0: {  	_ =	swait.ge [sflag:s29], $0x1900  }
0x1f1: {  	[sflag:s29] =	ssyncset.done $0x0  }
0x1f2: {  	[sflag:s29] =	ssyncadd.s32 $0xFFFFE700  }
0x1f3: {  	[spmem:s3] =	stream.indirect.scatter.add.f32 [tilespmem:s25], [sflag:$0x5], $0x10, s4, s24, $0x2000b8;
	[tilespmem:$0x1E780] =	vst v63  }
0x1f4: {  	_ =	swait.ge [sflag:s30], $0x1900  }
0x1f5: {  	[sflag:s30] =	ssyncset.done $0x0  }
0x1f6: {  	[sflag:s30] =	ssyncadd.s32 $0xFFFFE700  }
0x1f7: {  	[tilespmem:s25], [sflag:$0x3] =	stream.indirect.gather [hbm4b:s7+s24], $0x10, s9, s24, $0x2000b8;
	[tilespmem:$0x1E780] =	vst v63  }
0x1f8: {  	_ =	swait.ge [sflag:s0], $0x1900  }
0x1f9: {  	[sflag:s0] =	ssyncset.done $0x0  }
0x1fa: {  	[sflag:s0] =	ssyncadd.s32 $0xFFFFE700  }
0x1fb: {  	[spmem:s3] =	stream.indirect.scatter.add.f32 [tilespmem:s28], [sflag:$0x6], $0x10, s24, s24, $0x2000b8;
	[tilespmem:$0x1E780] =	vst v63  }
0x1fc: {  	_ =	swait.ge [sflag:s5], $0x1900  }
0x1fd: {  	[sflag:s5] =	ssyncset.done $0x0  }
0x1fe: {  	[sflag:s5] =	ssyncadd.s32 $0xFFFFE700  }
0x1ff: {  	[tilespmem:s28], [sflag:$0x4] =	stream.indirect.gather [hbm4b:s7+s24], $0x10, s10, s24, $0x2000b8;
	[tilespmem:$0x1E780] =	vst v63  }
0x200: {  	_ =	swait.ge [sflag:s29], $0x1900  }
0x201: {  	[sflag:s29] =	ssyncset.done $0x0  }
0x202: {  	[sflag:s29] =	ssyncadd.s32 $0xFFFFE700  }
0x203: {  	[spmem:s3] =	stream.indirect.scatter.add.f32 [tilespmem:s25], [sflag:$0x5], $0x10, s21, s24, $0x2000b8;
	[tilespmem:$0x1E780] =	vst v63  }
0x204: {  	_ =	swait.ge [sflag:s30], $0x1900  }
0x205: {  	[sflag:s30] =	ssyncset.done $0x0  }
0x206: {  	[sflag:s30] =	ssyncadd.s32 $0xFFFFE700  }
0x207: {  	[tilespmem:s25], [sflag:$0x3] =	stream.indirect.gather [hbm4b:s7+s24], $0x10, s22, s24, $0x2000b8;
	[tilespmem:$0x1E780] =	vst v63  }
0x208: {  	_ =	swait.ge [sflag:s0], $0x1900  }
0x209: {  	[sflag:s0] =	ssyncset.done $0x0  }
0x20a: {  	[sflag:s0] =	ssyncadd.s32 $0xFFFFE700  }
0x20b: {  	[spmem:s3] =	stream.indirect.scatter.add.f32 [tilespmem:s28], [sflag:$0x6], $0x10, s23, s24, $0x2000b8;
	[tilespmem:$0x1E780] =	vst v63  }
0x20c: {  	_ =	swait.ge [sflag:s5], $0x1900  }
0x20d: {  	[sflag:s5] =	ssyncset.done $0x0  }
0x20e: {  	[sflag:s5] =	ssyncadd.s32 $0xFFFFE700  }
0x20f: {  	_ =	swait.ge [sflag:s14], $0x7D0  }
0x210: {  	[sflag:s14] =	ssyncset.done $0x0  }
0x211: {  	[sflag:s14] =	ssyncadd.s32 $0xFFFFF830  }
0x212: {  	_ =	swait.ge [sflag:s14], $0x7D0  }
0x213: {  	[sflag:s14] =	ssyncset.done $0x0  }
0x214: {  	[sflag:s14] =	ssyncadd.s32 $0xFFFFF830  }
0x215: {  	[tilespmem:s28], [sflag:$0x4] =	stream.indirect.gather [hbm4b:s7+s24], $0x10, s2, s24, $0x2000b8;
	[tilespmem:$0x1E780] =	vst v63  }
0x216: {  	_ =	swait.ge [sflag:s29], $0x1900  }
0x217: {  	[sflag:s29] =	ssyncset.done $0x0  }
0x218: {  	[sflag:s29] =	ssyncadd.s32 $0xFFFFE700  }
0x219: {  	[spmem:s3] =	stream.indirect.scatter.add.f32 [tilespmem:s25], [sflag:$0x5], $0x10, s26, s24, $0x2000b8;
	[tilespmem:$0x1E780] =	vst v63  }
0x21a: {  	p1 =	por $0x0, $0x0;
	_ =	swait.ge [sflag:s30], $0x1900  }
0x21b: {  	s11 =	sadd.s32 @!p1 $0x0, s18;
	s12 =	sadd.s32 @!p1 $0x0, s17;
	[sflag:s30] =	ssyncset.done $0x0  }
0x21c: {  	s13 =	simm.s32 @!p1 $0x0;
	s11 =	sadd.s32 @!p1 $0x1F4, s11;
	[sflag:s30] =	ssyncadd.s32 $0xFFFFE700  }
0x21d: {  	[tilespmem:s13], [sflag:$0x1] =	stream.linear.gather @!p1 [hbm4b:s11+s13], $0x7D0, $0x200038;
	[tilespmem:$0x1E780] =	vst v63  }
0x21e: {  	s11 =	sadd.s32 @!p1 $0x1F4, s12;
	s12 =	simm.s32 @!p1 $0x7D0  }
0x21f: {  	[tilespmem:s12], [sflag:$0x1] =	stream.linear.gather @!p1 [hbm4b:s11+s13], $0x7D0, $0x200038;
	[tilespmem:$0x1E780] =	vst v63  }
0x220: {  	s19 =	simm.s32 $0x1900  }
0x221: {  	[tilespmem:s25], [sflag:$0x3] =	stream.indirect.gather [hbm4b:s7+s24], $0x10, s19, s24, $0x2000b8;
	[tilespmem:$0x1E780] =	vst v63  }
0x222: {  	_ =	swait.ge [sflag:s0], $0x1900  }
0x223: {  	[sflag:s0] =	ssyncset.done $0x0  }
0x224: {  	[sflag:s0] =	ssyncadd.s32 $0xFFFFE700  }
0x225: {  	[spmem:s3] =	stream.indirect.scatter.add.f32 [tilespmem:s28], [sflag:$0x6], $0x10, s15, s24, $0x2000b8;
	[tilespmem:$0x1E780] =	vst v63  }
0x226: {  	_ =	swait.ge [sflag:s5], $0x1900  }
0x227: {  	[sflag:s5] =	ssyncset.done $0x0  }
0x228: {  	[sflag:s5] =	ssyncadd.s32 $0xFFFFE700  }
0x229: {  	[tilespmem:s28], [sflag:$0x4] =	stream.indirect.gather [hbm4b:s7+s24], $0x10, s16, s24, $0x2000b8;
	[tilespmem:$0x1E780] =	vst v63  }
0x22a: {  	_ =	swait.ge [sflag:s29], $0x1900  }
0x22b: {  	[sflag:s29] =	ssyncset.done $0x0  }
0x22c: {  	s19 =	simm.s32 $0x1130;
	[sflag:s29] =	ssyncadd.s32 $0xFFFFE700  }
0x22d: {  	[spmem:s3] =	stream.indirect.scatter.add.f32 [tilespmem:s25], [sflag:$0x5], $0x10, s19, s24, $0x2000b8;
	[tilespmem:$0x1E780] =	vst v63  }
0x22e: {  	_ =	swait.ge [sflag:s30], $0x1900  }
0x22f: {  	[sflag:s30] =	ssyncset.done $0x0  }
0x230: {  	s21 =	simm.s32 $0x1C20;
	[sflag:s30] =	ssyncadd.s32 $0xFFFFE700  }
0x231: {  	[tilespmem:s25], [sflag:$0x3] =	stream.indirect.gather [hbm4b:s7+s24], $0x10, s21, s24, $0x2000b8;
	[tilespmem:$0x1E780] =	vst v63  }
0x232: {  	_ =	swait.ge [sflag:s0], $0x1900  }
0x233: {  	[sflag:s0] =	ssyncset.done $0x0  }
0x234: {  	s22 =	simm.s32 $0x12C0;
	[sflag:s0] =	ssyncadd.s32 $0xFFFFE700  }
0x235: {  	[spmem:s3] =	stream.indirect.scatter.add.f32 [tilespmem:s28], [sflag:$0x6], $0x10, s22, s24, $0x2000b8;
	[tilespmem:$0x1E780] =	vst v63  }
0x236: {  	_ =	swait.ge [sflag:s5], $0x1900  }
0x237: {  	[sflag:s5] =	ssyncset.done $0x0  }
0x238: {  	s23 =	simm.s32 $0x1DB0;
	[sflag:s5] =	ssyncadd.s32 $0xFFFFE700  }
0x239: {  	[tilespmem:s28], [sflag:$0x4] =	stream.indirect.gather [hbm4b:s7+s24], $0x10, s23, s24, $0x2000b8;
	[tilespmem:$0x1E780] =	vst v63  }
0x23a: {  	_ =	swait.ge [sflag:s29], $0x1900  }
0x23b: {  	[sflag:s29] =	ssyncset.done $0x0  }
0x23c: {  	s26 =	simm.s32 $0x1450;
	[sflag:s29] =	ssyncadd.s32 $0xFFFFE700  }
0x23d: {  	[spmem:s3] =	stream.indirect.scatter.add.f32 [tilespmem:s25], [sflag:$0x5], $0x10, s26, s24, $0x2000b8;
	[tilespmem:$0x1E780] =	vst v63  }
0x23e: {  	_ =	swait.ge [sflag:s30], $0x1900  }
0x23f: {  	[sflag:s30] =	ssyncset.done $0x0  }
0x240: {  	s11 =	simm.s32 @!p1 $0x1;
	[sflag:s30] =	ssyncadd.s32 $0xFFFFE700  }
0x241: {  	s31 =	simm.s32 $0x1F4;
	_ =	swait.ge @!p1 [sflag:s11], $0x7D0  }
0x242: {  	p2 =	por $0x0, $0x0;
	s8 =	simm.s32 $0x960;
	[sflag:s11] =	ssyncset.done @!p1 $0x0  }
0x243: {  	s4 =	simm.s32 $0x640;
	s9 =	simm.s32 $0xAF0;
	[sflag:s11] =	ssyncadd.s32 @!p1 $0xFFFFF830  }
0x244: {  	s10 =	simm.s32 $0xC80;
	s2 =	simm.s32 $0x1770;
	_ =	swait.ge @!p1 [sflag:s11], $0x7D0  }
0x245: {  	s13 =	simm.s32 @!p1 $0x1F40;
	s16 =	simm.s32 $0x15E0;
	[sflag:s11] =	ssyncset.done @!p1 $0x0  }
0x246: {  	s19 =	simm.s32 $0x0;
	[sflag:s11] =	ssyncadd.s32 @!p1 $0xFFFFF830;
	s11 =	simm.s32 @!p1 $0x190  }
0x247: {  	[tilespmem:s13], [sflag:$0x3] =	stream.indirect.gather @!p1 [hbm4b:s7+s11], $0x10, s12, s11, $0x2000b8;
	[tilespmem:$0x1E780] =	vst v63  }
0x248: {  	s21 =	simm.s32 $0x3E8;
	s22 =	simm.s32 $0x320;
	_ =	swait.ge [sflag:s0], $0x1900  }
0x249: {  	s23 =	simm.s32 $0xE10;
	s26 =	simm.s32 $0x4B0;
	[sflag:s0] =	ssyncset.done $0x0  }
.LBB2_7:
0x24a: {  	s12 =	simm.s32 @!p2 $0x6  }
0x24b: {  	[sflag:s0] =	ssyncadd.s32 $0xFFFFE700;
	s11 =	smov.u32 s21;
	s21 =	sadd.s32 $0x1F4, s21  }
0x24c: {  	[spmem:s3] =	stream.indirect.scatter.add.f32 [tilespmem:s28], [sflag:$0x6], $0x10, s16, s24, $0x2000b8;
	[tilespmem:$0x1E780] =	vst v63  }
0x24d: {  	s13 =	sadd.s32 @!p2 s31, s17;
	p1 =	sne.s32 s21, $0x30D4;
	_ =	swait.ge @!p2 [sflag:s12], $0x1900  }
0x24e: {  	s15 =	sadd.s32 @!p2 s31, s18;
	s1 =	simm.s32 @!p2 $0xFA0;
	[sflag:s12] =	ssyncset.done @!p2 $0x0  }
0x24f: {  	[sflag:s12] =	ssyncadd.s32 @!p2 $0xFFFFE700;
	s12 =	sadd.s32 @!p2 $0xFA, s15;
	s15 =	simm.s32 @!p2 $0x0  }
0x250: {  	[tilespmem:s1], [sflag:$0x2] =	stream.linear.gather @!p2 [hbm4b:s12+s15], $0x7D0, $0x200038;
	[tilespmem:$0x1E780] =	vst v63  }
0x251: {  	s1 =	sadd.s32 @!p2 $0xFA, s13;
	s12 =	simm.s32 @!p2 $0x1770  }
0x252: {  	[tilespmem:s12], [sflag:$0x2] =	stream.linear.gather @!p2 [hbm4b:s1+s15], $0x7D0, $0x200038;
	[tilespmem:$0x1E780] =	vst v63  }
0x253: {  	s15 =	simm.s32 $0xFA0;
	_ =	sdelay $0x1  }
0x254: {  	[tilespmem:s28], [sflag:$0x4] =	stream.indirect.gather [hbm4b:s7+s24], $0x10, s8, s24, $0x2000b8;
	[tilespmem:$0x1E780] =	vst v63  }
0x255: {  	_ =	swait.ge [sflag:s29], $0x1900  }
0x256: {  	[sflag:s29] =	ssyncset.done $0x0  }
0x257: {  	[sflag:s29] =	ssyncadd.s32 $0xFFFFE700  }
0x258: {  	[spmem:s3] =	stream.indirect.scatter.add.f32 [tilespmem:s25], [sflag:$0x5], $0x10, s19, s24, $0x2000b8;
	[tilespmem:$0x1E780] =	vst v63  }
0x259: {  	_ =	swait.ge [sflag:s30], $0x1900  }
0x25a: {  	[sflag:s30] =	ssyncset.done $0x0  }
0x25b: {  	[sflag:s30] =	ssyncadd.s32 $0xFFFFE700  }
0x25c: {  	[tilespmem:s25], [sflag:$0x3] =	stream.indirect.gather [hbm4b:s7+s24], $0x10, s9, s24, $0x2000b8;
	[tilespmem:$0x1E780] =	vst v63  }
0x25d: {  	_ =	swait.ge [sflag:s0], $0x1900  }
0x25e: {  	[sflag:s0] =	ssyncset.done $0x0  }
0x25f: {  	[sflag:s0] =	ssyncadd.s32 $0xFFFFE700  }
0x260: {  	[spmem:s3] =	stream.indirect.scatter.add.f32 [tilespmem:s28], [sflag:$0x6], $0x10, s24, s24, $0x2000b8;
	[tilespmem:$0x1E780] =	vst v63  }
0x261: {  	_ =	swait.ge [sflag:s5], $0x1900  }
0x262: {  	[sflag:s5] =	ssyncset.done $0x0  }
0x263: {  	[sflag:s5] =	ssyncadd.s32 $0xFFFFE700  }
0x264: {  	[tilespmem:s28], [sflag:$0x4] =	stream.indirect.gather [hbm4b:s7+s24], $0x10, s10, s24, $0x2000b8;
	[tilespmem:$0x1E780] =	vst v63  }
0x265: {  	_ =	swait.ge [sflag:s29], $0x1900  }
0x266: {  	[sflag:s29] =	ssyncset.done $0x0  }
0x267: {  	[sflag:s29] =	ssyncadd.s32 $0xFFFFE700  }
0x268: {  	[spmem:s3] =	stream.indirect.scatter.add.f32 [tilespmem:s25], [sflag:$0x5], $0x10, s22, s24, $0x2000b8;
	[tilespmem:$0x1E780] =	vst v63  }
0x269: {  	_ =	swait.ge [sflag:s30], $0x1900  }
0x26a: {  	[sflag:s30] =	ssyncset.done $0x0  }
0x26b: {  	[sflag:s30] =	ssyncadd.s32 $0xFFFFE700  }
0x26c: {  	[tilespmem:s25], [sflag:$0x3] =	stream.indirect.gather [hbm4b:s7+s24], $0x10, s23, s24, $0x2000b8;
	[tilespmem:$0x1E780] =	vst v63  }
0x26d: {  	_ =	swait.ge [sflag:s0], $0x1900  }
0x26e: {  	[sflag:s0] =	ssyncset.done $0x0  }
0x26f: {  	[sflag:s0] =	ssyncadd.s32 $0xFFFFE700  }
0x270: {  	[spmem:s3] =	stream.indirect.scatter.add.f32 [tilespmem:s28], [sflag:$0x6], $0x10, s26, s24, $0x2000b8;
	[tilespmem:$0x1E780] =	vst v63  }
0x271: {  	_ =	swait.ge [sflag:s5], $0x1900  }
0x272: {  	[sflag:s5] =	ssyncset.done $0x0  }
0x273: {  	[sflag:s5] =	ssyncadd.s32 $0xFFFFE700  }
0x274: {  	_ =	swait.ge [sflag:s14], $0x7D0  }
0x275: {  	[sflag:s14] =	ssyncset.done $0x0  }
0x276: {  	[sflag:s14] =	ssyncadd.s32 $0xFFFFF830  }
0x277: {  	_ =	swait.ge [sflag:s14], $0x7D0  }
0x278: {  	[sflag:s14] =	ssyncset.done $0x0  }
0x279: {  	[sflag:s14] =	ssyncadd.s32 $0xFFFFF830  }
0x27a: {  	[tilespmem:s28], [sflag:$0x4] =	stream.indirect.gather [hbm4b:s7+s24], $0x10, s2, s24, $0x2000b8;
	[tilespmem:$0x1E780] =	vst v63  }
0x27b: {  	_ =	swait.ge [sflag:s29], $0x1900  }
0x27c: {  	[sflag:s29] =	ssyncset.done $0x0  }
0x27d: {  	[sflag:s29] =	ssyncadd.s32 $0xFFFFE700  }
0x27e: {  	[spmem:s3] =	stream.indirect.scatter.add.f32 [tilespmem:s25], [sflag:$0x5], $0x10, s4, s24, $0x2000b8;
	[tilespmem:$0x1E780] =	vst v63  }
0x27f: {  	p2 =	seq.s32 s31, $0x2EE0;
	_ =	swait.ge [sflag:s30], $0x1900  }
0x280: {  	s1 =	sadd.s32 @!p2 s31, s18;
	s12 =	sadd.s32 @!p2 s31, s17;
	[sflag:s30] =	ssyncset.done $0x0  }
0x281: {  	s13 =	simm.s32 @!p2 $0x0;
	s1 =	sadd.s32 @!p2 $0x1F4, s1;
	[sflag:s30] =	ssyncadd.s32 $0xFFFFE700  }
0x282: {  	[tilespmem:s13], [sflag:$0x1] =	stream.linear.gather @!p2 [hbm4b:s1+s13], $0x7D0, $0x200038;
	[tilespmem:$0x1E780] =	vst v63  }
0x283: {  	s31 =	smov.u32 s11;
	s1 =	sadd.s32 @!p2 $0x1F4, s12;
	s12 =	simm.s32 @!p2 $0x7D0  }
0x284: {  	[tilespmem:s12], [sflag:$0x1] =	stream.linear.gather @!p2 [hbm4b:s1+s13], $0x7D0, $0x200038;
	[tilespmem:$0x1E780] =	vst v63  }
0x285: {  	s1 =	simm.s32 $0x1900  }
0x286: {  	[tilespmem:s25], [sflag:$0x3] =	stream.indirect.gather [hbm4b:s7+s24], $0x10, s1, s24, $0x2000b8;
	[tilespmem:$0x1E780] =	vst v63  }
0x287: {  	_ =	swait.ge [sflag:s0], $0x1900  }
0x288: {  	[sflag:s0] =	ssyncset.done $0x0  }
0x289: {  	[sflag:s0] =	ssyncadd.s32 $0xFFFFE700  }
0x28a: {  	[spmem:s3] =	stream.indirect.scatter.add.f32 [tilespmem:s28], [sflag:$0x6], $0x10, s15, s24, $0x2000b8;
	[tilespmem:$0x1E780] =	vst v63  }
0x28b: {  	_ =	swait.ge [sflag:s5], $0x1900  }
0x28c: {  	[sflag:s5] =	ssyncset.done $0x0  }
0x28d: {  	s1 =	simm.s32 $0x1A90;
	[sflag:s5] =	ssyncadd.s32 $0xFFFFE700  }
0x28e: {  	[tilespmem:s28], [sflag:$0x4] =	stream.indirect.gather [hbm4b:s7+s24], $0x10, s1, s24, $0x2000b8;
	[tilespmem:$0x1E780] =	vst v63  }
0x28f: {  	_ =	swait.ge [sflag:s29], $0x1900  }
0x290: {  	[sflag:s29] =	ssyncset.done $0x0  }
0x291: {  	s1 =	simm.s32 $0x1130;
	[sflag:s29] =	ssyncadd.s32 $0xFFFFE700  }
0x292: {  	[spmem:s3] =	stream.indirect.scatter.add.f32 [tilespmem:s25], [sflag:$0x5], $0x10, s1, s24, $0x2000b8;
	[tilespmem:$0x1E780] =	vst v63  }
0x293: {  	_ =	swait.ge [sflag:s30], $0x1900  }
0x294: {  	[sflag:s30] =	ssyncset.done $0x0  }
0x295: {  	s1 =	simm.s32 $0x1C20;
	[sflag:s30] =	ssyncadd.s32 $0xFFFFE700  }
0x296: {  	[tilespmem:s25], [sflag:$0x3] =	stream.indirect.gather [hbm4b:s7+s24], $0x10, s1, s24, $0x2000b8;
	[tilespmem:$0x1E780] =	vst v63  }
0x297: {  	_ =	swait.ge [sflag:s0], $0x1900  }
0x298: {  	[sflag:s0] =	ssyncset.done $0x0  }
0x299: {  	s1 =	simm.s32 $0x12C0;
	[sflag:s0] =	ssyncadd.s32 $0xFFFFE700  }
0x29a: {  	[spmem:s3] =	stream.indirect.scatter.add.f32 [tilespmem:s28], [sflag:$0x6], $0x10, s1, s24, $0x2000b8;
	[tilespmem:$0x1E780] =	vst v63  }
0x29b: {  	_ =	swait.ge [sflag:s5], $0x1900  }
0x29c: {  	[sflag:s5] =	ssyncset.done $0x0  }
0x29d: {  	s1 =	simm.s32 $0x1DB0;
	[sflag:s5] =	ssyncadd.s32 $0xFFFFE700  }
0x29e: {  	[tilespmem:s28], [sflag:$0x4] =	stream.indirect.gather [hbm4b:s7+s24], $0x10, s1, s24, $0x2000b8;
	[tilespmem:$0x1E780] =	vst v63  }
0x29f: {  	_ =	swait.ge [sflag:s29], $0x1900  }
0x2a0: {  	[sflag:s29] =	ssyncset.done $0x0  }
0x2a1: {  	s1 =	simm.s32 $0x1450;
	[sflag:s29] =	ssyncadd.s32 $0xFFFFE700  }
0x2a2: {  	[spmem:s3] =	stream.indirect.scatter.add.f32 [tilespmem:s25], [sflag:$0x5], $0x10, s1, s24, $0x2000b8;
	[tilespmem:$0x1E780] =	vst v63  }
0x2a3: {  	_ =	swait.ge [sflag:s30], $0x1900  }
0x2a4: {  	[sflag:s30] =	ssyncset.done $0x0  }
0x2a5: {  	s1 =	simm.s32 @!p2 $0x1;
	[sflag:s30] =	ssyncadd.s32 $0xFFFFE700  }
0x2a6: {  	_ =	swait.ge @!p2 [sflag:s1], $0x7D0  }
0x2a7: {  	[sflag:s1] =	ssyncset.done @!p2 $0x0  }
0x2a8: {  	[sflag:s1] =	ssyncadd.s32 @!p2 $0xFFFFF830  }
0x2a9: {  	_ =	swait.ge @!p2 [sflag:s1], $0x7D0  }
.Ltmp9:
0x2aa: {  	[sflag:s1] =	ssyncset.done @!p2 $0x0;
	(pc) =	sbr.rel @p1 .LBB2_7-.Ltmp9, $4  }
0x2ab: {  	s11 =	simm.s32 @!p2 $0x1F40;
	[sflag:s1] =	ssyncadd.s32 @!p2 $0xFFFFF830;
	s1 =	simm.s32 @!p2 $0x190  }
0x2ac: {  	[tilespmem:s11], [sflag:$0x3] =	stream.indirect.gather @!p2 [hbm4b:s7+s1], $0x10, s12, s1, $0x2000b8;
	[tilespmem:$0x1E780] =	vst v63  }
0x2ad: {  	_ =	swait.ge [sflag:s0], $0x1900  }
0x2ae: {  	p2 =	seq.s32 s31, $0x0;
	[sflag:s0] =	ssyncset.done $0x0  }
0x2af: {  	s1 =	simm.s32 @!p2 $0x6;
	[sflag:s0] =	ssyncadd.s32 $0xFFFFE700;
	s13 =	simm.s32 $0x15E0  }
0x2b0: {  	[spmem:s3] =	stream.indirect.scatter.add.f32 [tilespmem:s28], [sflag:$0x6], $0x10, s13, s24, $0x2000b8;
	[tilespmem:$0x1E780] =	vst v63  }
0x2b1: {  	_ =	swait.ge @!p2 [sflag:s1], $0x1900  }
0x2b2: {  	s11 =	sadd.s32 @!p2 s31, s18;
	s12 =	simm.s32 @!p2 $0xFA0;
	[sflag:s1] =	ssyncset.done @!p2 $0x0  }
0x2b3: {  	[sflag:s1] =	ssyncadd.s32 @!p2 $0xFFFFE700;
	s1 =	sadd.s32 @!p2 $0xFA, s11;
	s11 =	simm.s32 @!p2 $0x0  }
0x2b4: {  	[tilespmem:s12], [sflag:$0x2] =	stream.linear.gather @!p2 [hbm4b:s1+s11], $0x7D0, $0x200038;
	[tilespmem:$0x1E780] =	vst v63  }
0x2b5: {  	s1 =	sadd.s32 @!p2 s31, s17  }
0x2b6: {  	s12 =	simm.s32 @!p2 $0x1770;
	s1 =	sadd.s32 @!p2 $0xFA, s1  }
0x2b7: {  	[tilespmem:s12], [sflag:$0x2] =	stream.linear.gather @!p2 [hbm4b:s1+s11], $0x7D0, $0x200038;
	[tilespmem:$0x1E780] =	vst v63  }
0x2b8: {  	_ = 	snop  }
0x2b9: {  	[tilespmem:s28], [sflag:$0x4] =	stream.indirect.gather [hbm4b:s7+s24], $0x10, s8, s24, $0x2000b8;
	[tilespmem:$0x1E780] =	vst v63  }
0x2ba: {  	_ =	swait.ge [sflag:s29], $0x1900  }
0x2bb: {  	[sflag:s29] =	ssyncset.done $0x0  }
0x2bc: {  	[sflag:s29] =	ssyncadd.s32 $0xFFFFE700  }
0x2bd: {  	[spmem:s3] =	stream.indirect.scatter.add.f32 [tilespmem:s25], [sflag:$0x5], $0x10, s19, s24, $0x2000b8;
	[tilespmem:$0x1E780] =	vst v63  }
0x2be: {  	_ =	swait.ge [sflag:s30], $0x1900  }
0x2bf: {  	[sflag:s30] =	ssyncset.done $0x0  }
0x2c0: {  	[sflag:s30] =	ssyncadd.s32 $0xFFFFE700  }
0x2c1: {  	[tilespmem:s25], [sflag:$0x3] =	stream.indirect.gather [hbm4b:s7+s24], $0x10, s9, s24, $0x2000b8;
	[tilespmem:$0x1E780] =	vst v63  }
0x2c2: {  	_ =	swait.ge [sflag:s0], $0x1900  }
0x2c3: {  	[sflag:s0] =	ssyncset.done $0x0  }
0x2c4: {  	[sflag:s0] =	ssyncadd.s32 $0xFFFFE700  }
0x2c5: {  	[spmem:s3] =	stream.indirect.scatter.add.f32 [tilespmem:s28], [sflag:$0x6], $0x10, s24, s24, $0x2000b8;
	[tilespmem:$0x1E780] =	vst v63  }
0x2c6: {  	_ =	swait.ge [sflag:s5], $0x1900  }
0x2c7: {  	[sflag:s5] =	ssyncset.done $0x0  }
0x2c8: {  	[sflag:s5] =	ssyncadd.s32 $0xFFFFE700  }
0x2c9: {  	[tilespmem:s28], [sflag:$0x4] =	stream.indirect.gather [hbm4b:s7+s24], $0x10, s10, s24, $0x2000b8;
	[tilespmem:$0x1E780] =	vst v63  }
0x2ca: {  	_ =	swait.ge [sflag:s29], $0x1900  }
0x2cb: {  	[sflag:s29] =	ssyncset.done $0x0  }
0x2cc: {  	[sflag:s29] =	ssyncadd.s32 $0xFFFFE700  }
0x2cd: {  	[spmem:s3] =	stream.indirect.scatter.add.f32 [tilespmem:s25], [sflag:$0x5], $0x10, s22, s24, $0x2000b8;
	[tilespmem:$0x1E780] =	vst v63  }
0x2ce: {  	_ =	swait.ge [sflag:s30], $0x1900  }
0x2cf: {  	[sflag:s30] =	ssyncset.done $0x0  }
0x2d0: {  	[sflag:s30] =	ssyncadd.s32 $0xFFFFE700  }
0x2d1: {  	[tilespmem:s25], [sflag:$0x3] =	stream.indirect.gather [hbm4b:s7+s24], $0x10, s23, s24, $0x2000b8;
	[tilespmem:$0x1E780] =	vst v63  }
0x2d2: {  	_ =	swait.ge [sflag:s0], $0x1900  }
0x2d3: {  	[sflag:s0] =	ssyncset.done $0x0  }
0x2d4: {  	[sflag:s0] =	ssyncadd.s32 $0xFFFFE700  }
0x2d5: {  	[spmem:s3] =	stream.indirect.scatter.add.f32 [tilespmem:s28], [sflag:$0x6], $0x10, s26, s24, $0x2000b8;
	[tilespmem:$0x1E780] =	vst v63  }
0x2d6: {  	_ =	swait.ge [sflag:s5], $0x1900  }
0x2d7: {  	[sflag:s5] =	ssyncset.done $0x0  }
0x2d8: {  	[sflag:s5] =	ssyncadd.s32 $0xFFFFE700  }
0x2d9: {  	_ =	swait.ge [sflag:s14], $0x7D0  }
0x2da: {  	[sflag:s14] =	ssyncset.done $0x0  }
0x2db: {  	[sflag:s14] =	ssyncadd.s32 $0xFFFFF830  }
0x2dc: {  	_ =	swait.ge [sflag:s14], $0x7D0  }
0x2dd: {  	[sflag:s14] =	ssyncset.done $0x0  }
0x2de: {  	[sflag:s14] =	ssyncadd.s32 $0xFFFFF830  }
0x2df: {  	[tilespmem:s28], [sflag:$0x4] =	stream.indirect.gather [hbm4b:s7+s24], $0x10, s2, s24, $0x2000b8;
	[tilespmem:$0x1E780] =	vst v63  }
0x2e0: {  	_ =	swait.ge [sflag:s29], $0x1900  }
0x2e1: {  	[sflag:s29] =	ssyncset.done $0x0  }
0x2e2: {  	[sflag:s29] =	ssyncadd.s32 $0xFFFFE700  }
0x2e3: {  	[spmem:s3] =	stream.indirect.scatter.add.f32 [tilespmem:s25], [sflag:$0x5], $0x10, s4, s24, $0x2000b8;
	[tilespmem:$0x1E780] =	vst v63  }
0x2e4: {  	p1 =	seq.s32 s31, $0x2EE0;
	_ =	swait.ge [sflag:s30], $0x1900  }
0x2e5: {  	s1 =	sadd.s32 @!p1 s31, s18;
	s11 =	sadd.s32 @!p1 s31, s17;
	[sflag:s30] =	ssyncset.done $0x0  }
0x2e6: {  	s12 =	simm.s32 @!p1 $0x0;
	s1 =	sadd.s32 @!p1 $0x1F4, s1;
	[sflag:s30] =	ssyncadd.s32 $0xFFFFE700  }
0x2e7: {  	[tilespmem:s12], [sflag:$0x1] =	stream.linear.gather @!p1 [hbm4b:s1+s12], $0x7D0, $0x200038;
	[tilespmem:$0x1E780] =	vst v63  }
0x2e8: {  	s1 =	sadd.s32 @!p1 $0x1F4, s11;
	s11 =	simm.s32 @!p1 $0x7D0  }
0x2e9: {  	[tilespmem:s11], [sflag:$0x1] =	stream.linear.gather @!p1 [hbm4b:s1+s12], $0x7D0, $0x200038;
	[tilespmem:$0x1E780] =	vst v63  }
0x2ea: {  	s16 =	simm.s32 $0x1900  }
0x2eb: {  	[tilespmem:s25], [sflag:$0x3] =	stream.indirect.gather [hbm4b:s7+s24], $0x10, s16, s24, $0x2000b8;
	[tilespmem:$0x1E780] =	vst v63  }
0x2ec: {  	_ =	swait.ge [sflag:s0], $0x1900  }
0x2ed: {  	[sflag:s0] =	ssyncset.done $0x0  }
0x2ee: {  	[sflag:s0] =	ssyncadd.s32 $0xFFFFE700  }
0x2ef: {  	[spmem:s3] =	stream.indirect.scatter.add.f32 [tilespmem:s28], [sflag:$0x6], $0x10, s15, s24, $0x2000b8;
	[tilespmem:$0x1E780] =	vst v63  }
0x2f0: {  	_ =	swait.ge [sflag:s5], $0x1900  }
0x2f1: {  	[sflag:s5] =	ssyncset.done $0x0  }
0x2f2: {  	s19 =	simm.s32 $0x1A90;
	[sflag:s5] =	ssyncadd.s32 $0xFFFFE700  }
0x2f3: {  	[tilespmem:s28], [sflag:$0x4] =	stream.indirect.gather [hbm4b:s7+s24], $0x10, s19, s24, $0x2000b8;
	[tilespmem:$0x1E780] =	vst v63  }
0x2f4: {  	_ =	swait.ge [sflag:s29], $0x1900  }
0x2f5: {  	[sflag:s29] =	ssyncset.done $0x0  }
0x2f6: {  	s21 =	simm.s32 $0x1130;
	[sflag:s29] =	ssyncadd.s32 $0xFFFFE700  }
0x2f7: {  	[spmem:s3] =	stream.indirect.scatter.add.f32 [tilespmem:s25], [sflag:$0x5], $0x10, s21, s24, $0x2000b8;
	[tilespmem:$0x1E780] =	vst v63  }
0x2f8: {  	_ =	swait.ge [sflag:s30], $0x1900  }
0x2f9: {  	[sflag:s30] =	ssyncset.done $0x0  }
0x2fa: {  	s22 =	simm.s32 $0x1C20;
	[sflag:s30] =	ssyncadd.s32 $0xFFFFE700  }
0x2fb: {  	[tilespmem:s25], [sflag:$0x3] =	stream.indirect.gather [hbm4b:s7+s24], $0x10, s22, s24, $0x2000b8;
	[tilespmem:$0x1E780] =	vst v63  }
0x2fc: {  	_ =	swait.ge [sflag:s0], $0x1900  }
0x2fd: {  	[sflag:s0] =	ssyncset.done $0x0  }
0x2fe: {  	s23 =	simm.s32 $0x12C0;
	[sflag:s0] =	ssyncadd.s32 $0xFFFFE700  }
0x2ff: {  	[spmem:s3] =	stream.indirect.scatter.add.f32 [tilespmem:s28], [sflag:$0x6], $0x10, s23, s24, $0x2000b8;
	[tilespmem:$0x1E780] =	vst v63  }
0x300: {  	_ =	swait.ge [sflag:s5], $0x1900  }
0x301: {  	[sflag:s5] =	ssyncset.done $0x0  }
0x302: {  	s26 =	simm.s32 $0x1DB0;
	[sflag:s5] =	ssyncadd.s32 $0xFFFFE700  }
0x303: {  	[tilespmem:s28], [sflag:$0x4] =	stream.indirect.gather [hbm4b:s7+s24], $0x10, s26, s24, $0x2000b8;
	[tilespmem:$0x1E780] =	vst v63  }
0x304: {  	_ =	swait.ge [sflag:s29], $0x1900  }
0x305: {  	[sflag:s29] =	ssyncset.done $0x0  }
0x306: {  	s31 =	simm.s32 $0x1450;
	[sflag:s29] =	ssyncadd.s32 $0xFFFFE700  }
0x307: {  	[spmem:s3] =	stream.indirect.scatter.add.f32 [tilespmem:s25], [sflag:$0x5], $0x10, s31, s24, $0x2000b8;
	[tilespmem:$0x1E780] =	vst v63  }
0x308: {  	_ =	swait.ge [sflag:s30], $0x1900  }
0x309: {  	[sflag:s30] =	ssyncset.done $0x0  }
0x30a: {  	s1 =	simm.s32 @!p1 $0x1;
	[sflag:s30] =	ssyncadd.s32 $0xFFFFE700  }
0x30b: {  	_ =	swait.ge @!p1 [sflag:s1], $0x7D0  }
0x30c: {  	[sflag:s1] =	ssyncset.done @!p1 $0x0  }
0x30d: {  	[sflag:s1] =	ssyncadd.s32 @!p1 $0xFFFFF830  }
0x30e: {  	_ =	swait.ge @!p1 [sflag:s1], $0x7D0  }
0x30f: {  	[sflag:s1] =	ssyncset.done @!p1 $0x0  }
0x310: {  	s12 =	simm.s32 @!p1 $0x1F40;
	[sflag:s1] =	ssyncadd.s32 @!p1 $0xFFFFF830;
	s1 =	simm.s32 @!p1 $0x190  }
0x311: {  	[tilespmem:s12], [sflag:$0x3] =	stream.indirect.gather @!p1 [hbm4b:s7+s1], $0x10, s11, s1, $0x2000b8;
	[tilespmem:$0x1E780] =	vst v63  }
0x312: {  	_ =	swait.ge [sflag:s0], $0x1900  }
0x313: {  	[sflag:s0] =	ssyncset.done $0x0  }
0x314: {  	[sflag:s0] =	ssyncadd.s32 $0xFFFFE700  }
0x315: {  	[spmem:s3] =	stream.indirect.scatter.add.f32 [tilespmem:s28], [sflag:$0x6], $0x10, s13, s24, $0x2000b8;
	[tilespmem:$0x1E780] =	vst v63  }
0x316: {  	_ =	swait.ge [sflag:s5], $0x1900  }
0x317: {  	[sflag:s5] =	ssyncset.done $0x0  }
0x318: {  	[sflag:s5] =	ssyncadd.s32 $0xFFFFE700  }
0x319: {  	_ =	strace $0x9000004F  }
0x31a: {  	s4 =	simm.s32 $0x0;
	s19 =	simm.s32 $0x5140;
	[bflag:$0x0] =	sbarrier.arrive $0xFFFF  }
0x31b: {  	s21 =	simm.s32 $0x0;
	s22 =	simm.s32 $0xE10;
	_ =	strace $0x80000050  }
0x31c: {  	s23 =	simm.s32 $0x4B0;
	s26 =	simm.s32 $0x640;
	s15 =	rddreg [dreg:$0x3]  }
.LBB2_9:
0x31d: {  	s1 =	smul.u32 $0xFA, s21  }
0x31e: {  	s11 =	rddreg [dreg:$0x9]  }
0x31f: {  	s1 =	sadd.s32 s11, s1  }
0x320: {  	s11 =	sshll.u32 s1, $0x4  }
0x321: {  	s11 =	sand.u32 $0x3FFFFFF0, s11  }
0x322: {  	s11 =	sadd.s32 s11, s3  }
0x323: {  	[tilespmem:s19], [sflag:$0x7] =	stream.linear.gather [spmem:s11], $0xFA0, $0x200038;
	[tilespmem:$0x1E780] =	vst v63  }
0x324: {  	_ =	swait.ge [sflag:s20], $0xFA0  }
0x325: {  	s2 =	sshll.u32 s1, $0x1;
	[sflag:s20] =	ssyncset.done $0x0;
	s16 =	rddreg [dreg:$0x7]  }
0x326: {  	[sflag:s20] =	ssyncadd.s32 $0xFFFFF060;
	s1 =	sadd.s32 s16, s2  }
0x327: {  	[tilespmem:s25], [sflag:$0x7] =	stream.linear.gather [hbm4b:s1+s4], $0xFA0, $0x200038;
	[tilespmem:$0x1E780] =	vst v63  }
0x328: {  	_ =	swait.ge [sflag:s20], $0xFA0  }
0x329: {  	[sflag:s20] =	ssyncset.done $0x0  }
0x32a: {  	s31 =	simm.s32 $0x5180;
	[sflag:s20] =	ssyncadd.s32 $0xFFFFF060  }
0x32b: {  	s11 =	simm.s32 $0x1F80;
	v1 =	vld [tilespmem:s31+$0xFFFFFFC0]  }
0x32c: {  	v2 =	vld [tilespmem:s11+$0xFFFFFFC0];
	_ =	sdelay $0x4  }
0x32d: {  	v1 =	vmul.f32 v2, v1;
	_ =	sdelay $0x1  }
0x32e: {  	[tilespmem:s31+$0xFFFFFFC0] =	vst v1;
	v1 =	vld [tilespmem:s31+$0xFFFFFFD0]  }
0x32f: {  	v2 =	vld [tilespmem:s11+$0xFFFFFFD0];
	_ =	sdelay $0x4  }
0x330: {  	v1 =	vmul.f32 v2, v1;
	_ =	sdelay $0x1  }
0x331: {  	[tilespmem:s31+$0xFFFFFFD0] =	vst v1;
	v1 =	vld [tilespmem:s31+$0xFFFFFFE0]  }
0x332: {  	v2 =	vld [tilespmem:s11+$0xFFFFFFE0];
	_ =	sdelay $0x4  }
0x333: {  	v1 =	vmul.f32 v2, v1;
	_ =	sdelay $0x1  }
0x334: {  	[tilespmem:s31+$0xFFFFFFE0] =	vst v1;
	v1 =	vld [tilespmem:s31+$0xFFFFFFF0]  }
0x335: {  	v2 =	vld [tilespmem:s11+$0xFFFFFFF0];
	_ =	sdelay $0x4  }
0x336: {  	v1 =	vmul.f32 v2, v1;
	_ =	sdelay $0x1  }
0x337: {  	[tilespmem:s31+$0xFFFFFFF0] =	vst v1;
	v1 =	vld [tilespmem:s31+$0x0]  }
0x338: {  	v2 =	vld [tilespmem:s11+$0x0];
	_ =	sdelay $0x4  }
0x339: {  	v1 =	vmul.f32 v2, v1;
	_ =	sdelay $0x1  }
0x33a: {  	[tilespmem:s31+$0x0] =	vst v1;
	v1 =	vld [tilespmem:s31+$0x10]  }
0x33b: {  	v2 =	vld [tilespmem:s11+$0x10];
	_ =	sdelay $0x4  }
0x33c: {  	v1 =	vmul.f32 v2, v1;
	_ =	sdelay $0x1  }
0x33d: {  	[tilespmem:s31+$0x10] =	vst v1;
	v1 =	vld [tilespmem:s31+$0x20]  }
0x33e: {  	v2 =	vld [tilespmem:s11+$0x20];
	_ =	sdelay $0x4  }
0x33f: {  	v1 =	vmul.f32 v2, v1;
	_ =	sdelay $0x1  }
0x340: {  	[tilespmem:s31+$0x20] =	vst v1;
	v1 =	vld [tilespmem:s31+$0x30]  }
0x341: {  	v2 =	vld [tilespmem:s11+$0x30];
	_ =	sdelay $0x4  }
0x342: {  	v1 =	vmul.f32 v2, v1  }
0x343: {  	s12 =	simm.s32 $0x0;
	s13 =	simm.s32 $0x5200  }
.LBB2_10:
0x344: {  	v2 =	vld [tilespmem:s13+$0xFFFFFFC0];
	[tilespmem:s31+$0x30] =	vst v1;
	s11 =	sadd.s32 $0x80, s11;
	s31 =	smov.u32 s13  }
0x345: {  	s12 =	sadd.s32 $0x8, s12;
	v1 =	vld [tilespmem:s11+$0xFFFFFFC0]  }
0x346: {  	p1 =	slt.u32 s12, $0xF0;
	_ =	sdelay $0x3  }
0x347: {  	v1 =	vmul.f32 v1, v2;
	_ =	sdelay $0x1  }
0x348: {  	[tilespmem:s13+$0xFFFFFFC0] =	vst v1;
	v1 =	vld [tilespmem:s13+$0xFFFFFFD0]  }
0x349: {  	v2 =	vld [tilespmem:s11+$0xFFFFFFD0];
	_ =	sdelay $0x4  }
0x34a: {  	v1 =	vmul.f32 v2, v1;
	_ =	sdelay $0x1  }
0x34b: {  	[tilespmem:s13+$0xFFFFFFD0] =	vst v1;
	v1 =	vld [tilespmem:s13+$0xFFFFFFE0]  }
0x34c: {  	v2 =	vld [tilespmem:s11+$0xFFFFFFE0];
	_ =	sdelay $0x4  }
0x34d: {  	v1 =	vmul.f32 v2, v1;
	_ =	sdelay $0x1  }
0x34e: {  	[tilespmem:s13+$0xFFFFFFE0] =	vst v1;
	v1 =	vld [tilespmem:s13+$0xFFFFFFF0]  }
0x34f: {  	v2 =	vld [tilespmem:s11+$0xFFFFFFF0];
	_ =	sdelay $0x4  }
0x350: {  	v1 =	vmul.f32 v2, v1;
	_ =	sdelay $0x1  }
0x351: {  	[tilespmem:s13+$0xFFFFFFF0] =	vst v1;
	v1 =	vld [tilespmem:s13+$0x0]  }
0x352: {  	v2 =	vld [tilespmem:s11+$0x0];
	_ =	sdelay $0x4  }
0x353: {  	v1 =	vmul.f32 v2, v1;
	_ =	sdelay $0x1  }
0x354: {  	[tilespmem:s13+$0x0] =	vst v1;
	v1 =	vld [tilespmem:s13+$0x10]  }
0x355: {  	v2 =	vld [tilespmem:s11+$0x10];
	_ =	sdelay $0x4  }
0x356: {  	v1 =	vmul.f32 v2, v1;
	_ =	sdelay $0x1  }
0x357: {  	[tilespmem:s13+$0x10] =	vst v1;
	v1 =	vld [tilespmem:s13+$0x20]  }
0x358: {  	v2 =	vld [tilespmem:s11+$0x20];
	_ =	sdelay $0x4  }
0x359: {  	v1 =	vmul.f32 v2, v1;
	_ =	sdelay $0x1  }
0x35a: {  	[tilespmem:s13+$0x20] =	vst v1;
	v1 =	vld [tilespmem:s13+$0x30]  }
0x35b: {  	v2 =	vld [tilespmem:s11+$0x30];
	_ =	sdelay $0x1  }
.Ltmp10:
0x35c: {  	(pc) =	sbr.rel @p1 .LBB2_10-.Ltmp10, $3  }
0x35d: {  	_ =	sdelay $0x1  }
0x35e: {  	v1 =	vmul.f32 v2, v1  }
0x35f: {  	s13 =	sadd.s32 $0x80, s13  }
0x360: {  	[tilespmem:s31+$0x30] =	vst v1  }
0x361: {  	v1 =	vld [tilespmem:$0x60C0]  }
0x362: {  	v2 =	vld [tilespmem:$0x2EC0]  }
0x363: {  	v3 =	vld [tilespmem:$0x60D0]  }
0x364: {  	v4 =	vld [tilespmem:$0x2ED0];
	_ =	sdelay $0x3  }
0x365: {  	v1 =	vmul.f32 v2, v1  }
0x366: {  	s21 =	sadd.s32 $0x1, s21;
	v2 =	vmul.f32 v4, v3  }
0x367: {  	p1 =	sne.s32 s21, $0x19;
	[tilespmem:$0x60C0] =	vst v1  }
.Ltmp11:
0x368: {  	s1 =	sadd.s32 s15, s2;
	[tilespmem:$0x60D0] =	vst v2;
	(pc) =	sbr.rel @p1 .LBB2_9-.Ltmp11, $4  }
0x369: {  	[hbm4b:s1+s4] =	stream.linear.scatter [tilespmem:s19], [sflag:$0x7], $0xFA0, $0x200038;
	[tilespmem:$0x1E780] =	vst v63  }
0x36a: {  	_ =	swait.ge [sflag:s20], $0xFA0  }
0x36b: {  	[sflag:s20] =	ssyncset.done $0x0  }
0x36c: {  	[sflag:s20] =	ssyncadd.s32 $0xFFFFF060  }
.Ltmp12:
0x36d: {  	(pc) =	sbr.rel .LBB2_20-.Ltmp12, $3  }
0x36e: {  	_ =	sdelay $0x1  }
0x36f: {  	_ =	strace $0x90000050  }
0x370: {  	s11 =	rddreg [dreg:$0x10]  }
.LBB2_21:
0x371: {  	_ =	sfence.sel $0x180000  }
0x372: {  	[bflag:$0x0] =	sbarrier.arrive $0xFFFF  }
0x373: {  	_ =	strace $0x9000004E  }
0x374: {  	s0 =	stileid.u32;
	[bflag:$0x2] =	sbarrier.arrive $0xFFFF  }
0x375: {  	p0 =	sne.s32 s0, $0x0;
	s0 =	rddreg [dreg:$0x6]  }
0x376: {  	s0 =	sadd.s32 @!p0 $0x100000, s0  }
0x377: {  	[sflag:s0] =	ssyncadd.tile.s32 @!p0 $0x1;
	_ =	shalt  }
.Lfunc_end2:
_tile_overlayer_lowered:
.L_overlay_start_2:
0x378: {  	(tag) =	ssettag $0x2  }
0x379: {  	s0 =	rddreg [dreg:$0x0];
	s2 =	stileid.u32  }
0x37a: {  	s1 =	rddreg [dreg:$0x1];
	p0 =	sne.s32 s2, $0x0  }
0x37b: {  	s3 =	rddreg [dreg:$0x2];
	[bflag:$0x3] =	sbarrier.arrive $0xFFFF;
	s2 =	simm.s32 @!p0 $0x1C07  }
0x37c: {  	[timem:s3], [sflag:s2] =	dma.local @!p0 [hbm:s0], s1  }
0x37d: {  	s0 =	simm.s32 @!p0 $0x7  }
0x37e: {  	_ =	swait.ge @!p0 [sflag:s0], s1  }
0x37f: {  	s1 =	ssub.s32 @!p0 $0x0, s1;
	[sflag:s0] =	ssyncset.done @!p0 $0x0  }
0x380: {  	[sflag:s0] =	ssyncadd.s32 @!p0 s1  }
0x381: {  	[bflag:$0x3] =	sbarrier.arrive $0xFFFF  }
0x382: {  	_ =	shalt  }

</sc_bundles>
